<compile_context>
chip_gen: v7x
topology: tpu7x:2x2x1
jax: 0.10.2.dev20260603
libtpu: 0.0.44.dev20260713+nightly
codegen_flags: <defaults>
</compile_context>

<pallas_src>
import functools
import jax
import jax.numpy as jnp
from jax import lax
from jax.experimental import pallas as pl
from jax.experimental.pallas import tpu as pltpu
from jax.experimental.pallas import tpu_sc as plsc

B, N, C = 2, 2048, 256
H = 8
G = C // H
K = 16
BN = B * N
E = BN * K
EPS = 1e-5
NW = 32
CH = 128
PER_W = E // NW
TW = 384

_NEG = float('-inf')


def _leaky(x):
    return jnp.where(x >= 0, x, 0.2 * x)


def _proj1_body(xf_ref, wq_ref, wk_ref, wv_ref, wp_ref, y_ref, st_ref):
    i = pl.program_id(0)
    xb = xf_ref[...]

    def mm(w_ref):
        return lax.dot_general(xb, w_ref[...], (((1,), (1,)), ((), ())),
                               preferred_element_type=jnp.float32)

    y = jnp.concatenate([mm(wq_ref), mm(wk_ref), mm(wv_ref), mm(wp_ref)],
                        axis=1)
    y_ref[...] = y
    s = jnp.sum(y, axis=0, keepdims=True)
    s2 = jnp.sum(y * y, axis=0, keepdims=True)
    part = jnp.concatenate(
        [jnp.broadcast_to(s, (8, 4 * C)), jnp.broadcast_to(s2, (8, 4 * C))], axis=0)

    @pl.when(i == 0)
    def _():
        st_ref[...] = jnp.zeros_like(st_ref)

    st_ref[...] += part


def _proj2_body(y_ref, st_ref, gb_ref, we1_ref,
                kn_ref, vn_ref, tab_ref, qe1_ref):
    cnt = jnp.float32(BN)
    mean = st_ref[0:1, :] / cnt
    ex2 = st_ref[8:9, :] / cnt
    var = ex2 - mean * mean
    inv = lax.rsqrt(var + EPS)
    y = y_ref[...]
    act = _leaky((y - mean) * inv * gb_ref[0:1, :] + gb_ref[1:2, :])
    qn = act[:, 0:C]
    kn = act[:, C:2 * C]
    vn = act[:, 2 * C:3 * C]
    kn_ref[...] = kn
    vn_ref[...] = vn
    tab_ref[:, 0:C] = y[:, 3 * C:4 * C]
    we1 = we1_ref[...]

    def mm(a):
        return lax.dot_general(a, we1, (((1,), (1,)), ((), ())),
                               preferred_element_type=jnp.float32)

    qe1_ref[...] = mm(qn)
    tab_ref[:, C:C + G] = mm(kn)
    tab_ref[:, C + G:TW] = jnp.zeros((kn.shape[0], TW - C - G), jnp.float32)


def _topk_body(xb_ref, xa_ref, idx_ref):
    b = pl.program_id(0)
    xb = xb_ref[0]
    xa = xa_ref[0]
    d = lax.dot_general(xb, xa, (((1,), (1,)), ((), ())),
                        preferred_element_type=jnp.float32)
    sqb = jnp.sum(xb * xb, axis=1, keepdims=True)
    sqa = jnp.sum(xa * xa, axis=1)
    nd = 2.0 * d - sqb - sqa[None, :]
    r = nd.shape[0]
    iota = lax.broadcasted_iota(jnp.int32, (r, N), 1)
    cols = []
    for _ in range(K):
        m = jnp.max(nd, axis=1, keepdims=True)
        sel = jnp.where(nd >= m, iota, N)
        a = jnp.min(sel, axis=1, keepdims=True)
        cols.append(a)
        nd = jnp.where(iota == a, _NEG, nd)
    idx = jnp.concatenate(cols, axis=1)
    idx_ref[...] = idx + b * N


def _sc_gather_body(idx_hbm, tab_hbm, out_hbm, idx_v, buf_a, buf_b,
                    sem_a, sem_b):
    wid = lax.axis_index("s") * 2 + lax.axis_index("c")
    wbase = pl.multiple_of(wid * PER_W, CH)
    nch = PER_W // CH

    pltpu.sync_copy(idx_hbm.at[pl.ds(pl.multiple_of(wid * nch, 8), nch)], idx_v)
    pltpu.async_copy(tab_hbm.at[idx_v.at[0]], buf_a, sem_a)

    def body(j, carry):
        i0 = 2 * j
        pltpu.async_copy(tab_hbm.at[idx_v.at[i0 + 1]], buf_b, sem_b)
        pltpu.make_async_copy(tab_hbm.at[idx_v.at[i0]], buf_a, sem_a).wait()
        pltpu.sync_copy(buf_a, out_hbm.at[pl.ds(wbase + i0 * CH, CH)])

        @pl.when(i0 + 2 < nch)
        def _():
            pltpu.async_copy(tab_hbm.at[idx_v.at[i0 + 2]], buf_a, sem_a)

        pltpu.make_async_copy(tab_hbm.at[idx_v.at[i0 + 1]], buf_b, sem_b).wait()
        pltpu.sync_copy(buf_b, out_hbm.at[pl.ds(wbase + (i0 + 1) * CH, CH)])
        return carry

    lax.fori_loop(0, nch // 2, body, 0)


NV = C // 16


def _sc_gatherk_body(idx_hbm, tab_hbm, ppe_hbm, ke1e_hbm, stp_hbm,
                     idx_v, buf_a, buf_b, nodebuf, stbuf, sem_a, sem_b):
    wid = lax.axis_index("s") * 2 + lax.axis_index("c")
    wbase = pl.multiple_of(wid * PER_W, CH)
    nch = PER_W // CH

    pltpu.sync_copy(idx_hbm.at[pl.ds(pl.multiple_of(wid * nch, 8), nch)], idx_v)
    pltpu.async_copy(tab_hbm.at[idx_v.at[0]], buf_a, sem_a)

    def wb(buf, i):
        pltpu.sync_copy(buf.at[:, pl.ds(0, C)],
                        ppe_hbm.at[pl.ds(wbase + i * CH, CH)])
        pltpu.sync_copy(buf.at[:, pl.ds(C, 128)],
                        ke1e_hbm.at[pl.ds(wbase + i * CH, CH)])

    def accum(buf, i, acc):
        node0 = pl.multiple_of((wbase + i * CH) // K, 8)
        pltpu.sync_copy(tab_hbm.at[pl.ds(node0, CH // K)], nodebuf)

        def nbody(nn, acc):
            pv = [nodebuf[nn, pl.ds(16 * v, 16)] for v in range(NV)]

            def ebody(k, acc):
                s, q = acc
                e = nn * K + k
                ns, nq = [], []
                for v in range(NV):
                    d = buf[e, pl.ds(16 * v, 16)] - pv[v]
                    ns.append(s[v] + d)
                    nq.append(q[v] + d * d)
                return (tuple(ns), tuple(nq))

            return lax.fori_loop(0, K, ebody, acc)

        return lax.fori_loop(0, CH // K, nbody, acc)

    zero = jnp.zeros((16,), jnp.float32)
    acc0 = (tuple([zero] * NV), tuple([zero] * NV))

    def body(j, acc):
        i0 = 2 * j
        pltpu.async_copy(tab_hbm.at[idx_v.at[i0 + 1]], buf_b, sem_b)
        pltpu.make_async_copy(tab_hbm.at[idx_v.at[i0]], buf_a, sem_a).wait()
        wb(buf_a, i0)
        acc = accum(buf_a, i0, acc)

        @pl.when(i0 + 2 < nch)
        def _():
            pltpu.async_copy(tab_hbm.at[idx_v.at[i0 + 2]], buf_a, sem_a)

        pltpu.make_async_copy(tab_hbm.at[idx_v.at[i0 + 1]], buf_b, sem_b).wait()
        wb(buf_b, i0 + 1)
        acc = accum(buf_b, i0 + 1, acc)
        return acc

    s, q = lax.fori_loop(0, nch // 2, body, acc0)
    for v in range(NV):
        stbuf[0, pl.ds(16 * v, 16)] = s[v]
        stbuf[1, pl.ds(16 * v, 16)] = q[v]
        for r in range(2, 8):
            stbuf[r, pl.ds(16 * v, 16)] = zero
    pltpu.sync_copy(stbuf, stp_hbm.at[wid])


def _e1_body(ppe_ref, pp_ref, stpb_ref, gbpb_ref, qe1_ref, ke1e_ref, we1_ref,
             u1_ref, st_ref):
    i = pl.program_id(0)
    cnt = jnp.float32(E)
    mean = jnp.sum(stpb_ref[:, 0, :], axis=0)[None, :] / cnt
    ex2 = jnp.sum(stpb_ref[:, 1, :], axis=0)[None, :] / cnt
    inv = lax.rsqrt(ex2 - mean * mean + EPS)
    r = pp_ref.shape[0]
    y = ppe_ref[...].reshape(r, K, C) - pp_ref[...][:, None, :]
    posb = _leaky((y - mean[None, :, :]) * inv[None, :, :]
                  * gbpb_ref[0:1, :][None, :, :] + gbpb_ref[1:2, :][None, :, :])
    u1 = lax.dot_general(posb.reshape(r * K, C), we1_ref[...],
                         (((1,), (1,)), ((), ())),
                         preferred_element_type=jnp.float32).reshape(r, K, G)
    u1 = u1 + ke1e_ref[...].reshape(r, K, 128)[:, :, 0:G] \
        - qe1_ref[...][:, None, :]
    u1_ref[...] = u1
    s = jnp.sum(u1, axis=(0, 1))[None, :]
    s2 = jnp.sum(u1 * u1, axis=(0, 1))[None, :]
    part = jnp.concatenate(
        [jnp.broadcast_to(s, (8, G)), jnp.broadcast_to(s2, (8, G))], axis=0)

    @pl.when(i == 0)
    def _():
        st_ref[...] = jnp.zeros_like(st_ref)

    st_ref[...] += part


def _e2_body(u1_ref, st1_ref, gbe1_ref, we2_ref, u2_ref, st_ref):
    i = pl.program_id(0)
    cnt = jnp.float32(E)
    mean = st1_ref[0:1, :] / cnt
    ex2 = st1_ref[8:9, :] / cnt
    inv = lax.rsqrt(ex2 - mean * mean + EPS)
    u1 = u1_ref[...]
    r = u1.shape[0]
    t1 = _leaky((u1 - mean[None, :, :]) * inv[None, :, :]
                * gbe1_ref[0:1, :][None, :, :] + gbe1_ref[1:2, :][None, :, :])
    u2 = lax.dot_general(t1.reshape(r * K, G), we2_ref[...],
                         (((1,), (1,)), ((), ())),
                         preferred_element_type=jnp.float32).reshape(r, K, G)
    u2_ref[...] = u2
    s = jnp.sum(u2, axis=(0, 1))[None, :]
    s2 = jnp.sum(u2 * u2, axis=(0, 1))[None, :]
    part = jnp.concatenate(
        [jnp.broadcast_to(s, (8, G)), jnp.broadcast_to(s2, (8, G))], axis=0)

    @pl.when(i == 0)
    def _():
        st_ref[...] = jnp.zeros_like(st_ref)

    st_ref[...] += part


def _final_body(u2_ref, st2_ref, gbe2_ref, ppe_ref, pp_ref, stpb_ref,
                gbpb_ref, ve_ref, erep_ref, out_ref):
    cnt = jnp.float32(E)
    mean2 = st2_ref[0:1, :] / cnt
    ex22 = st2_ref[8:9, :] / cnt
    inv2 = lax.rsqrt(ex22 - mean2 * mean2 + EPS)
    u2 = u2_ref[...]
    t2 = _leaky((u2 - mean2[None, :, :]) * inv2[None, :, :]
                * gbe2_ref[0:1, :][None, :, :] + gbe2_ref[1:2, :][None, :, :])
    mx = jnp.max(t2, axis=1, keepdims=True)
    exv = jnp.exp(t2 - mx)
    attn = exv / jnp.sum(exv, axis=1, keepdims=True)
    r = attn.shape[0]
    attn_c = jnp.dot(attn.reshape(r * K, G), erep_ref[...],
                     preferred_element_type=jnp.float32).reshape(r, K, C)
    meanp = jnp.sum(stpb_ref[:, 0, :], axis=0)[None, :] / cnt
    ex2p = jnp.sum(stpb_ref[:, 1, :], axis=0)[None, :] / cnt
    invp = lax.rsqrt(ex2p - meanp * meanp + EPS)
    y = ppe_ref[...].reshape(r, K, C) - pp_ref[...][:, None, :]
    posb = _leaky((y - meanp[None, :, :]) * invp[None, :, :]
                  * gbpb_ref[0:1, :][None, :, :] + gbpb_ref[1:2, :][None, :, :])
    value = ve_ref[...].reshape(r, K, C) + posb
    out_ref[...] = jnp.sum(value * attn_c, axis=1)


def kernel(x, Wq, bq, gq, betaq, Wk, bk, gk, betak, Wv, bv, gv, betav,
           Wpb, bpb, gpb, betapb, We1, be1, ge1, betae1, We2, be2, ge2, betae2):
    f32 = jnp.float32
    xf = x.reshape(BN, C)

    gam = jnp.concatenate([gq, gk, gv, jnp.ones((C,), f32)])
    bet = jnp.concatenate([betaq, betak, betav, jnp.zeros((C,), f32)])
    gb_qkv = jnp.zeros((8, 4 * C), f32).at[0].set(gam).at[1].set(bet)
    gb_pb = jnp.zeros((8, C), f32).at[0].set(gpb).at[1].set(betapb)
    gb_e1 = jnp.zeros((8, G), f32).at[0].set(ge1).at[1].set(betae1)
    gb_e2 = jnp.zeros((8, G), f32).at[0].set(ge2).at[1].set(betae2)
    erep = jnp.repeat(jnp.eye(G, dtype=f32), H, axis=1).reshape(G, C)

    R1 = 512
    wspec = pl.BlockSpec((C, C), lambda i: (0, 0))
    y_all, st_qkv = pl.pallas_call(
        _proj1_body,
        grid=(BN // R1,),
        in_specs=[pl.BlockSpec((R1, C), lambda i: (i, 0)),
                  wspec, wspec, wspec, wspec],
        out_specs=[pl.BlockSpec((R1, 4 * C), lambda i: (i, 0)),
                   pl.BlockSpec((16, 4 * C), lambda i: (0, 0))],
        out_shape=[jax.ShapeDtypeStruct((BN, 4 * C), f32),
                   jax.ShapeDtypeStruct((16, 4 * C), f32)],
    )(xf, Wq, Wk, Wv, Wpb)

    R2 = 512
    kn, vn, tab, qe1 = pl.pallas_call(
        _proj2_body,
        grid=(BN // R2,),
        in_specs=[pl.BlockSpec((R2, 4 * C), lambda i: (i, 0)),
                  pl.BlockSpec((16, 4 * C), lambda i: (0, 0)),
                  pl.BlockSpec((8, 4 * C), lambda i: (0, 0)),
                  pl.BlockSpec((G, C), lambda i: (0, 0))],
        out_specs=[pl.BlockSpec((R2, C), lambda i: (i, 0)),
                   pl.BlockSpec((R2, C), lambda i: (i, 0)),
                   pl.BlockSpec((R2, TW), lambda i: (i, 0)),
                   pl.BlockSpec((R2, G), lambda i: (i, 0))],
        out_shape=[jax.ShapeDtypeStruct((BN, C), f32),
                   jax.ShapeDtypeStruct((BN, C), f32),
                   jax.ShapeDtypeStruct((BN, TW), f32),
                   jax.ShapeDtypeStruct((BN, G), f32)],
    )(y_all, st_qkv, gb_qkv, We1)

    R3 = 256

    def _run_topk(feat):
        return pl.pallas_call(
            _topk_body,
            grid=(B, N // R3),
            in_specs=[pl.BlockSpec((1, R3, C), lambda b, j: (b, j, 0)),
                      pl.BlockSpec((1, N, C), lambda b, j: (b, 0, 0))],
            out_specs=pl.BlockSpec((R3, K), lambda b, j: (b * (N // R3) + j, 0)),
            out_shape=jax.ShapeDtypeStruct((BN, K), jnp.int32),
        )(feat, feat)

    idxg = _run_topk(kn.reshape(B, N, C))
    idxgv = _run_topk(vn.reshape(B, N, C))

    mesh = plsc.VectorSubcoreMesh(core_axis_name="c", subcore_axis_name="s")

    def _scratch(width):
        return [pltpu.VMEM((E // NW // CH, CH), jnp.int32),
                pltpu.VMEM((CH, width), f32),
                pltpu.VMEM((CH, width), f32),
                pltpu.SemaphoreType.DMA,
                pltpu.SemaphoreType.DMA]

    gather_k = functools.partial(
        pl.kernel, mesh=mesh,
        out_type=[jax.ShapeDtypeStruct((E, C), f32),
                  jax.ShapeDtypeStruct((E, 128), f32),
                  jax.ShapeDtypeStruct((NW, 8, C), f32)],
        scratch_types=[pltpu.VMEM((E // NW // CH, CH), jnp.int32),
                       pltpu.VMEM((CH, TW), f32),
                       pltpu.VMEM((CH, TW), f32),
                       pltpu.VMEM((CH // K, TW), f32),
                       pltpu.VMEM((8, C), f32),
                       pltpu.SemaphoreType.DMA,
                       pltpu.SemaphoreType.DMA],
    )(_sc_gatherk_body)
    ppe_f, ke1e_f, stp = gather_k(idxg.reshape(E // CH, CH), tab)

    gather_v = functools.partial(
        pl.kernel, mesh=mesh,
        out_type=jax.ShapeDtypeStruct((E, C), f32),
        scratch_types=_scratch(C),
    )(_sc_gather_body)
    ve_f = gather_v(idxgv.reshape(E // CH, CH), vn)

    R4 = 256
    u1e, st_u1 = pl.pallas_call(
        _e1_body,
        grid=(BN // R4,),
        in_specs=[pl.BlockSpec((R4 * K, C), lambda i: (i, 0)),
                  pl.BlockSpec((R4, C), lambda i: (i, 0)),
                  pl.BlockSpec((NW, 8, C), lambda i: (0, 0, 0)),
                  pl.BlockSpec((8, C), lambda i: (0, 0)),
                  pl.BlockSpec((R4, G), lambda i: (i, 0)),
                  pl.BlockSpec((R4 * K, 128), lambda i: (i, 0)),
                  pl.BlockSpec((G, C), lambda i: (0, 0))],
        out_specs=[pl.BlockSpec((R4, K, G), lambda i: (i, 0, 0)),
                   pl.BlockSpec((16, G), lambda i: (0, 0))],
        out_shape=[jax.ShapeDtypeStruct((BN, K, G), f32),
                   jax.ShapeDtypeStruct((16, G), f32)],
    )(ppe_f, tab, stp, gb_pb, qe1, ke1e_f, We1)

    R5 = 512
    u2e, st_u2 = pl.pallas_call(
        _e2_body,
        grid=(BN // R5,),
        in_specs=[pl.BlockSpec((R5, K, G), lambda i: (i, 0, 0)),
                  pl.BlockSpec((16, G), lambda i: (0, 0)),
                  pl.BlockSpec((8, G), lambda i: (0, 0)),
                  pl.BlockSpec((G, G), lambda i: (0, 0))],
        out_specs=[pl.BlockSpec((R5, K, G), lambda i: (i, 0, 0)),
                   pl.BlockSpec((16, G), lambda i: (0, 0))],
        out_shape=[jax.ShapeDtypeStruct((BN, K, G), f32),
                   jax.ShapeDtypeStruct((16, G), f32)],
    )(u1e, st_u1, gb_e1, We2)

    out = pl.pallas_call(
        _final_body,
        grid=(BN // R4,),
        in_specs=[pl.BlockSpec((R4, K, G), lambda i: (i, 0, 0)),
                  pl.BlockSpec((16, G), lambda i: (0, 0)),
                  pl.BlockSpec((8, G), lambda i: (0, 0)),
                  pl.BlockSpec((R4 * K, C), lambda i: (i, 0)),
                  pl.BlockSpec((R4, C), lambda i: (i, 0)),
                  pl.BlockSpec((NW, 8, C), lambda i: (0, 0, 0)),
                  pl.BlockSpec((8, C), lambda i: (0, 0)),
                  pl.BlockSpec((R4 * K, C), lambda i: (i, 0)),
                  pl.BlockSpec((G, C), lambda i: (0, 0))],
        out_specs=pl.BlockSpec((R4, C), lambda i: (i, 0)),
        out_shape=jax.ShapeDtypeStruct((BN, C), f32),
    )(u2e, st_u2, gb_e2, ppe_f, tab, stp, gb_pb, ve_f, erep)

    return out.reshape(B, N, C)

# --- scband reference (transcript-rebuilt; emitter-appended) ---
"""Pipeline reference for scband-vector-attention-42631845380169 (READ-ONLY COPY).

The authoritative reference and input builder live on the scoring server;
editing this copy changes nothing except your own understanding.
"""

import jax, jax.numpy as jnp
import numpy as np

B, N, C = 2, 2048, 256
H = 8
G = C // H
K = 16

def _leaky(x):
    return jnp.where(x >= 0, x, 0.2 * x)

def _bn(x, gamma, beta, ch_axis):
    axes = tuple(i for i in range(x.ndim) if i != ch_axis)
    mean = jnp.mean(x, axis=axes, keepdims=True)
    var = jnp.var(x, axis=axes, keepdims=True)
    shp = [1] * x.ndim
    shp[ch_axis] = x.shape[ch_axis]
    return (x - mean) / jnp.sqrt(var + 1e-5) * gamma.reshape(shp) + beta.reshape(shp)

def _conv1d_block(x, W, b, gamma, beta):
    y = jnp.einsum('oi,bin->bon', W, x) + b[None, :, None]
    return _leaky(_bn(y, gamma, beta, 1))

def _conv2d_block(x, W, b, gamma, beta):
    y = jnp.einsum('oi,bink->bonk', W, x) + b[None, :, None, None]
    return _leaky(_bn(y, gamma, beta, 1))

def _knn_idx(x, k):
    xt = jnp.swapaxes(x, 1, 2)
    inner = -2.0 * jnp.einsum('bnc,bmc->bnm', xt, xt)
    sq = jnp.sum(xt * xt, axis=-1)
    neg_dist = -(sq[:, :, None] + inner + sq[:, None, :])
    _, idx = jax.lax.top_k(neg_dist, k)
    return idx

def _get_graph_feature(x, k):
    b, c, n = x.shape
    idx = _knn_idx(x, k)
    idx_global = idx + (jnp.arange(b) * n)[:, None, None]
    x_flat = jnp.swapaxes(x, 1, 2).reshape(b * n, c)
    feat = jnp.take(x_flat, idx_global.reshape(-1), axis=0).reshape(b, n, k, c)
    return jnp.transpose(feat, (0, 3, 1, 2)), idx_global

def _get_mask_pos(idx, pos):
    b, n, k = idx.shape
    mask = jnp.sign(idx + 1).astype(pos.dtype)
    mp = jnp.take(pos.reshape(b * n, -1), idx.reshape(-1), axis=0).reshape(b, n, k, -1)
    mp = mp - pos[:, :, None, :]
    mp = mp * mask[..., None]
    return jnp.transpose(mp, (0, 3, 1, 2))

def _forward(x, p):
    pos = x
    xt = jnp.swapaxes(x, 1, 2)
    q = _conv1d_block(xt, p['Wq'], p['bq'], p['gq'], p['betaq'])
    kk = _conv1d_block(xt, p['Wk'], p['bk'], p['gk'], p['betak'])
    v = _conv1d_block(xt, p['Wv'], p['bv'], p['gv'], p['betav'])
    key_feat, idx = _get_graph_feature(kk, K)
    val_feat, _ = _get_graph_feature(v, K)
    masked_pos = _get_mask_pos(idx, pos)
    vector = key_feat - q[:, :, :, None]
    posb = _conv2d_block(masked_pos, p['Wpb'], p['bpb'], p['gpb'], p['betapb'])
    vector = vector + posb
    value = jnp.transpose(val_feat + posb, (0, 2, 3, 1))
    vector = _conv2d_block(vector, p['We1'], p['be1'], p['ge1'], p['betae1'])
    vector = _conv2d_block(vector, p['We2'], p['be2'], p['ge2'], p['betae2'])
    vector = jax.nn.softmax(vector, axis=-1)
    vector = jnp.transpose(vector, (0, 2, 3, 1))
    mask = jnp.sign(idx + 1).astype(vector.dtype)
    vector = vector * mask[..., None]
    value = value.reshape(B, N, K, G, H)
    out = jnp.einsum('bnkgh,bnkg->bngh', value, vector)
    return out.reshape(B, N, C)

def setup_inputs(seed: int = 0):
    key = jax.random.key(seed)
    ks = jax.random.split(key, 8)
    d = {'x': jax.random.normal(ks[0], (B, N, C), dtype=jnp.float32)}
    specs = [('q', C, C, ks[1]), ('k', C, C, ks[2]), ('v', C, C, ks[3]),
             ('pb', C, C, ks[4]), ('e1', G, C, ks[5]), ('e2', G, G, ks[6])]
    for name, o, i, kk in specs:
        d['W' + name] = jax.random.normal(kk, (o, i), dtype=jnp.float32) * 0.05
        d['b' + name] = jnp.zeros((o,), jnp.float32)
        d['g' + name] = jnp.ones((o,), jnp.float32)
        d['beta' + name] = jnp.zeros((o,), jnp.float32)
    return d

def reference(x, Wq, bq, gq, betaq, Wk, bk, gk, betak, Wv, bv, gv, betav,
              Wpb, bpb, gpb, betapb, We1, be1, ge1, betae1, We2, be2, ge2, betae2):
    p = dict(Wq=Wq, bq=bq, gq=gq, betaq=betaq, Wk=Wk, bk=bk, gk=gk, betak=betak,
             Wv=Wv, bv=bv, gv=gv, betav=betav, Wpb=Wpb, bpb=bpb, gpb=gpb, betapb=betapb,
             We1=We1, be1=be1, ge1=ge1, betae1=betae1, We2=We2, be2=be2, ge2=ge2, betae2=betae2)
    return _forward(x, p)

if __name__ == "__main__":
    import jax
    _d = setup_inputs()
    print(jax.jit(kernel)(*tuple(_d.values())))

</pallas_src>

<mosaic_0001>
#map = affine_map<(d0, d1) -> (0, 0)>
#map1 = affine_map<(d0, d1) -> (0, 0, 0)>
module attributes {stable_mosaic.version = 14 : i64} {
  func.func @_sc_gatherk_body(%arg0: i32, %arg1: i32, %arg2: memref<512x128xi32, #tpu.memory_space<hbm>>, %arg3: memref<4096x384xf32, #tpu.memory_space<hbm>>, %arg4: memref<65536x256xf32, #tpu.memory_space<hbm>>, %arg5: memref<65536x128xf32, #tpu.memory_space<hbm>>, %arg6: memref<32x8x256xf32, #tpu.memory_space<hbm>>, %arg7: memref<16x128xi32, #tpu.memory_space<vmem>>, %arg8: memref<128x384xf32, #tpu.memory_space<vmem>>, %arg9: memref<128x384xf32, #tpu.memory_space<vmem>>, %arg10: memref<8x384xf32, #tpu.memory_space<vmem>>, %arg11: memref<8x256xf32, #tpu.memory_space<vmem>>, %arg12: memref<!tpu.dma_semaphore, #tpu.memory_space<semaphore_mem>>, %arg13: memref<!tpu.dma_semaphore, #tpu.memory_space<semaphore_mem>>) attributes {dimension_semantics = [#tpu.dimension_semantics<core_parallel>, #tpu.dimension_semantics<subcore_parallel>], iteration_bounds = array<i64: 2, 16>, scalar_prefetch = 0 : i64, scratch_operands = 7 : i64, tpu.core_type = #tpu.core_type<sc_vector_subcore>, window_params = [{transform_indices = #map}, {transform_indices = #map}, {transform_indices = #map}, {transform_indices = #map}, {transform_indices = #map1}]} {
    %mul3A = arith.constant 2 : i32
    %mul3A_0 = arith.muli %arg1, %mul3A : i32
    %add3A = arith.addi %mul3A_0, %arg0 : i32
    %mul3A_1 = arith.constant 2048 : i32
    %mul3A_2 = arith.muli %add3A, %mul3A_1 : i32
    %multiple_of3A = tpu.assume_multiple %mul3A_2, 128 : i32
    %mul3A_3 = arith.constant 16 : i32
    %mul3A_4 = arith.muli %add3A, %mul3A_3 : i32
    %multiple_of3A_5 = tpu.assume_multiple %mul3A_4, 8 : i32
    "tpu.region"() ({
      %run_scoped3A = tpu.sem_alloc : memref<!tpu.dma_semaphore, #tpu.memory_space<semaphore_mem>>
      %dma_start3A_785 = arith.constant 0 : i32
      %dma_start3A_786 = tpu.memref_slice %arg2[%multiple_of3A_5, %dma_start3A_785] : memref<512x128xi32, #tpu.memory_space<hbm>> -> memref<16x128xi32, #tpu.memory_space<hbm>>
      %dma_start3A_787 = arith.constant 0 : i32
      %dma_start3A_788 = tpu.memref_slice %arg2[%multiple_of3A_5, %dma_start3A_787] : memref<512x128xi32, #tpu.memory_space<hbm>> -> memref<16x128xi32, #tpu.memory_space<hbm>>
      tpu.enqueue_dma source(%dma_start3A_788 : memref<16x128xi32, #tpu.memory_space<hbm>>) target(%arg7 : memref<16x128xi32, #tpu.memory_space<vmem>>) target_semaphore(%run_scoped3A : memref<!tpu.dma_semaphore, #tpu.memory_space<semaphore_mem>>)
      %dma_wait3A = arith.constant 0 : i32
      %dma_wait3A_789 = tpu.memref_slice %arg2[%multiple_of3A_5, %dma_wait3A] : memref<512x128xi32, #tpu.memory_space<hbm>> -> memref<16x128xi32, #tpu.memory_space<hbm>>
      %dma_wait3A_790 = arith.constant 0 : i32
      %dma_wait3A_791 = tpu.memref_slice %arg2[%multiple_of3A_5, %dma_wait3A_790] : memref<512x128xi32, #tpu.memory_space<hbm>> -> memref<16x128xi32, #tpu.memory_space<hbm>>
      tpu.wait_dma2 semaphore(%run_scoped3A : memref<!tpu.dma_semaphore, #tpu.memory_space<semaphore_mem>>) src(%dma_wait3A_791 : memref<16x128xi32, #tpu.memory_space<hbm>>) dst(%arg7 : memref<16x128xi32, #tpu.memory_space<vmem>>)
      tpu.yield
    }) : () -> ()
    %dma_start3A = arith.constant 0 : i32
    %dma_start3A_6 = arith.constant 0 : i32
    %dma_start3A_7 = tpu.memref_slice %arg7[%dma_start3A, %dma_start3A_6] : memref<16x128xi32, #tpu.memory_space<vmem>> -> memref<1x128xi32, #tpu.memory_space<vmem>>
    %dma_start3A_8 = tpu.memref_squeeze %dma_start3A_7 : memref<1x128xi32, #tpu.memory_space<vmem>> -> memref<128xi32, #tpu.memory_space<vmem>>
    %dma_start3A_9 = arith.constant 0 : i32
    %dma_start3A_10 = arith.constant 0 : i32
    %dma_start3A_11 = tpu.memref_slice %arg3[%dma_start3A_9, %dma_start3A_10] : memref<4096x384xf32, #tpu.memory_space<hbm>> -> memref<4096x384xf32, #tpu.memory_space<hbm>>
    tpu.enqueue_indirect_dma source(%dma_start3A_11 : memref<4096x384xf32, #tpu.memory_space<hbm>>) target(%arg8 : memref<128x384xf32, #tpu.memory_space<vmem>>) offsets(%dma_start3A_8 : memref<128xi32, #tpu.memory_space<vmem>>) semaphore(%arg12 : memref<!tpu.dma_semaphore, #tpu.memory_space<semaphore_mem>>)
    %broadcast_in_dim3A = arith.constant 0.000000e+00 : f32
    %broadcast_in_dim3A_12 = vector.broadcast %broadcast_in_dim3A : f32 to vector<16xf32>
    %scan3A = arith.constant 0 : i32
    %scan3A_13 = arith.constant 8 : i32
    %scan3A_14 = arith.addi %scan3A, %scan3A_13 : i32
    %scan3A_15 = arith.constant 1 : i32
    %scan3A_16:32 = scf.for %scan3A_785 = %scan3A to %scan3A_14 step %scan3A_15 iter_args(%scan3A_786 = %broadcast_in_dim3A_12, %scan3A_787 = %broadcast_in_dim3A_12, %scan3A_788 = %broadcast_in_dim3A_12, %scan3A_789 = %broadcast_in_dim3A_12, %scan3A_790 = %broadcast_in_dim3A_12, %scan3A_791 = %broadcast_in_dim3A_12, %scan3A_792 = %broadcast_in_dim3A_12, %scan3A_793 = %broadcast_in_dim3A_12, %scan3A_794 = %broadcast_in_dim3A_12, %scan3A_795 = %broadcast_in_dim3A_12, %scan3A_796 = %broadcast_in_dim3A_12, %scan3A_797 = %broadcast_in_dim3A_12, %scan3A_798 = %broadcast_in_dim3A_12, %scan3A_799 = %broadcast_in_dim3A_12, %scan3A_800 = %broadcast_in_dim3A_12, %scan3A_801 = %broadcast_in_dim3A_12, %scan3A_802 = %broadcast_in_dim3A_12, %scan3A_803 = %broadcast_in_dim3A_12, %scan3A_804 = %broadcast_in_dim3A_12, %scan3A_805 = %broadcast_in_dim3A_12, %scan3A_806 = %broadcast_in_dim3A_12, %scan3A_807 = %broadcast_in_dim3A_12, %scan3A_808 = %broadcast_in_dim3A_12, %scan3A_809 = %broadcast_in_dim3A_12, %scan3A_810 = %broadcast_in_dim3A_12, %scan3A_811 = %broadcast_in_dim3A_12, %scan3A_812 = %broadcast_in_dim3A_12, %scan3A_813 = %broadcast_in_dim3A_12, %scan3A_814 = %broadcast_in_dim3A_12, %scan3A_815 = %broadcast_in_dim3A_12, %scan3A_816 = %broadcast_in_dim3A_12, %scan3A_817 = %broadcast_in_dim3A_12) -> (vector<16xf32>, vector<16xf32>, vector<16xf32>, vector<16xf32>, vector<16xf32>, vector<16xf32>, vector<16xf32>, vector<16xf32>, vector<16xf32>, vector<16xf32>, vector<16xf32>, vector<16xf32>, vector<16xf32>, vector<16xf32>, vector<16xf32>, vector<16xf32>, vector<16xf32>, vector<16xf32>, vector<16xf32>, vector<16xf32>, vector<16xf32>, vector<16xf32>, vector<16xf32>, vector<16xf32>, vector<16xf32>, vector<16xf32>, vector<16xf32>, vector<16xf32>, vector<16xf32>, vector<16xf32>, vector<16xf32>, vector<16xf32>)  : i32 {
      %mul3A_818 = arith.constant 2 : i32
      %mul3A_819 = arith.muli %mul3A_818, %scan3A_785 : i32
      %add3A_820 = arith.constant 1 : i32
      %add3A_821 = arith.addi %mul3A_819, %add3A_820 : i32
      %dma_start3A_822 = arith.constant 0 : i32
      %dma_start3A_823 = tpu.memref_slice %arg7[%add3A_821, %dma_start3A_822] : memref<16x128xi32, #tpu.memory_space<vmem>> -> memref<1x128xi32, #tpu.memory_space<vmem>>
      %dma_start3A_824 = tpu.memref_squeeze %dma_start3A_823 : memref<1x128xi32, #tpu.memory_space<vmem>> -> memref<128xi32, #tpu.memory_space<vmem>>
      %dma_start3A_825 = arith.constant 0 : i32
      %dma_start3A_826 = arith.constant 0 : i32
      %dma_start3A_827 = tpu.memref_slice %arg3[%dma_start3A_825, %dma_start3A_826] : memref<4096x384xf32, #tpu.memory_space<hbm>> -> memref<4096x384xf32, #tpu.memory_space<hbm>>
      tpu.enqueue_indirect_dma source(%dma_start3A_827 : memref<4096x384xf32, #tpu.memory_space<hbm>>) target(%arg9 : memref<128x384xf32, #tpu.memory_space<vmem>>) offsets(%dma_start3A_824 : memref<128xi32, #tpu.memory_space<vmem>>) semaphore(%arg13 : memref<!tpu.dma_semaphore, #tpu.memory_space<semaphore_mem>>)
      %dma_wait3A = arith.constant 0 : i32
      %dma_wait3A_828 = tpu.memref_slice %arg7[%mul3A_819, %dma_wait3A] : memref<16x128xi32, #tpu.memory_space<vmem>> -> memref<1x128xi32, #tpu.memory_space<vmem>>
      %dma_wait3A_829 = tpu.memref_squeeze %dma_wait3A_828 : memref<1x128xi32, #tpu.memory_space<vmem>> -> memref<128xi32, #tpu.memory_space<vmem>>
      %dma_wait3A_830 = arith.constant 0 : i32
      %dma_wait3A_831 = arith.constant 0 : i32
      %dma_wait3A_832 = tpu.memref_slice %arg3[%dma_wait3A_830, %dma_wait3A_831] : memref<4096x384xf32, #tpu.memory_space<hbm>> -> memref<4096x384xf32, #tpu.memory_space<hbm>>
      tpu.wait_indirect_dma semaphore(%arg12 : memref<!tpu.dma_semaphore, #tpu.memory_space<semaphore_mem>>) src(%dma_wait3A_832 : memref<4096x384xf32, #tpu.memory_space<hbm>>) dst(%arg8 : memref<128x384xf32, #tpu.memory_space<vmem>>)
      %mul3A_833 = arith.constant 128 : i32
      %mul3A_834 = arith.muli %mul3A_819, %mul3A_833 : i32
      %add3A_835 = arith.addi %multiple_of3A, %mul3A_834 : i32
      "tpu.region"() ({
        %run_scoped3A = tpu.sem_alloc : memref<!tpu.dma_semaphore, #tpu.memory_space<semaphore_mem>>
        %dma_start3A_921 = arith.constant 0 : i32
        %dma_start3A_922 = arith.constant 0 : i32
        %dma_start3A_923 = tpu.memref_slice %arg8[%dma_start3A_921, %dma_start3A_922] : memref<128x384xf32, #tpu.memory_space<vmem>> -> memref<128x256xf32, #tpu.memory_space<vmem>>
        %dma_start3A_924 = arith.constant 0 : i32
        %dma_start3A_925 = tpu.memref_slice %arg4[%add3A_835, %dma_start3A_924] : memref<65536x256xf32, #tpu.memory_space<hbm>> -> memref<128x256xf32, #tpu.memory_space<hbm>>
        %dma_start3A_926 = arith.constant 0 : i32
        %dma_start3A_927 = tpu.memref_slice %arg4[%add3A_835, %dma_start3A_926] : memref<65536x256xf32, #tpu.memory_space<hbm>> -> memref<128x256xf32, #tpu.memory_space<hbm>>
        %dma_start3A_928 = arith.constant 0 : i32
        %dma_start3A_929 = arith.constant 0 : i32
        %dma_start3A_930 = tpu.memref_slice %arg8[%dma_start3A_928, %dma_start3A_929] : memref<128x384xf32, #tpu.memory_space<vmem>> -> memref<128x256xf32, #tpu.memory_space<vmem>>
        tpu.enqueue_dma source(%dma_start3A_930 : memref<128x256xf32, #tpu.memory_space<vmem>>) target(%dma_start3A_927 : memref<128x256xf32, #tpu.memory_space<hbm>>) target_semaphore(%run_scoped3A : memref<!tpu.dma_semaphore, #tpu.memory_space<semaphore_mem>>)
        %dma_wait3A_931 = arith.constant 0 : i32
        %dma_wait3A_932 = arith.constant 0 : i32
        %dma_wait3A_933 = tpu.memref_slice %arg8[%dma_wait3A_931, %dma_wait3A_932] : memref<128x384xf32, #tpu.memory_space<vmem>> -> memref<128x256xf32, #tpu.memory_space<vmem>>
        %dma_wait3A_934 = arith.constant 0 : i32
        %dma_wait3A_935 = tpu.memref_slice %arg4[%add3A_835, %dma_wait3A_934] : memref<65536x256xf32, #tpu.memory_space<hbm>> -> memref<128x256xf32, #tpu.memory_space<hbm>>
        %dma_wait3A_936 = arith.constant 0 : i32
        %dma_wait3A_937 = tpu.memref_slice %arg4[%add3A_835, %dma_wait3A_936] : memref<65536x256xf32, #tpu.memory_space<hbm>> -> memref<128x256xf32, #tpu.memory_space<hbm>>
        %dma_wait3A_938 = arith.constant 0 : i32
        %dma_wait3A_939 = arith.constant 0 : i32
        %dma_wait3A_940 = tpu.memref_slice %arg8[%dma_wait3A_938, %dma_wait3A_939] : memref<128x384xf32, #tpu.memory_space<vmem>> -> memref<128x256xf32, #tpu.memory_space<vmem>>
        tpu.wait_dma2 semaphore(%run_scoped3A : memref<!tpu.dma_semaphore, #tpu.memory_space<semaphore_mem>>) src(%dma_wait3A_940 : memref<128x256xf32, #tpu.memory_space<vmem>>) dst(%dma_wait3A_937 : memref<128x256xf32, #tpu.memory_space<hbm>>)
        tpu.yield
      }) : () -> ()
      %mul3A_836 = arith.constant 128 : i32
      %mul3A_837 = arith.muli %mul3A_819, %mul3A_836 : i32
      %add3A_838 = arith.addi %multiple_of3A, %mul3A_837 : i32
      "tpu.region"() ({
        %run_scoped3A = tpu.sem_alloc : memref<!tpu.dma_semaphore, #tpu.memory_space<semaphore_mem>>
        %dma_start3A_921 = arith.constant 0 : i32
        %dma_start3A_922 = arith.constant 256 : i32
        %dma_start3A_923 = tpu.memref_slice %arg8[%dma_start3A_921, %dma_start3A_922] : memref<128x384xf32, #tpu.memory_space<vmem>> -> memref<128x128xf32, #tpu.memory_space<vmem>>
        %dma_start3A_924 = arith.constant 0 : i32
        %dma_start3A_925 = tpu.memref_slice %arg5[%add3A_838, %dma_start3A_924] : memref<65536x128xf32, #tpu.memory_space<hbm>> -> memref<128x128xf32, #tpu.memory_space<hbm>>
        %dma_start3A_926 = arith.constant 0 : i32
        %dma_start3A_927 = tpu.memref_slice %arg5[%add3A_838, %dma_start3A_926] : memref<65536x128xf32, #tpu.memory_space<hbm>> -> memref<128x128xf32, #tpu.memory_space<hbm>>
        %dma_start3A_928 = arith.constant 0 : i32
        %dma_start3A_929 = arith.constant 256 : i32
        %dma_start3A_930 = tpu.memref_slice %arg8[%dma_start3A_928, %dma_start3A_929] : memref<128x384xf32, #tpu.memory_space<vmem>> -> memref<128x128xf32, #tpu.memory_space<vmem>>
        tpu.enqueue_dma source(%dma_start3A_930 : memref<128x128xf32, #tpu.memory_space<vmem>>) target(%dma_start3A_927 : memref<128x128xf32, #tpu.memory_space<hbm>>) target_semaphore(%run_scoped3A : memref<!tpu.dma_semaphore, #tpu.memory_space<semaphore_mem>>)
        %dma_wait3A_931 = arith.constant 0 : i32
        %dma_wait3A_932 = arith.constant 256 : i32
        %dma_wait3A_933 = tpu.memref_slice %arg8[%dma_wait3A_931, %dma_wait3A_932] : memref<128x384xf32, #tpu.memory_space<vmem>> -> memref<128x128xf32, #tpu.memory_space<vmem>>
        %dma_wait3A_934 = arith.constant 0 : i32
        %dma_wait3A_935 = tpu.memref_slice %arg5[%add3A_838, %dma_wait3A_934] : memref<65536x128xf32, #tpu.memory_space<hbm>> -> memref<128x128xf32, #tpu.memory_space<hbm>>
        %dma_wait3A_936 = arith.constant 0 : i32
        %dma_wait3A_937 = tpu.memref_slice %arg5[%add3A_838, %dma_wait3A_936] : memref<65536x128xf32, #tpu.memory_space<hbm>> -> memref<128x128xf32, #tpu.memory_space<hbm>>
        %dma_wait3A_938 = arith.constant 0 : i32
        %dma_wait3A_939 = arith.constant 256 : i32
        %dma_wait3A_940 = tpu.memref_slice %arg8[%dma_wait3A_938, %dma_wait3A_939] : memref<128x384xf32, #tpu.memory_space<vmem>> -> memref<128x128xf32, #tpu.memory_space<vmem>>
        tpu.wait_dma2 semaphore(%run_scoped3A : memref<!tpu.dma_semaphore, #tpu.memory_space<semaphore_mem>>) src(%dma_wait3A_940 : memref<128x128xf32, #tpu.memory_space<vmem>>) dst(%dma_wait3A_937 : memref<128x128xf32, #tpu.memory_space<hbm>>)
        tpu.yield
      }) : () -> ()
      %mul3A_839 = arith.constant 128 : i32
      %mul3A_840 = arith.muli %mul3A_819, %mul3A_839 : i32
      %add3A_841 = arith.addi %multiple_of3A, %mul3A_840 : i32
      %jit3A = arith.constant 16 : i32
      %div3A = arith.divsi %add3A_841, %jit3A : i32
      %sign3A = arith.constant 0 : i32
      %sign3A_842 = arith.cmpi sgt, %add3A_841, %sign3A : i32
      %sign3A_843 = arith.extui %sign3A_842 : i1 to i32
      %sign3A_844 = arith.constant 0 : i32
      %sign3A_845 = arith.cmpi slt, %add3A_841, %sign3A_844 : i32
      %sign3A_846 = arith.extui %sign3A_845 : i1 to i32
      %sign3A_847 = arith.subi %sign3A_843, %sign3A_846 : i32
      %sign3A_848 = arith.constant 0 : i32
      %sign3A_849 = arith.cmpi sgt, %jit3A, %sign3A_848 : i32
      %sign3A_850 = arith.extui %sign3A_849 : i1 to i32
      %sign3A_851 = arith.constant 0 : i32
      %sign3A_852 = arith.cmpi slt, %jit3A, %sign3A_851 : i32
      %sign3A_853 = arith.extui %sign3A_852 : i1 to i32
      %sign3A_854 = arith.subi %sign3A_850, %sign3A_853 : i32
      %ne3A = arith.cmpi ne, %sign3A_847, %sign3A_854 : i32
      %rem3A = arith.remsi %add3A_841, %jit3A : i32
      %ne3A_855 = arith.constant 0 : i32
      %ne3A_856 = arith.cmpi ne, %rem3A, %ne3A_855 : i32
      %and3A = arith.andi %ne3A, %ne3A_856 : i1
      %sub3A = arith.constant 1 : i32
      %sub3A_857 = arith.subi %div3A, %sub3A : i32
      %select_n3A = arith.select %and3A, %sub3A_857, %div3A : i32
      %multiple_of3A_858 = tpu.assume_multiple %select_n3A, 8 : i32
      "tpu.region"() ({
        %run_scoped3A = tpu.sem_alloc : memref<!tpu.dma_semaphore, #tpu.memory_space<semaphore_mem>>
        %dma_start3A_921 = arith.constant 0 : i32
        %dma_start3A_922 = tpu.memref_slice %arg3[%multiple_of3A_858, %dma_start3A_921] : memref<4096x384xf32, #tpu.memory_space<hbm>> -> memref<8x384xf32, #tpu.memory_space<hbm>>
        %dma_start3A_923 = arith.constant 0 : i32
        %dma_start3A_924 = tpu.memref_slice %arg3[%multiple_of3A_858, %dma_start3A_923] : memref<4096x384xf32, #tpu.memory_space<hbm>> -> memref<8x384xf32, #tpu.memory_space<hbm>>
        tpu.enqueue_dma source(%dma_start3A_924 : memref<8x384xf32, #tpu.memory_space<hbm>>) target(%arg10 : memref<8x384xf32, #tpu.memory_space<vmem>>) target_semaphore(%run_scoped3A : memref<!tpu.dma_semaphore, #tpu.memory_space<semaphore_mem>>)
        %dma_wait3A_925 = arith.constant 0 : i32
        %dma_wait3A_926 = tpu.memref_slice %arg3[%multiple_of3A_858, %dma_wait3A_925] : memref<4096x384xf32, #tpu.memory_space<hbm>> -> memref<8x384xf32, #tpu.memory_space<hbm>>
        %dma_wait3A_927 = arith.constant 0 : i32
        %dma_wait3A_928 = tpu.memref_slice %arg3[%multiple_of3A_858, %dma_wait3A_927] : memref<4096x384xf32, #tpu.memory_space<hbm>> -> memref<8x384xf32, #tpu.memory_space<hbm>>
        tpu.wait_dma2 semaphore(%run_scoped3A : memref<!tpu.dma_semaphore, #tpu.memory_space<semaphore_mem>>) src(%dma_wait3A_928 : memref<8x384xf32, #tpu.memory_space<hbm>>) dst(%arg10 : memref<8x384xf32, #tpu.memory_space<vmem>>)
        tpu.yield
      }) : () -> ()
      %scan3A_859 = arith.constant 0 : i32
      %scan3A_860 = arith.constant 8 : i32
      %scan3A_861 = arith.addi %scan3A_859, %scan3A_860 : i32
      %scan3A_862 = arith.constant 1 : i32
      %scan3A_863:32 = scf.for %scan3A_921 = %scan3A_859 to %scan3A_861 step %scan3A_862 iter_args(%scan3A_922 = %scan3A_786, %scan3A_923 = %scan3A_787, %scan3A_924 = %scan3A_788, %scan3A_925 = %scan3A_789, %scan3A_926 = %scan3A_790, %scan3A_927 = %scan3A_791, %scan3A_928 = %scan3A_792, %scan3A_929 = %scan3A_793, %scan3A_930 = %scan3A_794, %scan3A_931 = %scan3A_795, %scan3A_932 = %scan3A_796, %scan3A_933 = %scan3A_797, %scan3A_934 = %scan3A_798, %scan3A_935 = %scan3A_799, %scan3A_936 = %scan3A_800, %scan3A_937 = %scan3A_801, %scan3A_938 = %scan3A_802, %scan3A_939 = %scan3A_803, %scan3A_940 = %scan3A_804, %scan3A_941 = %scan3A_805, %scan3A_942 = %scan3A_806, %scan3A_943 = %scan3A_807, %scan3A_944 = %scan3A_808, %scan3A_945 = %scan3A_809, %scan3A_946 = %scan3A_810, %scan3A_947 = %scan3A_811, %scan3A_948 = %scan3A_812, %scan3A_949 = %scan3A_813, %scan3A_950 = %scan3A_814, %scan3A_951 = %scan3A_815, %scan3A_952 = %scan3A_816, %scan3A_953 = %scan3A_817) -> (vector<16xf32>, vector<16xf32>, vector<16xf32>, vector<16xf32>, vector<16xf32>, vector<16xf32>, vector<16xf32>, vector<16xf32>, vector<16xf32>, vector<16xf32>, vector<16xf32>, vector<16xf32>, vector<16xf32>, vector<16xf32>, vector<16xf32>, vector<16xf32>, vector<16xf32>, vector<16xf32>, vector<16xf32>, vector<16xf32>, vector<16xf32>, vector<16xf32>, vector<16xf32>, vector<16xf32>, vector<16xf32>, vector<16xf32>, vector<16xf32>, vector<16xf32>, vector<16xf32>, vector<16xf32>, vector<16xf32>, vector<16xf32>)  : i32 {
        %get3A = arith.index_cast %scan3A_921 : i32 to index
        %get3A_954 = arith.constant 0 : index
        %get3A_955 = tpu.vector_load %arg10[%get3A, %get3A_954] {strides = array<i32>} : memref<8x384xf32, #tpu.memory_space<vmem>>, vector<1x16xf32>,
        %get3A_956 = vector.shape_cast %get3A_955 : vector<1x16xf32> to vector<16xf32>
        %get3A_957 = arith.index_cast %scan3A_921 : i32 to index
        %get3A_958 = arith.constant 16 : index
        %get3A_959 = tpu.vector_load %arg10[%get3A_957, %get3A_958] {strides = array<i32>} : memref<8x384xf32, #tpu.memory_space<vmem>>, vector<1x16xf32>,
        %get3A_960 = vector.shape_cast %get3A_959 : vector<1x16xf32> to vector<16xf32>
        %get3A_961 = arith.index_cast %scan3A_921 : i32 to index
        %get3A_962 = arith.constant 32 : index
        %get3A_963 = tpu.vector_load %arg10[%get3A_961, %get3A_962] {strides = array<i32>} : memref<8x384xf32, #tpu.memory_space<vmem>>, vector<1x16xf32>,
        %get3A_964 = vector.shape_cast %get3A_963 : vector<1x16xf32> to vector<16xf32>
        %get3A_965 = arith.index_cast %scan3A_921 : i32 to index
        %get3A_966 = arith.constant 48 : index
        %get3A_967 = tpu.vector_load %arg10[%get3A_965, %get3A_966] {strides = array<i32>} : memref<8x384xf32, #tpu.memory_space<vmem>>, vector<1x16xf32>,
        %get3A_968 = vector.shape_cast %get3A_967 : vector<1x16xf32> to vector<16xf32>
        %get3A_969 = arith.index_cast %scan3A_921 : i32 to index
        %get3A_970 = arith.constant 64 : index
        %get3A_971 = tpu.vector_load %arg10[%get3A_969, %get3A_970] {strides = array<i32>} : memref<8x384xf32, #tpu.memory_space<vmem>>, vector<1x16xf32>,
        %get3A_972 = vector.shape_cast %get3A_971 : vector<1x16xf32> to vector<16xf32>
        %get3A_973 = arith.index_cast %scan3A_921 : i32 to index
        %get3A_974 = arith.constant 80 : index
        %get3A_975 = tpu.vector_load %arg10[%get3A_973, %get3A_974] {strides = array<i32>} : memref<8x384xf32, #tpu.memory_space<vmem>>, vector<1x16xf32>,
        %get3A_976 = vector.shape_cast %get3A_975 : vector<1x16xf32> to vector<16xf32>
        %get3A_977 = arith.index_cast %scan3A_921 : i32 to index
        %get3A_978 = arith.constant 96 : index
        %get3A_979 = tpu.vector_load %arg10[%get3A_977, %get3A_978] {strides = array<i32>} : memref<8x384xf32, #tpu.memory_space<vmem>>, vector<1x16xf32>,
        %get3A_980 = vector.shape_cast %get3A_979 : vector<1x16xf32> to vector<16xf32>
        %get3A_981 = arith.index_cast %scan3A_921 : i32 to index
        %get3A_982 = arith.constant 112 : index
        %get3A_983 = tpu.vector_load %arg10[%get3A_981, %get3A_982] {strides = array<i32>} : memref<8x384xf32, #tpu.memory_space<vmem>>, vector<1x16xf32>,
        %get3A_984 = vector.shape_cast %get3A_983 : vector<1x16xf32> to vector<16xf32>
        %get3A_985 = arith.index_cast %scan3A_921 : i32 to index
        %get3A_986 = arith.constant 128 : index
        %get3A_987 = tpu.vector_load %arg10[%get3A_985, %get3A_986] {strides = array<i32>} : memref<8x384xf32, #tpu.memory_space<vmem>>, vector<1x16xf32>,
        %get3A_988 = vector.shape_cast %get3A_987 : vector<1x16xf32> to vector<16xf32>
        %get3A_989 = arith.index_cast %scan3A_921 : i32 to index
        %get3A_990 = arith.constant 144 : index
        %get3A_991 = tpu.vector_load %arg10[%get3A_989, %get3A_990] {strides = array<i32>} : memref<8x384xf32, #tpu.memory_space<vmem>>, vector<1x16xf32>,
        %get3A_992 = vector.shape_cast %get3A_991 : vector<1x16xf32> to vector<16xf32>
        %get3A_993 = arith.index_cast %scan3A_921 : i32 to index
        %get3A_994 = arith.constant 160 : index
        %get3A_995 = tpu.vector_load %arg10[%get3A_993, %get3A_994] {strides = array<i32>} : memref<8x384xf32, #tpu.memory_space<vmem>>, vector<1x16xf32>,
        %get3A_996 = vector.shape_cast %get3A_995 : vector<1x16xf32> to vector<16xf32>
        %get3A_997 = arith.index_cast %scan3A_921 : i32 to index
        %get3A_998 = arith.constant 176 : index
        %get3A_999 = tpu.vector_load %arg10[%get3A_997, %get3A_998] {strides = array<i32>} : memref<8x384xf32, #tpu.memory_space<vmem>>, vector<1x16xf32>,
        %get3A_1000 = vector.shape_cast %get3A_999 : vector<1x16xf32> to vector<16xf32>
        %get3A_1001 = arith.index_cast %scan3A_921 : i32 to index
        %get3A_1002 = arith.constant 192 : index
        %get3A_1003 = tpu.vector_load %arg10[%get3A_1001, %get3A_1002] {strides = array<i32>} : memref<8x384xf32, #tpu.memory_space<vmem>>, vector<1x16xf32>,
        %get3A_1004 = vector.shape_cast %get3A_1003 : vector<1x16xf32> to vector<16xf32>
        %get3A_1005 = arith.index_cast %scan3A_921 : i32 to index
        %get3A_1006 = arith.constant 208 : index
        %get3A_1007 = tpu.vector_load %arg10[%get3A_1005, %get3A_1006] {strides = array<i32>} : memref<8x384xf32, #tpu.memory_space<vmem>>, vector<1x16xf32>,
        %get3A_1008 = vector.shape_cast %get3A_1007 : vector<1x16xf32> to vector<16xf32>
        %get3A_1009 = arith.index_cast %scan3A_921 : i32 to index
        %get3A_1010 = arith.constant 224 : index
        %get3A_1011 = tpu.vector_load %arg10[%get3A_1009, %get3A_1010] {strides = array<i32>} : memref<8x384xf32, #tpu.memory_space<vmem>>, vector<1x16xf32>,
        %get3A_1012 = vector.shape_cast %get3A_1011 : vector<1x16xf32> to vector<16xf32>
        %get3A_1013 = arith.index_cast %scan3A_921 : i32 to index
        %get3A_1014 = arith.constant 240 : index
        %get3A_1015 = tpu.vector_load %arg10[%get3A_1013, %get3A_1014] {strides = array<i32>} : memref<8x384xf32, #tpu.memory_space<vmem>>, vector<1x16xf32>,
        %get3A_1016 = vector.shape_cast %get3A_1015 : vector<1x16xf32> to vector<16xf32>
        %scan3A_1017 = arith.constant 0 : i32
        %scan3A_1018 = arith.constant 16 : i32
        %scan3A_1019 = arith.addi %scan3A_1017, %scan3A_1018 : i32
        %scan3A_1020 = arith.constant 1 : i32
        %scan3A_1021:32 = scf.for %scan3A_1023 = %scan3A_1017 to %scan3A_1019 step %scan3A_1020 iter_args(%scan3A_1024 = %scan3A_922, %scan3A_1025 = %scan3A_923, %scan3A_1026 = %scan3A_924, %scan3A_1027 = %scan3A_925, %scan3A_1028 = %scan3A_926, %scan3A_1029 = %scan3A_927, %scan3A_1030 = %scan3A_928, %scan3A_1031 = %scan3A_929, %scan3A_1032 = %scan3A_930, %scan3A_1033 = %scan3A_931, %scan3A_1034 = %scan3A_932, %scan3A_1035 = %scan3A_933, %scan3A_1036 = %scan3A_934, %scan3A_1037 = %scan3A_935, %scan3A_1038 = %scan3A_936, %scan3A_1039 = %scan3A_937, %scan3A_1040 = %scan3A_938, %scan3A_1041 = %scan3A_939, %scan3A_1042 = %scan3A_940, %scan3A_1043 = %scan3A_941, %scan3A_1044 = %scan3A_942, %scan3A_1045 = %scan3A_943, %scan3A_1046 = %scan3A_944, %scan3A_1047 = %scan3A_945, %scan3A_1048 = %scan3A_946, %scan3A_1049 = %scan3A_947, %scan3A_1050 = %scan3A_948, %scan3A_1051 = %scan3A_949, %scan3A_1052 = %scan3A_950, %scan3A_1053 = %scan3A_951, %scan3A_1054 = %scan3A_952, %scan3A_1055 = %scan3A_953) -> (vector<16xf32>, vector<16xf32>, vector<16xf32>, vector<16xf32>, vector<16xf32>, vector<16xf32>, vector<16xf32>, vector<16xf32>, vector<16xf32>, vector<16xf32>, vector<16xf32>, vector<16xf32>, vector<16xf32>, vector<16xf32>, vector<16xf32>, vector<16xf32>, vector<16xf32>, vector<16xf32>, vector<16xf32>, vector<16xf32>, vector<16xf32>, vector<16xf32>, vector<16xf32>, vector<16xf32>, vector<16xf32>, vector<16xf32>, vector<16xf32>, vector<16xf32>, vector<16xf32>, vector<16xf32>, vector<16xf32>, vector<16xf32>)  : i32 {
          %mul3A_1056 = arith.constant 16 : i32
          %mul3A_1057 = arith.muli %scan3A_921, %mul3A_1056 : i32
          %add3A_1058 = arith.addi %mul3A_1057, %scan3A_1023 : i32
          %get3A_1059 = arith.index_cast %add3A_1058 : i32 to index
          %get3A_1060 = arith.constant 0 : index
          %get3A_1061 = tpu.vector_load %arg8[%get3A_1059, %get3A_1060] {strides = array<i32>} : memref<128x384xf32, #tpu.memory_space<vmem>>, vector<1x16xf32>,
          %get3A_1062 = vector.shape_cast %get3A_1061 : vector<1x16xf32> to vector<16xf32>
          %sub3A_1063 = arith.subf %get3A_1062, %get3A_956 : vector<16xf32>
          %add3A_1064 = arith.addf %scan3A_1024, %sub3A_1063 : vector<16xf32>
          %mul3A_1065 = arith.mulf %sub3A_1063, %sub3A_1063 : vector<16xf32>
          %add3A_1066 = arith.addf %scan3A_1040, %mul3A_1065 : vector<16xf32>
          %get3A_1067 = arith.index_cast %add3A_1058 : i32 to index
          %get3A_1068 = arith.constant 16 : index
          %get3A_1069 = tpu.vector_load %arg8[%get3A_1067, %get3A_1068] {strides = array<i32>} : memref<128x384xf32, #tpu.memory_space<vmem>>, vector<1x16xf32>,
          %get3A_1070 = vector.shape_cast %get3A_1069 : vector<1x16xf32> to vector<16xf32>
          %sub3A_1071 = arith.subf %get3A_1070, %get3A_960 : vector<16xf32>
          %add3A_1072 = arith.addf %scan3A_1025, %sub3A_1071 : vector<16xf32>
          %mul3A_1073 = arith.mulf %sub3A_1071, %sub3A_1071 : vector<16xf32>
          %add3A_1074 = arith.addf %scan3A_1041, %mul3A_1073 : vector<16xf32>
          %get3A_1075 = arith.index_cast %add3A_1058 : i32 to index
          %get3A_1076 = arith.constant 32 : index
          %get3A_1077 = tpu.vector_load %arg8[%get3A_1075, %get3A_1076] {strides = array<i32>} : memref<128x384xf32, #tpu.memory_space<vmem>>, vector<1x16xf32>,
          %get3A_1078 = vector.shape_cast %get3A_1077 : vector<1x16xf32> to vector<16xf32>
          %sub3A_1079 = arith.subf %get3A_1078, %get3A_964 : vector<16xf32>
          %add3A_1080 = arith.addf %scan3A_1026, %sub3A_1079 : vector<16xf32>
          %mul3A_1081 = arith.mulf %sub3A_1079, %sub3A_1079 : vector<16xf32>
          %add3A_1082 = arith.addf %scan3A_1042, %mul3A_1081 : vector<16xf32>
          %get3A_1083 = arith.index_cast %add3A_1058 : i32 to index
          %get3A_1084 = arith.constant 48 : index
          %get3A_1085 = tpu.vector_load %arg8[%get3A_1083, %get3A_1084] {strides = array<i32>} : memref<128x384xf32, #tpu.memory_space<vmem>>, vector<1x16xf32>,
          %get3A_1086 = vector.shape_cast %get3A_1085 : vector<1x16xf32> to vector<16xf32>
          %sub3A_1087 = arith.subf %get3A_1086, %get3A_968 : vector<16xf32>
          %add3A_1088 = arith.addf %scan3A_1027, %sub3A_1087 : vector<16xf32>
          %mul3A_1089 = arith.mulf %sub3A_1087, %sub3A_1087 : vector<16xf32>
          %add3A_1090 = arith.addf %scan3A_1043, %mul3A_1089 : vector<16xf32>
          %get3A_1091 = arith.index_cast %add3A_1058 : i32 to index
          %get3A_1092 = arith.constant 64 : index
          %get3A_1093 = tpu.vector_load %arg8[%get3A_1091, %get3A_1092] {strides = array<i32>} : memref<128x384xf32, #tpu.memory_space<vmem>>, vector<1x16xf32>,
          %get3A_1094 = vector.shape_cast %get3A_1093 : vector<1x16xf32> to vector<16xf32>
          %sub3A_1095 = arith.subf %get3A_1094, %get3A_972 : vector<16xf32>
          %add3A_1096 = arith.addf %scan3A_1028, %sub3A_1095 : vector<16xf32>
          %mul3A_1097 = arith.mulf %sub3A_1095, %sub3A_1095 : vector<16xf32>
          %add3A_1098 = arith.addf %scan3A_1044, %mul3A_1097 : vector<16xf32>
          %get3A_1099 = arith.index_cast %add3A_1058 : i32 to index
          %get3A_1100 = arith.constant 80 : index
          %get3A_1101 = tpu.vector_load %arg8[%get3A_1099, %get3A_1100] {strides = array<i32>} : memref<128x384xf32, #tpu.memory_space<vmem>>, vector<1x16xf32>,
          %get3A_1102 = vector.shape_cast %get3A_1101 : vector<1x16xf32> to vector<16xf32>
          %sub3A_1103 = arith.subf %get3A_1102, %get3A_976 : vector<16xf32>
          %add3A_1104 = arith.addf %scan3A_1029, %sub3A_1103 : vector<16xf32>
          %mul3A_1105 = arith.mulf %sub3A_1103, %sub3A_1103 : vector<16xf32>
          %add3A_1106 = arith.addf %scan3A_1045, %mul3A_1105 : vector<16xf32>
          %get3A_1107 = arith.index_cast %add3A_1058 : i32 to index
          %get3A_1108 = arith.constant 96 : index
          %get3A_1109 = tpu.vector_load %arg8[%get3A_1107, %get3A_1108] {strides = array<i32>} : memref<128x384xf32, #tpu.memory_space<vmem>>, vector<1x16xf32>,
          %get3A_1110 = vector.shape_cast %get3A_1109 : vector<1x16xf32> to vector<16xf32>
          %sub3A_1111 = arith.subf %get3A_1110, %get3A_980 : vector<16xf32>
          %add3A_1112 = arith.addf %scan3A_1030, %sub3A_1111 : vector<16xf32>
          %mul3A_1113 = arith.mulf %sub3A_1111, %sub3A_1111 : vector<16xf32>
          %add3A_1114 = arith.addf %scan3A_1046, %mul3A_1113 : vector<16xf32>
          %get3A_1115 = arith.index_cast %add3A_1058 : i32 to index
          %get3A_1116 = arith.constant 112 : index
          %get3A_1117 = tpu.vector_load %arg8[%get3A_1115, %get3A_1116] {strides = array<i32>} : memref<128x384xf32, #tpu.memory_space<vmem>>, vector<1x16xf32>,
          %get3A_1118 = vector.shape_cast %get3A_1117 : vector<1x16xf32> to vector<16xf32>
          %sub3A_1119 = arith.subf %get3A_1118, %get3A_984 : vector<16xf32>
          %add3A_1120 = arith.addf %scan3A_1031, %sub3A_1119 : vector<16xf32>
          %mul3A_1121 = arith.mulf %sub3A_1119, %sub3A_1119 : vector<16xf32>
          %add3A_1122 = arith.addf %scan3A_1047, %mul3A_1121 : vector<16xf32>
          %get3A_1123 = arith.index_cast %add3A_1058 : i32 to index
          %get3A_1124 = arith.constant 128 : index
          %get3A_1125 = tpu.vector_load %arg8[%get3A_1123, %get3A_1124] {strides = array<i32>} : memref<128x384xf32, #tpu.memory_space<vmem>>, vector<1x16xf32>,
          %get3A_1126 = vector.shape_cast %get3A_1125 : vector<1x16xf32> to vector<16xf32>
          %sub3A_1127 = arith.subf %get3A_1126, %get3A_988 : vector<16xf32>
          %add3A_1128 = arith.addf %scan3A_1032, %sub3A_1127 : vector<16xf32>
          %mul3A_1129 = arith.mulf %sub3A_1127, %sub3A_1127 : vector<16xf32>
          %add3A_1130 = arith.addf %scan3A_1048, %mul3A_1129 : vector<16xf32>
          %get3A_1131 = arith.index_cast %add3A_1058 : i32 to index
          %get3A_1132 = arith.constant 144 : index
          %get3A_1133 = tpu.vector_load %arg8[%get3A_1131, %get3A_1132] {strides = array<i32>} : memref<128x384xf32, #tpu.memory_space<vmem>>, vector<1x16xf32>,
          %get3A_1134 = vector.shape_cast %get3A_1133 : vector<1x16xf32> to vector<16xf32>
          %sub3A_1135 = arith.subf %get3A_1134, %get3A_992 : vector<16xf32>
          %add3A_1136 = arith.addf %scan3A_1033, %sub3A_1135 : vector<16xf32>
          %mul3A_1137 = arith.mulf %sub3A_1135, %sub3A_1135 : vector<16xf32>
          %add3A_1138 = arith.addf %scan3A_1049, %mul3A_1137 : vector<16xf32>
          %get3A_1139 = arith.index_cast %add3A_1058 : i32 to index
          %get3A_1140 = arith.constant 160 : index
          %get3A_1141 = tpu.vector_load %arg8[%get3A_1139, %get3A_1140] {strides = array<i32>} : memref<128x384xf32, #tpu.memory_space<vmem>>, vector<1x16xf32>,
          %get3A_1142 = vector.shape_cast %get3A_1141 : vector<1x16xf32> to vector<16xf32>
          %sub3A_1143 = arith.subf %get3A_1142, %get3A_996 : vector<16xf32>
          %add3A_1144 = arith.addf %scan3A_1034, %sub3A_1143 : vector<16xf32>
          %mul3A_1145 = arith.mulf %sub3A_1143, %sub3A_1143 : vector<16xf32>
          %add3A_1146 = arith.addf %scan3A_1050, %mul3A_1145 : vector<16xf32>
          %get3A_1147 = arith.index_cast %add3A_1058 : i32 to index
          %get3A_1148 = arith.constant 176 : index
          %get3A_1149 = tpu.vector_load %arg8[%get3A_1147, %get3A_1148] {strides = array<i32>} : memref<128x384xf32, #tpu.memory_space<vmem>>, vector<1x16xf32>,
          %get3A_1150 = vector.shape_cast %get3A_1149 : vector<1x16xf32> to vector<16xf32>
          %sub3A_1151 = arith.subf %get3A_1150, %get3A_1000 : vector<16xf32>
          %add3A_1152 = arith.addf %scan3A_1035, %sub3A_1151 : vector<16xf32>
          %mul3A_1153 = arith.mulf %sub3A_1151, %sub3A_1151 : vector<16xf32>
          %add3A_1154 = arith.addf %scan3A_1051, %mul3A_1153 : vector<16xf32>
          %get3A_1155 = arith.index_cast %add3A_1058 : i32 to index
          %get3A_1156 = arith.constant 192 : index
          %get3A_1157 = tpu.vector_load %arg8[%get3A_1155, %get3A_1156] {strides = array<i32>} : memref<128x384xf32, #tpu.memory_space<vmem>>, vector<1x16xf32>,
          %get3A_1158 = vector.shape_cast %get3A_1157 : vector<1x16xf32> to vector<16xf32>
          %sub3A_1159 = arith.subf %get3A_1158, %get3A_1004 : vector<16xf32>
          %add3A_1160 = arith.addf %scan3A_1036, %sub3A_1159 : vector<16xf32>
          %mul3A_1161 = arith.mulf %sub3A_1159, %sub3A_1159 : vector<16xf32>
          %add3A_1162 = arith.addf %scan3A_1052, %mul3A_1161 : vector<16xf32>
          %get3A_1163 = arith.index_cast %add3A_1058 : i32 to index
          %get3A_1164 = arith.constant 208 : index
          %get3A_1165 = tpu.vector_load %arg8[%get3A_1163, %get3A_1164] {strides = array<i32>} : memref<128x384xf32, #tpu.memory_space<vmem>>, vector<1x16xf32>,
          %get3A_1166 = vector.shape_cast %get3A_1165 : vector<1x16xf32> to vector<16xf32>
          %sub3A_1167 = arith.subf %get3A_1166, %get3A_1008 : vector<16xf32>
          %add3A_1168 = arith.addf %scan3A_1037, %sub3A_1167 : vector<16xf32>
          %mul3A_1169 = arith.mulf %sub3A_1167, %sub3A_1167 : vector<16xf32>
          %add3A_1170 = arith.addf %scan3A_1053, %mul3A_1169 : vector<16xf32>
          %get3A_1171 = arith.index_cast %add3A_1058 : i32 to index
          %get3A_1172 = arith.constant 224 : index
          %get3A_1173 = tpu.vector_load %arg8[%get3A_1171, %get3A_1172] {strides = array<i32>} : memref<128x384xf32, #tpu.memory_space<vmem>>, vector<1x16xf32>,
          %get3A_1174 = vector.shape_cast %get3A_1173 : vector<1x16xf32> to vector<16xf32>
          %sub3A_1175 = arith.subf %get3A_1174, %get3A_1012 : vector<16xf32>
          %add3A_1176 = arith.addf %scan3A_1038, %sub3A_1175 : vector<16xf32>
          %mul3A_1177 = arith.mulf %sub3A_1175, %sub3A_1175 : vector<16xf32>
          %add3A_1178 = arith.addf %scan3A_1054, %mul3A_1177 : vector<16xf32>
          %get3A_1179 = arith.index_cast %add3A_1058 : i32 to index
          %get3A_1180 = arith.constant 240 : index
          %get3A_1181 = tpu.vector_load %arg8[%get3A_1179, %get3A_1180] {strides = array<i32>} : memref<128x384xf32, #tpu.memory_space<vmem>>, vector<1x16xf32>,
          %get3A_1182 = vector.shape_cast %get3A_1181 : vector<1x16xf32> to vector<16xf32>
          %sub3A_1183 = arith.subf %get3A_1182, %get3A_1016 : vector<16xf32>
          %add3A_1184 = arith.addf %scan3A_1039, %sub3A_1183 : vector<16xf32>
          %mul3A_1185 = arith.mulf %sub3A_1183, %sub3A_1183 : vector<16xf32>
          %add3A_1186 = arith.addf %scan3A_1055, %mul3A_1185 : vector<16xf32>
          scf.yield %add3A_1064, %add3A_1072, %add3A_1080, %add3A_1088, %add3A_1096, %add3A_1104, %add3A_1112, %add3A_1120, %add3A_1128, %add3A_1136, %add3A_1144, %add3A_1152, %add3A_1160, %add3A_1168, %add3A_1176, %add3A_1184, %add3A_1066, %add3A_1074, %add3A_1082, %add3A_1090, %add3A_1098, %add3A_1106, %add3A_1114, %add3A_1122, %add3A_1130, %add3A_1138, %add3A_1146, %add3A_1154, %add3A_1162, %add3A_1170, %add3A_1178, %add3A_1186 : vector<16xf32>, vector<16xf32>, vector<16xf32>, vector<16xf32>, vector<16xf32>, vector<16xf32>, vector<16xf32>, vector<16xf32>, vector<16xf32>, vector<16xf32>, vector<16xf32>, vector<16xf32>, vector<16xf32>, vector<16xf32>, vector<16xf32>, vector<16xf32>, vector<16xf32>, vector<16xf32>, vector<16xf32>, vector<16xf32>, vector<16xf32>, vector<16xf32>, vector<16xf32>, vector<16xf32>, vector<16xf32>, vector<16xf32>, vector<16xf32>, vector<16xf32>, vector<16xf32>, vector<16xf32>, vector<16xf32>, vector<16xf32>
        }
        %scan3A_1022 = arith.constant 16 : i32
        scf.yield %scan3A_1021#0, %scan3A_1021#1, %scan3A_1021#2, %scan3A_1021#3, %scan3A_1021#4, %scan3A_1021#5, %scan3A_1021#6, %scan3A_1021#7, %scan3A_1021#8, %scan3A_1021#9, %scan3A_1021#10, %scan3A_1021#11, %scan3A_1021#12, %scan3A_1021#13, %scan3A_1021#14, %scan3A_1021#15, %scan3A_1021#16, %scan3A_1021#17, %scan3A_1021#18, %scan3A_1021#19, %scan3A_1021#20, %scan3A_1021#21, %scan3A_1021#22, %scan3A_1021#23, %scan3A_1021#24, %scan3A_1021#25, %scan3A_1021#26, %scan3A_1021#27, %scan3A_1021#28, %scan3A_1021#29, %scan3A_1021#30, %scan3A_1021#31 : vector<16xf32>, vector<16xf32>, vector<16xf32>, vector<16xf32>, vector<16xf32>, vector<16xf32>, vector<16xf32>, vector<16xf32>, vector<16xf32>, vector<16xf32>, vector<16xf32>, vector<16xf32>, vector<16xf32>, vector<16xf32>, vector<16xf32>, vector<16xf32>, vector<16xf32>, vector<16xf32>, vector<16xf32>, vector<16xf32>, vector<16xf32>, vector<16xf32>, vector<16xf32>, vector<16xf32>, vector<16xf32>, vector<16xf32>, vector<16xf32>, vector<16xf32>, vector<16xf32>, vector<16xf32>, vector<16xf32>, vector<16xf32>
      }
      %scan3A_864 = arith.constant 8 : i32
      %add3A_865 = arith.constant 2 : i32
      %add3A_866 = arith.addi %mul3A_819, %add3A_865 : i32
      %lt3A = arith.constant 16 : i32
      %lt3A_867 = arith.cmpi slt, %add3A_866, %lt3A : i32
      %convert_element_type3A = arith.extui %lt3A_867 : i1 to i32
      %cond3A = arith.constant 0 : i32
      %cond3A_868 = arith.cmpi ne, %convert_element_type3A, %cond3A : i32
      scf.if %cond3A_868 {
        %add3A_921 = arith.constant 2 : i32
        %add3A_922 = arith.addi %mul3A_819, %add3A_921 : i32
        %dma_start3A_923 = arith.constant 0 : i32
        %dma_start3A_924 = tpu.memref_slice %arg7[%add3A_922, %dma_start3A_923] : memref<16x128xi32, #tpu.memory_space<vmem>> -> memref<1x128xi32, #tpu.memory_space<vmem>>
        %dma_start3A_925 = tpu.memref_squeeze %dma_start3A_924 : memref<1x128xi32, #tpu.memory_space<vmem>> -> memref<128xi32, #tpu.memory_space<vmem>>
        %dma_start3A_926 = arith.constant 0 : i32
        %dma_start3A_927 = arith.constant 0 : i32
        %dma_start3A_928 = tpu.memref_slice %arg3[%dma_start3A_926, %dma_start3A_927] : memref<4096x384xf32, #tpu.memory_space<hbm>> -> memref<4096x384xf32, #tpu.memory_space<hbm>>
        tpu.enqueue_indirect_dma source(%dma_start3A_928 : memref<4096x384xf32, #tpu.memory_space<hbm>>) target(%arg8 : memref<128x384xf32, #tpu.memory_space<vmem>>) offsets(%dma_start3A_925 : memref<128xi32, #tpu.memory_space<vmem>>) semaphore(%arg12 : memref<!tpu.dma_semaphore, #tpu.memory_space<semaphore_mem>>)
      } else {
      }
      %add3A_869 = arith.constant 1 : i32
      %add3A_870 = arith.addi %mul3A_819, %add3A_869 : i32
      %dma_wait3A_871 = arith.constant 0 : i32
      %dma_wait3A_872 = tpu.memref_slice %arg7[%add3A_870, %dma_wait3A_871] : memref<16x128xi32, #tpu.memory_space<vmem>> -> memref<1x128xi32, #tpu.memory_space<vmem>>
      %dma_wait3A_873 = tpu.memref_squeeze %dma_wait3A_872 : memref<1x128xi32, #tpu.memory_space<vmem>> -> memref<128xi32, #tpu.memory_space<vmem>>
      %dma_wait3A_874 = arith.constant 0 : i32
      %dma_wait3A_875 = arith.constant 0 : i32
      %dma_wait3A_876 = tpu.memref_slice %arg3[%dma_wait3A_874, %dma_wait3A_875] : memref<4096x384xf32, #tpu.memory_space<hbm>> -> memref<4096x384xf32, #tpu.memory_space<hbm>>
      tpu.wait_indirect_dma semaphore(%arg13 : memref<!tpu.dma_semaphore, #tpu.memory_space<semaphore_mem>>) src(%dma_wait3A_876 : memref<4096x384xf32, #tpu.memory_space<hbm>>) dst(%arg9 : memref<128x384xf32, #tpu.memory_space<vmem>>)
      %add3A_877 = arith.constant 1 : i32
      %add3A_878 = arith.addi %mul3A_819, %add3A_877 : i32
      %mul3A_879 = arith.constant 128 : i32
      %mul3A_880 = arith.muli %add3A_878, %mul3A_879 : i32
      %add3A_881 = arith.addi %multiple_of3A, %mul3A_880 : i32
      "tpu.region"() ({
        %run_scoped3A = tpu.sem_alloc : memref<!tpu.dma_semaphore, #tpu.memory_space<semaphore_mem>>
        %dma_start3A_921 = arith.constant 0 : i32
        %dma_start3A_922 = arith.constant 0 : i32
        %dma_start3A_923 = tpu.memref_slice %arg9[%dma_start3A_921, %dma_start3A_922] : memref<128x384xf32, #tpu.memory_space<vmem>> -> memref<128x256xf32, #tpu.memory_space<vmem>>
        %dma_start3A_924 = arith.constant 0 : i32
        %dma_start3A_925 = tpu.memref_slice %arg4[%add3A_881, %dma_start3A_924] : memref<65536x256xf32, #tpu.memory_space<hbm>> -> memref<128x256xf32, #tpu.memory_space<hbm>>
        %dma_start3A_926 = arith.constant 0 : i32
        %dma_start3A_927 = tpu.memref_slice %arg4[%add3A_881, %dma_start3A_926] : memref<65536x256xf32, #tpu.memory_space<hbm>> -> memref<128x256xf32, #tpu.memory_space<hbm>>
        %dma_start3A_928 = arith.constant 0 : i32
        %dma_start3A_929 = arith.constant 0 : i32
        %dma_start3A_930 = tpu.memref_slice %arg9[%dma_start3A_928, %dma_start3A_929] : memref<128x384xf32, #tpu.memory_space<vmem>> -> memref<128x256xf32, #tpu.memory_space<vmem>>
        tpu.enqueue_dma source(%dma_start3A_930 : memref<128x256xf32, #tpu.memory_space<vmem>>) target(%dma_start3A_927 : memref<128x256xf32, #tpu.memory_space<hbm>>) target_semaphore(%run_scoped3A : memref<!tpu.dma_semaphore, #tpu.memory_space<semaphore_mem>>)
        %dma_wait3A_931 = arith.constant 0 : i32
        %dma_wait3A_932 = arith.constant 0 : i32
        %dma_wait3A_933 = tpu.memref_slice %arg9[%dma_wait3A_931, %dma_wait3A_932] : memref<128x384xf32, #tpu.memory_space<vmem>> -> memref<128x256xf32, #tpu.memory_space<vmem>>
        %dma_wait3A_934 = arith.constant 0 : i32
        %dma_wait3A_935 = tpu.memref_slice %arg4[%add3A_881, %dma_wait3A_934] : memref<65536x256xf32, #tpu.memory_space<hbm>> -> memref<128x256xf32, #tpu.memory_space<hbm>>
        %dma_wait3A_936 = arith.constant 0 : i32
        %dma_wait3A_937 = tpu.memref_slice %arg4[%add3A_881, %dma_wait3A_936] : memref<65536x256xf32, #tpu.memory_space<hbm>> -> memref<128x256xf32, #tpu.memory_space<hbm>>
        %dma_wait3A_938 = arith.constant 0 : i32
        %dma_wait3A_939 = arith.constant 0 : i32
        %dma_wait3A_940 = tpu.memref_slice %arg9[%dma_wait3A_938, %dma_wait3A_939] : memref<128x384xf32, #tpu.memory_space<vmem>> -> memref<128x256xf32, #tpu.memory_space<vmem>>
        tpu.wait_dma2 semaphore(%run_scoped3A : memref<!tpu.dma_semaphore, #tpu.memory_space<semaphore_mem>>) src(%dma_wait3A_940 : memref<128x256xf32, #tpu.memory_space<vmem>>) dst(%dma_wait3A_937 : memref<128x256xf32, #tpu.memory_space<hbm>>)
        tpu.yield
      }) : () -> ()
      %mul3A_882 = arith.constant 128 : i32
      %mul3A_883 = arith.muli %add3A_878, %mul3A_882 : i32
      %add3A_884 = arith.addi %multiple_of3A, %mul3A_883 : i32
      "tpu.region"() ({
        %run_scoped3A = tpu.sem_alloc : memref<!tpu.dma_semaphore, #tpu.memory_space<semaphore_mem>>
        %dma_start3A_921 = arith.constant 0 : i32
        %dma_start3A_922 = arith.constant 256 : i32
        %dma_start3A_923 = tpu.memref_slice %arg9[%dma_start3A_921, %dma_start3A_922] : memref<128x384xf32, #tpu.memory_space<vmem>> -> memref<128x128xf32, #tpu.memory_space<vmem>>
        %dma_start3A_924 = arith.constant 0 : i32
        %dma_start3A_925 = tpu.memref_slice %arg5[%add3A_884, %dma_start3A_924] : memref<65536x128xf32, #tpu.memory_space<hbm>> -> memref<128x128xf32, #tpu.memory_space<hbm>>
        %dma_start3A_926 = arith.constant 0 : i32
        %dma_start3A_927 = tpu.memref_slice %arg5[%add3A_884, %dma_start3A_926] : memref<65536x128xf32, #tpu.memory_space<hbm>> -> memref<128x128xf32, #tpu.memory_space<hbm>>
        %dma_start3A_928 = arith.constant 0 : i32
        %dma_start3A_929 = arith.constant 256 : i32
        %dma_start3A_930 = tpu.memref_slice %arg9[%dma_start3A_928, %dma_start3A_929] : memref<128x384xf32, #tpu.memory_space<vmem>> -> memref<128x128xf32, #tpu.memory_space<vmem>>
        tpu.enqueue_dma source(%dma_start3A_930 : memref<128x128xf32, #tpu.memory_space<vmem>>) target(%dma_start3A_927 : memref<128x128xf32, #tpu.memory_space<hbm>>) target_semaphore(%run_scoped3A : memref<!tpu.dma_semaphore, #tpu.memory_space<semaphore_mem>>)
        %dma_wait3A_931 = arith.constant 0 : i32
        %dma_wait3A_932 = arith.constant 256 : i32
        %dma_wait3A_933 = tpu.memref_slice %arg9[%dma_wait3A_931, %dma_wait3A_932] : memref<128x384xf32, #tpu.memory_space<vmem>> -> memref<128x128xf32, #tpu.memory_space<vmem>>
        %dma_wait3A_934 = arith.constant 0 : i32
        %dma_wait3A_935 = tpu.memref_slice %arg5[%add3A_884, %dma_wait3A_934] : memref<65536x128xf32, #tpu.memory_space<hbm>> -> memref<128x128xf32, #tpu.memory_space<hbm>>
        %dma_wait3A_936 = arith.constant 0 : i32
        %dma_wait3A_937 = tpu.memref_slice %arg5[%add3A_884, %dma_wait3A_936] : memref<65536x128xf32, #tpu.memory_space<hbm>> -> memref<128x128xf32, #tpu.memory_space<hbm>>
        %dma_wait3A_938 = arith.constant 0 : i32
        %dma_wait3A_939 = arith.constant 256 : i32
        %dma_wait3A_940 = tpu.memref_slice %arg9[%dma_wait3A_938, %dma_wait3A_939] : memref<128x384xf32, #tpu.memory_space<vmem>> -> memref<128x128xf32, #tpu.memory_space<vmem>>
        tpu.wait_dma2 semaphore(%run_scoped3A : memref<!tpu.dma_semaphore, #tpu.memory_space<semaphore_mem>>) src(%dma_wait3A_940 : memref<128x128xf32, #tpu.memory_space<vmem>>) dst(%dma_wait3A_937 : memref<128x128xf32, #tpu.memory_space<hbm>>)
        tpu.yield
      }) : () -> ()
      %add3A_885 = arith.constant 1 : i32
      %add3A_886 = arith.addi %mul3A_819, %add3A_885 : i32
      %mul3A_887 = arith.constant 128 : i32
      %mul3A_888 = arith.muli %add3A_886, %mul3A_887 : i32
      %add3A_889 = arith.addi %multiple_of3A, %mul3A_888 : i32
      %jit3A_890 = arith.constant 16 : i32
      %div3A_891 = arith.divsi %add3A_889, %jit3A_890 : i32
      %sign3A_892 = arith.constant 0 : i32
      %sign3A_893 = arith.cmpi sgt, %add3A_889, %sign3A_892 : i32
      %sign3A_894 = arith.extui %sign3A_893 : i1 to i32
      %sign3A_895 = arith.constant 0 : i32
      %sign3A_896 = arith.cmpi slt, %add3A_889, %sign3A_895 : i32
      %sign3A_897 = arith.extui %sign3A_896 : i1 to i32
      %sign3A_898 = arith.subi %sign3A_894, %sign3A_897 : i32
      %sign3A_899 = arith.constant 0 : i32
      %sign3A_900 = arith.cmpi sgt, %jit3A_890, %sign3A_899 : i32
      %sign3A_901 = arith.extui %sign3A_900 : i1 to i32
      %sign3A_902 = arith.constant 0 : i32
      %sign3A_903 = arith.cmpi slt, %jit3A_890, %sign3A_902 : i32
      %sign3A_904 = arith.extui %sign3A_903 : i1 to i32
      %sign3A_905 = arith.subi %sign3A_901, %sign3A_904 : i32
      %ne3A_906 = arith.cmpi ne, %sign3A_898, %sign3A_905 : i32
      %rem3A_907 = arith.remsi %add3A_889, %jit3A_890 : i32
      %ne3A_908 = arith.constant 0 : i32
      %ne3A_909 = arith.cmpi ne, %rem3A_907, %ne3A_908 : i32
      %and3A_910 = arith.andi %ne3A_906, %ne3A_909 : i1
      %sub3A_911 = arith.constant 1 : i32
      %sub3A_912 = arith.subi %div3A_891, %sub3A_911 : i32
      %select_n3A_913 = arith.select %and3A_910, %sub3A_912, %div3A_891 : i32
      %multiple_of3A_914 = tpu.assume_multiple %select_n3A_913, 8 : i32
      "tpu.region"() ({
        %run_scoped3A = tpu.sem_alloc : memref<!tpu.dma_semaphore, #tpu.memory_space<semaphore_mem>>
        %dma_start3A_921 = arith.constant 0 : i32
        %dma_start3A_922 = tpu.memref_slice %arg3[%multiple_of3A_914, %dma_start3A_921] : memref<4096x384xf32, #tpu.memory_space<hbm>> -> memref<8x384xf32, #tpu.memory_space<hbm>>
        %dma_start3A_923 = arith.constant 0 : i32
        %dma_start3A_924 = tpu.memref_slice %arg3[%multiple_of3A_914, %dma_start3A_923] : memref<4096x384xf32, #tpu.memory_space<hbm>> -> memref<8x384xf32, #tpu.memory_space<hbm>>
        tpu.enqueue_dma source(%dma_start3A_924 : memref<8x384xf32, #tpu.memory_space<hbm>>) target(%arg10 : memref<8x384xf32, #tpu.memory_space<vmem>>) target_semaphore(%run_scoped3A : memref<!tpu.dma_semaphore, #tpu.memory_space<semaphore_mem>>)
        %dma_wait3A_925 = arith.constant 0 : i32
        %dma_wait3A_926 = tpu.memref_slice %arg3[%multiple_of3A_914, %dma_wait3A_925] : memref<4096x384xf32, #tpu.memory_space<hbm>> -> memref<8x384xf32, #tpu.memory_space<hbm>>
        %dma_wait3A_927 = arith.constant 0 : i32
        %dma_wait3A_928 = tpu.memref_slice %arg3[%multiple_of3A_914, %dma_wait3A_927] : memref<4096x384xf32, #tpu.memory_space<hbm>> -> memref<8x384xf32, #tpu.memory_space<hbm>>
        tpu.wait_dma2 semaphore(%run_scoped3A : memref<!tpu.dma_semaphore, #tpu.memory_space<semaphore_mem>>) src(%dma_wait3A_928 : memref<8x384xf32, #tpu.memory_space<hbm>>) dst(%arg10 : memref<8x384xf32, #tpu.memory_space<vmem>>)
        tpu.yield
      }) : () -> ()
      %scan3A_915 = arith.constant 0 : i32
      %scan3A_916 = arith.constant 8 : i32
      %scan3A_917 = arith.addi %scan3A_915, %scan3A_916 : i32
      %scan3A_918 = arith.constant 1 : i32
      %scan3A_919:32 = scf.for %scan3A_921 = %scan3A_915 to %scan3A_917 step %scan3A_918 iter_args(%scan3A_922 = %scan3A_863#0, %scan3A_923 = %scan3A_863#1, %scan3A_924 = %scan3A_863#2, %scan3A_925 = %scan3A_863#3, %scan3A_926 = %scan3A_863#4, %scan3A_927 = %scan3A_863#5, %scan3A_928 = %scan3A_863#6, %scan3A_929 = %scan3A_863#7, %scan3A_930 = %scan3A_863#8, %scan3A_931 = %scan3A_863#9, %scan3A_932 = %scan3A_863#10, %scan3A_933 = %scan3A_863#11, %scan3A_934 = %scan3A_863#12, %scan3A_935 = %scan3A_863#13, %scan3A_936 = %scan3A_863#14, %scan3A_937 = %scan3A_863#15, %scan3A_938 = %scan3A_863#16, %scan3A_939 = %scan3A_863#17, %scan3A_940 = %scan3A_863#18, %scan3A_941 = %scan3A_863#19, %scan3A_942 = %scan3A_863#20, %scan3A_943 = %scan3A_863#21, %scan3A_944 = %scan3A_863#22, %scan3A_945 = %scan3A_863#23, %scan3A_946 = %scan3A_863#24, %scan3A_947 = %scan3A_863#25, %scan3A_948 = %scan3A_863#26, %scan3A_949 = %scan3A_863#27, %scan3A_950 = %scan3A_863#28, %scan3A_951 = %scan3A_863#29, %scan3A_952 = %scan3A_863#30, %scan3A_953 = %scan3A_863#31) -> (vector<16xf32>, vector<16xf32>, vector<16xf32>, vector<16xf32>, vector<16xf32>, vector<16xf32>, vector<16xf32>, vector<16xf32>, vector<16xf32>, vector<16xf32>, vector<16xf32>, vector<16xf32>, vector<16xf32>, vector<16xf32>, vector<16xf32>, vector<16xf32>, vector<16xf32>, vector<16xf32>, vector<16xf32>, vector<16xf32>, vector<16xf32>, vector<16xf32>, vector<16xf32>, vector<16xf32>, vector<16xf32>, vector<16xf32>, vector<16xf32>, vector<16xf32>, vector<16xf32>, vector<16xf32>, vector<16xf32>, vector<16xf32>)  : i32 {
        %get3A = arith.index_cast %scan3A_921 : i32 to index
        %get3A_954 = arith.constant 0 : index
        %get3A_955 = tpu.vector_load %arg10[%get3A, %get3A_954] {strides = array<i32>} : memref<8x384xf32, #tpu.memory_space<vmem>>, vector<1x16xf32>,
        %get3A_956 = vector.shape_cast %get3A_955 : vector<1x16xf32> to vector<16xf32>
        %get3A_957 = arith.index_cast %scan3A_921 : i32 to index
        %get3A_958 = arith.constant 16 : index
        %get3A_959 = tpu.vector_load %arg10[%get3A_957, %get3A_958] {strides = array<i32>} : memref<8x384xf32, #tpu.memory_space<vmem>>, vector<1x16xf32>,
        %get3A_960 = vector.shape_cast %get3A_959 : vector<1x16xf32> to vector<16xf32>
        %get3A_961 = arith.index_cast %scan3A_921 : i32 to index
        %get3A_962 = arith.constant 32 : index
        %get3A_963 = tpu.vector_load %arg10[%get3A_961, %get3A_962] {strides = array<i32>} : memref<8x384xf32, #tpu.memory_space<vmem>>, vector<1x16xf32>,
        %get3A_964 = vector.shape_cast %get3A_963 : vector<1x16xf32> to vector<16xf32>
        %get3A_965 = arith.index_cast %scan3A_921 : i32 to index
        %get3A_966 = arith.constant 48 : index
        %get3A_967 = tpu.vector_load %arg10[%get3A_965, %get3A_966] {strides = array<i32>} : memref<8x384xf32, #tpu.memory_space<vmem>>, vector<1x16xf32>,
        %get3A_968 = vector.shape_cast %get3A_967 : vector<1x16xf32> to vector<16xf32>
        %get3A_969 = arith.index_cast %scan3A_921 : i32 to index
        %get3A_970 = arith.constant 64 : index
        %get3A_971 = tpu.vector_load %arg10[%get3A_969, %get3A_970] {strides = array<i32>} : memref<8x384xf32, #tpu.memory_space<vmem>>, vector<1x16xf32>,
        %get3A_972 = vector.shape_cast %get3A_971 : vector<1x16xf32> to vector<16xf32>
        %get3A_973 = arith.index_cast %scan3A_921 : i32 to index
        %get3A_974 = arith.constant 80 : index
        %get3A_975 = tpu.vector_load %arg10[%get3A_973, %get3A_974] {strides = array<i32>} : memref<8x384xf32, #tpu.memory_space<vmem>>, vector<1x16xf32>,
        %get3A_976 = vector.shape_cast %get3A_975 : vector<1x16xf32> to vector<16xf32>
        %get3A_977 = arith.index_cast %scan3A_921 : i32 to index
        %get3A_978 = arith.constant 96 : index
        %get3A_979 = tpu.vector_load %arg10[%get3A_977, %get3A_978] {strides = array<i32>} : memref<8x384xf32, #tpu.memory_space<vmem>>, vector<1x16xf32>,
        %get3A_980 = vector.shape_cast %get3A_979 : vector<1x16xf32> to vector<16xf32>
        %get3A_981 = arith.index_cast %scan3A_921 : i32 to index
        %get3A_982 = arith.constant 112 : index
        %get3A_983 = tpu.vector_load %arg10[%get3A_981, %get3A_982] {strides = array<i32>} : memref<8x384xf32, #tpu.memory_space<vmem>>, vector<1x16xf32>,
        %get3A_984 = vector.shape_cast %get3A_983 : vector<1x16xf32> to vector<16xf32>
        %get3A_985 = arith.index_cast %scan3A_921 : i32 to index
        %get3A_986 = arith.constant 128 : index
        %get3A_987 = tpu.vector_load %arg10[%get3A_985, %get3A_986] {strides = array<i32>} : memref<8x384xf32, #tpu.memory_space<vmem>>, vector<1x16xf32>,
        %get3A_988 = vector.shape_cast %get3A_987 : vector<1x16xf32> to vector<16xf32>
        %get3A_989 = arith.index_cast %scan3A_921 : i32 to index
        %get3A_990 = arith.constant 144 : index
        %get3A_991 = tpu.vector_load %arg10[%get3A_989, %get3A_990] {strides = array<i32>} : memref<8x384xf32, #tpu.memory_space<vmem>>, vector<1x16xf32>,
        %get3A_992 = vector.shape_cast %get3A_991 : vector<1x16xf32> to vector<16xf32>
        %get3A_993 = arith.index_cast %scan3A_921 : i32 to index
        %get3A_994 = arith.constant 160 : index
        %get3A_995 = tpu.vector_load %arg10[%get3A_993, %get3A_994] {strides = array<i32>} : memref<8x384xf32, #tpu.memory_space<vmem>>, vector<1x16xf32>,
        %get3A_996 = vector.shape_cast %get3A_995 : vector<1x16xf32> to vector<16xf32>
        %get3A_997 = arith.index_cast %scan3A_921 : i32 to index
        %get3A_998 = arith.constant 176 : index
        %get3A_999 = tpu.vector_load %arg10[%get3A_997, %get3A_998] {strides = array<i32>} : memref<8x384xf32, #tpu.memory_space<vmem>>, vector<1x16xf32>,
        %get3A_1000 = vector.shape_cast %get3A_999 : vector<1x16xf32> to vector<16xf32>
        %get3A_1001 = arith.index_cast %scan3A_921 : i32 to index
        %get3A_1002 = arith.constant 192 : index
        %get3A_1003 = tpu.vector_load %arg10[%get3A_1001, %get3A_1002] {strides = array<i32>} : memref<8x384xf32, #tpu.memory_space<vmem>>, vector<1x16xf32>,
        %get3A_1004 = vector.shape_cast %get3A_1003 : vector<1x16xf32> to vector<16xf32>
        %get3A_1005 = arith.index_cast %scan3A_921 : i32 to index
        %get3A_1006 = arith.constant 208 : index
        %get3A_1007 = tpu.vector_load %arg10[%get3A_1005, %get3A_1006] {strides = array<i32>} : memref<8x384xf32, #tpu.memory_space<vmem>>, vector<1x16xf32>,
        %get3A_1008 = vector.shape_cast %get3A_1007 : vector<1x16xf32> to vector<16xf32>
        %get3A_1009 = arith.index_cast %scan3A_921 : i32 to index
        %get3A_1010 = arith.constant 224 : index
        %get3A_1011 = tpu.vector_load %arg10[%get3A_1009, %get3A_1010] {strides = array<i32>} : memref<8x384xf32, #tpu.memory_space<vmem>>, vector<1x16xf32>,
        %get3A_1012 = vector.shape_cast %get3A_1011 : vector<1x16xf32> to vector<16xf32>
        %get3A_1013 = arith.index_cast %scan3A_921 : i32 to index
        %get3A_1014 = arith.constant 240 : index
        %get3A_1015 = tpu.vector_load %arg10[%get3A_1013, %get3A_1014] {strides = array<i32>} : memref<8x384xf32, #tpu.memory_space<vmem>>, vector<1x16xf32>,
        %get3A_1016 = vector.shape_cast %get3A_1015 : vector<1x16xf32> to vector<16xf32>
        %scan3A_1017 = arith.constant 0 : i32
        %scan3A_1018 = arith.constant 16 : i32
        %scan3A_1019 = arith.addi %scan3A_1017, %scan3A_1018 : i32
        %scan3A_1020 = arith.constant 1 : i32
        %scan3A_1021:32 = scf.for %scan3A_1023 = %scan3A_1017 to %scan3A_1019 step %scan3A_1020 iter_args(%scan3A_1024 = %scan3A_922, %scan3A_1025 = %scan3A_923, %scan3A_1026 = %scan3A_924, %scan3A_1027 = %scan3A_925, %scan3A_1028 = %scan3A_926, %scan3A_1029 = %scan3A_927, %scan3A_1030 = %scan3A_928, %scan3A_1031 = %scan3A_929, %scan3A_1032 = %scan3A_930, %scan3A_1033 = %scan3A_931, %scan3A_1034 = %scan3A_932, %scan3A_1035 = %scan3A_933, %scan3A_1036 = %scan3A_934, %scan3A_1037 = %scan3A_935, %scan3A_1038 = %scan3A_936, %scan3A_1039 = %scan3A_937, %scan3A_1040 = %scan3A_938, %scan3A_1041 = %scan3A_939, %scan3A_1042 = %scan3A_940, %scan3A_1043 = %scan3A_941, %scan3A_1044 = %scan3A_942, %scan3A_1045 = %scan3A_943, %scan3A_1046 = %scan3A_944, %scan3A_1047 = %scan3A_945, %scan3A_1048 = %scan3A_946, %scan3A_1049 = %scan3A_947, %scan3A_1050 = %scan3A_948, %scan3A_1051 = %scan3A_949, %scan3A_1052 = %scan3A_950, %scan3A_1053 = %scan3A_951, %scan3A_1054 = %scan3A_952, %scan3A_1055 = %scan3A_953) -> (vector<16xf32>, vector<16xf32>, vector<16xf32>, vector<16xf32>, vector<16xf32>, vector<16xf32>, vector<16xf32>, vector<16xf32>, vector<16xf32>, vector<16xf32>, vector<16xf32>, vector<16xf32>, vector<16xf32>, vector<16xf32>, vector<16xf32>, vector<16xf32>, vector<16xf32>, vector<16xf32>, vector<16xf32>, vector<16xf32>, vector<16xf32>, vector<16xf32>, vector<16xf32>, vector<16xf32>, vector<16xf32>, vector<16xf32>, vector<16xf32>, vector<16xf32>, vector<16xf32>, vector<16xf32>, vector<16xf32>, vector<16xf32>)  : i32 {
          %mul3A_1056 = arith.constant 16 : i32
          %mul3A_1057 = arith.muli %scan3A_921, %mul3A_1056 : i32
          %add3A_1058 = arith.addi %mul3A_1057, %scan3A_1023 : i32
          %get3A_1059 = arith.index_cast %add3A_1058 : i32 to index
          %get3A_1060 = arith.constant 0 : index
          %get3A_1061 = tpu.vector_load %arg9[%get3A_1059, %get3A_1060] {strides = array<i32>} : memref<128x384xf32, #tpu.memory_space<vmem>>, vector<1x16xf32>,
          %get3A_1062 = vector.shape_cast %get3A_1061 : vector<1x16xf32> to vector<16xf32>
          %sub3A_1063 = arith.subf %get3A_1062, %get3A_956 : vector<16xf32>
          %add3A_1064 = arith.addf %scan3A_1024, %sub3A_1063 : vector<16xf32>
          %mul3A_1065 = arith.mulf %sub3A_1063, %sub3A_1063 : vector<16xf32>
          %add3A_1066 = arith.addf %scan3A_1040, %mul3A_1065 : vector<16xf32>
          %get3A_1067 = arith.index_cast %add3A_1058 : i32 to index
          %get3A_1068 = arith.constant 16 : index
          %get3A_1069 = tpu.vector_load %arg9[%get3A_1067, %get3A_1068] {strides = array<i32>} : memref<128x384xf32, #tpu.memory_space<vmem>>, vector<1x16xf32>,
          %get3A_1070 = vector.shape_cast %get3A_1069 : vector<1x16xf32> to vector<16xf32>
          %sub3A_1071 = arith.subf %get3A_1070, %get3A_960 : vector<16xf32>
          %add3A_1072 = arith.addf %scan3A_1025, %sub3A_1071 : vector<16xf32>
          %mul3A_1073 = arith.mulf %sub3A_1071, %sub3A_1071 : vector<16xf32>
          %add3A_1074 = arith.addf %scan3A_1041, %mul3A_1073 : vector<16xf32>
          %get3A_1075 = arith.index_cast %add3A_1058 : i32 to index
          %get3A_1076 = arith.constant 32 : index
          %get3A_1077 = tpu.vector_load %arg9[%get3A_1075, %get3A_1076] {strides = array<i32>} : memref<128x384xf32, #tpu.memory_space<vmem>>, vector<1x16xf32>,
          %get3A_1078 = vector.shape_cast %get3A_1077 : vector<1x16xf32> to vector<16xf32>
          %sub3A_1079 = arith.subf %get3A_1078, %get3A_964 : vector<16xf32>
          %add3A_1080 = arith.addf %scan3A_1026, %sub3A_1079 : vector<16xf32>
          %mul3A_1081 = arith.mulf %sub3A_1079, %sub3A_1079 : vector<16xf32>
          %add3A_1082 = arith.addf %scan3A_1042, %mul3A_1081 : vector<16xf32>
          %get3A_1083 = arith.index_cast %add3A_1058 : i32 to index
          %get3A_1084 = arith.constant 48 : index
          %get3A_1085 = tpu.vector_load %arg9[%get3A_1083, %get3A_1084] {strides = array<i32>} : memref<128x384xf32, #tpu.memory_space<vmem>>, vector<1x16xf32>,
          %get3A_1086 = vector.shape_cast %get3A_1085 : vector<1x16xf32> to vector<16xf32>
          %sub3A_1087 = arith.subf %get3A_1086, %get3A_968 : vector<16xf32>
          %add3A_1088 = arith.addf %scan3A_1027, %sub3A_1087 : vector<16xf32>
          %mul3A_1089 = arith.mulf %sub3A_1087, %sub3A_1087 : vector<16xf32>
          %add3A_1090 = arith.addf %scan3A_1043, %mul3A_1089 : vector<16xf32>
          %get3A_1091 = arith.index_cast %add3A_1058 : i32 to index
          %get3A_1092 = arith.constant 64 : index
          %get3A_1093 = tpu.vector_load %arg9[%get3A_1091, %get3A_1092] {strides = array<i32>} : memref<128x384xf32, #tpu.memory_space<vmem>>, vector<1x16xf32>,
          %get3A_1094 = vector.shape_cast %get3A_1093 : vector<1x16xf32> to vector<16xf32>
          %sub3A_1095 = arith.subf %get3A_1094, %get3A_972 : vector<16xf32>
          %add3A_1096 = arith.addf %scan3A_1028, %sub3A_1095 : vector<16xf32>
          %mul3A_1097 = arith.mulf %sub3A_1095, %sub3A_1095 : vector<16xf32>
          %add3A_1098 = arith.addf %scan3A_1044, %mul3A_1097 : vector<16xf32>
          %get3A_1099 = arith.index_cast %add3A_1058 : i32 to index
          %get3A_1100 = arith.constant 80 : index
          %get3A_1101 = tpu.vector_load %arg9[%get3A_1099, %get3A_1100] {strides = array<i32>} : memref<128x384xf32, #tpu.memory_space<vmem>>, vector<1x16xf32>,
          %get3A_1102 = vector.shape_cast %get3A_1101 : vector<1x16xf32> to vector<16xf32>
          %sub3A_1103 = arith.subf %get3A_1102, %get3A_976 : vector<16xf32>
          %add3A_1104 = arith.addf %scan3A_1029, %sub3A_1103 : vector<16xf32>
          %mul3A_1105 = arith.mulf %sub3A_1103, %sub3A_1103 : vector<16xf32>
          %add3A_1106 = arith.addf %scan3A_1045, %mul3A_1105 : vector<16xf32>
          %get3A_1107 = arith.index_cast %add3A_1058 : i32 to index
          %get3A_1108 = arith.constant 96 : index
          %get3A_1109 = tpu.vector_load %arg9[%get3A_1107, %get3A_1108] {strides = array<i32>} : memref<128x384xf32, #tpu.memory_space<vmem>>, vector<1x16xf32>,
          %get3A_1110 = vector.shape_cast %get3A_1109 : vector<1x16xf32> to vector<16xf32>
          %sub3A_1111 = arith.subf %get3A_1110, %get3A_980 : vector<16xf32>
          %add3A_1112 = arith.addf %scan3A_1030, %sub3A_1111 : vector<16xf32>
          %mul3A_1113 = arith.mulf %sub3A_1111, %sub3A_1111 : vector<16xf32>
          %add3A_1114 = arith.addf %scan3A_1046, %mul3A_1113 : vector<16xf32>
          %get3A_1115 = arith.index_cast %add3A_1058 : i32 to index
          %get3A_1116 = arith.constant 112 : index
          %get3A_1117 = tpu.vector_load %arg9[%get3A_1115, %get3A_1116] {strides = array<i32>} : memref<128x384xf32, #tpu.memory_space<vmem>>, vector<1x16xf32>,
          %get3A_1118 = vector.shape_cast %get3A_1117 : vector<1x16xf32> to vector<16xf32>
          %sub3A_1119 = arith.subf %get3A_1118, %get3A_984 : vector<16xf32>
          %add3A_1120 = arith.addf %scan3A_1031, %sub3A_1119 : vector<16xf32>
          %mul3A_1121 = arith.mulf %sub3A_1119, %sub3A_1119 : vector<16xf32>
          %add3A_1122 = arith.addf %scan3A_1047, %mul3A_1121 : vector<16xf32>
          %get3A_1123 = arith.index_cast %add3A_1058 : i32 to index
          %get3A_1124 = arith.constant 128 : index
          %get3A_1125 = tpu.vector_load %arg9[%get3A_1123, %get3A_1124] {strides = array<i32>} : memref<128x384xf32, #tpu.memory_space<vmem>>, vector<1x16xf32>,
          %get3A_1126 = vector.shape_cast %get3A_1125 : vector<1x16xf32> to vector<16xf32>
          %sub3A_1127 = arith.subf %get3A_1126, %get3A_988 : vector<16xf32>
          %add3A_1128 = arith.addf %scan3A_1032, %sub3A_1127 : vector<16xf32>
          %mul3A_1129 = arith.mulf %sub3A_1127, %sub3A_1127 : vector<16xf32>
          %add3A_1130 = arith.addf %scan3A_1048, %mul3A_1129 : vector<16xf32>
          %get3A_1131 = arith.index_cast %add3A_1058 : i32 to index
          %get3A_1132 = arith.constant 144 : index
          %get3A_1133 = tpu.vector_load %arg9[%get3A_1131, %get3A_1132] {strides = array<i32>} : memref<128x384xf32, #tpu.memory_space<vmem>>, vector<1x16xf32>,
          %get3A_1134 = vector.shape_cast %get3A_1133 : vector<1x16xf32> to vector<16xf32>
          %sub3A_1135 = arith.subf %get3A_1134, %get3A_992 : vector<16xf32>
          %add3A_1136 = arith.addf %scan3A_1033, %sub3A_1135 : vector<16xf32>
          %mul3A_1137 = arith.mulf %sub3A_1135, %sub3A_1135 : vector<16xf32>
          %add3A_1138 = arith.addf %scan3A_1049, %mul3A_1137 : vector<16xf32>
          %get3A_1139 = arith.index_cast %add3A_1058 : i32 to index
          %get3A_1140 = arith.constant 160 : index
          %get3A_1141 = tpu.vector_load %arg9[%get3A_1139, %get3A_1140] {strides = array<i32>} : memref<128x384xf32, #tpu.memory_space<vmem>>, vector<1x16xf32>,
          %get3A_1142 = vector.shape_cast %get3A_1141 : vector<1x16xf32> to vector<16xf32>
          %sub3A_1143 = arith.subf %get3A_1142, %get3A_996 : vector<16xf32>
          %add3A_1144 = arith.addf %scan3A_1034, %sub3A_1143 : vector<16xf32>
          %mul3A_1145 = arith.mulf %sub3A_1143, %sub3A_1143 : vector<16xf32>
          %add3A_1146 = arith.addf %scan3A_1050, %mul3A_1145 : vector<16xf32>
          %get3A_1147 = arith.index_cast %add3A_1058 : i32 to index
          %get3A_1148 = arith.constant 176 : index
          %get3A_1149 = tpu.vector_load %arg9[%get3A_1147, %get3A_1148] {strides = array<i32>} : memref<128x384xf32, #tpu.memory_space<vmem>>, vector<1x16xf32>,
          %get3A_1150 = vector.shape_cast %get3A_1149 : vector<1x16xf32> to vector<16xf32>
          %sub3A_1151 = arith.subf %get3A_1150, %get3A_1000 : vector<16xf32>
          %add3A_1152 = arith.addf %scan3A_1035, %sub3A_1151 : vector<16xf32>
          %mul3A_1153 = arith.mulf %sub3A_1151, %sub3A_1151 : vector<16xf32>
          %add3A_1154 = arith.addf %scan3A_1051, %mul3A_1153 : vector<16xf32>
          %get3A_1155 = arith.index_cast %add3A_1058 : i32 to index
          %get3A_1156 = arith.constant 192 : index
          %get3A_1157 = tpu.vector_load %arg9[%get3A_1155, %get3A_1156] {strides = array<i32>} : memref<128x384xf32, #tpu.memory_space<vmem>>, vector<1x16xf32>,
          %get3A_1158 = vector.shape_cast %get3A_1157 : vector<1x16xf32> to vector<16xf32>
          %sub3A_1159 = arith.subf %get3A_1158, %get3A_1004 : vector<16xf32>
          %add3A_1160 = arith.addf %scan3A_1036, %sub3A_1159 : vector<16xf32>
          %mul3A_1161 = arith.mulf %sub3A_1159, %sub3A_1159 : vector<16xf32>
          %add3A_1162 = arith.addf %scan3A_1052, %mul3A_1161 : vector<16xf32>
          %get3A_1163 = arith.index_cast %add3A_1058 : i32 to index
          %get3A_1164 = arith.constant 208 : index
          %get3A_1165 = tpu.vector_load %arg9[%get3A_1163, %get3A_1164] {strides = array<i32>} : memref<128x384xf32, #tpu.memory_space<vmem>>, vector<1x16xf32>,
          %get3A_1166 = vector.shape_cast %get3A_1165 : vector<1x16xf32> to vector<16xf32>
          %sub3A_1167 = arith.subf %get3A_1166, %get3A_1008 : vector<16xf32>
          %add3A_1168 = arith.addf %scan3A_1037, %sub3A_1167 : vector<16xf32>
          %mul3A_1169 = arith.mulf %sub3A_1167, %sub3A_1167 : vector<16xf32>
          %add3A_1170 = arith.addf %scan3A_1053, %mul3A_1169 : vector<16xf32>
          %get3A_1171 = arith.index_cast %add3A_1058 : i32 to index
          %get3A_1172 = arith.constant 224 : index
          %get3A_1173 = tpu.vector_load %arg9[%get3A_1171, %get3A_1172] {strides = array<i32>} : memref<128x384xf32, #tpu.memory_space<vmem>>, vector<1x16xf32>,
          %get3A_1174 = vector.shape_cast %get3A_1173 : vector<1x16xf32> to vector<16xf32>
          %sub3A_1175 = arith.subf %get3A_1174, %get3A_1012 : vector<16xf32>
          %add3A_1176 = arith.addf %scan3A_1038, %sub3A_1175 : vector<16xf32>
          %mul3A_1177 = arith.mulf %sub3A_1175, %sub3A_1175 : vector<16xf32>
          %add3A_1178 = arith.addf %scan3A_1054, %mul3A_1177 : vector<16xf32>
          %get3A_1179 = arith.index_cast %add3A_1058 : i32 to index
          %get3A_1180 = arith.constant 240 : index
          %get3A_1181 = tpu.vector_load %arg9[%get3A_1179, %get3A_1180] {strides = array<i32>} : memref<128x384xf32, #tpu.memory_space<vmem>>, vector<1x16xf32>,
          %get3A_1182 = vector.shape_cast %get3A_1181 : vector<1x16xf32> to vector<16xf32>
          %sub3A_1183 = arith.subf %get3A_1182, %get3A_1016 : vector<16xf32>
          %add3A_1184 = arith.addf %scan3A_1039, %sub3A_1183 : vector<16xf32>
          %mul3A_1185 = arith.mulf %sub3A_1183, %sub3A_1183 : vector<16xf32>
          %add3A_1186 = arith.addf %scan3A_1055, %mul3A_1185 : vector<16xf32>
          scf.yield %add3A_1064, %add3A_1072, %add3A_1080, %add3A_1088, %add3A_1096, %add3A_1104, %add3A_1112, %add3A_1120, %add3A_1128, %add3A_1136, %add3A_1144, %add3A_1152, %add3A_1160, %add3A_1168, %add3A_1176, %add3A_1184, %add3A_1066, %add3A_1074, %add3A_1082, %add3A_1090, %add3A_1098, %add3A_1106, %add3A_1114, %add3A_1122, %add3A_1130, %add3A_1138, %add3A_1146, %add3A_1154, %add3A_1162, %add3A_1170, %add3A_1178, %add3A_1186 : vector<16xf32>, vector<16xf32>, vector<16xf32>, vector<16xf32>, vector<16xf32>, vector<16xf32>, vector<16xf32>, vector<16xf32>, vector<16xf32>, vector<16xf32>, vector<16xf32>, vector<16xf32>, vector<16xf32>, vector<16xf32>, vector<16xf32>, vector<16xf32>, vector<16xf32>, vector<16xf32>, vector<16xf32>, vector<16xf32>, vector<16xf32>, vector<16xf32>, vector<16xf32>, vector<16xf32>, vector<16xf32>, vector<16xf32>, vector<16xf32>, vector<16xf32>, vector<16xf32>, vector<16xf32>, vector<16xf32>, vector<16xf32>
        }
        %scan3A_1022 = arith.constant 16 : i32
        scf.yield %scan3A_1021#0, %scan3A_1021#1, %scan3A_1021#2, %scan3A_1021#3, %scan3A_1021#4, %scan3A_1021#5, %scan3A_1021#6, %scan3A_1021#7, %scan3A_1021#8, %scan3A_1021#9, %scan3A_1021#10, %scan3A_1021#11, %scan3A_1021#12, %scan3A_1021#13, %scan3A_1021#14, %scan3A_1021#15, %scan3A_1021#16, %scan3A_1021#17, %scan3A_1021#18, %scan3A_1021#19, %scan3A_1021#20, %scan3A_1021#21, %scan3A_1021#22, %scan3A_1021#23, %scan3A_1021#24, %scan3A_1021#25, %scan3A_1021#26, %scan3A_1021#27, %scan3A_1021#28, %scan3A_1021#29, %scan3A_1021#30, %scan3A_1021#31 : vector<16xf32>, vector<16xf32>, vector<16xf32>, vector<16xf32>, vector<16xf32>, vector<16xf32>, vector<16xf32>, vector<16xf32>, vector<16xf32>, vector<16xf32>, vector<16xf32>, vector<16xf32>, vector<16xf32>, vector<16xf32>, vector<16xf32>, vector<16xf32>, vector<16xf32>, vector<16xf32>, vector<16xf32>, vector<16xf32>, vector<16xf32>, vector<16xf32>, vector<16xf32>, vector<16xf32>, vector<16xf32>, vector<16xf32>, vector<16xf32>, vector<16xf32>, vector<16xf32>, vector<16xf32>, vector<16xf32>, vector<16xf32>
      }
      %scan3A_920 = arith.constant 8 : i32
      scf.yield %scan3A_919#0, %scan3A_919#1, %scan3A_919#2, %scan3A_919#3, %scan3A_919#4, %scan3A_919#5, %scan3A_919#6, %scan3A_919#7, %scan3A_919#8, %scan3A_919#9, %scan3A_919#10, %scan3A_919#11, %scan3A_919#12, %scan3A_919#13, %scan3A_919#14, %scan3A_919#15, %scan3A_919#16, %scan3A_919#17, %scan3A_919#18, %scan3A_919#19, %scan3A_919#20, %scan3A_919#21, %scan3A_919#22, %scan3A_919#23, %scan3A_919#24, %scan3A_919#25, %scan3A_919#26, %scan3A_919#27, %scan3A_919#28, %scan3A_919#29, %scan3A_919#30, %scan3A_919#31 : vector<16xf32>, vector<16xf32>, vector<16xf32>, vector<16xf32>, vector<16xf32>, vector<16xf32>, vector<16xf32>, vector<16xf32>, vector<16xf32>, vector<16xf32>, vector<16xf32>, vector<16xf32>, vector<16xf32>, vector<16xf32>, vector<16xf32>, vector<16xf32>, vector<16xf32>, vector<16xf32>, vector<16xf32>, vector<16xf32>, vector<16xf32>, vector<16xf32>, vector<16xf32>, vector<16xf32>, vector<16xf32>, vector<16xf32>, vector<16xf32>, vector<16xf32>, vector<16xf32>, vector<16xf32>, vector<16xf32>, vector<16xf32>
    }
    %scan3A_17 = arith.constant 8 : i32
    %swap3A = arith.constant 0 : i32
    %swap3A_18 = arith.index_cast %swap3A : i32 to index
    %swap3A_19 = arith.constant 0 : index
    %swap3A_20 = tpu.vector_load %arg11[%swap3A_18, %swap3A_19] {strides = array<i32>} : memref<8x256xf32, #tpu.memory_space<vmem>>, vector<1x16xf32>,
    %swap3A_21 = vector.shape_cast %swap3A_20 : vector<1x16xf32> to vector<16xf32>
    %swap3A_22 = vector.shape_cast %scan3A_16#0 : vector<16xf32> to vector<1x16xf32>
    tpu.vector_store %arg11[%swap3A_18, %swap3A_19], %swap3A_22 {strides = array<i32>} : memref<8x256xf32, #tpu.memory_space<vmem>>, vector<1x16xf32>,
    %swap3A_23 = arith.constant 1 : i32
    %swap3A_24 = arith.index_cast %swap3A_23 : i32 to index
    %swap3A_25 = arith.constant 0 : index
    %swap3A_26 = tpu.vector_load %arg11[%swap3A_24, %swap3A_25] {strides = array<i32>} : memref<8x256xf32, #tpu.memory_space<vmem>>, vector<1x16xf32>,
    %swap3A_27 = vector.shape_cast %swap3A_26 : vector<1x16xf32> to vector<16xf32>
    %swap3A_28 = vector.shape_cast %scan3A_16#16 : vector<16xf32> to vector<1x16xf32>
    tpu.vector_store %arg11[%swap3A_24, %swap3A_25], %swap3A_28 {strides = array<i32>} : memref<8x256xf32, #tpu.memory_space<vmem>>, vector<1x16xf32>,
    %swap3A_29 = arith.constant 2 : i32
    %swap3A_30 = arith.index_cast %swap3A_29 : i32 to index
    %swap3A_31 = arith.constant 0 : index
    %swap3A_32 = tpu.vector_load %arg11[%swap3A_30, %swap3A_31] {strides = array<i32>} : memref<8x256xf32, #tpu.memory_space<vmem>>, vector<1x16xf32>,
    %swap3A_33 = vector.shape_cast %swap3A_32 : vector<1x16xf32> to vector<16xf32>
    %swap3A_34 = vector.shape_cast %broadcast_in_dim3A_12 : vector<16xf32> to vector<1x16xf32>
    tpu.vector_store %arg11[%swap3A_30, %swap3A_31], %swap3A_34 {strides = array<i32>} : memref<8x256xf32, #tpu.memory_space<vmem>>, vector<1x16xf32>,
    %swap3A_35 = arith.constant 3 : i32
    %swap3A_36 = arith.index_cast %swap3A_35 : i32 to index
    %swap3A_37 = arith.constant 0 : index
    %swap3A_38 = tpu.vector_load %arg11[%swap3A_36, %swap3A_37] {strides = array<i32>} : memref<8x256xf32, #tpu.memory_space<vmem>>, vector<1x16xf32>,
    %swap3A_39 = vector.shape_cast %swap3A_38 : vector<1x16xf32> to vector<16xf32>
    %swap3A_40 = vector.shape_cast %broadcast_in_dim3A_12 : vector<16xf32> to vector<1x16xf32>
    tpu.vector_store %arg11[%swap3A_36, %swap3A_37], %swap3A_40 {strides = array<i32>} : memref<8x256xf32, #tpu.memory_space<vmem>>, vector<1x16xf32>,
    %swap3A_41 = arith.constant 4 : i32
    %swap3A_42 = arith.index_cast %swap3A_41 : i32 to index
    %swap3A_43 = arith.constant 0 : index
    %swap3A_44 = tpu.vector_load %arg11[%swap3A_42, %swap3A_43] {strides = array<i32>} : memref<8x256xf32, #tpu.memory_space<vmem>>, vector<1x16xf32>,
    %swap3A_45 = vector.shape_cast %swap3A_44 : vector<1x16xf32> to vector<16xf32>
    %swap3A_46 = vector.shape_cast %broadcast_in_dim3A_12 : vector<16xf32> to vector<1x16xf32>
    tpu.vector_store %arg11[%swap3A_42, %swap3A_43], %swap3A_46 {strides = array<i32>} : memref<8x256xf32, #tpu.memory_space<vmem>>, vector<1x16xf32>,
    %swap3A_47 = arith.constant 5 : i32
    %swap3A_48 = arith.index_cast %swap3A_47 : i32 to index
    %swap3A_49 = arith.constant 0 : index
    %swap3A_50 = tpu.vector_load %arg11[%swap3A_48, %swap3A_49] {strides = array<i32>} : memref<8x256xf32, #tpu.memory_space<vmem>>, vector<1x16xf32>,
    %swap3A_51 = vector.shape_cast %swap3A_50 : vector<1x16xf32> to vector<16xf32>
    %swap3A_52 = vector.shape_cast %broadcast_in_dim3A_12 : vector<16xf32> to vector<1x16xf32>
    tpu.vector_store %arg11[%swap3A_48, %swap3A_49], %swap3A_52 {strides = array<i32>} : memref<8x256xf32, #tpu.memory_space<vmem>>, vector<1x16xf32>,
    %swap3A_53 = arith.constant 6 : i32
    %swap3A_54 = arith.index_cast %swap3A_53 : i32 to index
    %swap3A_55 = arith.constant 0 : index
    %swap3A_56 = tpu.vector_load %arg11[%swap3A_54, %swap3A_55] {strides = array<i32>} : memref<8x256xf32, #tpu.memory_space<vmem>>, vector<1x16xf32>,
    %swap3A_57 = vector.shape_cast %swap3A_56 : vector<1x16xf32> to vector<16xf32>
    %swap3A_58 = vector.shape_cast %broadcast_in_dim3A_12 : vector<16xf32> to vector<1x16xf32>
    tpu.vector_store %arg11[%swap3A_54, %swap3A_55], %swap3A_58 {strides = array<i32>} : memref<8x256xf32, #tpu.memory_space<vmem>>, vector<1x16xf32>,
    %swap3A_59 = arith.constant 7 : i32
    %swap3A_60 = arith.index_cast %swap3A_59 : i32 to index
    %swap3A_61 = arith.constant 0 : index
    %swap3A_62 = tpu.vector_load %arg11[%swap3A_60, %swap3A_61] {strides = array<i32>} : memref<8x256xf32, #tpu.memory_space<vmem>>, vector<1x16xf32>,
    %swap3A_63 = vector.shape_cast %swap3A_62 : vector<1x16xf32> to vector<16xf32>
    %swap3A_64 = vector.shape_cast %broadcast_in_dim3A_12 : vector<16xf32> to vector<1x16xf32>
    tpu.vector_store %arg11[%swap3A_60, %swap3A_61], %swap3A_64 {strides = array<i32>} : memref<8x256xf32, #tpu.memory_space<vmem>>, vector<1x16xf32>,
    %swap3A_65 = arith.constant 0 : i32
    %swap3A_66 = arith.index_cast %swap3A_65 : i32 to index
    %swap3A_67 = arith.constant 16 : index
    %swap3A_68 = tpu.vector_load %arg11[%swap3A_66, %swap3A_67] {strides = array<i32>} : memref<8x256xf32, #tpu.memory_space<vmem>>, vector<1x16xf32>,
    %swap3A_69 = vector.shape_cast %swap3A_68 : vector<1x16xf32> to vector<16xf32>
    %swap3A_70 = vector.shape_cast %scan3A_16#1 : vector<16xf32> to vector<1x16xf32>
    tpu.vector_store %arg11[%swap3A_66, %swap3A_67], %swap3A_70 {strides = array<i32>} : memref<8x256xf32, #tpu.memory_space<vmem>>, vector<1x16xf32>,
    %swap3A_71 = arith.constant 1 : i32
    %swap3A_72 = arith.index_cast %swap3A_71 : i32 to index
    %swap3A_73 = arith.constant 16 : index
    %swap3A_74 = tpu.vector_load %arg11[%swap3A_72, %swap3A_73] {strides = array<i32>} : memref<8x256xf32, #tpu.memory_space<vmem>>, vector<1x16xf32>,
    %swap3A_75 = vector.shape_cast %swap3A_74 : vector<1x16xf32> to vector<16xf32>
    %swap3A_76 = vector.shape_cast %scan3A_16#17 : vector<16xf32> to vector<1x16xf32>
    tpu.vector_store %arg11[%swap3A_72, %swap3A_73], %swap3A_76 {strides = array<i32>} : memref<8x256xf32, #tpu.memory_space<vmem>>, vector<1x16xf32>,
    %swap3A_77 = arith.constant 2 : i32
    %swap3A_78 = arith.index_cast %swap3A_77 : i32 to index
    %swap3A_79 = arith.constant 16 : index
    %swap3A_80 = tpu.vector_load %arg11[%swap3A_78, %swap3A_79] {strides = array<i32>} : memref<8x256xf32, #tpu.memory_space<vmem>>, vector<1x16xf32>,
    %swap3A_81 = vector.shape_cast %swap3A_80 : vector<1x16xf32> to vector<16xf32>
    %swap3A_82 = vector.shape_cast %broadcast_in_dim3A_12 : vector<16xf32> to vector<1x16xf32>
    tpu.vector_store %arg11[%swap3A_78, %swap3A_79], %swap3A_82 {strides = array<i32>} : memref<8x256xf32, #tpu.memory_space<vmem>>, vector<1x16xf32>,
    %swap3A_83 = arith.constant 3 : i32
    %swap3A_84 = arith.index_cast %swap3A_83 : i32 to index
    %swap3A_85 = arith.constant 16 : index
    %swap3A_86 = tpu.vector_load %arg11[%swap3A_84, %swap3A_85] {strides = array<i32>} : memref<8x256xf32, #tpu.memory_space<vmem>>, vector<1x16xf32>,
    %swap3A_87 = vector.shape_cast %swap3A_86 : vector<1x16xf32> to vector<16xf32>
    %swap3A_88 = vector.shape_cast %broadcast_in_dim3A_12 : vector<16xf32> to vector<1x16xf32>
    tpu.vector_store %arg11[%swap3A_84, %swap3A_85], %swap3A_88 {strides = array<i32>} : memref<8x256xf32, #tpu.memory_space<vmem>>, vector<1x16xf32>,
    %swap3A_89 = arith.constant 4 : i32
    %swap3A_90 = arith.index_cast %swap3A_89 : i32 to index
    %swap3A_91 = arith.constant 16 : index
    %swap3A_92 = tpu.vector_load %arg11[%swap3A_90, %swap3A_91] {strides = array<i32>} : memref<8x256xf32, #tpu.memory_space<vmem>>, vector<1x16xf32>,
    %swap3A_93 = vector.shape_cast %swap3A_92 : vector<1x16xf32> to vector<16xf32>
    %swap3A_94 = vector.shape_cast %broadcast_in_dim3A_12 : vector<16xf32> to vector<1x16xf32>
    tpu.vector_store %arg11[%swap3A_90, %swap3A_91], %swap3A_94 {strides = array<i32>} : memref<8x256xf32, #tpu.memory_space<vmem>>, vector<1x16xf32>,
    %swap3A_95 = arith.constant 5 : i32
    %swap3A_96 = arith.index_cast %swap3A_95 : i32 to index
    %swap3A_97 = arith.constant 16 : index
    %swap3A_98 = tpu.vector_load %arg11[%swap3A_96, %swap3A_97] {strides = array<i32>} : memref<8x256xf32, #tpu.memory_space<vmem>>, vector<1x16xf32>,
    %swap3A_99 = vector.shape_cast %swap3A_98 : vector<1x16xf32> to vector<16xf32>
    %swap3A_100 = vector.shape_cast %broadcast_in_dim3A_12 : vector<16xf32> to vector<1x16xf32>
    tpu.vector_store %arg11[%swap3A_96, %swap3A_97], %swap3A_100 {strides = array<i32>} : memref<8x256xf32, #tpu.memory_space<vmem>>, vector<1x16xf32>,
    %swap3A_101 = arith.constant 6 : i32
    %swap3A_102 = arith.index_cast %swap3A_101 : i32 to index
    %swap3A_103 = arith.constant 16 : index
    %swap3A_104 = tpu.vector_load %arg11[%swap3A_102, %swap3A_103] {strides = array<i32>} : memref<8x256xf32, #tpu.memory_space<vmem>>, vector<1x16xf32>,
    %swap3A_105 = vector.shape_cast %swap3A_104 : vector<1x16xf32> to vector<16xf32>
    %swap3A_106 = vector.shape_cast %broadcast_in_dim3A_12 : vector<16xf32> to vector<1x16xf32>
    tpu.vector_store %arg11[%swap3A_102, %swap3A_103], %swap3A_106 {strides = array<i32>} : memref<8x256xf32, #tpu.memory_space<vmem>>, vector<1x16xf32>,
    %swap3A_107 = arith.constant 7 : i32
    %swap3A_108 = arith.index_cast %swap3A_107 : i32 to index
    %swap3A_109 = arith.constant 16 : index
    %swap3A_110 = tpu.vector_load %arg11[%swap3A_108, %swap3A_109] {strides = array<i32>} : memref<8x256xf32, #tpu.memory_space<vmem>>, vector<1x16xf32>,
    %swap3A_111 = vector.shape_cast %swap3A_110 : vector<1x16xf32> to vector<16xf32>
    %swap3A_112 = vector.shape_cast %broadcast_in_dim3A_12 : vector<16xf32> to vector<1x16xf32>
    tpu.vector_store %arg11[%swap3A_108, %swap3A_109], %swap3A_112 {strides = array<i32>} : memref<8x256xf32, #tpu.memory_space<vmem>>, vector<1x16xf32>,
    %swap3A_113 = arith.constant 0 : i32
    %swap3A_114 = arith.index_cast %swap3A_113 : i32 to index
    %swap3A_115 = arith.constant 32 : index
    %swap3A_116 = tpu.vector_load %arg11[%swap3A_114, %swap3A_115] {strides = array<i32>} : memref<8x256xf32, #tpu.memory_space<vmem>>, vector<1x16xf32>,
    %swap3A_117 = vector.shape_cast %swap3A_116 : vector<1x16xf32> to vector<16xf32>
    %swap3A_118 = vector.shape_cast %scan3A_16#2 : vector<16xf32> to vector<1x16xf32>
    tpu.vector_store %arg11[%swap3A_114, %swap3A_115], %swap3A_118 {strides = array<i32>} : memref<8x256xf32, #tpu.memory_space<vmem>>, vector<1x16xf32>,
    %swap3A_119 = arith.constant 1 : i32
    %swap3A_120 = arith.index_cast %swap3A_119 : i32 to index
    %swap3A_121 = arith.constant 32 : index
    %swap3A_122 = tpu.vector_load %arg11[%swap3A_120, %swap3A_121] {strides = array<i32>} : memref<8x256xf32, #tpu.memory_space<vmem>>, vector<1x16xf32>,
    %swap3A_123 = vector.shape_cast %swap3A_122 : vector<1x16xf32> to vector<16xf32>
    %swap3A_124 = vector.shape_cast %scan3A_16#18 : vector<16xf32> to vector<1x16xf32>
    tpu.vector_store %arg11[%swap3A_120, %swap3A_121], %swap3A_124 {strides = array<i32>} : memref<8x256xf32, #tpu.memory_space<vmem>>, vector<1x16xf32>,
    %swap3A_125 = arith.constant 2 : i32
    %swap3A_126 = arith.index_cast %swap3A_125 : i32 to index
    %swap3A_127 = arith.constant 32 : index
    %swap3A_128 = tpu.vector_load %arg11[%swap3A_126, %swap3A_127] {strides = array<i32>} : memref<8x256xf32, #tpu.memory_space<vmem>>, vector<1x16xf32>,
    %swap3A_129 = vector.shape_cast %swap3A_128 : vector<1x16xf32> to vector<16xf32>
    %swap3A_130 = vector.shape_cast %broadcast_in_dim3A_12 : vector<16xf32> to vector<1x16xf32>
    tpu.vector_store %arg11[%swap3A_126, %swap3A_127], %swap3A_130 {strides = array<i32>} : memref<8x256xf32, #tpu.memory_space<vmem>>, vector<1x16xf32>,
    %swap3A_131 = arith.constant 3 : i32
    %swap3A_132 = arith.index_cast %swap3A_131 : i32 to index
    %swap3A_133 = arith.constant 32 : index
    %swap3A_134 = tpu.vector_load %arg11[%swap3A_132, %swap3A_133] {strides = array<i32>} : memref<8x256xf32, #tpu.memory_space<vmem>>, vector<1x16xf32>,
    %swap3A_135 = vector.shape_cast %swap3A_134 : vector<1x16xf32> to vector<16xf32>
    %swap3A_136 = vector.shape_cast %broadcast_in_dim3A_12 : vector<16xf32> to vector<1x16xf32>
    tpu.vector_store %arg11[%swap3A_132, %swap3A_133], %swap3A_136 {strides = array<i32>} : memref<8x256xf32, #tpu.memory_space<vmem>>, vector<1x16xf32>,
    %swap3A_137 = arith.constant 4 : i32
    %swap3A_138 = arith.index_cast %swap3A_137 : i32 to index
    %swap3A_139 = arith.constant 32 : index
    %swap3A_140 = tpu.vector_load %arg11[%swap3A_138, %swap3A_139] {strides = array<i32>} : memref<8x256xf32, #tpu.memory_space<vmem>>, vector<1x16xf32>,
    %swap3A_141 = vector.shape_cast %swap3A_140 : vector<1x16xf32> to vector<16xf32>
    %swap3A_142 = vector.shape_cast %broadcast_in_dim3A_12 : vector<16xf32> to vector<1x16xf32>
    tpu.vector_store %arg11[%swap3A_138, %swap3A_139], %swap3A_142 {strides = array<i32>} : memref<8x256xf32, #tpu.memory_space<vmem>>, vector<1x16xf32>,
    %swap3A_143 = arith.constant 5 : i32
    %swap3A_144 = arith.index_cast %swap3A_143 : i32 to index
    %swap3A_145 = arith.constant 32 : index
    %swap3A_146 = tpu.vector_load %arg11[%swap3A_144, %swap3A_145] {strides = array<i32>} : memref<8x256xf32, #tpu.memory_space<vmem>>, vector<1x16xf32>,
    %swap3A_147 = vector.shape_cast %swap3A_146 : vector<1x16xf32> to vector<16xf32>
    %swap3A_148 = vector.shape_cast %broadcast_in_dim3A_12 : vector<16xf32> to vector<1x16xf32>
    tpu.vector_store %arg11[%swap3A_144, %swap3A_145], %swap3A_148 {strides = array<i32>} : memref<8x256xf32, #tpu.memory_space<vmem>>, vector<1x16xf32>,
    %swap3A_149 = arith.constant 6 : i32
    %swap3A_150 = arith.index_cast %swap3A_149 : i32 to index
    %swap3A_151 = arith.constant 32 : index
    %swap3A_152 = tpu.vector_load %arg11[%swap3A_150, %swap3A_151] {strides = array<i32>} : memref<8x256xf32, #tpu.memory_space<vmem>>, vector<1x16xf32>,
    %swap3A_153 = vector.shape_cast %swap3A_152 : vector<1x16xf32> to vector<16xf32>
    %swap3A_154 = vector.shape_cast %broadcast_in_dim3A_12 : vector<16xf32> to vector<1x16xf32>
    tpu.vector_store %arg11[%swap3A_150, %swap3A_151], %swap3A_154 {strides = array<i32>} : memref<8x256xf32, #tpu.memory_space<vmem>>, vector<1x16xf32>,
    %swap3A_155 = arith.constant 7 : i32
    %swap3A_156 = arith.index_cast %swap3A_155 : i32 to index
    %swap3A_157 = arith.constant 32 : index
    %swap3A_158 = tpu.vector_load %arg11[%swap3A_156, %swap3A_157] {strides = array<i32>} : memref<8x256xf32, #tpu.memory_space<vmem>>, vector<1x16xf32>,
    %swap3A_159 = vector.shape_cast %swap3A_158 : vector<1x16xf32> to vector<16xf32>
    %swap3A_160 = vector.shape_cast %broadcast_in_dim3A_12 : vector<16xf32> to vector<1x16xf32>
    tpu.vector_store %arg11[%swap3A_156, %swap3A_157], %swap3A_160 {strides = array<i32>} : memref<8x256xf32, #tpu.memory_space<vmem>>, vector<1x16xf32>,
    %swap3A_161 = arith.constant 0 : i32
    %swap3A_162 = arith.index_cast %swap3A_161 : i32 to index
    %swap3A_163 = arith.constant 48 : index
    %swap3A_164 = tpu.vector_load %arg11[%swap3A_162, %swap3A_163] {strides = array<i32>} : memref<8x256xf32, #tpu.memory_space<vmem>>, vector<1x16xf32>,
    %swap3A_165 = vector.shape_cast %swap3A_164 : vector<1x16xf32> to vector<16xf32>
    %swap3A_166 = vector.shape_cast %scan3A_16#3 : vector<16xf32> to vector<1x16xf32>
    tpu.vector_store %arg11[%swap3A_162, %swap3A_163], %swap3A_166 {strides = array<i32>} : memref<8x256xf32, #tpu.memory_space<vmem>>, vector<1x16xf32>,
    %swap3A_167 = arith.constant 1 : i32
    %swap3A_168 = arith.index_cast %swap3A_167 : i32 to index
    %swap3A_169 = arith.constant 48 : index
    %swap3A_170 = tpu.vector_load %arg11[%swap3A_168, %swap3A_169] {strides = array<i32>} : memref<8x256xf32, #tpu.memory_space<vmem>>, vector<1x16xf32>,
    %swap3A_171 = vector.shape_cast %swap3A_170 : vector<1x16xf32> to vector<16xf32>
    %swap3A_172 = vector.shape_cast %scan3A_16#19 : vector<16xf32> to vector<1x16xf32>
    tpu.vector_store %arg11[%swap3A_168, %swap3A_169], %swap3A_172 {strides = array<i32>} : memref<8x256xf32, #tpu.memory_space<vmem>>, vector<1x16xf32>,
    %swap3A_173 = arith.constant 2 : i32
    %swap3A_174 = arith.index_cast %swap3A_173 : i32 to index
    %swap3A_175 = arith.constant 48 : index
    %swap3A_176 = tpu.vector_load %arg11[%swap3A_174, %swap3A_175] {strides = array<i32>} : memref<8x256xf32, #tpu.memory_space<vmem>>, vector<1x16xf32>,
    %swap3A_177 = vector.shape_cast %swap3A_176 : vector<1x16xf32> to vector<16xf32>
    %swap3A_178 = vector.shape_cast %broadcast_in_dim3A_12 : vector<16xf32> to vector<1x16xf32>
    tpu.vector_store %arg11[%swap3A_174, %swap3A_175], %swap3A_178 {strides = array<i32>} : memref<8x256xf32, #tpu.memory_space<vmem>>, vector<1x16xf32>,
    %swap3A_179 = arith.constant 3 : i32
    %swap3A_180 = arith.index_cast %swap3A_179 : i32 to index
    %swap3A_181 = arith.constant 48 : index
    %swap3A_182 = tpu.vector_load %arg11[%swap3A_180, %swap3A_181] {strides = array<i32>} : memref<8x256xf32, #tpu.memory_space<vmem>>, vector<1x16xf32>,
    %swap3A_183 = vector.shape_cast %swap3A_182 : vector<1x16xf32> to vector<16xf32>
    %swap3A_184 = vector.shape_cast %broadcast_in_dim3A_12 : vector<16xf32> to vector<1x16xf32>
    tpu.vector_store %arg11[%swap3A_180, %swap3A_181], %swap3A_184 {strides = array<i32>} : memref<8x256xf32, #tpu.memory_space<vmem>>, vector<1x16xf32>,
    %swap3A_185 = arith.constant 4 : i32
    %swap3A_186 = arith.index_cast %swap3A_185 : i32 to index
    %swap3A_187 = arith.constant 48 : index
    %swap3A_188 = tpu.vector_load %arg11[%swap3A_186, %swap3A_187] {strides = array<i32>} : memref<8x256xf32, #tpu.memory_space<vmem>>, vector<1x16xf32>,
    %swap3A_189 = vector.shape_cast %swap3A_188 : vector<1x16xf32> to vector<16xf32>
    %swap3A_190 = vector.shape_cast %broadcast_in_dim3A_12 : vector<16xf32> to vector<1x16xf32>
    tpu.vector_store %arg11[%swap3A_186, %swap3A_187], %swap3A_190 {strides = array<i32>} : memref<8x256xf32, #tpu.memory_space<vmem>>, vector<1x16xf32>,
    %swap3A_191 = arith.constant 5 : i32
    %swap3A_192 = arith.index_cast %swap3A_191 : i32 to index
    %swap3A_193 = arith.constant 48 : index
    %swap3A_194 = tpu.vector_load %arg11[%swap3A_192, %swap3A_193] {strides = array<i32>} : memref<8x256xf32, #tpu.memory_space<vmem>>, vector<1x16xf32>,
    %swap3A_195 = vector.shape_cast %swap3A_194 : vector<1x16xf32> to vector<16xf32>
    %swap3A_196 = vector.shape_cast %broadcast_in_dim3A_12 : vector<16xf32> to vector<1x16xf32>
    tpu.vector_store %arg11[%swap3A_192, %swap3A_193], %swap3A_196 {strides = array<i32>} : memref<8x256xf32, #tpu.memory_space<vmem>>, vector<1x16xf32>,
    %swap3A_197 = arith.constant 6 : i32
    %swap3A_198 = arith.index_cast %swap3A_197 : i32 to index
    %swap3A_199 = arith.constant 48 : index
    %swap3A_200 = tpu.vector_load %arg11[%swap3A_198, %swap3A_199] {strides = array<i32>} : memref<8x256xf32, #tpu.memory_space<vmem>>, vector<1x16xf32>,
    %swap3A_201 = vector.shape_cast %swap3A_200 : vector<1x16xf32> to vector<16xf32>
    %swap3A_202 = vector.shape_cast %broadcast_in_dim3A_12 : vector<16xf32> to vector<1x16xf32>
    tpu.vector_store %arg11[%swap3A_198, %swap3A_199], %swap3A_202 {strides = array<i32>} : memref<8x256xf32, #tpu.memory_space<vmem>>, vector<1x16xf32>,
    %swap3A_203 = arith.constant 7 : i32
    %swap3A_204 = arith.index_cast %swap3A_203 : i32 to index
    %swap3A_205 = arith.constant 48 : index
    %swap3A_206 = tpu.vector_load %arg11[%swap3A_204, %swap3A_205] {strides = array<i32>} : memref<8x256xf32, #tpu.memory_space<vmem>>, vector<1x16xf32>,
    %swap3A_207 = vector.shape_cast %swap3A_206 : vector<1x16xf32> to vector<16xf32>
    %swap3A_208 = vector.shape_cast %broadcast_in_dim3A_12 : vector<16xf32> to vector<1x16xf32>
    tpu.vector_store %arg11[%swap3A_204, %swap3A_205], %swap3A_208 {strides = array<i32>} : memref<8x256xf32, #tpu.memory_space<vmem>>, vector<1x16xf32>,
    %swap3A_209 = arith.constant 0 : i32
    %swap3A_210 = arith.index_cast %swap3A_209 : i32 to index
    %swap3A_211 = arith.constant 64 : index
    %swap3A_212 = tpu.vector_load %arg11[%swap3A_210, %swap3A_211] {strides = array<i32>} : memref<8x256xf32, #tpu.memory_space<vmem>>, vector<1x16xf32>,
    %swap3A_213 = vector.shape_cast %swap3A_212 : vector<1x16xf32> to vector<16xf32>
    %swap3A_214 = vector.shape_cast %scan3A_16#4 : vector<16xf32> to vector<1x16xf32>
    tpu.vector_store %arg11[%swap3A_210, %swap3A_211], %swap3A_214 {strides = array<i32>} : memref<8x256xf32, #tpu.memory_space<vmem>>, vector<1x16xf32>,
    %swap3A_215 = arith.constant 1 : i32
    %swap3A_216 = arith.index_cast %swap3A_215 : i32 to index
    %swap3A_217 = arith.constant 64 : index
    %swap3A_218 = tpu.vector_load %arg11[%swap3A_216, %swap3A_217] {strides = array<i32>} : memref<8x256xf32, #tpu.memory_space<vmem>>, vector<1x16xf32>,
    %swap3A_219 = vector.shape_cast %swap3A_218 : vector<1x16xf32> to vector<16xf32>
    %swap3A_220 = vector.shape_cast %scan3A_16#20 : vector<16xf32> to vector<1x16xf32>
    tpu.vector_store %arg11[%swap3A_216, %swap3A_217], %swap3A_220 {strides = array<i32>} : memref<8x256xf32, #tpu.memory_space<vmem>>, vector<1x16xf32>,
    %swap3A_221 = arith.constant 2 : i32
    %swap3A_222 = arith.index_cast %swap3A_221 : i32 to index
    %swap3A_223 = arith.constant 64 : index
    %swap3A_224 = tpu.vector_load %arg11[%swap3A_222, %swap3A_223] {strides = array<i32>} : memref<8x256xf32, #tpu.memory_space<vmem>>, vector<1x16xf32>,
    %swap3A_225 = vector.shape_cast %swap3A_224 : vector<1x16xf32> to vector<16xf32>
    %swap3A_226 = vector.shape_cast %broadcast_in_dim3A_12 : vector<16xf32> to vector<1x16xf32>
    tpu.vector_store %arg11[%swap3A_222, %swap3A_223], %swap3A_226 {strides = array<i32>} : memref<8x256xf32, #tpu.memory_space<vmem>>, vector<1x16xf32>,
    %swap3A_227 = arith.constant 3 : i32
    %swap3A_228 = arith.index_cast %swap3A_227 : i32 to index
    %swap3A_229 = arith.constant 64 : index
    %swap3A_230 = tpu.vector_load %arg11[%swap3A_228, %swap3A_229] {strides = array<i32>} : memref<8x256xf32, #tpu.memory_space<vmem>>, vector<1x16xf32>,
    %swap3A_231 = vector.shape_cast %swap3A_230 : vector<1x16xf32> to vector<16xf32>
    %swap3A_232 = vector.shape_cast %broadcast_in_dim3A_12 : vector<16xf32> to vector<1x16xf32>
    tpu.vector_store %arg11[%swap3A_228, %swap3A_229], %swap3A_232 {strides = array<i32>} : memref<8x256xf32, #tpu.memory_space<vmem>>, vector<1x16xf32>,
    %swap3A_233 = arith.constant 4 : i32
    %swap3A_234 = arith.index_cast %swap3A_233 : i32 to index
    %swap3A_235 = arith.constant 64 : index
    %swap3A_236 = tpu.vector_load %arg11[%swap3A_234, %swap3A_235] {strides = array<i32>} : memref<8x256xf32, #tpu.memory_space<vmem>>, vector<1x16xf32>,
    %swap3A_237 = vector.shape_cast %swap3A_236 : vector<1x16xf32> to vector<16xf32>
    %swap3A_238 = vector.shape_cast %broadcast_in_dim3A_12 : vector<16xf32> to vector<1x16xf32>
    tpu.vector_store %arg11[%swap3A_234, %swap3A_235], %swap3A_238 {strides = array<i32>} : memref<8x256xf32, #tpu.memory_space<vmem>>, vector<1x16xf32>,
    %swap3A_239 = arith.constant 5 : i32
    %swap3A_240 = arith.index_cast %swap3A_239 : i32 to index
    %swap3A_241 = arith.constant 64 : index
    %swap3A_242 = tpu.vector_load %arg11[%swap3A_240, %swap3A_241] {strides = array<i32>} : memref<8x256xf32, #tpu.memory_space<vmem>>, vector<1x16xf32>,
    %swap3A_243 = vector.shape_cast %swap3A_242 : vector<1x16xf32> to vector<16xf32>
    %swap3A_244 = vector.shape_cast %broadcast_in_dim3A_12 : vector<16xf32> to vector<1x16xf32>
    tpu.vector_store %arg11[%swap3A_240, %swap3A_241], %swap3A_244 {strides = array<i32>} : memref<8x256xf32, #tpu.memory_space<vmem>>, vector<1x16xf32>,
    %swap3A_245 = arith.constant 6 : i32
    %swap3A_246 = arith.index_cast %swap3A_245 : i32 to index
    %swap3A_247 = arith.constant 64 : index
    %swap3A_248 = tpu.vector_load %arg11[%swap3A_246, %swap3A_247] {strides = array<i32>} : memref<8x256xf32, #tpu.memory_space<vmem>>, vector<1x16xf32>,
    %swap3A_249 = vector.shape_cast %swap3A_248 : vector<1x16xf32> to vector<16xf32>
    %swap3A_250 = vector.shape_cast %broadcast_in_dim3A_12 : vector<16xf32> to vector<1x16xf32>
    tpu.vector_store %arg11[%swap3A_246, %swap3A_247], %swap3A_250 {strides = array<i32>} : memref<8x256xf32, #tpu.memory_space<vmem>>, vector<1x16xf32>,
    %swap3A_251 = arith.constant 7 : i32
    %swap3A_252 = arith.index_cast %swap3A_251 : i32 to index
    %swap3A_253 = arith.constant 64 : index
    %swap3A_254 = tpu.vector_load %arg11[%swap3A_252, %swap3A_253] {strides = array<i32>} : memref<8x256xf32, #tpu.memory_space<vmem>>, vector<1x16xf32>,
    %swap3A_255 = vector.shape_cast %swap3A_254 : vector<1x16xf32> to vector<16xf32>
    %swap3A_256 = vector.shape_cast %broadcast_in_dim3A_12 : vector<16xf32> to vector<1x16xf32>
    tpu.vector_store %arg11[%swap3A_252, %swap3A_253], %swap3A_256 {strides = array<i32>} : memref<8x256xf32, #tpu.memory_space<vmem>>, vector<1x16xf32>,
    %swap3A_257 = arith.constant 0 : i32
    %swap3A_258 = arith.index_cast %swap3A_257 : i32 to index
    %swap3A_259 = arith.constant 80 : index
    %swap3A_260 = tpu.vector_load %arg11[%swap3A_258, %swap3A_259] {strides = array<i32>} : memref<8x256xf32, #tpu.memory_space<vmem>>, vector<1x16xf32>,
    %swap3A_261 = vector.shape_cast %swap3A_260 : vector<1x16xf32> to vector<16xf32>
    %swap3A_262 = vector.shape_cast %scan3A_16#5 : vector<16xf32> to vector<1x16xf32>
    tpu.vector_store %arg11[%swap3A_258, %swap3A_259], %swap3A_262 {strides = array<i32>} : memref<8x256xf32, #tpu.memory_space<vmem>>, vector<1x16xf32>,
    %swap3A_263 = arith.constant 1 : i32
    %swap3A_264 = arith.index_cast %swap3A_263 : i32 to index
    %swap3A_265 = arith.constant 80 : index
    %swap3A_266 = tpu.vector_load %arg11[%swap3A_264, %swap3A_265] {strides = array<i32>} : memref<8x256xf32, #tpu.memory_space<vmem>>, vector<1x16xf32>,
    %swap3A_267 = vector.shape_cast %swap3A_266 : vector<1x16xf32> to vector<16xf32>
    %swap3A_268 = vector.shape_cast %scan3A_16#21 : vector<16xf32> to vector<1x16xf32>
    tpu.vector_store %arg11[%swap3A_264, %swap3A_265], %swap3A_268 {strides = array<i32>} : memref<8x256xf32, #tpu.memory_space<vmem>>, vector<1x16xf32>,
    %swap3A_269 = arith.constant 2 : i32
    %swap3A_270 = arith.index_cast %swap3A_269 : i32 to index
    %swap3A_271 = arith.constant 80 : index
    %swap3A_272 = tpu.vector_load %arg11[%swap3A_270, %swap3A_271] {strides = array<i32>} : memref<8x256xf32, #tpu.memory_space<vmem>>, vector<1x16xf32>,
    %swap3A_273 = vector.shape_cast %swap3A_272 : vector<1x16xf32> to vector<16xf32>
    %swap3A_274 = vector.shape_cast %broadcast_in_dim3A_12 : vector<16xf32> to vector<1x16xf32>
    tpu.vector_store %arg11[%swap3A_270, %swap3A_271], %swap3A_274 {strides = array<i32>} : memref<8x256xf32, #tpu.memory_space<vmem>>, vector<1x16xf32>,
    %swap3A_275 = arith.constant 3 : i32
    %swap3A_276 = arith.index_cast %swap3A_275 : i32 to index
    %swap3A_277 = arith.constant 80 : index
    %swap3A_278 = tpu.vector_load %arg11[%swap3A_276, %swap3A_277] {strides = array<i32>} : memref<8x256xf32, #tpu.memory_space<vmem>>, vector<1x16xf32>,
    %swap3A_279 = vector.shape_cast %swap3A_278 : vector<1x16xf32> to vector<16xf32>
    %swap3A_280 = vector.shape_cast %broadcast_in_dim3A_12 : vector<16xf32> to vector<1x16xf32>
    tpu.vector_store %arg11[%swap3A_276, %swap3A_277], %swap3A_280 {strides = array<i32>} : memref<8x256xf32, #tpu.memory_space<vmem>>, vector<1x16xf32>,
    %swap3A_281 = arith.constant 4 : i32
    %swap3A_282 = arith.index_cast %swap3A_281 : i32 to index
    %swap3A_283 = arith.constant 80 : index
    %swap3A_284 = tpu.vector_load %arg11[%swap3A_282, %swap3A_283] {strides = array<i32>} : memref<8x256xf32, #tpu.memory_space<vmem>>, vector<1x16xf32>,
    %swap3A_285 = vector.shape_cast %swap3A_284 : vector<1x16xf32> to vector<16xf32>
    %swap3A_286 = vector.shape_cast %broadcast_in_dim3A_12 : vector<16xf32> to vector<1x16xf32>
    tpu.vector_store %arg11[%swap3A_282, %swap3A_283], %swap3A_286 {strides = array<i32>} : memref<8x256xf32, #tpu.memory_space<vmem>>, vector<1x16xf32>,
    %swap3A_287 = arith.constant 5 : i32
    %swap3A_288 = arith.index_cast %swap3A_287 : i32 to index
    %swap3A_289 = arith.constant 80 : index
    %swap3A_290 = tpu.vector_load %arg11[%swap3A_288, %swap3A_289] {strides = array<i32>} : memref<8x256xf32, #tpu.memory_space<vmem>>, vector<1x16xf32>,
    %swap3A_291 = vector.shape_cast %swap3A_290 : vector<1x16xf32> to vector<16xf32>
    %swap3A_292 = vector.shape_cast %broadcast_in_dim3A_12 : vector<16xf32> to vector<1x16xf32>
    tpu.vector_store %arg11[%swap3A_288, %swap3A_289], %swap3A_292 {strides = array<i32>} : memref<8x256xf32, #tpu.memory_space<vmem>>, vector<1x16xf32>,
    %swap3A_293 = arith.constant 6 : i32
    %swap3A_294 = arith.index_cast %swap3A_293 : i32 to index
    %swap3A_295 = arith.constant 80 : index
    %swap3A_296 = tpu.vector_load %arg11[%swap3A_294, %swap3A_295] {strides = array<i32>} : memref<8x256xf32, #tpu.memory_space<vmem>>, vector<1x16xf32>,
    %swap3A_297 = vector.shape_cast %swap3A_296 : vector<1x16xf32> to vector<16xf32>
    %swap3A_298 = vector.shape_cast %broadcast_in_dim3A_12 : vector<16xf32> to vector<1x16xf32>
    tpu.vector_store %arg11[%swap3A_294, %swap3A_295], %swap3A_298 {strides = array<i32>} : memref<8x256xf32, #tpu.memory_space<vmem>>, vector<1x16xf32>,
    %swap3A_299 = arith.constant 7 : i32
    %swap3A_300 = arith.index_cast %swap3A_299 : i32 to index
    %swap3A_301 = arith.constant 80 : index
    %swap3A_302 = tpu.vector_load %arg11[%swap3A_300, %swap3A_301] {strides = array<i32>} : memref<8x256xf32, #tpu.memory_space<vmem>>, vector<1x16xf32>,
    %swap3A_303 = vector.shape_cast %swap3A_302 : vector<1x16xf32> to vector<16xf32>
    %swap3A_304 = vector.shape_cast %broadcast_in_dim3A_12 : vector<16xf32> to vector<1x16xf32>
    tpu.vector_store %arg11[%swap3A_300, %swap3A_301], %swap3A_304 {strides = array<i32>} : memref<8x256xf32, #tpu.memory_space<vmem>>, vector<1x16xf32>,
    %swap3A_305 = arith.constant 0 : i32
    %swap3A_306 = arith.index_cast %swap3A_305 : i32 to index
    %swap3A_307 = arith.constant 96 : index
    %swap3A_308 = tpu.vector_load %arg11[%swap3A_306, %swap3A_307] {strides = array<i32>} : memref<8x256xf32, #tpu.memory_space<vmem>>, vector<1x16xf32>,
    %swap3A_309 = vector.shape_cast %swap3A_308 : vector<1x16xf32> to vector<16xf32>
    %swap3A_310 = vector.shape_cast %scan3A_16#6 : vector<16xf32> to vector<1x16xf32>
    tpu.vector_store %arg11[%swap3A_306, %swap3A_307], %swap3A_310 {strides = array<i32>} : memref<8x256xf32, #tpu.memory_space<vmem>>, vector<1x16xf32>,
    %swap3A_311 = arith.constant 1 : i32
    %swap3A_312 = arith.index_cast %swap3A_311 : i32 to index
    %swap3A_313 = arith.constant 96 : index
    %swap3A_314 = tpu.vector_load %arg11[%swap3A_312, %swap3A_313] {strides = array<i32>} : memref<8x256xf32, #tpu.memory_space<vmem>>, vector<1x16xf32>,
    %swap3A_315 = vector.shape_cast %swap3A_314 : vector<1x16xf32> to vector<16xf32>
    %swap3A_316 = vector.shape_cast %scan3A_16#22 : vector<16xf32> to vector<1x16xf32>
    tpu.vector_store %arg11[%swap3A_312, %swap3A_313], %swap3A_316 {strides = array<i32>} : memref<8x256xf32, #tpu.memory_space<vmem>>, vector<1x16xf32>,
    %swap3A_317 = arith.constant 2 : i32
    %swap3A_318 = arith.index_cast %swap3A_317 : i32 to index
    %swap3A_319 = arith.constant 96 : index
    %swap3A_320 = tpu.vector_load %arg11[%swap3A_318, %swap3A_319] {strides = array<i32>} : memref<8x256xf32, #tpu.memory_space<vmem>>, vector<1x16xf32>,
    %swap3A_321 = vector.shape_cast %swap3A_320 : vector<1x16xf32> to vector<16xf32>
    %swap3A_322 = vector.shape_cast %broadcast_in_dim3A_12 : vector<16xf32> to vector<1x16xf32>
    tpu.vector_store %arg11[%swap3A_318, %swap3A_319], %swap3A_322 {strides = array<i32>} : memref<8x256xf32, #tpu.memory_space<vmem>>, vector<1x16xf32>,
    %swap3A_323 = arith.constant 3 : i32
    %swap3A_324 = arith.index_cast %swap3A_323 : i32 to index
    %swap3A_325 = arith.constant 96 : index
    %swap3A_326 = tpu.vector_load %arg11[%swap3A_324, %swap3A_325] {strides = array<i32>} : memref<8x256xf32, #tpu.memory_space<vmem>>, vector<1x16xf32>,
    %swap3A_327 = vector.shape_cast %swap3A_326 : vector<1x16xf32> to vector<16xf32>
    %swap3A_328 = vector.shape_cast %broadcast_in_dim3A_12 : vector<16xf32> to vector<1x16xf32>
    tpu.vector_store %arg11[%swap3A_324, %swap3A_325], %swap3A_328 {strides = array<i32>} : memref<8x256xf32, #tpu.memory_space<vmem>>, vector<1x16xf32>,
    %swap3A_329 = arith.constant 4 : i32
    %swap3A_330 = arith.index_cast %swap3A_329 : i32 to index
    %swap3A_331 = arith.constant 96 : index
    %swap3A_332 = tpu.vector_load %arg11[%swap3A_330, %swap3A_331] {strides = array<i32>} : memref<8x256xf32, #tpu.memory_space<vmem>>, vector<1x16xf32>,
    %swap3A_333 = vector.shape_cast %swap3A_332 : vector<1x16xf32> to vector<16xf32>
    %swap3A_334 = vector.shape_cast %broadcast_in_dim3A_12 : vector<16xf32> to vector<1x16xf32>
    tpu.vector_store %arg11[%swap3A_330, %swap3A_331], %swap3A_334 {strides = array<i32>} : memref<8x256xf32, #tpu.memory_space<vmem>>, vector<1x16xf32>,
    %swap3A_335 = arith.constant 5 : i32
    %swap3A_336 = arith.index_cast %swap3A_335 : i32 to index
    %swap3A_337 = arith.constant 96 : index
    %swap3A_338 = tpu.vector_load %arg11[%swap3A_336, %swap3A_337] {strides = array<i32>} : memref<8x256xf32, #tpu.memory_space<vmem>>, vector<1x16xf32>,
    %swap3A_339 = vector.shape_cast %swap3A_338 : vector<1x16xf32> to vector<16xf32>
    %swap3A_340 = vector.shape_cast %broadcast_in_dim3A_12 : vector<16xf32> to vector<1x16xf32>
    tpu.vector_store %arg11[%swap3A_336, %swap3A_337], %swap3A_340 {strides = array<i32>} : memref<8x256xf32, #tpu.memory_space<vmem>>, vector<1x16xf32>,
    %swap3A_341 = arith.constant 6 : i32
    %swap3A_342 = arith.index_cast %swap3A_341 : i32 to index
    %swap3A_343 = arith.constant 96 : index
    %swap3A_344 = tpu.vector_load %arg11[%swap3A_342, %swap3A_343] {strides = array<i32>} : memref<8x256xf32, #tpu.memory_space<vmem>>, vector<1x16xf32>,
    %swap3A_345 = vector.shape_cast %swap3A_344 : vector<1x16xf32> to vector<16xf32>
    %swap3A_346 = vector.shape_cast %broadcast_in_dim3A_12 : vector<16xf32> to vector<1x16xf32>
    tpu.vector_store %arg11[%swap3A_342, %swap3A_343], %swap3A_346 {strides = array<i32>} : memref<8x256xf32, #tpu.memory_space<vmem>>, vector<1x16xf32>,
    %swap3A_347 = arith.constant 7 : i32
    %swap3A_348 = arith.index_cast %swap3A_347 : i32 to index
    %swap3A_349 = arith.constant 96 : index
    %swap3A_350 = tpu.vector_load %arg11[%swap3A_348, %swap3A_349] {strides = array<i32>} : memref<8x256xf32, #tpu.memory_space<vmem>>, vector<1x16xf32>,
    %swap3A_351 = vector.shape_cast %swap3A_350 : vector<1x16xf32> to vector<16xf32>
    %swap3A_352 = vector.shape_cast %broadcast_in_dim3A_12 : vector<16xf32> to vector<1x16xf32>
    tpu.vector_store %arg11[%swap3A_348, %swap3A_349], %swap3A_352 {strides = array<i32>} : memref<8x256xf32, #tpu.memory_space<vmem>>, vector<1x16xf32>,
    %swap3A_353 = arith.constant 0 : i32
    %swap3A_354 = arith.index_cast %swap3A_353 : i32 to index
    %swap3A_355 = arith.constant 112 : index
    %swap3A_356 = tpu.vector_load %arg11[%swap3A_354, %swap3A_355] {strides = array<i32>} : memref<8x256xf32, #tpu.memory_space<vmem>>, vector<1x16xf32>,
    %swap3A_357 = vector.shape_cast %swap3A_356 : vector<1x16xf32> to vector<16xf32>
    %swap3A_358 = vector.shape_cast %scan3A_16#7 : vector<16xf32> to vector<1x16xf32>
    tpu.vector_store %arg11[%swap3A_354, %swap3A_355], %swap3A_358 {strides = array<i32>} : memref<8x256xf32, #tpu.memory_space<vmem>>, vector<1x16xf32>,
    %swap3A_359 = arith.constant 1 : i32
    %swap3A_360 = arith.index_cast %swap3A_359 : i32 to index
    %swap3A_361 = arith.constant 112 : index
    %swap3A_362 = tpu.vector_load %arg11[%swap3A_360, %swap3A_361] {strides = array<i32>} : memref<8x256xf32, #tpu.memory_space<vmem>>, vector<1x16xf32>,
    %swap3A_363 = vector.shape_cast %swap3A_362 : vector<1x16xf32> to vector<16xf32>
    %swap3A_364 = vector.shape_cast %scan3A_16#23 : vector<16xf32> to vector<1x16xf32>
    tpu.vector_store %arg11[%swap3A_360, %swap3A_361], %swap3A_364 {strides = array<i32>} : memref<8x256xf32, #tpu.memory_space<vmem>>, vector<1x16xf32>,
    %swap3A_365 = arith.constant 2 : i32
    %swap3A_366 = arith.index_cast %swap3A_365 : i32 to index
    %swap3A_367 = arith.constant 112 : index
    %swap3A_368 = tpu.vector_load %arg11[%swap3A_366, %swap3A_367] {strides = array<i32>} : memref<8x256xf32, #tpu.memory_space<vmem>>, vector<1x16xf32>,
    %swap3A_369 = vector.shape_cast %swap3A_368 : vector<1x16xf32> to vector<16xf32>
    %swap3A_370 = vector.shape_cast %broadcast_in_dim3A_12 : vector<16xf32> to vector<1x16xf32>
    tpu.vector_store %arg11[%swap3A_366, %swap3A_367], %swap3A_370 {strides = array<i32>} : memref<8x256xf32, #tpu.memory_space<vmem>>, vector<1x16xf32>,
    %swap3A_371 = arith.constant 3 : i32
    %swap3A_372 = arith.index_cast %swap3A_371 : i32 to index
    %swap3A_373 = arith.constant 112 : index
    %swap3A_374 = tpu.vector_load %arg11[%swap3A_372, %swap3A_373] {strides = array<i32>} : memref<8x256xf32, #tpu.memory_space<vmem>>, vector<1x16xf32>,
    %swap3A_375 = vector.shape_cast %swap3A_374 : vector<1x16xf32> to vector<16xf32>
    %swap3A_376 = vector.shape_cast %broadcast_in_dim3A_12 : vector<16xf32> to vector<1x16xf32>
    tpu.vector_store %arg11[%swap3A_372, %swap3A_373], %swap3A_376 {strides = array<i32>} : memref<8x256xf32, #tpu.memory_space<vmem>>, vector<1x16xf32>,
    %swap3A_377 = arith.constant 4 : i32
    %swap3A_378 = arith.index_cast %swap3A_377 : i32 to index
    %swap3A_379 = arith.constant 112 : index
    %swap3A_380 = tpu.vector_load %arg11[%swap3A_378, %swap3A_379] {strides = array<i32>} : memref<8x256xf32, #tpu.memory_space<vmem>>, vector<1x16xf32>,
    %swap3A_381 = vector.shape_cast %swap3A_380 : vector<1x16xf32> to vector<16xf32>
    %swap3A_382 = vector.shape_cast %broadcast_in_dim3A_12 : vector<16xf32> to vector<1x16xf32>
    tpu.vector_store %arg11[%swap3A_378, %swap3A_379], %swap3A_382 {strides = array<i32>} : memref<8x256xf32, #tpu.memory_space<vmem>>, vector<1x16xf32>,
    %swap3A_383 = arith.constant 5 : i32
    %swap3A_384 = arith.index_cast %swap3A_383 : i32 to index
    %swap3A_385 = arith.constant 112 : index
    %swap3A_386 = tpu.vector_load %arg11[%swap3A_384, %swap3A_385] {strides = array<i32>} : memref<8x256xf32, #tpu.memory_space<vmem>>, vector<1x16xf32>,
    %swap3A_387 = vector.shape_cast %swap3A_386 : vector<1x16xf32> to vector<16xf32>
    %swap3A_388 = vector.shape_cast %broadcast_in_dim3A_12 : vector<16xf32> to vector<1x16xf32>
    tpu.vector_store %arg11[%swap3A_384, %swap3A_385], %swap3A_388 {strides = array<i32>} : memref<8x256xf32, #tpu.memory_space<vmem>>, vector<1x16xf32>,
    %swap3A_389 = arith.constant 6 : i32
    %swap3A_390 = arith.index_cast %swap3A_389 : i32 to index
    %swap3A_391 = arith.constant 112 : index
    %swap3A_392 = tpu.vector_load %arg11[%swap3A_390, %swap3A_391] {strides = array<i32>} : memref<8x256xf32, #tpu.memory_space<vmem>>, vector<1x16xf32>,
    %swap3A_393 = vector.shape_cast %swap3A_392 : vector<1x16xf32> to vector<16xf32>
    %swap3A_394 = vector.shape_cast %broadcast_in_dim3A_12 : vector<16xf32> to vector<1x16xf32>
    tpu.vector_store %arg11[%swap3A_390, %swap3A_391], %swap3A_394 {strides = array<i32>} : memref<8x256xf32, #tpu.memory_space<vmem>>, vector<1x16xf32>,
    %swap3A_395 = arith.constant 7 : i32
    %swap3A_396 = arith.index_cast %swap3A_395 : i32 to index
    %swap3A_397 = arith.constant 112 : index
    %swap3A_398 = tpu.vector_load %arg11[%swap3A_396, %swap3A_397] {strides = array<i32>} : memref<8x256xf32, #tpu.memory_space<vmem>>, vector<1x16xf32>,
    %swap3A_399 = vector.shape_cast %swap3A_398 : vector<1x16xf32> to vector<16xf32>
    %swap3A_400 = vector.shape_cast %broadcast_in_dim3A_12 : vector<16xf32> to vector<1x16xf32>
    tpu.vector_store %arg11[%swap3A_396, %swap3A_397], %swap3A_400 {strides = array<i32>} : memref<8x256xf32, #tpu.memory_space<vmem>>, vector<1x16xf32>,
    %swap3A_401 = arith.constant 0 : i32
    %swap3A_402 = arith.index_cast %swap3A_401 : i32 to index
    %swap3A_403 = arith.constant 128 : index
    %swap3A_404 = tpu.vector_load %arg11[%swap3A_402, %swap3A_403] {strides = array<i32>} : memref<8x256xf32, #tpu.memory_space<vmem>>, vector<1x16xf32>,
    %swap3A_405 = vector.shape_cast %swap3A_404 : vector<1x16xf32> to vector<16xf32>
    %swap3A_406 = vector.shape_cast %scan3A_16#8 : vector<16xf32> to vector<1x16xf32>
    tpu.vector_store %arg11[%swap3A_402, %swap3A_403], %swap3A_406 {strides = array<i32>} : memref<8x256xf32, #tpu.memory_space<vmem>>, vector<1x16xf32>,
    %swap3A_407 = arith.constant 1 : i32
    %swap3A_408 = arith.index_cast %swap3A_407 : i32 to index
    %swap3A_409 = arith.constant 128 : index
    %swap3A_410 = tpu.vector_load %arg11[%swap3A_408, %swap3A_409] {strides = array<i32>} : memref<8x256xf32, #tpu.memory_space<vmem>>, vector<1x16xf32>,
    %swap3A_411 = vector.shape_cast %swap3A_410 : vector<1x16xf32> to vector<16xf32>
    %swap3A_412 = vector.shape_cast %scan3A_16#24 : vector<16xf32> to vector<1x16xf32>
    tpu.vector_store %arg11[%swap3A_408, %swap3A_409], %swap3A_412 {strides = array<i32>} : memref<8x256xf32, #tpu.memory_space<vmem>>, vector<1x16xf32>,
    %swap3A_413 = arith.constant 2 : i32
    %swap3A_414 = arith.index_cast %swap3A_413 : i32 to index
    %swap3A_415 = arith.constant 128 : index
    %swap3A_416 = tpu.vector_load %arg11[%swap3A_414, %swap3A_415] {strides = array<i32>} : memref<8x256xf32, #tpu.memory_space<vmem>>, vector<1x16xf32>,
    %swap3A_417 = vector.shape_cast %swap3A_416 : vector<1x16xf32> to vector<16xf32>
    %swap3A_418 = vector.shape_cast %broadcast_in_dim3A_12 : vector<16xf32> to vector<1x16xf32>
    tpu.vector_store %arg11[%swap3A_414, %swap3A_415], %swap3A_418 {strides = array<i32>} : memref<8x256xf32, #tpu.memory_space<vmem>>, vector<1x16xf32>,
    %swap3A_419 = arith.constant 3 : i32
    %swap3A_420 = arith.index_cast %swap3A_419 : i32 to index
    %swap3A_421 = arith.constant 128 : index
    %swap3A_422 = tpu.vector_load %arg11[%swap3A_420, %swap3A_421] {strides = array<i32>} : memref<8x256xf32, #tpu.memory_space<vmem>>, vector<1x16xf32>,
    %swap3A_423 = vector.shape_cast %swap3A_422 : vector<1x16xf32> to vector<16xf32>
    %swap3A_424 = vector.shape_cast %broadcast_in_dim3A_12 : vector<16xf32> to vector<1x16xf32>
    tpu.vector_store %arg11[%swap3A_420, %swap3A_421], %swap3A_424 {strides = array<i32>} : memref<8x256xf32, #tpu.memory_space<vmem>>, vector<1x16xf32>,
    %swap3A_425 = arith.constant 4 : i32
    %swap3A_426 = arith.index_cast %swap3A_425 : i32 to index
    %swap3A_427 = arith.constant 128 : index
    %swap3A_428 = tpu.vector_load %arg11[%swap3A_426, %swap3A_427] {strides = array<i32>} : memref<8x256xf32, #tpu.memory_space<vmem>>, vector<1x16xf32>,
    %swap3A_429 = vector.shape_cast %swap3A_428 : vector<1x16xf32> to vector<16xf32>
    %swap3A_430 = vector.shape_cast %broadcast_in_dim3A_12 : vector<16xf32> to vector<1x16xf32>
    tpu.vector_store %arg11[%swap3A_426, %swap3A_427], %swap3A_430 {strides = array<i32>} : memref<8x256xf32, #tpu.memory_space<vmem>>, vector<1x16xf32>,
    %swap3A_431 = arith.constant 5 : i32
    %swap3A_432 = arith.index_cast %swap3A_431 : i32 to index
    %swap3A_433 = arith.constant 128 : index
    %swap3A_434 = tpu.vector_load %arg11[%swap3A_432, %swap3A_433] {strides = array<i32>} : memref<8x256xf32, #tpu.memory_space<vmem>>, vector<1x16xf32>,
    %swap3A_435 = vector.shape_cast %swap3A_434 : vector<1x16xf32> to vector<16xf32>
    %swap3A_436 = vector.shape_cast %broadcast_in_dim3A_12 : vector<16xf32> to vector<1x16xf32>
    tpu.vector_store %arg11[%swap3A_432, %swap3A_433], %swap3A_436 {strides = array<i32>} : memref<8x256xf32, #tpu.memory_space<vmem>>, vector<1x16xf32>,
    %swap3A_437 = arith.constant 6 : i32
    %swap3A_438 = arith.index_cast %swap3A_437 : i32 to index
    %swap3A_439 = arith.constant 128 : index
    %swap3A_440 = tpu.vector_load %arg11[%swap3A_438, %swap3A_439] {strides = array<i32>} : memref<8x256xf32, #tpu.memory_space<vmem>>, vector<1x16xf32>,
    %swap3A_441 = vector.shape_cast %swap3A_440 : vector<1x16xf32> to vector<16xf32>
    %swap3A_442 = vector.shape_cast %broadcast_in_dim3A_12 : vector<16xf32> to vector<1x16xf32>
    tpu.vector_store %arg11[%swap3A_438, %swap3A_439], %swap3A_442 {strides = array<i32>} : memref<8x256xf32, #tpu.memory_space<vmem>>, vector<1x16xf32>,
    %swap3A_443 = arith.constant 7 : i32
    %swap3A_444 = arith.index_cast %swap3A_443 : i32 to index
    %swap3A_445 = arith.constant 128 : index
    %swap3A_446 = tpu.vector_load %arg11[%swap3A_444, %swap3A_445] {strides = array<i32>} : memref<8x256xf32, #tpu.memory_space<vmem>>, vector<1x16xf32>,
    %swap3A_447 = vector.shape_cast %swap3A_446 : vector<1x16xf32> to vector<16xf32>
    %swap3A_448 = vector.shape_cast %broadcast_in_dim3A_12 : vector<16xf32> to vector<1x16xf32>
    tpu.vector_store %arg11[%swap3A_444, %swap3A_445], %swap3A_448 {strides = array<i32>} : memref<8x256xf32, #tpu.memory_space<vmem>>, vector<1x16xf32>,
    %swap3A_449 = arith.constant 0 : i32
    %swap3A_450 = arith.index_cast %swap3A_449 : i32 to index
    %swap3A_451 = arith.constant 144 : index
    %swap3A_452 = tpu.vector_load %arg11[%swap3A_450, %swap3A_451] {strides = array<i32>} : memref<8x256xf32, #tpu.memory_space<vmem>>, vector<1x16xf32>,
    %swap3A_453 = vector.shape_cast %swap3A_452 : vector<1x16xf32> to vector<16xf32>
    %swap3A_454 = vector.shape_cast %scan3A_16#9 : vector<16xf32> to vector<1x16xf32>
    tpu.vector_store %arg11[%swap3A_450, %swap3A_451], %swap3A_454 {strides = array<i32>} : memref<8x256xf32, #tpu.memory_space<vmem>>, vector<1x16xf32>,
    %swap3A_455 = arith.constant 1 : i32
    %swap3A_456 = arith.index_cast %swap3A_455 : i32 to index
    %swap3A_457 = arith.constant 144 : index
    %swap3A_458 = tpu.vector_load %arg11[%swap3A_456, %swap3A_457] {strides = array<i32>} : memref<8x256xf32, #tpu.memory_space<vmem>>, vector<1x16xf32>,
    %swap3A_459 = vector.shape_cast %swap3A_458 : vector<1x16xf32> to vector<16xf32>
    %swap3A_460 = vector.shape_cast %scan3A_16#25 : vector<16xf32> to vector<1x16xf32>
    tpu.vector_store %arg11[%swap3A_456, %swap3A_457], %swap3A_460 {strides = array<i32>} : memref<8x256xf32, #tpu.memory_space<vmem>>, vector<1x16xf32>,
    %swap3A_461 = arith.constant 2 : i32
    %swap3A_462 = arith.index_cast %swap3A_461 : i32 to index
    %swap3A_463 = arith.constant 144 : index
    %swap3A_464 = tpu.vector_load %arg11[%swap3A_462, %swap3A_463] {strides = array<i32>} : memref<8x256xf32, #tpu.memory_space<vmem>>, vector<1x16xf32>,
    %swap3A_465 = vector.shape_cast %swap3A_464 : vector<1x16xf32> to vector<16xf32>
    %swap3A_466 = vector.shape_cast %broadcast_in_dim3A_12 : vector<16xf32> to vector<1x16xf32>
    tpu.vector_store %arg11[%swap3A_462, %swap3A_463], %swap3A_466 {strides = array<i32>} : memref<8x256xf32, #tpu.memory_space<vmem>>, vector<1x16xf32>,
    %swap3A_467 = arith.constant 3 : i32
    %swap3A_468 = arith.index_cast %swap3A_467 : i32 to index
    %swap3A_469 = arith.constant 144 : index
    %swap3A_470 = tpu.vector_load %arg11[%swap3A_468, %swap3A_469] {strides = array<i32>} : memref<8x256xf32, #tpu.memory_space<vmem>>, vector<1x16xf32>,
    %swap3A_471 = vector.shape_cast %swap3A_470 : vector<1x16xf32> to vector<16xf32>
    %swap3A_472 = vector.shape_cast %broadcast_in_dim3A_12 : vector<16xf32> to vector<1x16xf32>
    tpu.vector_store %arg11[%swap3A_468, %swap3A_469], %swap3A_472 {strides = array<i32>} : memref<8x256xf32, #tpu.memory_space<vmem>>, vector<1x16xf32>,
    %swap3A_473 = arith.constant 4 : i32
    %swap3A_474 = arith.index_cast %swap3A_473 : i32 to index
    %swap3A_475 = arith.constant 144 : index
    %swap3A_476 = tpu.vector_load %arg11[%swap3A_474, %swap3A_475] {strides = array<i32>} : memref<8x256xf32, #tpu.memory_space<vmem>>, vector<1x16xf32>,
    %swap3A_477 = vector.shape_cast %swap3A_476 : vector<1x16xf32> to vector<16xf32>
    %swap3A_478 = vector.shape_cast %broadcast_in_dim3A_12 : vector<16xf32> to vector<1x16xf32>
    tpu.vector_store %arg11[%swap3A_474, %swap3A_475], %swap3A_478 {strides = array<i32>} : memref<8x256xf32, #tpu.memory_space<vmem>>, vector<1x16xf32>,
    %swap3A_479 = arith.constant 5 : i32
    %swap3A_480 = arith.index_cast %swap3A_479 : i32 to index
    %swap3A_481 = arith.constant 144 : index
    %swap3A_482 = tpu.vector_load %arg11[%swap3A_480, %swap3A_481] {strides = array<i32>} : memref<8x256xf32, #tpu.memory_space<vmem>>, vector<1x16xf32>,
    %swap3A_483 = vector.shape_cast %swap3A_482 : vector<1x16xf32> to vector<16xf32>
    %swap3A_484 = vector.shape_cast %broadcast_in_dim3A_12 : vector<16xf32> to vector<1x16xf32>
    tpu.vector_store %arg11[%swap3A_480, %swap3A_481], %swap3A_484 {strides = array<i32>} : memref<8x256xf32, #tpu.memory_space<vmem>>, vector<1x16xf32>,
    %swap3A_485 = arith.constant 6 : i32
    %swap3A_486 = arith.index_cast %swap3A_485 : i32 to index
    %swap3A_487 = arith.constant 144 : index
    %swap3A_488 = tpu.vector_load %arg11[%swap3A_486, %swap3A_487] {strides = array<i32>} : memref<8x256xf32, #tpu.memory_space<vmem>>, vector<1x16xf32>,
    %swap3A_489 = vector.shape_cast %swap3A_488 : vector<1x16xf32> to vector<16xf32>
    %swap3A_490 = vector.shape_cast %broadcast_in_dim3A_12 : vector<16xf32> to vector<1x16xf32>
    tpu.vector_store %arg11[%swap3A_486, %swap3A_487], %swap3A_490 {strides = array<i32>} : memref<8x256xf32, #tpu.memory_space<vmem>>, vector<1x16xf32>,
    %swap3A_491 = arith.constant 7 : i32
    %swap3A_492 = arith.index_cast %swap3A_491 : i32 to index
    %swap3A_493 = arith.constant 144 : index
    %swap3A_494 = tpu.vector_load %arg11[%swap3A_492, %swap3A_493] {strides = array<i32>} : memref<8x256xf32, #tpu.memory_space<vmem>>, vector<1x16xf32>,
    %swap3A_495 = vector.shape_cast %swap3A_494 : vector<1x16xf32> to vector<16xf32>
    %swap3A_496 = vector.shape_cast %broadcast_in_dim3A_12 : vector<16xf32> to vector<1x16xf32>
    tpu.vector_store %arg11[%swap3A_492, %swap3A_493], %swap3A_496 {strides = array<i32>} : memref<8x256xf32, #tpu.memory_space<vmem>>, vector<1x16xf32>,
    %swap3A_497 = arith.constant 0 : i32
    %swap3A_498 = arith.index_cast %swap3A_497 : i32 to index
    %swap3A_499 = arith.constant 160 : index
    %swap3A_500 = tpu.vector_load %arg11[%swap3A_498, %swap3A_499] {strides = array<i32>} : memref<8x256xf32, #tpu.memory_space<vmem>>, vector<1x16xf32>,
    %swap3A_501 = vector.shape_cast %swap3A_500 : vector<1x16xf32> to vector<16xf32>
    %swap3A_502 = vector.shape_cast %scan3A_16#10 : vector<16xf32> to vector<1x16xf32>
    tpu.vector_store %arg11[%swap3A_498, %swap3A_499], %swap3A_502 {strides = array<i32>} : memref<8x256xf32, #tpu.memory_space<vmem>>, vector<1x16xf32>,
    %swap3A_503 = arith.constant 1 : i32
    %swap3A_504 = arith.index_cast %swap3A_503 : i32 to index
    %swap3A_505 = arith.constant 160 : index
    %swap3A_506 = tpu.vector_load %arg11[%swap3A_504, %swap3A_505] {strides = array<i32>} : memref<8x256xf32, #tpu.memory_space<vmem>>, vector<1x16xf32>,
    %swap3A_507 = vector.shape_cast %swap3A_506 : vector<1x16xf32> to vector<16xf32>
    %swap3A_508 = vector.shape_cast %scan3A_16#26 : vector<16xf32> to vector<1x16xf32>
    tpu.vector_store %arg11[%swap3A_504, %swap3A_505], %swap3A_508 {strides = array<i32>} : memref<8x256xf32, #tpu.memory_space<vmem>>, vector<1x16xf32>,
    %swap3A_509 = arith.constant 2 : i32
    %swap3A_510 = arith.index_cast %swap3A_509 : i32 to index
    %swap3A_511 = arith.constant 160 : index
    %swap3A_512 = tpu.vector_load %arg11[%swap3A_510, %swap3A_511] {strides = array<i32>} : memref<8x256xf32, #tpu.memory_space<vmem>>, vector<1x16xf32>,
    %swap3A_513 = vector.shape_cast %swap3A_512 : vector<1x16xf32> to vector<16xf32>
    %swap3A_514 = vector.shape_cast %broadcast_in_dim3A_12 : vector<16xf32> to vector<1x16xf32>
    tpu.vector_store %arg11[%swap3A_510, %swap3A_511], %swap3A_514 {strides = array<i32>} : memref<8x256xf32, #tpu.memory_space<vmem>>, vector<1x16xf32>,
    %swap3A_515 = arith.constant 3 : i32
    %swap3A_516 = arith.index_cast %swap3A_515 : i32 to index
    %swap3A_517 = arith.constant 160 : index
    %swap3A_518 = tpu.vector_load %arg11[%swap3A_516, %swap3A_517] {strides = array<i32>} : memref<8x256xf32, #tpu.memory_space<vmem>>, vector<1x16xf32>,
    %swap3A_519 = vector.shape_cast %swap3A_518 : vector<1x16xf32> to vector<16xf32>
    %swap3A_520 = vector.shape_cast %broadcast_in_dim3A_12 : vector<16xf32> to vector<1x16xf32>
    tpu.vector_store %arg11[%swap3A_516, %swap3A_517], %swap3A_520 {strides = array<i32>} : memref<8x256xf32, #tpu.memory_space<vmem>>, vector<1x16xf32>,
    %swap3A_521 = arith.constant 4 : i32
    %swap3A_522 = arith.index_cast %swap3A_521 : i32 to index
    %swap3A_523 = arith.constant 160 : index
    %swap3A_524 = tpu.vector_load %arg11[%swap3A_522, %swap3A_523] {strides = array<i32>} : memref<8x256xf32, #tpu.memory_space<vmem>>, vector<1x16xf32>,
    %swap3A_525 = vector.shape_cast %swap3A_524 : vector<1x16xf32> to vector<16xf32>
    %swap3A_526 = vector.shape_cast %broadcast_in_dim3A_12 : vector<16xf32> to vector<1x16xf32>
    tpu.vector_store %arg11[%swap3A_522, %swap3A_523], %swap3A_526 {strides = array<i32>} : memref<8x256xf32, #tpu.memory_space<vmem>>, vector<1x16xf32>,
    %swap3A_527 = arith.constant 5 : i32
    %swap3A_528 = arith.index_cast %swap3A_527 : i32 to index
    %swap3A_529 = arith.constant 160 : index
    %swap3A_530 = tpu.vector_load %arg11[%swap3A_528, %swap3A_529] {strides = array<i32>} : memref<8x256xf32, #tpu.memory_space<vmem>>, vector<1x16xf32>,
    %swap3A_531 = vector.shape_cast %swap3A_530 : vector<1x16xf32> to vector<16xf32>
    %swap3A_532 = vector.shape_cast %broadcast_in_dim3A_12 : vector<16xf32> to vector<1x16xf32>
    tpu.vector_store %arg11[%swap3A_528, %swap3A_529], %swap3A_532 {strides = array<i32>} : memref<8x256xf32, #tpu.memory_space<vmem>>, vector<1x16xf32>,
    %swap3A_533 = arith.constant 6 : i32
    %swap3A_534 = arith.index_cast %swap3A_533 : i32 to index
    %swap3A_535 = arith.constant 160 : index
    %swap3A_536 = tpu.vector_load %arg11[%swap3A_534, %swap3A_535] {strides = array<i32>} : memref<8x256xf32, #tpu.memory_space<vmem>>, vector<1x16xf32>,
    %swap3A_537 = vector.shape_cast %swap3A_536 : vector<1x16xf32> to vector<16xf32>
    %swap3A_538 = vector.shape_cast %broadcast_in_dim3A_12 : vector<16xf32> to vector<1x16xf32>
    tpu.vector_store %arg11[%swap3A_534, %swap3A_535], %swap3A_538 {strides = array<i32>} : memref<8x256xf32, #tpu.memory_space<vmem>>, vector<1x16xf32>,
    %swap3A_539 = arith.constant 7 : i32
    %swap3A_540 = arith.index_cast %swap3A_539 : i32 to index
    %swap3A_541 = arith.constant 160 : index
    %swap3A_542 = tpu.vector_load %arg11[%swap3A_540, %swap3A_541] {strides = array<i32>} : memref<8x256xf32, #tpu.memory_space<vmem>>, vector<1x16xf32>,
    %swap3A_543 = vector.shape_cast %swap3A_542 : vector<1x16xf32> to vector<16xf32>
    %swap3A_544 = vector.shape_cast %broadcast_in_dim3A_12 : vector<16xf32> to vector<1x16xf32>
    tpu.vector_store %arg11[%swap3A_540, %swap3A_541], %swap3A_544 {strides = array<i32>} : memref<8x256xf32, #tpu.memory_space<vmem>>, vector<1x16xf32>,
    %swap3A_545 = arith.constant 0 : i32
    %swap3A_546 = arith.index_cast %swap3A_545 : i32 to index
    %swap3A_547 = arith.constant 176 : index
    %swap3A_548 = tpu.vector_load %arg11[%swap3A_546, %swap3A_547] {strides = array<i32>} : memref<8x256xf32, #tpu.memory_space<vmem>>, vector<1x16xf32>,
    %swap3A_549 = vector.shape_cast %swap3A_548 : vector<1x16xf32> to vector<16xf32>
    %swap3A_550 = vector.shape_cast %scan3A_16#11 : vector<16xf32> to vector<1x16xf32>
    tpu.vector_store %arg11[%swap3A_546, %swap3A_547], %swap3A_550 {strides = array<i32>} : memref<8x256xf32, #tpu.memory_space<vmem>>, vector<1x16xf32>,
    %swap3A_551 = arith.constant 1 : i32
    %swap3A_552 = arith.index_cast %swap3A_551 : i32 to index
    %swap3A_553 = arith.constant 176 : index
    %swap3A_554 = tpu.vector_load %arg11[%swap3A_552, %swap3A_553] {strides = array<i32>} : memref<8x256xf32, #tpu.memory_space<vmem>>, vector<1x16xf32>,
    %swap3A_555 = vector.shape_cast %swap3A_554 : vector<1x16xf32> to vector<16xf32>
    %swap3A_556 = vector.shape_cast %scan3A_16#27 : vector<16xf32> to vector<1x16xf32>
    tpu.vector_store %arg11[%swap3A_552, %swap3A_553], %swap3A_556 {strides = array<i32>} : memref<8x256xf32, #tpu.memory_space<vmem>>, vector<1x16xf32>,
    %swap3A_557 = arith.constant 2 : i32
    %swap3A_558 = arith.index_cast %swap3A_557 : i32 to index
    %swap3A_559 = arith.constant 176 : index
    %swap3A_560 = tpu.vector_load %arg11[%swap3A_558, %swap3A_559] {strides = array<i32>} : memref<8x256xf32, #tpu.memory_space<vmem>>, vector<1x16xf32>,
    %swap3A_561 = vector.shape_cast %swap3A_560 : vector<1x16xf32> to vector<16xf32>
    %swap3A_562 = vector.shape_cast %broadcast_in_dim3A_12 : vector<16xf32> to vector<1x16xf32>
    tpu.vector_store %arg11[%swap3A_558, %swap3A_559], %swap3A_562 {strides = array<i32>} : memref<8x256xf32, #tpu.memory_space<vmem>>, vector<1x16xf32>,
    %swap3A_563 = arith.constant 3 : i32
    %swap3A_564 = arith.index_cast %swap3A_563 : i32 to index
    %swap3A_565 = arith.constant 176 : index
    %swap3A_566 = tpu.vector_load %arg11[%swap3A_564, %swap3A_565] {strides = array<i32>} : memref<8x256xf32, #tpu.memory_space<vmem>>, vector<1x16xf32>,
    %swap3A_567 = vector.shape_cast %swap3A_566 : vector<1x16xf32> to vector<16xf32>
    %swap3A_568 = vector.shape_cast %broadcast_in_dim3A_12 : vector<16xf32> to vector<1x16xf32>
    tpu.vector_store %arg11[%swap3A_564, %swap3A_565], %swap3A_568 {strides = array<i32>} : memref<8x256xf32, #tpu.memory_space<vmem>>, vector<1x16xf32>,
    %swap3A_569 = arith.constant 4 : i32
    %swap3A_570 = arith.index_cast %swap3A_569 : i32 to index
    %swap3A_571 = arith.constant 176 : index
    %swap3A_572 = tpu.vector_load %arg11[%swap3A_570, %swap3A_571] {strides = array<i32>} : memref<8x256xf32, #tpu.memory_space<vmem>>, vector<1x16xf32>,
    %swap3A_573 = vector.shape_cast %swap3A_572 : vector<1x16xf32> to vector<16xf32>
    %swap3A_574 = vector.shape_cast %broadcast_in_dim3A_12 : vector<16xf32> to vector<1x16xf32>
    tpu.vector_store %arg11[%swap3A_570, %swap3A_571], %swap3A_574 {strides = array<i32>} : memref<8x256xf32, #tpu.memory_space<vmem>>, vector<1x16xf32>,
    %swap3A_575 = arith.constant 5 : i32
    %swap3A_576 = arith.index_cast %swap3A_575 : i32 to index
    %swap3A_577 = arith.constant 176 : index
    %swap3A_578 = tpu.vector_load %arg11[%swap3A_576, %swap3A_577] {strides = array<i32>} : memref<8x256xf32, #tpu.memory_space<vmem>>, vector<1x16xf32>,
    %swap3A_579 = vector.shape_cast %swap3A_578 : vector<1x16xf32> to vector<16xf32>
    %swap3A_580 = vector.shape_cast %broadcast_in_dim3A_12 : vector<16xf32> to vector<1x16xf32>
    tpu.vector_store %arg11[%swap3A_576, %swap3A_577], %swap3A_580 {strides = array<i32>} : memref<8x256xf32, #tpu.memory_space<vmem>>, vector<1x16xf32>,
    %swap3A_581 = arith.constant 6 : i32
    %swap3A_582 = arith.index_cast %swap3A_581 : i32 to index
    %swap3A_583 = arith.constant 176 : index
    %swap3A_584 = tpu.vector_load %arg11[%swap3A_582, %swap3A_583] {strides = array<i32>} : memref<8x256xf32, #tpu.memory_space<vmem>>, vector<1x16xf32>,
    %swap3A_585 = vector.shape_cast %swap3A_584 : vector<1x16xf32> to vector<16xf32>
    %swap3A_586 = vector.shape_cast %broadcast_in_dim3A_12 : vector<16xf32> to vector<1x16xf32>
    tpu.vector_store %arg11[%swap3A_582, %swap3A_583], %swap3A_586 {strides = array<i32>} : memref<8x256xf32, #tpu.memory_space<vmem>>, vector<1x16xf32>,
    %swap3A_587 = arith.constant 7 : i32
    %swap3A_588 = arith.index_cast %swap3A_587 : i32 to index
    %swap3A_589 = arith.constant 176 : index
    %swap3A_590 = tpu.vector_load %arg11[%swap3A_588, %swap3A_589] {strides = array<i32>} : memref<8x256xf32, #tpu.memory_space<vmem>>, vector<1x16xf32>,
    %swap3A_591 = vector.shape_cast %swap3A_590 : vector<1x16xf32> to vector<16xf32>
    %swap3A_592 = vector.shape_cast %broadcast_in_dim3A_12 : vector<16xf32> to vector<1x16xf32>
    tpu.vector_store %arg11[%swap3A_588, %swap3A_589], %swap3A_592 {strides = array<i32>} : memref<8x256xf32, #tpu.memory_space<vmem>>, vector<1x16xf32>,
    %swap3A_593 = arith.constant 0 : i32
    %swap3A_594 = arith.index_cast %swap3A_593 : i32 to index
    %swap3A_595 = arith.constant 192 : index
    %swap3A_596 = tpu.vector_load %arg11[%swap3A_594, %swap3A_595] {strides = array<i32>} : memref<8x256xf32, #tpu.memory_space<vmem>>, vector<1x16xf32>,
    %swap3A_597 = vector.shape_cast %swap3A_596 : vector<1x16xf32> to vector<16xf32>
    %swap3A_598 = vector.shape_cast %scan3A_16#12 : vector<16xf32> to vector<1x16xf32>
    tpu.vector_store %arg11[%swap3A_594, %swap3A_595], %swap3A_598 {strides = array<i32>} : memref<8x256xf32, #tpu.memory_space<vmem>>, vector<1x16xf32>,
    %swap3A_599 = arith.constant 1 : i32
    %swap3A_600 = arith.index_cast %swap3A_599 : i32 to index
    %swap3A_601 = arith.constant 192 : index
    %swap3A_602 = tpu.vector_load %arg11[%swap3A_600, %swap3A_601] {strides = array<i32>} : memref<8x256xf32, #tpu.memory_space<vmem>>, vector<1x16xf32>,
    %swap3A_603 = vector.shape_cast %swap3A_602 : vector<1x16xf32> to vector<16xf32>
    %swap3A_604 = vector.shape_cast %scan3A_16#28 : vector<16xf32> to vector<1x16xf32>
    tpu.vector_store %arg11[%swap3A_600, %swap3A_601], %swap3A_604 {strides = array<i32>} : memref<8x256xf32, #tpu.memory_space<vmem>>, vector<1x16xf32>,
    %swap3A_605 = arith.constant 2 : i32
    %swap3A_606 = arith.index_cast %swap3A_605 : i32 to index
    %swap3A_607 = arith.constant 192 : index
    %swap3A_608 = tpu.vector_load %arg11[%swap3A_606, %swap3A_607] {strides = array<i32>} : memref<8x256xf32, #tpu.memory_space<vmem>>, vector<1x16xf32>,
    %swap3A_609 = vector.shape_cast %swap3A_608 : vector<1x16xf32> to vector<16xf32>
    %swap3A_610 = vector.shape_cast %broadcast_in_dim3A_12 : vector<16xf32> to vector<1x16xf32>
    tpu.vector_store %arg11[%swap3A_606, %swap3A_607], %swap3A_610 {strides = array<i32>} : memref<8x256xf32, #tpu.memory_space<vmem>>, vector<1x16xf32>,
    %swap3A_611 = arith.constant 3 : i32
    %swap3A_612 = arith.index_cast %swap3A_611 : i32 to index
    %swap3A_613 = arith.constant 192 : index
    %swap3A_614 = tpu.vector_load %arg11[%swap3A_612, %swap3A_613] {strides = array<i32>} : memref<8x256xf32, #tpu.memory_space<vmem>>, vector<1x16xf32>,
    %swap3A_615 = vector.shape_cast %swap3A_614 : vector<1x16xf32> to vector<16xf32>
    %swap3A_616 = vector.shape_cast %broadcast_in_dim3A_12 : vector<16xf32> to vector<1x16xf32>
    tpu.vector_store %arg11[%swap3A_612, %swap3A_613], %swap3A_616 {strides = array<i32>} : memref<8x256xf32, #tpu.memory_space<vmem>>, vector<1x16xf32>,
    %swap3A_617 = arith.constant 4 : i32
    %swap3A_618 = arith.index_cast %swap3A_617 : i32 to index
    %swap3A_619 = arith.constant 192 : index
    %swap3A_620 = tpu.vector_load %arg11[%swap3A_618, %swap3A_619] {strides = array<i32>} : memref<8x256xf32, #tpu.memory_space<vmem>>, vector<1x16xf32>,
    %swap3A_621 = vector.shape_cast %swap3A_620 : vector<1x16xf32> to vector<16xf32>
    %swap3A_622 = vector.shape_cast %broadcast_in_dim3A_12 : vector<16xf32> to vector<1x16xf32>
    tpu.vector_store %arg11[%swap3A_618, %swap3A_619], %swap3A_622 {strides = array<i32>} : memref<8x256xf32, #tpu.memory_space<vmem>>, vector<1x16xf32>,
    %swap3A_623 = arith.constant 5 : i32
    %swap3A_624 = arith.index_cast %swap3A_623 : i32 to index
    %swap3A_625 = arith.constant 192 : index
    %swap3A_626 = tpu.vector_load %arg11[%swap3A_624, %swap3A_625] {strides = array<i32>} : memref<8x256xf32, #tpu.memory_space<vmem>>, vector<1x16xf32>,
    %swap3A_627 = vector.shape_cast %swap3A_626 : vector<1x16xf32> to vector<16xf32>
    %swap3A_628 = vector.shape_cast %broadcast_in_dim3A_12 : vector<16xf32> to vector<1x16xf32>
    tpu.vector_store %arg11[%swap3A_624, %swap3A_625], %swap3A_628 {strides = array<i32>} : memref<8x256xf32, #tpu.memory_space<vmem>>, vector<1x16xf32>,
    %swap3A_629 = arith.constant 6 : i32
    %swap3A_630 = arith.index_cast %swap3A_629 : i32 to index
    %swap3A_631 = arith.constant 192 : index
    %swap3A_632 = tpu.vector_load %arg11[%swap3A_630, %swap3A_631] {strides = array<i32>} : memref<8x256xf32, #tpu.memory_space<vmem>>, vector<1x16xf32>,
    %swap3A_633 = vector.shape_cast %swap3A_632 : vector<1x16xf32> to vector<16xf32>
    %swap3A_634 = vector.shape_cast %broadcast_in_dim3A_12 : vector<16xf32> to vector<1x16xf32>
    tpu.vector_store %arg11[%swap3A_630, %swap3A_631], %swap3A_634 {strides = array<i32>} : memref<8x256xf32, #tpu.memory_space<vmem>>, vector<1x16xf32>,
    %swap3A_635 = arith.constant 7 : i32
    %swap3A_636 = arith.index_cast %swap3A_635 : i32 to index
    %swap3A_637 = arith.constant 192 : index
    %swap3A_638 = tpu.vector_load %arg11[%swap3A_636, %swap3A_637] {strides = array<i32>} : memref<8x256xf32, #tpu.memory_space<vmem>>, vector<1x16xf32>,
    %swap3A_639 = vector.shape_cast %swap3A_638 : vector<1x16xf32> to vector<16xf32>
    %swap3A_640 = vector.shape_cast %broadcast_in_dim3A_12 : vector<16xf32> to vector<1x16xf32>
    tpu.vector_store %arg11[%swap3A_636, %swap3A_637], %swap3A_640 {strides = array<i32>} : memref<8x256xf32, #tpu.memory_space<vmem>>, vector<1x16xf32>,
    %swap3A_641 = arith.constant 0 : i32
    %swap3A_642 = arith.index_cast %swap3A_641 : i32 to index
    %swap3A_643 = arith.constant 208 : index
    %swap3A_644 = tpu.vector_load %arg11[%swap3A_642, %swap3A_643] {strides = array<i32>} : memref<8x256xf32, #tpu.memory_space<vmem>>, vector<1x16xf32>,
    %swap3A_645 = vector.shape_cast %swap3A_644 : vector<1x16xf32> to vector<16xf32>
    %swap3A_646 = vector.shape_cast %scan3A_16#13 : vector<16xf32> to vector<1x16xf32>
    tpu.vector_store %arg11[%swap3A_642, %swap3A_643], %swap3A_646 {strides = array<i32>} : memref<8x256xf32, #tpu.memory_space<vmem>>, vector<1x16xf32>,
    %swap3A_647 = arith.constant 1 : i32
    %swap3A_648 = arith.index_cast %swap3A_647 : i32 to index
    %swap3A_649 = arith.constant 208 : index
    %swap3A_650 = tpu.vector_load %arg11[%swap3A_648, %swap3A_649] {strides = array<i32>} : memref<8x256xf32, #tpu.memory_space<vmem>>, vector<1x16xf32>,
    %swap3A_651 = vector.shape_cast %swap3A_650 : vector<1x16xf32> to vector<16xf32>
    %swap3A_652 = vector.shape_cast %scan3A_16#29 : vector<16xf32> to vector<1x16xf32>
    tpu.vector_store %arg11[%swap3A_648, %swap3A_649], %swap3A_652 {strides = array<i32>} : memref<8x256xf32, #tpu.memory_space<vmem>>, vector<1x16xf32>,
    %swap3A_653 = arith.constant 2 : i32
    %swap3A_654 = arith.index_cast %swap3A_653 : i32 to index
    %swap3A_655 = arith.constant 208 : index
    %swap3A_656 = tpu.vector_load %arg11[%swap3A_654, %swap3A_655] {strides = array<i32>} : memref<8x256xf32, #tpu.memory_space<vmem>>, vector<1x16xf32>,
    %swap3A_657 = vector.shape_cast %swap3A_656 : vector<1x16xf32> to vector<16xf32>
    %swap3A_658 = vector.shape_cast %broadcast_in_dim3A_12 : vector<16xf32> to vector<1x16xf32>
    tpu.vector_store %arg11[%swap3A_654, %swap3A_655], %swap3A_658 {strides = array<i32>} : memref<8x256xf32, #tpu.memory_space<vmem>>, vector<1x16xf32>,
    %swap3A_659 = arith.constant 3 : i32
    %swap3A_660 = arith.index_cast %swap3A_659 : i32 to index
    %swap3A_661 = arith.constant 208 : index
    %swap3A_662 = tpu.vector_load %arg11[%swap3A_660, %swap3A_661] {strides = array<i32>} : memref<8x256xf32, #tpu.memory_space<vmem>>, vector<1x16xf32>,
    %swap3A_663 = vector.shape_cast %swap3A_662 : vector<1x16xf32> to vector<16xf32>
    %swap3A_664 = vector.shape_cast %broadcast_in_dim3A_12 : vector<16xf32> to vector<1x16xf32>
    tpu.vector_store %arg11[%swap3A_660, %swap3A_661], %swap3A_664 {strides = array<i32>} : memref<8x256xf32, #tpu.memory_space<vmem>>, vector<1x16xf32>,
    %swap3A_665 = arith.constant 4 : i32
    %swap3A_666 = arith.index_cast %swap3A_665 : i32 to index
    %swap3A_667 = arith.constant 208 : index
    %swap3A_668 = tpu.vector_load %arg11[%swap3A_666, %swap3A_667] {strides = array<i32>} : memref<8x256xf32, #tpu.memory_space<vmem>>, vector<1x16xf32>,
    %swap3A_669 = vector.shape_cast %swap3A_668 : vector<1x16xf32> to vector<16xf32>
    %swap3A_670 = vector.shape_cast %broadcast_in_dim3A_12 : vector<16xf32> to vector<1x16xf32>
    tpu.vector_store %arg11[%swap3A_666, %swap3A_667], %swap3A_670 {strides = array<i32>} : memref<8x256xf32, #tpu.memory_space<vmem>>, vector<1x16xf32>,
    %swap3A_671 = arith.constant 5 : i32
    %swap3A_672 = arith.index_cast %swap3A_671 : i32 to index
    %swap3A_673 = arith.constant 208 : index
    %swap3A_674 = tpu.vector_load %arg11[%swap3A_672, %swap3A_673] {strides = array<i32>} : memref<8x256xf32, #tpu.memory_space<vmem>>, vector<1x16xf32>,
    %swap3A_675 = vector.shape_cast %swap3A_674 : vector<1x16xf32> to vector<16xf32>
    %swap3A_676 = vector.shape_cast %broadcast_in_dim3A_12 : vector<16xf32> to vector<1x16xf32>
    tpu.vector_store %arg11[%swap3A_672, %swap3A_673], %swap3A_676 {strides = array<i32>} : memref<8x256xf32, #tpu.memory_space<vmem>>, vector<1x16xf32>,
    %swap3A_677 = arith.constant 6 : i32
    %swap3A_678 = arith.index_cast %swap3A_677 : i32 to index
    %swap3A_679 = arith.constant 208 : index
    %swap3A_680 = tpu.vector_load %arg11[%swap3A_678, %swap3A_679] {strides = array<i32>} : memref<8x256xf32, #tpu.memory_space<vmem>>, vector<1x16xf32>,
    %swap3A_681 = vector.shape_cast %swap3A_680 : vector<1x16xf32> to vector<16xf32>
    %swap3A_682 = vector.shape_cast %broadcast_in_dim3A_12 : vector<16xf32> to vector<1x16xf32>
    tpu.vector_store %arg11[%swap3A_678, %swap3A_679], %swap3A_682 {strides = array<i32>} : memref<8x256xf32, #tpu.memory_space<vmem>>, vector<1x16xf32>,
    %swap3A_683 = arith.constant 7 : i32
    %swap3A_684 = arith.index_cast %swap3A_683 : i32 to index
    %swap3A_685 = arith.constant 208 : index
    %swap3A_686 = tpu.vector_load %arg11[%swap3A_684, %swap3A_685] {strides = array<i32>} : memref<8x256xf32, #tpu.memory_space<vmem>>, vector<1x16xf32>,
    %swap3A_687 = vector.shape_cast %swap3A_686 : vector<1x16xf32> to vector<16xf32>
    %swap3A_688 = vector.shape_cast %broadcast_in_dim3A_12 : vector<16xf32> to vector<1x16xf32>
    tpu.vector_store %arg11[%swap3A_684, %swap3A_685], %swap3A_688 {strides = array<i32>} : memref<8x256xf32, #tpu.memory_space<vmem>>, vector<1x16xf32>,
    %swap3A_689 = arith.constant 0 : i32
    %swap3A_690 = arith.index_cast %swap3A_689 : i32 to index
    %swap3A_691 = arith.constant 224 : index
    %swap3A_692 = tpu.vector_load %arg11[%swap3A_690, %swap3A_691] {strides = array<i32>} : memref<8x256xf32, #tpu.memory_space<vmem>>, vector<1x16xf32>,
    %swap3A_693 = vector.shape_cast %swap3A_692 : vector<1x16xf32> to vector<16xf32>
    %swap3A_694 = vector.shape_cast %scan3A_16#14 : vector<16xf32> to vector<1x16xf32>
    tpu.vector_store %arg11[%swap3A_690, %swap3A_691], %swap3A_694 {strides = array<i32>} : memref<8x256xf32, #tpu.memory_space<vmem>>, vector<1x16xf32>,
    %swap3A_695 = arith.constant 1 : i32
    %swap3A_696 = arith.index_cast %swap3A_695 : i32 to index
    %swap3A_697 = arith.constant 224 : index
    %swap3A_698 = tpu.vector_load %arg11[%swap3A_696, %swap3A_697] {strides = array<i32>} : memref<8x256xf32, #tpu.memory_space<vmem>>, vector<1x16xf32>,
    %swap3A_699 = vector.shape_cast %swap3A_698 : vector<1x16xf32> to vector<16xf32>
    %swap3A_700 = vector.shape_cast %scan3A_16#30 : vector<16xf32> to vector<1x16xf32>
    tpu.vector_store %arg11[%swap3A_696, %swap3A_697], %swap3A_700 {strides = array<i32>} : memref<8x256xf32, #tpu.memory_space<vmem>>, vector<1x16xf32>,
    %swap3A_701 = arith.constant 2 : i32
    %swap3A_702 = arith.index_cast %swap3A_701 : i32 to index
    %swap3A_703 = arith.constant 224 : index
    %swap3A_704 = tpu.vector_load %arg11[%swap3A_702, %swap3A_703] {strides = array<i32>} : memref<8x256xf32, #tpu.memory_space<vmem>>, vector<1x16xf32>,
    %swap3A_705 = vector.shape_cast %swap3A_704 : vector<1x16xf32> to vector<16xf32>
    %swap3A_706 = vector.shape_cast %broadcast_in_dim3A_12 : vector<16xf32> to vector<1x16xf32>
    tpu.vector_store %arg11[%swap3A_702, %swap3A_703], %swap3A_706 {strides = array<i32>} : memref<8x256xf32, #tpu.memory_space<vmem>>, vector<1x16xf32>,
    %swap3A_707 = arith.constant 3 : i32
    %swap3A_708 = arith.index_cast %swap3A_707 : i32 to index
    %swap3A_709 = arith.constant 224 : index
    %swap3A_710 = tpu.vector_load %arg11[%swap3A_708, %swap3A_709] {strides = array<i32>} : memref<8x256xf32, #tpu.memory_space<vmem>>, vector<1x16xf32>,
    %swap3A_711 = vector.shape_cast %swap3A_710 : vector<1x16xf32> to vector<16xf32>
    %swap3A_712 = vector.shape_cast %broadcast_in_dim3A_12 : vector<16xf32> to vector<1x16xf32>
    tpu.vector_store %arg11[%swap3A_708, %swap3A_709], %swap3A_712 {strides = array<i32>} : memref<8x256xf32, #tpu.memory_space<vmem>>, vector<1x16xf32>,
    %swap3A_713 = arith.constant 4 : i32
    %swap3A_714 = arith.index_cast %swap3A_713 : i32 to index
    %swap3A_715 = arith.constant 224 : index
    %swap3A_716 = tpu.vector_load %arg11[%swap3A_714, %swap3A_715] {strides = array<i32>} : memref<8x256xf32, #tpu.memory_space<vmem>>, vector<1x16xf32>,
    %swap3A_717 = vector.shape_cast %swap3A_716 : vector<1x16xf32> to vector<16xf32>
    %swap3A_718 = vector.shape_cast %broadcast_in_dim3A_12 : vector<16xf32> to vector<1x16xf32>
    tpu.vector_store %arg11[%swap3A_714, %swap3A_715], %swap3A_718 {strides = array<i32>} : memref<8x256xf32, #tpu.memory_space<vmem>>, vector<1x16xf32>,
    %swap3A_719 = arith.constant 5 : i32
    %swap3A_720 = arith.index_cast %swap3A_719 : i32 to index
    %swap3A_721 = arith.constant 224 : index
    %swap3A_722 = tpu.vector_load %arg11[%swap3A_720, %swap3A_721] {strides = array<i32>} : memref<8x256xf32, #tpu.memory_space<vmem>>, vector<1x16xf32>,
    %swap3A_723 = vector.shape_cast %swap3A_722 : vector<1x16xf32> to vector<16xf32>
    %swap3A_724 = vector.shape_cast %broadcast_in_dim3A_12 : vector<16xf32> to vector<1x16xf32>
    tpu.vector_store %arg11[%swap3A_720, %swap3A_721], %swap3A_724 {strides = array<i32>} : memref<8x256xf32, #tpu.memory_space<vmem>>, vector<1x16xf32>,
    %swap3A_725 = arith.constant 6 : i32
    %swap3A_726 = arith.index_cast %swap3A_725 : i32 to index
    %swap3A_727 = arith.constant 224 : index
    %swap3A_728 = tpu.vector_load %arg11[%swap3A_726, %swap3A_727] {strides = array<i32>} : memref<8x256xf32, #tpu.memory_space<vmem>>, vector<1x16xf32>,
    %swap3A_729 = vector.shape_cast %swap3A_728 : vector<1x16xf32> to vector<16xf32>
    %swap3A_730 = vector.shape_cast %broadcast_in_dim3A_12 : vector<16xf32> to vector<1x16xf32>
    tpu.vector_store %arg11[%swap3A_726, %swap3A_727], %swap3A_730 {strides = array<i32>} : memref<8x256xf32, #tpu.memory_space<vmem>>, vector<1x16xf32>,
    %swap3A_731 = arith.constant 7 : i32
    %swap3A_732 = arith.index_cast %swap3A_731 : i32 to index
    %swap3A_733 = arith.constant 224 : index
    %swap3A_734 = tpu.vector_load %arg11[%swap3A_732, %swap3A_733] {strides = array<i32>} : memref<8x256xf32, #tpu.memory_space<vmem>>, vector<1x16xf32>,
    %swap3A_735 = vector.shape_cast %swap3A_734 : vector<1x16xf32> to vector<16xf32>
    %swap3A_736 = vector.shape_cast %broadcast_in_dim3A_12 : vector<16xf32> to vector<1x16xf32>
    tpu.vector_store %arg11[%swap3A_732, %swap3A_733], %swap3A_736 {strides = array<i32>} : memref<8x256xf32, #tpu.memory_space<vmem>>, vector<1x16xf32>,
    %swap3A_737 = arith.constant 0 : i32
    %swap3A_738 = arith.index_cast %swap3A_737 : i32 to index
    %swap3A_739 = arith.constant 240 : index
    %swap3A_740 = tpu.vector_load %arg11[%swap3A_738, %swap3A_739] {strides = array<i32>} : memref<8x256xf32, #tpu.memory_space<vmem>>, vector<1x16xf32>,
    %swap3A_741 = vector.shape_cast %swap3A_740 : vector<1x16xf32> to vector<16xf32>
    %swap3A_742 = vector.shape_cast %scan3A_16#15 : vector<16xf32> to vector<1x16xf32>
    tpu.vector_store %arg11[%swap3A_738, %swap3A_739], %swap3A_742 {strides = array<i32>} : memref<8x256xf32, #tpu.memory_space<vmem>>, vector<1x16xf32>,
    %swap3A_743 = arith.constant 1 : i32
    %swap3A_744 = arith.index_cast %swap3A_743 : i32 to index
    %swap3A_745 = arith.constant 240 : index
    %swap3A_746 = tpu.vector_load %arg11[%swap3A_744, %swap3A_745] {strides = array<i32>} : memref<8x256xf32, #tpu.memory_space<vmem>>, vector<1x16xf32>,
    %swap3A_747 = vector.shape_cast %swap3A_746 : vector<1x16xf32> to vector<16xf32>
    %swap3A_748 = vector.shape_cast %scan3A_16#31 : vector<16xf32> to vector<1x16xf32>
    tpu.vector_store %arg11[%swap3A_744, %swap3A_745], %swap3A_748 {strides = array<i32>} : memref<8x256xf32, #tpu.memory_space<vmem>>, vector<1x16xf32>,
    %swap3A_749 = arith.constant 2 : i32
    %swap3A_750 = arith.index_cast %swap3A_749 : i32 to index
    %swap3A_751 = arith.constant 240 : index
    %swap3A_752 = tpu.vector_load %arg11[%swap3A_750, %swap3A_751] {strides = array<i32>} : memref<8x256xf32, #tpu.memory_space<vmem>>, vector<1x16xf32>,
    %swap3A_753 = vector.shape_cast %swap3A_752 : vector<1x16xf32> to vector<16xf32>
    %swap3A_754 = vector.shape_cast %broadcast_in_dim3A_12 : vector<16xf32> to vector<1x16xf32>
    tpu.vector_store %arg11[%swap3A_750, %swap3A_751], %swap3A_754 {strides = array<i32>} : memref<8x256xf32, #tpu.memory_space<vmem>>, vector<1x16xf32>,
    %swap3A_755 = arith.constant 3 : i32
    %swap3A_756 = arith.index_cast %swap3A_755 : i32 to index
    %swap3A_757 = arith.constant 240 : index
    %swap3A_758 = tpu.vector_load %arg11[%swap3A_756, %swap3A_757] {strides = array<i32>} : memref<8x256xf32, #tpu.memory_space<vmem>>, vector<1x16xf32>,
    %swap3A_759 = vector.shape_cast %swap3A_758 : vector<1x16xf32> to vector<16xf32>
    %swap3A_760 = vector.shape_cast %broadcast_in_dim3A_12 : vector<16xf32> to vector<1x16xf32>
    tpu.vector_store %arg11[%swap3A_756, %swap3A_757], %swap3A_760 {strides = array<i32>} : memref<8x256xf32, #tpu.memory_space<vmem>>, vector<1x16xf32>,
    %swap3A_761 = arith.constant 4 : i32
    %swap3A_762 = arith.index_cast %swap3A_761 : i32 to index
    %swap3A_763 = arith.constant 240 : index
    %swap3A_764 = tpu.vector_load %arg11[%swap3A_762, %swap3A_763] {strides = array<i32>} : memref<8x256xf32, #tpu.memory_space<vmem>>, vector<1x16xf32>,
    %swap3A_765 = vector.shape_cast %swap3A_764 : vector<1x16xf32> to vector<16xf32>
    %swap3A_766 = vector.shape_cast %broadcast_in_dim3A_12 : vector<16xf32> to vector<1x16xf32>
    tpu.vector_store %arg11[%swap3A_762, %swap3A_763], %swap3A_766 {strides = array<i32>} : memref<8x256xf32, #tpu.memory_space<vmem>>, vector<1x16xf32>,
    %swap3A_767 = arith.constant 5 : i32
    %swap3A_768 = arith.index_cast %swap3A_767 : i32 to index
    %swap3A_769 = arith.constant 240 : index
    %swap3A_770 = tpu.vector_load %arg11[%swap3A_768, %swap3A_769] {strides = array<i32>} : memref<8x256xf32, #tpu.memory_space<vmem>>, vector<1x16xf32>,
    %swap3A_771 = vector.shape_cast %swap3A_770 : vector<1x16xf32> to vector<16xf32>
    %swap3A_772 = vector.shape_cast %broadcast_in_dim3A_12 : vector<16xf32> to vector<1x16xf32>
    tpu.vector_store %arg11[%swap3A_768, %swap3A_769], %swap3A_772 {strides = array<i32>} : memref<8x256xf32, #tpu.memory_space<vmem>>, vector<1x16xf32>,
    %swap3A_773 = arith.constant 6 : i32
    %swap3A_774 = arith.index_cast %swap3A_773 : i32 to index
    %swap3A_775 = arith.constant 240 : index
    %swap3A_776 = tpu.vector_load %arg11[%swap3A_774, %swap3A_775] {strides = array<i32>} : memref<8x256xf32, #tpu.memory_space<vmem>>, vector<1x16xf32>,
    %swap3A_777 = vector.shape_cast %swap3A_776 : vector<1x16xf32> to vector<16xf32>
    %swap3A_778 = vector.shape_cast %broadcast_in_dim3A_12 : vector<16xf32> to vector<1x16xf32>
    tpu.vector_store %arg11[%swap3A_774, %swap3A_775], %swap3A_778 {strides = array<i32>} : memref<8x256xf32, #tpu.memory_space<vmem>>, vector<1x16xf32>,
    %swap3A_779 = arith.constant 7 : i32
    %swap3A_780 = arith.index_cast %swap3A_779 : i32 to index
    %swap3A_781 = arith.constant 240 : index
    %swap3A_782 = tpu.vector_load %arg11[%swap3A_780, %swap3A_781] {strides = array<i32>} : memref<8x256xf32, #tpu.memory_space<vmem>>, vector<1x16xf32>,
    %swap3A_783 = vector.shape_cast %swap3A_782 : vector<1x16xf32> to vector<16xf32>
    %swap3A_784 = vector.shape_cast %broadcast_in_dim3A_12 : vector<16xf32> to vector<1x16xf32>
    tpu.vector_store %arg11[%swap3A_780, %swap3A_781], %swap3A_784 {strides = array<i32>} : memref<8x256xf32, #tpu.memory_space<vmem>>, vector<1x16xf32>,
    "tpu.region"() ({
      %run_scoped3A = tpu.sem_alloc : memref<!tpu.dma_semaphore, #tpu.memory_space<semaphore_mem>>
      %dma_start3A_785 = arith.constant 0 : i32
      %dma_start3A_786 = arith.constant 0 : i32
      %dma_start3A_787 = tpu.memref_slice %arg6[%add3A, %dma_start3A_785, %dma_start3A_786] : memref<32x8x256xf32, #tpu.memory_space<hbm>> -> memref<1x8x256xf32, #tpu.memory_space<hbm>>
      %dma_start3A_788 = tpu.memref_squeeze %dma_start3A_787 : memref<1x8x256xf32, #tpu.memory_space<hbm>> -> memref<8x256xf32, #tpu.memory_space<hbm>>
      %dma_start3A_789 = arith.constant 0 : i32
      %dma_start3A_790 = arith.constant 0 : i32
      %dma_start3A_791 = tpu.memref_slice %arg6[%add3A, %dma_start3A_789, %dma_start3A_790] : memref<32x8x256xf32, #tpu.memory_space<hbm>> -> memref<1x8x256xf32, #tpu.memory_space<hbm>>
      %dma_start3A_792 = tpu.memref_squeeze %dma_start3A_791 : memref<1x8x256xf32, #tpu.memory_space<hbm>> -> memref<8x256xf32, #tpu.memory_space<hbm>>
      tpu.enqueue_dma source(%arg11 : memref<8x256xf32, #tpu.memory_space<vmem>>) target(%dma_start3A_792 : memref<8x256xf32, #tpu.memory_space<hbm>>) target_semaphore(%run_scoped3A : memref<!tpu.dma_semaphore, #tpu.memory_space<semaphore_mem>>)
      %dma_wait3A = arith.constant 0 : i32
      %dma_wait3A_793 = arith.constant 0 : i32
      %dma_wait3A_794 = tpu.memref_slice %arg6[%add3A, %dma_wait3A, %dma_wait3A_793] : memref<32x8x256xf32, #tpu.memory_space<hbm>> -> memref<1x8x256xf32, #tpu.memory_space<hbm>>
      %dma_wait3A_795 = tpu.memref_squeeze %dma_wait3A_794 : memref<1x8x256xf32, #tpu.memory_space<hbm>> -> memref<8x256xf32, #tpu.memory_space<hbm>>
      %dma_wait3A_796 = arith.constant 0 : i32
      %dma_wait3A_797 = arith.constant 0 : i32
      %dma_wait3A_798 = tpu.memref_slice %arg6[%add3A, %dma_wait3A_796, %dma_wait3A_797] : memref<32x8x256xf32, #tpu.memory_space<hbm>> -> memref<1x8x256xf32, #tpu.memory_space<hbm>>
      %dma_wait3A_799 = tpu.memref_squeeze %dma_wait3A_798 : memref<1x8x256xf32, #tpu.memory_space<hbm>> -> memref<8x256xf32, #tpu.memory_space<hbm>>
      tpu.wait_dma2 semaphore(%run_scoped3A : memref<!tpu.dma_semaphore, #tpu.memory_space<semaphore_mem>>) src(%arg11 : memref<8x256xf32, #tpu.memory_space<vmem>>) dst(%dma_wait3A_799 : memref<8x256xf32, #tpu.memory_space<hbm>>)
      tpu.yield
    }) : () -> ()
    return
  }
}

#map = affine_map<(d0, d1) -> (0, 0)>
module attributes {stable_mosaic.version = 14 : i64} {
  func.func @_sc_gather_body(%arg0: i32, %arg1: i32, %arg2: memref<512x128xi32, #tpu.memory_space<hbm>>, %arg3: memref<4096x256xf32, #tpu.memory_space<hbm>>, %arg4: memref<65536x256xf32, #tpu.memory_space<hbm>>, %arg5: memref<16x128xi32, #tpu.memory_space<vmem>>, %arg6: memref<128x256xf32, #tpu.memory_space<vmem>>, %arg7: memref<128x256xf32, #tpu.memory_space<vmem>>, %arg8: memref<!tpu.dma_semaphore, #tpu.memory_space<semaphore_mem>>, %arg9: memref<!tpu.dma_semaphore, #tpu.memory_space<semaphore_mem>>) attributes {dimension_semantics = [#tpu.dimension_semantics<core_parallel>, #tpu.dimension_semantics<subcore_parallel>], iteration_bounds = array<i64: 2, 16>, scalar_prefetch = 0 : i64, scratch_operands = 5 : i64, tpu.core_type = #tpu.core_type<sc_vector_subcore>, window_params = [{transform_indices = #map}, {transform_indices = #map}, {transform_indices = #map}]} {
    %mul3A = arith.constant 2 : i32
    %mul3A_0 = arith.muli %arg1, %mul3A : i32
    %add3A = arith.addi %mul3A_0, %arg0 : i32
    %mul3A_1 = arith.constant 2048 : i32
    %mul3A_2 = arith.muli %add3A, %mul3A_1 : i32
    %multiple_of3A = tpu.assume_multiple %mul3A_2, 128 : i32
    %mul3A_3 = arith.constant 16 : i32
    %mul3A_4 = arith.muli %add3A, %mul3A_3 : i32
    %multiple_of3A_5 = tpu.assume_multiple %mul3A_4, 8 : i32
    "tpu.region"() ({
      %run_scoped3A = tpu.sem_alloc : memref<!tpu.dma_semaphore, #tpu.memory_space<semaphore_mem>>
      %dma_start3A_17 = arith.constant 0 : i32
      %dma_start3A_18 = tpu.memref_slice %arg2[%multiple_of3A_5, %dma_start3A_17] : memref<512x128xi32, #tpu.memory_space<hbm>> -> memref<16x128xi32, #tpu.memory_space<hbm>>
      %dma_start3A_19 = arith.constant 0 : i32
      %dma_start3A_20 = tpu.memref_slice %arg2[%multiple_of3A_5, %dma_start3A_19] : memref<512x128xi32, #tpu.memory_space<hbm>> -> memref<16x128xi32, #tpu.memory_space<hbm>>
      tpu.enqueue_dma source(%dma_start3A_20 : memref<16x128xi32, #tpu.memory_space<hbm>>) target(%arg5 : memref<16x128xi32, #tpu.memory_space<vmem>>) target_semaphore(%run_scoped3A : memref<!tpu.dma_semaphore, #tpu.memory_space<semaphore_mem>>)
      %dma_wait3A = arith.constant 0 : i32
      %dma_wait3A_21 = tpu.memref_slice %arg2[%multiple_of3A_5, %dma_wait3A] : memref<512x128xi32, #tpu.memory_space<hbm>> -> memref<16x128xi32, #tpu.memory_space<hbm>>
      %dma_wait3A_22 = arith.constant 0 : i32
      %dma_wait3A_23 = tpu.memref_slice %arg2[%multiple_of3A_5, %dma_wait3A_22] : memref<512x128xi32, #tpu.memory_space<hbm>> -> memref<16x128xi32, #tpu.memory_space<hbm>>
      tpu.wait_dma2 semaphore(%run_scoped3A : memref<!tpu.dma_semaphore, #tpu.memory_space<semaphore_mem>>) src(%dma_wait3A_23 : memref<16x128xi32, #tpu.memory_space<hbm>>) dst(%arg5 : memref<16x128xi32, #tpu.memory_space<vmem>>)
      tpu.yield
    }) : () -> ()
    %dma_start3A = arith.constant 0 : i32
    %dma_start3A_6 = arith.constant 0 : i32
    %dma_start3A_7 = tpu.memref_slice %arg5[%dma_start3A, %dma_start3A_6] : memref<16x128xi32, #tpu.memory_space<vmem>> -> memref<1x128xi32, #tpu.memory_space<vmem>>
    %dma_start3A_8 = tpu.memref_squeeze %dma_start3A_7 : memref<1x128xi32, #tpu.memory_space<vmem>> -> memref<128xi32, #tpu.memory_space<vmem>>
    %dma_start3A_9 = arith.constant 0 : i32
    %dma_start3A_10 = arith.constant 0 : i32
    %dma_start3A_11 = tpu.memref_slice %arg3[%dma_start3A_9, %dma_start3A_10] : memref<4096x256xf32, #tpu.memory_space<hbm>> -> memref<4096x256xf32, #tpu.memory_space<hbm>>
    tpu.enqueue_indirect_dma source(%dma_start3A_11 : memref<4096x256xf32, #tpu.memory_space<hbm>>) target(%arg6 : memref<128x256xf32, #tpu.memory_space<vmem>>) offsets(%dma_start3A_8 : memref<128xi32, #tpu.memory_space<vmem>>) semaphore(%arg8 : memref<!tpu.dma_semaphore, #tpu.memory_space<semaphore_mem>>)
    %scan3A = arith.constant 0 : i32
    %scan3A_12 = arith.constant 0 : i32
    %scan3A_13 = arith.constant 8 : i32
    %scan3A_14 = arith.addi %scan3A_12, %scan3A_13 : i32
    %scan3A_15 = arith.constant 1 : i32
    scf.for %scan3A_17 = %scan3A_12 to %scan3A_14 step %scan3A_15  : i32 {
      %mul3A_18 = arith.constant 2 : i32
      %mul3A_19 = arith.muli %mul3A_18, %scan3A_17 : i32
      %add3A_20 = arith.constant 1 : i32
      %add3A_21 = arith.addi %mul3A_19, %add3A_20 : i32
      %dma_start3A_22 = arith.constant 0 : i32
      %dma_start3A_23 = tpu.memref_slice %arg5[%add3A_21, %dma_start3A_22] : memref<16x128xi32, #tpu.memory_space<vmem>> -> memref<1x128xi32, #tpu.memory_space<vmem>>
      %dma_start3A_24 = tpu.memref_squeeze %dma_start3A_23 : memref<1x128xi32, #tpu.memory_space<vmem>> -> memref<128xi32, #tpu.memory_space<vmem>>
      %dma_start3A_25 = arith.constant 0 : i32
      %dma_start3A_26 = arith.constant 0 : i32
      %dma_start3A_27 = tpu.memref_slice %arg3[%dma_start3A_25, %dma_start3A_26] : memref<4096x256xf32, #tpu.memory_space<hbm>> -> memref<4096x256xf32, #tpu.memory_space<hbm>>
      tpu.enqueue_indirect_dma source(%dma_start3A_27 : memref<4096x256xf32, #tpu.memory_space<hbm>>) target(%arg7 : memref<128x256xf32, #tpu.memory_space<vmem>>) offsets(%dma_start3A_24 : memref<128xi32, #tpu.memory_space<vmem>>) semaphore(%arg9 : memref<!tpu.dma_semaphore, #tpu.memory_space<semaphore_mem>>)
      %dma_wait3A = arith.constant 0 : i32
      %dma_wait3A_28 = tpu.memref_slice %arg5[%mul3A_19, %dma_wait3A] : memref<16x128xi32, #tpu.memory_space<vmem>> -> memref<1x128xi32, #tpu.memory_space<vmem>>
      %dma_wait3A_29 = tpu.memref_squeeze %dma_wait3A_28 : memref<1x128xi32, #tpu.memory_space<vmem>> -> memref<128xi32, #tpu.memory_space<vmem>>
      %dma_wait3A_30 = arith.constant 0 : i32
      %dma_wait3A_31 = arith.constant 0 : i32
      %dma_wait3A_32 = tpu.memref_slice %arg3[%dma_wait3A_30, %dma_wait3A_31] : memref<4096x256xf32, #tpu.memory_space<hbm>> -> memref<4096x256xf32, #tpu.memory_space<hbm>>
      tpu.wait_indirect_dma semaphore(%arg8 : memref<!tpu.dma_semaphore, #tpu.memory_space<semaphore_mem>>) src(%dma_wait3A_32 : memref<4096x256xf32, #tpu.memory_space<hbm>>) dst(%arg6 : memref<128x256xf32, #tpu.memory_space<vmem>>)
      %mul3A_33 = arith.constant 128 : i32
      %mul3A_34 = arith.muli %mul3A_19, %mul3A_33 : i32
      %add3A_35 = arith.addi %multiple_of3A, %mul3A_34 : i32
      "tpu.region"() ({
        %run_scoped3A = tpu.sem_alloc : memref<!tpu.dma_semaphore, #tpu.memory_space<semaphore_mem>>
        %dma_start3A_53 = arith.constant 0 : i32
        %dma_start3A_54 = tpu.memref_slice %arg4[%add3A_35, %dma_start3A_53] : memref<65536x256xf32, #tpu.memory_space<hbm>> -> memref<128x256xf32, #tpu.memory_space<hbm>>
        %dma_start3A_55 = arith.constant 0 : i32
        %dma_start3A_56 = tpu.memref_slice %arg4[%add3A_35, %dma_start3A_55] : memref<65536x256xf32, #tpu.memory_space<hbm>> -> memref<128x256xf32, #tpu.memory_space<hbm>>
        tpu.enqueue_dma source(%arg6 : memref<128x256xf32, #tpu.memory_space<vmem>>) target(%dma_start3A_56 : memref<128x256xf32, #tpu.memory_space<hbm>>) target_semaphore(%run_scoped3A : memref<!tpu.dma_semaphore, #tpu.memory_space<semaphore_mem>>)
        %dma_wait3A_57 = arith.constant 0 : i32
        %dma_wait3A_58 = tpu.memref_slice %arg4[%add3A_35, %dma_wait3A_57] : memref<65536x256xf32, #tpu.memory_space<hbm>> -> memref<128x256xf32, #tpu.memory_space<hbm>>
        %dma_wait3A_59 = arith.constant 0 : i32
        %dma_wait3A_60 = tpu.memref_slice %arg4[%add3A_35, %dma_wait3A_59] : memref<65536x256xf32, #tpu.memory_space<hbm>> -> memref<128x256xf32, #tpu.memory_space<hbm>>
        tpu.wait_dma2 semaphore(%run_scoped3A : memref<!tpu.dma_semaphore, #tpu.memory_space<semaphore_mem>>) src(%arg6 : memref<128x256xf32, #tpu.memory_space<vmem>>) dst(%dma_wait3A_60 : memref<128x256xf32, #tpu.memory_space<hbm>>)
        tpu.yield
      }) : () -> ()
      %add3A_36 = arith.constant 2 : i32
      %add3A_37 = arith.addi %mul3A_19, %add3A_36 : i32
      %lt3A = arith.constant 16 : i32
      %lt3A_38 = arith.cmpi slt, %add3A_37, %lt3A : i32
      %convert_element_type3A = arith.extui %lt3A_38 : i1 to i32
      %cond3A = arith.constant 0 : i32
      %cond3A_39 = arith.cmpi ne, %convert_element_type3A, %cond3A : i32
      scf.if %cond3A_39 {
        %add3A_53 = arith.constant 2 : i32
        %add3A_54 = arith.addi %mul3A_19, %add3A_53 : i32
        %dma_start3A_55 = arith.constant 0 : i32
        %dma_start3A_56 = tpu.memref_slice %arg5[%add3A_54, %dma_start3A_55] : memref<16x128xi32, #tpu.memory_space<vmem>> -> memref<1x128xi32, #tpu.memory_space<vmem>>
        %dma_start3A_57 = tpu.memref_squeeze %dma_start3A_56 : memref<1x128xi32, #tpu.memory_space<vmem>> -> memref<128xi32, #tpu.memory_space<vmem>>
        %dma_start3A_58 = arith.constant 0 : i32
        %dma_start3A_59 = arith.constant 0 : i32
        %dma_start3A_60 = tpu.memref_slice %arg3[%dma_start3A_58, %dma_start3A_59] : memref<4096x256xf32, #tpu.memory_space<hbm>> -> memref<4096x256xf32, #tpu.memory_space<hbm>>
        tpu.enqueue_indirect_dma source(%dma_start3A_60 : memref<4096x256xf32, #tpu.memory_space<hbm>>) target(%arg6 : memref<128x256xf32, #tpu.memory_space<vmem>>) offsets(%dma_start3A_57 : memref<128xi32, #tpu.memory_space<vmem>>) semaphore(%arg8 : memref<!tpu.dma_semaphore, #tpu.memory_space<semaphore_mem>>)
      } else {
      }
      %add3A_40 = arith.constant 1 : i32
      %add3A_41 = arith.addi %mul3A_19, %add3A_40 : i32
      %dma_wait3A_42 = arith.constant 0 : i32
      %dma_wait3A_43 = tpu.memref_slice %arg5[%add3A_41, %dma_wait3A_42] : memref<16x128xi32, #tpu.memory_space<vmem>> -> memref<1x128xi32, #tpu.memory_space<vmem>>
      %dma_wait3A_44 = tpu.memref_squeeze %dma_wait3A_43 : memref<1x128xi32, #tpu.memory_space<vmem>> -> memref<128xi32, #tpu.memory_space<vmem>>
      %dma_wait3A_45 = arith.constant 0 : i32
      %dma_wait3A_46 = arith.constant 0 : i32
      %dma_wait3A_47 = tpu.memref_slice %arg3[%dma_wait3A_45, %dma_wait3A_46] : memref<4096x256xf32, #tpu.memory_space<hbm>> -> memref<4096x256xf32, #tpu.memory_space<hbm>>
      tpu.wait_indirect_dma semaphore(%arg9 : memref<!tpu.dma_semaphore, #tpu.memory_space<semaphore_mem>>) src(%dma_wait3A_47 : memref<4096x256xf32, #tpu.memory_space<hbm>>) dst(%arg7 : memref<128x256xf32, #tpu.memory_space<vmem>>)
      %add3A_48 = arith.constant 1 : i32
      %add3A_49 = arith.addi %mul3A_19, %add3A_48 : i32
      %mul3A_50 = arith.constant 128 : i32
      %mul3A_51 = arith.muli %add3A_49, %mul3A_50 : i32
      %add3A_52 = arith.addi %multiple_of3A, %mul3A_51 : i32
      "tpu.region"() ({
        %run_scoped3A = tpu.sem_alloc : memref<!tpu.dma_semaphore, #tpu.memory_space<semaphore_mem>>
        %dma_start3A_53 = arith.constant 0 : i32
        %dma_start3A_54 = tpu.memref_slice %arg4[%add3A_52, %dma_start3A_53] : memref<65536x256xf32, #tpu.memory_space<hbm>> -> memref<128x256xf32, #tpu.memory_space<hbm>>
        %dma_start3A_55 = arith.constant 0 : i32
        %dma_start3A_56 = tpu.memref_slice %arg4[%add3A_52, %dma_start3A_55] : memref<65536x256xf32, #tpu.memory_space<hbm>> -> memref<128x256xf32, #tpu.memory_space<hbm>>
        tpu.enqueue_dma source(%arg7 : memref<128x256xf32, #tpu.memory_space<vmem>>) target(%dma_start3A_56 : memref<128x256xf32, #tpu.memory_space<hbm>>) target_semaphore(%run_scoped3A : memref<!tpu.dma_semaphore, #tpu.memory_space<semaphore_mem>>)
        %dma_wait3A_57 = arith.constant 0 : i32
        %dma_wait3A_58 = tpu.memref_slice %arg4[%add3A_52, %dma_wait3A_57] : memref<65536x256xf32, #tpu.memory_space<hbm>> -> memref<128x256xf32, #tpu.memory_space<hbm>>
        %dma_wait3A_59 = arith.constant 0 : i32
        %dma_wait3A_60 = tpu.memref_slice %arg4[%add3A_52, %dma_wait3A_59] : memref<65536x256xf32, #tpu.memory_space<hbm>> -> memref<128x256xf32, #tpu.memory_space<hbm>>
        tpu.wait_dma2 semaphore(%run_scoped3A : memref<!tpu.dma_semaphore, #tpu.memory_space<semaphore_mem>>) src(%arg7 : memref<128x256xf32, #tpu.memory_space<vmem>>) dst(%dma_wait3A_60 : memref<128x256xf32, #tpu.memory_space<hbm>>)
        tpu.yield
      }) : () -> ()
    }
    %scan3A_16 = arith.constant 8 : i32
    return
  }
}

module attributes {stable_mosaic.version = 14 : i64} {
  func.func @_proj1_body(%arg0: i32, %arg1: memref<512x256xf32, #tpu.memory_space<vmem>>, %arg2: memref<256x256xf32, #tpu.memory_space<vmem>>, %arg3: memref<256x256xf32, #tpu.memory_space<vmem>>, %arg4: memref<256x256xf32, #tpu.memory_space<vmem>>, %arg5: memref<256x256xf32, #tpu.memory_space<vmem>>, %arg6: memref<512x1024xf32, #tpu.memory_space<vmem>>, %arg7: memref<16x1024xf32, #tpu.memory_space<vmem>>) attributes {dimension_semantics = [#tpu.dimension_semantics<arbitrary>], iteration_bounds = array<i64: 8>, scalar_prefetch = 0 : i64, scratch_operands = 0 : i64, tpu.core_type = #tpu.core_type<tc>, window_params = [{transform_indices = @transform_0, window_bounds = array<i64: 512, 256>}, {pipeline_mode = #tpu.pipeline_mode<synchronous>, transform_indices = @transform_1, window_bounds = array<i64: 256, 256>}, {pipeline_mode = #tpu.pipeline_mode<synchronous>, transform_indices = @transform_2, window_bounds = array<i64: 256, 256>}, {pipeline_mode = #tpu.pipeline_mode<synchronous>, transform_indices = @transform_3, window_bounds = array<i64: 256, 256>}, {pipeline_mode = #tpu.pipeline_mode<synchronous>, transform_indices = @transform_4, window_bounds = array<i64: 256, 256>}, {transform_indices = @transform_5, window_bounds = array<i64: 512, 1024>}, {pipeline_mode = #tpu.pipeline_mode<synchronous>, transform_indices = @transform_6, window_bounds = array<i64: 16, 1024>}]} {
    %get3A = arith.constant 0 : index
    %get3A_0 = arith.constant 0 : index
    %get3A_1 = vector.load %arg1[%get3A, %get3A_0] : memref<512x256xf32, #tpu.memory_space<vmem>>, vector<512x256xf32>
    %get3A_2 = arith.constant 0 : index
    %get3A_3 = arith.constant 0 : index
    %get3A_4 = vector.load %arg2[%get3A_2, %get3A_3] : memref<256x256xf32, #tpu.memory_space<vmem>>, vector<256x256xf32>
    %dot_general3A = arith.constant dense<0.000000e+00> : vector<512x256xf32>
    %dot_general3A_5 = tpu.matmul %get3A_1, %get3A_4, %dot_general3A {dimension_numbers = #tpu.dot_dimension_numbers<[1], [1], [0], [0], [0, 0, 1, 0], [], []>, transpose_lhs_hint = false} : vector<512x256xf32>, vector<256x256xf32>, vector<512x256xf32> -> vector<512x256xf32>
    %get3A_6 = arith.constant 0 : index
    %get3A_7 = arith.constant 0 : index
    %get3A_8 = vector.load %arg3[%get3A_6, %get3A_7] : memref<256x256xf32, #tpu.memory_space<vmem>>, vector<256x256xf32>
    %dot_general3A_9 = arith.constant dense<0.000000e+00> : vector<512x256xf32>
    %dot_general3A_10 = tpu.matmul %get3A_1, %get3A_8, %dot_general3A_9 {dimension_numbers = #tpu.dot_dimension_numbers<[1], [1], [0], [0], [0, 0, 1, 0], [], []>, transpose_lhs_hint = false} : vector<512x256xf32>, vector<256x256xf32>, vector<512x256xf32> -> vector<512x256xf32>
    %get3A_11 = arith.constant 0 : index
    %get3A_12 = arith.constant 0 : index
    %get3A_13 = vector.load %arg4[%get3A_11, %get3A_12] : memref<256x256xf32, #tpu.memory_space<vmem>>, vector<256x256xf32>
    %dot_general3A_14 = arith.constant dense<0.000000e+00> : vector<512x256xf32>
    %dot_general3A_15 = tpu.matmul %get3A_1, %get3A_13, %dot_general3A_14 {dimension_numbers = #tpu.dot_dimension_numbers<[1], [1], [0], [0], [0, 0, 1, 0], [], []>, transpose_lhs_hint = false} : vector<512x256xf32>, vector<256x256xf32>, vector<512x256xf32> -> vector<512x256xf32>
    %get3A_16 = arith.constant 0 : index
    %get3A_17 = arith.constant 0 : index
    %get3A_18 = vector.load %arg5[%get3A_16, %get3A_17] : memref<256x256xf32, #tpu.memory_space<vmem>>, vector<256x256xf32>
    %dot_general3A_19 = arith.constant dense<0.000000e+00> : vector<512x256xf32>
    %dot_general3A_20 = tpu.matmul %get3A_1, %get3A_18, %dot_general3A_19 {dimension_numbers = #tpu.dot_dimension_numbers<[1], [1], [0], [0], [0, 0, 1, 0], [], []>, transpose_lhs_hint = false} : vector<512x256xf32>, vector<256x256xf32>, vector<512x256xf32> -> vector<512x256xf32>
    %concatenate3A = tpu.concatenate %dot_general3A_5, %dot_general3A_10, %dot_general3A_15, %dot_general3A_20 in 1 : vector<512x256xf32>, vector<512x256xf32>, vector<512x256xf32>, vector<512x256xf32> -> vector<512x1024xf32>
    %swap3A = arith.constant 0 : index
    %swap3A_21 = arith.constant 0 : index
    %swap3A_22 = vector.load %arg6[%swap3A, %swap3A_21] : memref<512x1024xf32, #tpu.memory_space<vmem>>, vector<512x1024xf32>
    tpu.vector_store %arg6[%swap3A, %swap3A_21], %concatenate3A {strides = array<i32>} : memref<512x1024xf32, #tpu.memory_space<vmem>>, vector<512x1024xf32>,
    %reduce_sum3A = arith.constant dense<0.000000e+00> : vector<1024xf32>
    %reduce_sum3A_23 = vector.multi_reduction <add>, %concatenate3A, %reduce_sum3A [0] : vector<512x1024xf32> to vector<1024xf32>
    %broadcast_in_dim3A = vector.shape_cast %reduce_sum3A_23 : vector<1024xf32> to vector<1x1024xf32>
    %mul3A = arith.mulf %concatenate3A, %concatenate3A : vector<512x1024xf32>
    %reduce_sum3A_24 = arith.constant dense<0.000000e+00> : vector<1024xf32>
    %reduce_sum3A_25 = vector.multi_reduction <add>, %mul3A, %reduce_sum3A_24 [0] : vector<512x1024xf32> to vector<1024xf32>
    %broadcast_in_dim3A_26 = vector.shape_cast %reduce_sum3A_25 : vector<1024xf32> to vector<1x1024xf32>
    %broadcast_in_dim3A_27 = vector.shape_cast %broadcast_in_dim3A : vector<1x1024xf32> to vector<1x1024xf32>
    %broadcast_in_dim3A_28 = vector.broadcast %broadcast_in_dim3A_27 : vector<1x1024xf32> to vector<8x1024xf32>
    %broadcast_in_dim3A_29 = vector.shape_cast %broadcast_in_dim3A_26 : vector<1x1024xf32> to vector<1x1024xf32>
    %broadcast_in_dim3A_30 = vector.broadcast %broadcast_in_dim3A_29 : vector<1x1024xf32> to vector<8x1024xf32>
    %concatenate3A_31 = tpu.concatenate %broadcast_in_dim3A_28, %broadcast_in_dim3A_30 in 0 : vector<8x1024xf32>, vector<8x1024xf32> -> vector<16x1024xf32>
    %eq3A = arith.constant 0 : i32
    %eq3A_32 = arith.cmpi eq, %arg0, %eq3A : i32
    %convert_element_type3A = arith.extui %eq3A_32 : i1 to i32
    %cond3A = arith.constant 0 : i32
    %cond3A_33 = arith.cmpi ne, %convert_element_type3A, %cond3A : i32
    scf.if %cond3A_33 {
      %broadcast_in_dim3A_40 = arith.constant 0.000000e+00 : f32
      %broadcast_in_dim3A_41 = vector.broadcast %broadcast_in_dim3A_40 : f32 to vector<16x1024xf32>
      %swap3A_42 = arith.constant 0 : index
      %swap3A_43 = arith.constant 0 : index
      %swap3A_44 = vector.load %arg7[%swap3A_42, %swap3A_43] : memref<16x1024xf32, #tpu.memory_space<vmem>>, vector<16x1024xf32>
      tpu.vector_store %arg7[%swap3A_42, %swap3A_43], %broadcast_in_dim3A_41 {strides = array<i32>} : memref<16x1024xf32, #tpu.memory_space<vmem>>, vector<16x1024xf32>,
    } else {
    }
    %get3A_34 = arith.constant 0 : index
    %get3A_35 = arith.constant 0 : index
    %get3A_36 = vector.load %arg7[%get3A_34, %get3A_35] : memref<16x1024xf32, #tpu.memory_space<vmem>>, vector<16x1024xf32>
    %add3A = arith.addf %get3A_36, %concatenate3A_31 : vector<16x1024xf32>
    %swap3A_37 = arith.constant 0 : index
    %swap3A_38 = arith.constant 0 : index
    %swap3A_39 = vector.load %arg7[%swap3A_37, %swap3A_38] : memref<16x1024xf32, #tpu.memory_space<vmem>>, vector<16x1024xf32>
    tpu.vector_store %arg7[%swap3A_37, %swap3A_38], %add3A {strides = array<i32>} : memref<16x1024xf32, #tpu.memory_space<vmem>>, vector<16x1024xf32>,
    return
  }
  func.func @transform_0(%arg0: i32) -> (i32, i32) {
    %c0_i32 = arith.constant 0 : i32
    %c0_i32_0 = arith.constant 0 : i32
    return %arg0, %c0_i32 : i32, i32
  }
  func.func @transform_1(%arg0: i32) -> (i32, i32) {
    %c0_i32 = arith.constant 0 : i32
    %c0_i32_0 = arith.constant 0 : i32
    %c0_i32_1 = arith.constant 0 : i32
    return %c0_i32, %c0_i32_0 : i32, i32
  }
  func.func @transform_2(%arg0: i32) -> (i32, i32) {
    %c0_i32 = arith.constant 0 : i32
    %c0_i32_0 = arith.constant 0 : i32
    %c0_i32_1 = arith.constant 0 : i32
    return %c0_i32, %c0_i32_0 : i32, i32
  }
  func.func @transform_3(%arg0: i32) -> (i32, i32) {
    %c0_i32 = arith.constant 0 : i32
    %c0_i32_0 = arith.constant 0 : i32
    %c0_i32_1 = arith.constant 0 : i32
    return %c0_i32, %c0_i32_0 : i32, i32
  }
  func.func @transform_4(%arg0: i32) -> (i32, i32) {
    %c0_i32 = arith.constant 0 : i32
    %c0_i32_0 = arith.constant 0 : i32
    %c0_i32_1 = arith.constant 0 : i32
    return %c0_i32, %c0_i32_0 : i32, i32
  }
  func.func @transform_5(%arg0: i32) -> (i32, i32) {
    %c0_i32 = arith.constant 0 : i32
    %c0_i32_0 = arith.constant 0 : i32
    return %arg0, %c0_i32 : i32, i32
  }
  func.func @transform_6(%arg0: i32) -> (i32, i32) {
    %c0_i32 = arith.constant 0 : i32
    %c0_i32_0 = arith.constant 0 : i32
    %c0_i32_1 = arith.constant 0 : i32
    return %c0_i32, %c0_i32_0 : i32, i32
  }
}

module attributes {stable_mosaic.version = 14 : i64} {
  func.func @_topk_body(%arg0: i32, %arg1: i32, %arg2: memref<1x256x256xf32, #tpu.memory_space<vmem>>, %arg3: memref<1x2048x256xf32, #tpu.memory_space<vmem>>, %arg4: memref<256x16xi32, #tpu.memory_space<vmem>>) attributes {dimension_semantics = [#tpu.dimension_semantics<arbitrary>, #tpu.dimension_semantics<arbitrary>], iteration_bounds = array<i64: 2, 8>, scalar_prefetch = 0 : i64, scratch_operands = 0 : i64, tpu.core_type = #tpu.core_type<tc>, window_params = [{transform_indices = @transform_0, window_bounds = array<i64: 1, 256, 256>}, {transform_indices = @transform_1, window_bounds = array<i64: 1, 2048, 256>}, {transform_indices = @transform_2, window_bounds = array<i64: 256, 16>}]} {
    %get3A = arith.constant 0 : index
    %get3A_0 = arith.constant 0 : index
    %get3A_1 = arith.constant 0 : index
    %get3A_2 = vector.load %arg2[%get3A, %get3A_0, %get3A_1] : memref<1x256x256xf32, #tpu.memory_space<vmem>>, vector<1x256x256xf32>
    %get3A_3 = vector.shape_cast %get3A_2 : vector<1x256x256xf32> to vector<256x256xf32>
    %get3A_4 = arith.constant 0 : index
    %get3A_5 = arith.constant 0 : index
    %get3A_6 = arith.constant 0 : index
    %get3A_7 = vector.load %arg3[%get3A_4, %get3A_5, %get3A_6] : memref<1x2048x256xf32, #tpu.memory_space<vmem>>, vector<1x2048x256xf32>
    %get3A_8 = vector.shape_cast %get3A_7 : vector<1x2048x256xf32> to vector<2048x256xf32>
    %dot_general3A = arith.constant dense<0.000000e+00> : vector<256x2048xf32>
    %dot_general3A_9 = tpu.matmul %get3A_3, %get3A_8, %dot_general3A {dimension_numbers = #tpu.dot_dimension_numbers<[1], [1], [0], [0], [0, 0, 1, 0], [], []>, transpose_lhs_hint = false} : vector<256x256xf32>, vector<2048x256xf32>, vector<256x2048xf32> -> vector<256x2048xf32>
    %mul3A = arith.mulf %get3A_3, %get3A_3 : vector<256x256xf32>
    %reduce_sum3A = arith.constant dense<0.000000e+00> : vector<256xf32>
    %reduce_sum3A_10 = vector.multi_reduction <add>, %mul3A, %reduce_sum3A [1] : vector<256x256xf32> to vector<256xf32>
    %broadcast_in_dim3A = vector.shape_cast %reduce_sum3A_10 : vector<256xf32> to vector<256x1xf32>
    %mul3A_11 = arith.mulf %get3A_8, %get3A_8 : vector<2048x256xf32>
    %reduce_sum3A_12 = arith.constant dense<0.000000e+00> : vector<2048xf32>
    %reduce_sum3A_13 = vector.multi_reduction <add>, %mul3A_11, %reduce_sum3A_12 [1] : vector<2048x256xf32> to vector<2048xf32>
    %mul3A_14 = arith.constant 2.000000e+00 : f32
    %mul3A_15 = vector.broadcast %mul3A_14 : f32 to vector<256x2048xf32>
    %mul3A_16 = arith.mulf %mul3A_15, %dot_general3A_9 : vector<256x2048xf32>
    %sub3A = vector.broadcast %broadcast_in_dim3A : vector<256x1xf32> to vector<256x2048xf32>
    %sub3A_17 = arith.subf %mul3A_16, %sub3A : vector<256x2048xf32>
    %broadcast_in_dim3A_18 = vector.shape_cast %reduce_sum3A_13 : vector<2048xf32> to vector<1x2048xf32>
    %sub3A_19 = vector.broadcast %broadcast_in_dim3A_18 : vector<1x2048xf32> to vector<256x2048xf32>
    %sub3A_20 = arith.subf %sub3A_17, %sub3A_19 : vector<256x2048xf32>
    %iota3A = tpu.iota {dimensions = array<i32: 1>} : vector<256x2048xi32>
    %reduce_max3A = arith.constant dense<0xFF800000> : vector<256xf32>
    %reduce_max3A_21 = vector.multi_reduction <maximumf>, %sub3A_20, %reduce_max3A [1] : vector<256x2048xf32> to vector<256xf32>
    %broadcast_in_dim3A_22 = vector.shape_cast %reduce_max3A_21 : vector<256xf32> to vector<256x1xf32>
    %ge3A = vector.broadcast %broadcast_in_dim3A_22 : vector<256x1xf32> to vector<256x2048xf32>
    %ge3A_23 = arith.cmpf oge, %sub3A_20, %ge3A : vector<256x2048xf32>
    %jit3A = arith.constant 2048 : i32
    %broadcast_in_dim3A_24 = vector.broadcast %jit3A : i32 to vector<256x2048xi32>
    %select_n3A = arith.select %ge3A_23, %iota3A, %broadcast_in_dim3A_24 : vector<256x2048xi1>, vector<256x2048xi32>
    %reduce_min3A = arith.constant dense<2147483647> : vector<256xi32>
    %reduce_min3A_25 = vector.multi_reduction <minsi>, %select_n3A, %reduce_min3A [1] : vector<256x2048xi32> to vector<256xi32>
    %broadcast_in_dim3A_26 = vector.shape_cast %reduce_min3A_25 : vector<256xi32> to vector<256x1xi32>
    %eq3A = vector.broadcast %broadcast_in_dim3A_26 : vector<256x1xi32> to vector<256x2048xi32>
    %eq3A_27 = arith.cmpi eq, %iota3A, %eq3A : vector<256x2048xi32>
    %jit3A_28 = arith.constant 0xFF800000 : f32
    %broadcast_in_dim3A_29 = vector.broadcast %jit3A_28 : f32 to vector<256x2048xf32>
    %select_n3A_30 = arith.select %eq3A_27, %broadcast_in_dim3A_29, %sub3A_20 : vector<256x2048xi1>, vector<256x2048xf32>
    %reduce_max3A_31 = arith.constant dense<0xFF800000> : vector<256xf32>
    %reduce_max3A_32 = vector.multi_reduction <maximumf>, %select_n3A_30, %reduce_max3A_31 [1] : vector<256x2048xf32> to vector<256xf32>
    %broadcast_in_dim3A_33 = vector.shape_cast %reduce_max3A_32 : vector<256xf32> to vector<256x1xf32>
    %ge3A_34 = vector.broadcast %broadcast_in_dim3A_33 : vector<256x1xf32> to vector<256x2048xf32>
    %ge3A_35 = arith.cmpf oge, %select_n3A_30, %ge3A_34 : vector<256x2048xf32>
    %jit3A_36 = arith.constant 2048 : i32
    %broadcast_in_dim3A_37 = vector.broadcast %jit3A_36 : i32 to vector<256x2048xi32>
    %select_n3A_38 = arith.select %ge3A_35, %iota3A, %broadcast_in_dim3A_37 : vector<256x2048xi1>, vector<256x2048xi32>
    %reduce_min3A_39 = arith.constant dense<2147483647> : vector<256xi32>
    %reduce_min3A_40 = vector.multi_reduction <minsi>, %select_n3A_38, %reduce_min3A_39 [1] : vector<256x2048xi32> to vector<256xi32>
    %broadcast_in_dim3A_41 = vector.shape_cast %reduce_min3A_40 : vector<256xi32> to vector<256x1xi32>
    %eq3A_42 = vector.broadcast %broadcast_in_dim3A_41 : vector<256x1xi32> to vector<256x2048xi32>
    %eq3A_43 = arith.cmpi eq, %iota3A, %eq3A_42 : vector<256x2048xi32>
    %jit3A_44 = arith.constant 0xFF800000 : f32
    %broadcast_in_dim3A_45 = vector.broadcast %jit3A_44 : f32 to vector<256x2048xf32>
    %select_n3A_46 = arith.select %eq3A_43, %broadcast_in_dim3A_45, %select_n3A_30 : vector<256x2048xi1>, vector<256x2048xf32>
    %reduce_max3A_47 = arith.constant dense<0xFF800000> : vector<256xf32>
    %reduce_max3A_48 = vector.multi_reduction <maximumf>, %select_n3A_46, %reduce_max3A_47 [1] : vector<256x2048xf32> to vector<256xf32>
    %broadcast_in_dim3A_49 = vector.shape_cast %reduce_max3A_48 : vector<256xf32> to vector<256x1xf32>
    %ge3A_50 = vector.broadcast %broadcast_in_dim3A_49 : vector<256x1xf32> to vector<256x2048xf32>
    %ge3A_51 = arith.cmpf oge, %select_n3A_46, %ge3A_50 : vector<256x2048xf32>
    %jit3A_52 = arith.constant 2048 : i32
    %broadcast_in_dim3A_53 = vector.broadcast %jit3A_52 : i32 to vector<256x2048xi32>
    %select_n3A_54 = arith.select %ge3A_51, %iota3A, %broadcast_in_dim3A_53 : vector<256x2048xi1>, vector<256x2048xi32>
    %reduce_min3A_55 = arith.constant dense<2147483647> : vector<256xi32>
    %reduce_min3A_56 = vector.multi_reduction <minsi>, %select_n3A_54, %reduce_min3A_55 [1] : vector<256x2048xi32> to vector<256xi32>
    %broadcast_in_dim3A_57 = vector.shape_cast %reduce_min3A_56 : vector<256xi32> to vector<256x1xi32>
    %eq3A_58 = vector.broadcast %broadcast_in_dim3A_57 : vector<256x1xi32> to vector<256x2048xi32>
    %eq3A_59 = arith.cmpi eq, %iota3A, %eq3A_58 : vector<256x2048xi32>
    %jit3A_60 = arith.constant 0xFF800000 : f32
    %broadcast_in_dim3A_61 = vector.broadcast %jit3A_60 : f32 to vector<256x2048xf32>
    %select_n3A_62 = arith.select %eq3A_59, %broadcast_in_dim3A_61, %select_n3A_46 : vector<256x2048xi1>, vector<256x2048xf32>
    %reduce_max3A_63 = arith.constant dense<0xFF800000> : vector<256xf32>
    %reduce_max3A_64 = vector.multi_reduction <maximumf>, %select_n3A_62, %reduce_max3A_63 [1] : vector<256x2048xf32> to vector<256xf32>
    %broadcast_in_dim3A_65 = vector.shape_cast %reduce_max3A_64 : vector<256xf32> to vector<256x1xf32>
    %ge3A_66 = vector.broadcast %broadcast_in_dim3A_65 : vector<256x1xf32> to vector<256x2048xf32>
    %ge3A_67 = arith.cmpf oge, %select_n3A_62, %ge3A_66 : vector<256x2048xf32>
    %jit3A_68 = arith.constant 2048 : i32
    %broadcast_in_dim3A_69 = vector.broadcast %jit3A_68 : i32 to vector<256x2048xi32>
    %select_n3A_70 = arith.select %ge3A_67, %iota3A, %broadcast_in_dim3A_69 : vector<256x2048xi1>, vector<256x2048xi32>
    %reduce_min3A_71 = arith.constant dense<2147483647> : vector<256xi32>
    %reduce_min3A_72 = vector.multi_reduction <minsi>, %select_n3A_70, %reduce_min3A_71 [1] : vector<256x2048xi32> to vector<256xi32>
    %broadcast_in_dim3A_73 = vector.shape_cast %reduce_min3A_72 : vector<256xi32> to vector<256x1xi32>
    %eq3A_74 = vector.broadcast %broadcast_in_dim3A_73 : vector<256x1xi32> to vector<256x2048xi32>
    %eq3A_75 = arith.cmpi eq, %iota3A, %eq3A_74 : vector<256x2048xi32>
    %jit3A_76 = arith.constant 0xFF800000 : f32
    %broadcast_in_dim3A_77 = vector.broadcast %jit3A_76 : f32 to vector<256x2048xf32>
    %select_n3A_78 = arith.select %eq3A_75, %broadcast_in_dim3A_77, %select_n3A_62 : vector<256x2048xi1>, vector<256x2048xf32>
    %reduce_max3A_79 = arith.constant dense<0xFF800000> : vector<256xf32>
    %reduce_max3A_80 = vector.multi_reduction <maximumf>, %select_n3A_78, %reduce_max3A_79 [1] : vector<256x2048xf32> to vector<256xf32>
    %broadcast_in_dim3A_81 = vector.shape_cast %reduce_max3A_80 : vector<256xf32> to vector<256x1xf32>
    %ge3A_82 = vector.broadcast %broadcast_in_dim3A_81 : vector<256x1xf32> to vector<256x2048xf32>
    %ge3A_83 = arith.cmpf oge, %select_n3A_78, %ge3A_82 : vector<256x2048xf32>
    %jit3A_84 = arith.constant 2048 : i32
    %broadcast_in_dim3A_85 = vector.broadcast %jit3A_84 : i32 to vector<256x2048xi32>
    %select_n3A_86 = arith.select %ge3A_83, %iota3A, %broadcast_in_dim3A_85 : vector<256x2048xi1>, vector<256x2048xi32>
    %reduce_min3A_87 = arith.constant dense<2147483647> : vector<256xi32>
    %reduce_min3A_88 = vector.multi_reduction <minsi>, %select_n3A_86, %reduce_min3A_87 [1] : vector<256x2048xi32> to vector<256xi32>
    %broadcast_in_dim3A_89 = vector.shape_cast %reduce_min3A_88 : vector<256xi32> to vector<256x1xi32>
    %eq3A_90 = vector.broadcast %broadcast_in_dim3A_89 : vector<256x1xi32> to vector<256x2048xi32>
    %eq3A_91 = arith.cmpi eq, %iota3A, %eq3A_90 : vector<256x2048xi32>
    %jit3A_92 = arith.constant 0xFF800000 : f32
    %broadcast_in_dim3A_93 = vector.broadcast %jit3A_92 : f32 to vector<256x2048xf32>
    %select_n3A_94 = arith.select %eq3A_91, %broadcast_in_dim3A_93, %select_n3A_78 : vector<256x2048xi1>, vector<256x2048xf32>
    %reduce_max3A_95 = arith.constant dense<0xFF800000> : vector<256xf32>
    %reduce_max3A_96 = vector.multi_reduction <maximumf>, %select_n3A_94, %reduce_max3A_95 [1] : vector<256x2048xf32> to vector<256xf32>
    %broadcast_in_dim3A_97 = vector.shape_cast %reduce_max3A_96 : vector<256xf32> to vector<256x1xf32>
    %ge3A_98 = vector.broadcast %broadcast_in_dim3A_97 : vector<256x1xf32> to vector<256x2048xf32>
    %ge3A_99 = arith.cmpf oge, %select_n3A_94, %ge3A_98 : vector<256x2048xf32>
    %jit3A_100 = arith.constant 2048 : i32
    %broadcast_in_dim3A_101 = vector.broadcast %jit3A_100 : i32 to vector<256x2048xi32>
    %select_n3A_102 = arith.select %ge3A_99, %iota3A, %broadcast_in_dim3A_101 : vector<256x2048xi1>, vector<256x2048xi32>
    %reduce_min3A_103 = arith.constant dense<2147483647> : vector<256xi32>
    %reduce_min3A_104 = vector.multi_reduction <minsi>, %select_n3A_102, %reduce_min3A_103 [1] : vector<256x2048xi32> to vector<256xi32>
    %broadcast_in_dim3A_105 = vector.shape_cast %reduce_min3A_104 : vector<256xi32> to vector<256x1xi32>
    %eq3A_106 = vector.broadcast %broadcast_in_dim3A_105 : vector<256x1xi32> to vector<256x2048xi32>
    %eq3A_107 = arith.cmpi eq, %iota3A, %eq3A_106 : vector<256x2048xi32>
    %jit3A_108 = arith.constant 0xFF800000 : f32
    %broadcast_in_dim3A_109 = vector.broadcast %jit3A_108 : f32 to vector<256x2048xf32>
    %select_n3A_110 = arith.select %eq3A_107, %broadcast_in_dim3A_109, %select_n3A_94 : vector<256x2048xi1>, vector<256x2048xf32>
    %reduce_max3A_111 = arith.constant dense<0xFF800000> : vector<256xf32>
    %reduce_max3A_112 = vector.multi_reduction <maximumf>, %select_n3A_110, %reduce_max3A_111 [1] : vector<256x2048xf32> to vector<256xf32>
    %broadcast_in_dim3A_113 = vector.shape_cast %reduce_max3A_112 : vector<256xf32> to vector<256x1xf32>
    %ge3A_114 = vector.broadcast %broadcast_in_dim3A_113 : vector<256x1xf32> to vector<256x2048xf32>
    %ge3A_115 = arith.cmpf oge, %select_n3A_110, %ge3A_114 : vector<256x2048xf32>
    %jit3A_116 = arith.constant 2048 : i32
    %broadcast_in_dim3A_117 = vector.broadcast %jit3A_116 : i32 to vector<256x2048xi32>
    %select_n3A_118 = arith.select %ge3A_115, %iota3A, %broadcast_in_dim3A_117 : vector<256x2048xi1>, vector<256x2048xi32>
    %reduce_min3A_119 = arith.constant dense<2147483647> : vector<256xi32>
    %reduce_min3A_120 = vector.multi_reduction <minsi>, %select_n3A_118, %reduce_min3A_119 [1] : vector<256x2048xi32> to vector<256xi32>
    %broadcast_in_dim3A_121 = vector.shape_cast %reduce_min3A_120 : vector<256xi32> to vector<256x1xi32>
    %eq3A_122 = vector.broadcast %broadcast_in_dim3A_121 : vector<256x1xi32> to vector<256x2048xi32>
    %eq3A_123 = arith.cmpi eq, %iota3A, %eq3A_122 : vector<256x2048xi32>
    %jit3A_124 = arith.constant 0xFF800000 : f32
    %broadcast_in_dim3A_125 = vector.broadcast %jit3A_124 : f32 to vector<256x2048xf32>
    %select_n3A_126 = arith.select %eq3A_123, %broadcast_in_dim3A_125, %select_n3A_110 : vector<256x2048xi1>, vector<256x2048xf32>
    %reduce_max3A_127 = arith.constant dense<0xFF800000> : vector<256xf32>
    %reduce_max3A_128 = vector.multi_reduction <maximumf>, %select_n3A_126, %reduce_max3A_127 [1] : vector<256x2048xf32> to vector<256xf32>
    %broadcast_in_dim3A_129 = vector.shape_cast %reduce_max3A_128 : vector<256xf32> to vector<256x1xf32>
    %ge3A_130 = vector.broadcast %broadcast_in_dim3A_129 : vector<256x1xf32> to vector<256x2048xf32>
    %ge3A_131 = arith.cmpf oge, %select_n3A_126, %ge3A_130 : vector<256x2048xf32>
    %jit3A_132 = arith.constant 2048 : i32
    %broadcast_in_dim3A_133 = vector.broadcast %jit3A_132 : i32 to vector<256x2048xi32>
    %select_n3A_134 = arith.select %ge3A_131, %iota3A, %broadcast_in_dim3A_133 : vector<256x2048xi1>, vector<256x2048xi32>
    %reduce_min3A_135 = arith.constant dense<2147483647> : vector<256xi32>
    %reduce_min3A_136 = vector.multi_reduction <minsi>, %select_n3A_134, %reduce_min3A_135 [1] : vector<256x2048xi32> to vector<256xi32>
    %broadcast_in_dim3A_137 = vector.shape_cast %reduce_min3A_136 : vector<256xi32> to vector<256x1xi32>
    %eq3A_138 = vector.broadcast %broadcast_in_dim3A_137 : vector<256x1xi32> to vector<256x2048xi32>
    %eq3A_139 = arith.cmpi eq, %iota3A, %eq3A_138 : vector<256x2048xi32>
    %jit3A_140 = arith.constant 0xFF800000 : f32
    %broadcast_in_dim3A_141 = vector.broadcast %jit3A_140 : f32 to vector<256x2048xf32>
    %select_n3A_142 = arith.select %eq3A_139, %broadcast_in_dim3A_141, %select_n3A_126 : vector<256x2048xi1>, vector<256x2048xf32>
    %reduce_max3A_143 = arith.constant dense<0xFF800000> : vector<256xf32>
    %reduce_max3A_144 = vector.multi_reduction <maximumf>, %select_n3A_142, %reduce_max3A_143 [1] : vector<256x2048xf32> to vector<256xf32>
    %broadcast_in_dim3A_145 = vector.shape_cast %reduce_max3A_144 : vector<256xf32> to vector<256x1xf32>
    %ge3A_146 = vector.broadcast %broadcast_in_dim3A_145 : vector<256x1xf32> to vector<256x2048xf32>
    %ge3A_147 = arith.cmpf oge, %select_n3A_142, %ge3A_146 : vector<256x2048xf32>
    %jit3A_148 = arith.constant 2048 : i32
    %broadcast_in_dim3A_149 = vector.broadcast %jit3A_148 : i32 to vector<256x2048xi32>
    %select_n3A_150 = arith.select %ge3A_147, %iota3A, %broadcast_in_dim3A_149 : vector<256x2048xi1>, vector<256x2048xi32>
    %reduce_min3A_151 = arith.constant dense<2147483647> : vector<256xi32>
    %reduce_min3A_152 = vector.multi_reduction <minsi>, %select_n3A_150, %reduce_min3A_151 [1] : vector<256x2048xi32> to vector<256xi32>
    %broadcast_in_dim3A_153 = vector.shape_cast %reduce_min3A_152 : vector<256xi32> to vector<256x1xi32>
    %eq3A_154 = vector.broadcast %broadcast_in_dim3A_153 : vector<256x1xi32> to vector<256x2048xi32>
    %eq3A_155 = arith.cmpi eq, %iota3A, %eq3A_154 : vector<256x2048xi32>
    %jit3A_156 = arith.constant 0xFF800000 : f32
    %broadcast_in_dim3A_157 = vector.broadcast %jit3A_156 : f32 to vector<256x2048xf32>
    %select_n3A_158 = arith.select %eq3A_155, %broadcast_in_dim3A_157, %select_n3A_142 : vector<256x2048xi1>, vector<256x2048xf32>
    %reduce_max3A_159 = arith.constant dense<0xFF800000> : vector<256xf32>
    %reduce_max3A_160 = vector.multi_reduction <maximumf>, %select_n3A_158, %reduce_max3A_159 [1] : vector<256x2048xf32> to vector<256xf32>
    %broadcast_in_dim3A_161 = vector.shape_cast %reduce_max3A_160 : vector<256xf32> to vector<256x1xf32>
    %ge3A_162 = vector.broadcast %broadcast_in_dim3A_161 : vector<256x1xf32> to vector<256x2048xf32>
    %ge3A_163 = arith.cmpf oge, %select_n3A_158, %ge3A_162 : vector<256x2048xf32>
    %jit3A_164 = arith.constant 2048 : i32
    %broadcast_in_dim3A_165 = vector.broadcast %jit3A_164 : i32 to vector<256x2048xi32>
    %select_n3A_166 = arith.select %ge3A_163, %iota3A, %broadcast_in_dim3A_165 : vector<256x2048xi1>, vector<256x2048xi32>
    %reduce_min3A_167 = arith.constant dense<2147483647> : vector<256xi32>
    %reduce_min3A_168 = vector.multi_reduction <minsi>, %select_n3A_166, %reduce_min3A_167 [1] : vector<256x2048xi32> to vector<256xi32>
    %broadcast_in_dim3A_169 = vector.shape_cast %reduce_min3A_168 : vector<256xi32> to vector<256x1xi32>
    %eq3A_170 = vector.broadcast %broadcast_in_dim3A_169 : vector<256x1xi32> to vector<256x2048xi32>
    %eq3A_171 = arith.cmpi eq, %iota3A, %eq3A_170 : vector<256x2048xi32>
    %jit3A_172 = arith.constant 0xFF800000 : f32
    %broadcast_in_dim3A_173 = vector.broadcast %jit3A_172 : f32 to vector<256x2048xf32>
    %select_n3A_174 = arith.select %eq3A_171, %broadcast_in_dim3A_173, %select_n3A_158 : vector<256x2048xi1>, vector<256x2048xf32>
    %reduce_max3A_175 = arith.constant dense<0xFF800000> : vector<256xf32>
    %reduce_max3A_176 = vector.multi_reduction <maximumf>, %select_n3A_174, %reduce_max3A_175 [1] : vector<256x2048xf32> to vector<256xf32>
    %broadcast_in_dim3A_177 = vector.shape_cast %reduce_max3A_176 : vector<256xf32> to vector<256x1xf32>
    %ge3A_178 = vector.broadcast %broadcast_in_dim3A_177 : vector<256x1xf32> to vector<256x2048xf32>
    %ge3A_179 = arith.cmpf oge, %select_n3A_174, %ge3A_178 : vector<256x2048xf32>
    %jit3A_180 = arith.constant 2048 : i32
    %broadcast_in_dim3A_181 = vector.broadcast %jit3A_180 : i32 to vector<256x2048xi32>
    %select_n3A_182 = arith.select %ge3A_179, %iota3A, %broadcast_in_dim3A_181 : vector<256x2048xi1>, vector<256x2048xi32>
    %reduce_min3A_183 = arith.constant dense<2147483647> : vector<256xi32>
    %reduce_min3A_184 = vector.multi_reduction <minsi>, %select_n3A_182, %reduce_min3A_183 [1] : vector<256x2048xi32> to vector<256xi32>
    %broadcast_in_dim3A_185 = vector.shape_cast %reduce_min3A_184 : vector<256xi32> to vector<256x1xi32>
    %eq3A_186 = vector.broadcast %broadcast_in_dim3A_185 : vector<256x1xi32> to vector<256x2048xi32>
    %eq3A_187 = arith.cmpi eq, %iota3A, %eq3A_186 : vector<256x2048xi32>
    %jit3A_188 = arith.constant 0xFF800000 : f32
    %broadcast_in_dim3A_189 = vector.broadcast %jit3A_188 : f32 to vector<256x2048xf32>
    %select_n3A_190 = arith.select %eq3A_187, %broadcast_in_dim3A_189, %select_n3A_174 : vector<256x2048xi1>, vector<256x2048xf32>
    %reduce_max3A_191 = arith.constant dense<0xFF800000> : vector<256xf32>
    %reduce_max3A_192 = vector.multi_reduction <maximumf>, %select_n3A_190, %reduce_max3A_191 [1] : vector<256x2048xf32> to vector<256xf32>
    %broadcast_in_dim3A_193 = vector.shape_cast %reduce_max3A_192 : vector<256xf32> to vector<256x1xf32>
    %ge3A_194 = vector.broadcast %broadcast_in_dim3A_193 : vector<256x1xf32> to vector<256x2048xf32>
    %ge3A_195 = arith.cmpf oge, %select_n3A_190, %ge3A_194 : vector<256x2048xf32>
    %jit3A_196 = arith.constant 2048 : i32
    %broadcast_in_dim3A_197 = vector.broadcast %jit3A_196 : i32 to vector<256x2048xi32>
    %select_n3A_198 = arith.select %ge3A_195, %iota3A, %broadcast_in_dim3A_197 : vector<256x2048xi1>, vector<256x2048xi32>
    %reduce_min3A_199 = arith.constant dense<2147483647> : vector<256xi32>
    %reduce_min3A_200 = vector.multi_reduction <minsi>, %select_n3A_198, %reduce_min3A_199 [1] : vector<256x2048xi32> to vector<256xi32>
    %broadcast_in_dim3A_201 = vector.shape_cast %reduce_min3A_200 : vector<256xi32> to vector<256x1xi32>
    %eq3A_202 = vector.broadcast %broadcast_in_dim3A_201 : vector<256x1xi32> to vector<256x2048xi32>
    %eq3A_203 = arith.cmpi eq, %iota3A, %eq3A_202 : vector<256x2048xi32>
    %jit3A_204 = arith.constant 0xFF800000 : f32
    %broadcast_in_dim3A_205 = vector.broadcast %jit3A_204 : f32 to vector<256x2048xf32>
    %select_n3A_206 = arith.select %eq3A_203, %broadcast_in_dim3A_205, %select_n3A_190 : vector<256x2048xi1>, vector<256x2048xf32>
    %reduce_max3A_207 = arith.constant dense<0xFF800000> : vector<256xf32>
    %reduce_max3A_208 = vector.multi_reduction <maximumf>, %select_n3A_206, %reduce_max3A_207 [1] : vector<256x2048xf32> to vector<256xf32>
    %broadcast_in_dim3A_209 = vector.shape_cast %reduce_max3A_208 : vector<256xf32> to vector<256x1xf32>
    %ge3A_210 = vector.broadcast %broadcast_in_dim3A_209 : vector<256x1xf32> to vector<256x2048xf32>
    %ge3A_211 = arith.cmpf oge, %select_n3A_206, %ge3A_210 : vector<256x2048xf32>
    %jit3A_212 = arith.constant 2048 : i32
    %broadcast_in_dim3A_213 = vector.broadcast %jit3A_212 : i32 to vector<256x2048xi32>
    %select_n3A_214 = arith.select %ge3A_211, %iota3A, %broadcast_in_dim3A_213 : vector<256x2048xi1>, vector<256x2048xi32>
    %reduce_min3A_215 = arith.constant dense<2147483647> : vector<256xi32>
    %reduce_min3A_216 = vector.multi_reduction <minsi>, %select_n3A_214, %reduce_min3A_215 [1] : vector<256x2048xi32> to vector<256xi32>
    %broadcast_in_dim3A_217 = vector.shape_cast %reduce_min3A_216 : vector<256xi32> to vector<256x1xi32>
    %eq3A_218 = vector.broadcast %broadcast_in_dim3A_217 : vector<256x1xi32> to vector<256x2048xi32>
    %eq3A_219 = arith.cmpi eq, %iota3A, %eq3A_218 : vector<256x2048xi32>
    %jit3A_220 = arith.constant 0xFF800000 : f32
    %broadcast_in_dim3A_221 = vector.broadcast %jit3A_220 : f32 to vector<256x2048xf32>
    %select_n3A_222 = arith.select %eq3A_219, %broadcast_in_dim3A_221, %select_n3A_206 : vector<256x2048xi1>, vector<256x2048xf32>
    %reduce_max3A_223 = arith.constant dense<0xFF800000> : vector<256xf32>
    %reduce_max3A_224 = vector.multi_reduction <maximumf>, %select_n3A_222, %reduce_max3A_223 [1] : vector<256x2048xf32> to vector<256xf32>
    %broadcast_in_dim3A_225 = vector.shape_cast %reduce_max3A_224 : vector<256xf32> to vector<256x1xf32>
    %ge3A_226 = vector.broadcast %broadcast_in_dim3A_225 : vector<256x1xf32> to vector<256x2048xf32>
    %ge3A_227 = arith.cmpf oge, %select_n3A_222, %ge3A_226 : vector<256x2048xf32>
    %jit3A_228 = arith.constant 2048 : i32
    %broadcast_in_dim3A_229 = vector.broadcast %jit3A_228 : i32 to vector<256x2048xi32>
    %select_n3A_230 = arith.select %ge3A_227, %iota3A, %broadcast_in_dim3A_229 : vector<256x2048xi1>, vector<256x2048xi32>
    %reduce_min3A_231 = arith.constant dense<2147483647> : vector<256xi32>
    %reduce_min3A_232 = vector.multi_reduction <minsi>, %select_n3A_230, %reduce_min3A_231 [1] : vector<256x2048xi32> to vector<256xi32>
    %broadcast_in_dim3A_233 = vector.shape_cast %reduce_min3A_232 : vector<256xi32> to vector<256x1xi32>
    %eq3A_234 = vector.broadcast %broadcast_in_dim3A_233 : vector<256x1xi32> to vector<256x2048xi32>
    %eq3A_235 = arith.cmpi eq, %iota3A, %eq3A_234 : vector<256x2048xi32>
    %jit3A_236 = arith.constant 0xFF800000 : f32
    %broadcast_in_dim3A_237 = vector.broadcast %jit3A_236 : f32 to vector<256x2048xf32>
    %select_n3A_238 = arith.select %eq3A_235, %broadcast_in_dim3A_237, %select_n3A_222 : vector<256x2048xi1>, vector<256x2048xf32>
    %reduce_max3A_239 = arith.constant dense<0xFF800000> : vector<256xf32>
    %reduce_max3A_240 = vector.multi_reduction <maximumf>, %select_n3A_238, %reduce_max3A_239 [1] : vector<256x2048xf32> to vector<256xf32>
    %broadcast_in_dim3A_241 = vector.shape_cast %reduce_max3A_240 : vector<256xf32> to vector<256x1xf32>
    %ge3A_242 = vector.broadcast %broadcast_in_dim3A_241 : vector<256x1xf32> to vector<256x2048xf32>
    %ge3A_243 = arith.cmpf oge, %select_n3A_238, %ge3A_242 : vector<256x2048xf32>
    %jit3A_244 = arith.constant 2048 : i32
    %broadcast_in_dim3A_245 = vector.broadcast %jit3A_244 : i32 to vector<256x2048xi32>
    %select_n3A_246 = arith.select %ge3A_243, %iota3A, %broadcast_in_dim3A_245 : vector<256x2048xi1>, vector<256x2048xi32>
    %reduce_min3A_247 = arith.constant dense<2147483647> : vector<256xi32>
    %reduce_min3A_248 = vector.multi_reduction <minsi>, %select_n3A_246, %reduce_min3A_247 [1] : vector<256x2048xi32> to vector<256xi32>
    %broadcast_in_dim3A_249 = vector.shape_cast %reduce_min3A_248 : vector<256xi32> to vector<256x1xi32>
    %eq3A_250 = vector.broadcast %broadcast_in_dim3A_249 : vector<256x1xi32> to vector<256x2048xi32>
    %eq3A_251 = arith.cmpi eq, %iota3A, %eq3A_250 : vector<256x2048xi32>
    %jit3A_252 = arith.constant 0xFF800000 : f32
    %broadcast_in_dim3A_253 = vector.broadcast %jit3A_252 : f32 to vector<256x2048xf32>
    %select_n3A_254 = arith.select %eq3A_251, %broadcast_in_dim3A_253, %select_n3A_238 : vector<256x2048xi1>, vector<256x2048xf32>
    %reduce_max3A_255 = arith.constant dense<0xFF800000> : vector<256xf32>
    %reduce_max3A_256 = vector.multi_reduction <maximumf>, %select_n3A_254, %reduce_max3A_255 [1] : vector<256x2048xf32> to vector<256xf32>
    %broadcast_in_dim3A_257 = vector.shape_cast %reduce_max3A_256 : vector<256xf32> to vector<256x1xf32>
    %ge3A_258 = vector.broadcast %broadcast_in_dim3A_257 : vector<256x1xf32> to vector<256x2048xf32>
    %ge3A_259 = arith.cmpf oge, %select_n3A_254, %ge3A_258 : vector<256x2048xf32>
    %jit3A_260 = arith.constant 2048 : i32
    %broadcast_in_dim3A_261 = vector.broadcast %jit3A_260 : i32 to vector<256x2048xi32>
    %select_n3A_262 = arith.select %ge3A_259, %iota3A, %broadcast_in_dim3A_261 : vector<256x2048xi1>, vector<256x2048xi32>
    %reduce_min3A_263 = arith.constant dense<2147483647> : vector<256xi32>
    %reduce_min3A_264 = vector.multi_reduction <minsi>, %select_n3A_262, %reduce_min3A_263 [1] : vector<256x2048xi32> to vector<256xi32>
    %broadcast_in_dim3A_265 = vector.shape_cast %reduce_min3A_264 : vector<256xi32> to vector<256x1xi32>
    %concatenate3A = tpu.concatenate %broadcast_in_dim3A_26, %broadcast_in_dim3A_41, %broadcast_in_dim3A_57, %broadcast_in_dim3A_73, %broadcast_in_dim3A_89, %broadcast_in_dim3A_105, %broadcast_in_dim3A_121, %broadcast_in_dim3A_137, %broadcast_in_dim3A_153, %broadcast_in_dim3A_169, %broadcast_in_dim3A_185, %broadcast_in_dim3A_201, %broadcast_in_dim3A_217, %broadcast_in_dim3A_233, %broadcast_in_dim3A_249, %broadcast_in_dim3A_265 in 1 : vector<256x1xi32>, vector<256x1xi32>, vector<256x1xi32>, vector<256x1xi32>, vector<256x1xi32>, vector<256x1xi32>, vector<256x1xi32>, vector<256x1xi32>, vector<256x1xi32>, vector<256x1xi32>, vector<256x1xi32>, vector<256x1xi32>, vector<256x1xi32>, vector<256x1xi32>, vector<256x1xi32>, vector<256x1xi32> -> vector<256x16xi32>
    %mul3A_266 = arith.constant 2048 : i32
    %mul3A_267 = arith.muli %arg0, %mul3A_266 : i32
    %add3A = vector.broadcast %mul3A_267 : i32 to vector<256x16xi32>
    %add3A_268 = arith.addi %concatenate3A, %add3A : vector<256x16xi32>
    %swap3A = arith.constant 0 : index
    %swap3A_269 = arith.constant 0 : index
    %swap3A_270 = vector.load %arg4[%swap3A, %swap3A_269] : memref<256x16xi32, #tpu.memory_space<vmem>>, vector<256x16xi32>
    tpu.vector_store %arg4[%swap3A, %swap3A_269], %add3A_268 {strides = array<i32>} : memref<256x16xi32, #tpu.memory_space<vmem>>, vector<256x16xi32>,
    return
  }
  func.func @transform_0(%arg0: i32, %arg1: i32) -> (i32, i32, i32) {
    %c0_i32 = arith.constant 0 : i32
    %c0_i32_0 = arith.constant 0 : i32
    return %arg0, %arg1, %c0_i32 : i32, i32, i32
  }
  func.func @transform_1(%arg0: i32, %arg1: i32) -> (i32, i32, i32) {
    %c0_i32 = arith.constant 0 : i32
    %c0_i32_0 = arith.constant 0 : i32
    %c0_i32_1 = arith.constant 0 : i32
    return %arg0, %c0_i32, %c0_i32_0 : i32, i32, i32
  }
  func.func @transform_2(%arg0: i32, %arg1: i32) -> (i32, i32) {
    %mul3A = arith.constant 8 : i32
    %mul3A_0 = arith.muli %arg0, %mul3A : i32
    %add3A = arith.addi %mul3A_0, %arg1 : i32
    %c0_i32 = arith.constant 0 : i32
    %c0_i32_1 = arith.constant 0 : i32
    return %add3A, %c0_i32 : i32, i32
  }
}

module attributes {stable_mosaic.version = 14 : i64} {
  func.func @_proj2_body(%arg0: i32, %arg1: memref<512x1024xf32, #tpu.memory_space<vmem>>, %arg2: memref<16x1024xf32, #tpu.memory_space<vmem>>, %arg3: memref<8x1024xf32, #tpu.memory_space<vmem>>, %arg4: memref<32x256xf32, #tpu.memory_space<vmem>>, %arg5: memref<512x256xf32, #tpu.memory_space<vmem>>, %arg6: memref<512x256xf32, #tpu.memory_space<vmem>>, %arg7: memref<512x384xf32, #tpu.memory_space<vmem>>, %arg8: memref<512x32xf32, #tpu.memory_space<vmem>>) attributes {dimension_semantics = [#tpu.dimension_semantics<arbitrary>], iteration_bounds = array<i64: 8>, scalar_prefetch = 0 : i64, scratch_operands = 0 : i64, tpu.core_type = #tpu.core_type<tc>, window_params = [{transform_indices = @transform_0, window_bounds = array<i64: 512, 1024>}, {pipeline_mode = #tpu.pipeline_mode<synchronous>, transform_indices = @transform_1, window_bounds = array<i64: 16, 1024>}, {pipeline_mode = #tpu.pipeline_mode<synchronous>, transform_indices = @transform_2, window_bounds = array<i64: 8, 1024>}, {pipeline_mode = #tpu.pipeline_mode<synchronous>, transform_indices = @transform_3, window_bounds = array<i64: 32, 256>}, {transform_indices = @transform_4, window_bounds = array<i64: 512, 256>}, {transform_indices = @transform_5, window_bounds = array<i64: 512, 256>}, {transform_indices = @transform_6, window_bounds = array<i64: 512, 384>}, {transform_indices = @transform_7, window_bounds = array<i64: 512, 32>}]} {
    %get3A = arith.constant 0 : index
    %get3A_0 = arith.constant 0 : index
    %get3A_1 = vector.load %arg2[%get3A, %get3A_0] : memref<16x1024xf32, #tpu.memory_space<vmem>>, vector<1x1024xf32>
    %div3A = arith.constant 4.096000e+03 : f32
    %div3A_2 = vector.broadcast %div3A : f32 to vector<1x1024xf32>
    %div3A_3 = arith.divf %get3A_1, %div3A_2 : vector<1x1024xf32>
    %get3A_4 = arith.constant 8 : index
    %get3A_5 = arith.constant 0 : index
    %get3A_6 = vector.load %arg2[%get3A_4, %get3A_5] : memref<16x1024xf32, #tpu.memory_space<vmem>>, vector<1x1024xf32>
    %div3A_7 = arith.constant 4.096000e+03 : f32
    %div3A_8 = vector.broadcast %div3A_7 : f32 to vector<1x1024xf32>
    %div3A_9 = arith.divf %get3A_6, %div3A_8 : vector<1x1024xf32>
    %mul3A = arith.mulf %div3A_3, %div3A_3 : vector<1x1024xf32>
    %sub3A = arith.subf %div3A_9, %mul3A : vector<1x1024xf32>
    %add3A = arith.constant 9.99999974E-6 : f32
    %add3A_10 = vector.broadcast %add3A : f32 to vector<1x1024xf32>
    %add3A_11 = arith.addf %sub3A, %add3A_10 : vector<1x1024xf32>
    %rsqrt3A = math.rsqrt %add3A_11 : vector<1x1024xf32>
    %get3A_12 = arith.constant 0 : index
    %get3A_13 = arith.constant 0 : index
    %get3A_14 = vector.load %arg1[%get3A_12, %get3A_13] : memref<512x1024xf32, #tpu.memory_space<vmem>>, vector<512x1024xf32>
    %sub3A_15 = vector.broadcast %div3A_3 : vector<1x1024xf32> to vector<512x1024xf32>
    %sub3A_16 = arith.subf %get3A_14, %sub3A_15 : vector<512x1024xf32>
    %mul3A_17 = vector.broadcast %rsqrt3A : vector<1x1024xf32> to vector<512x1024xf32>
    %mul3A_18 = arith.mulf %sub3A_16, %mul3A_17 : vector<512x1024xf32>
    %get3A_19 = arith.constant 0 : index
    %get3A_20 = arith.constant 0 : index
    %get3A_21 = vector.load %arg3[%get3A_19, %get3A_20] : memref<8x1024xf32, #tpu.memory_space<vmem>>, vector<1x1024xf32>
    %mul3A_22 = vector.broadcast %get3A_21 : vector<1x1024xf32> to vector<512x1024xf32>
    %mul3A_23 = arith.mulf %mul3A_18, %mul3A_22 : vector<512x1024xf32>
    %get3A_24 = arith.constant 1 : index
    %get3A_25 = arith.constant 0 : index
    %get3A_26 = vector.load %arg3[%get3A_24, %get3A_25] : memref<8x1024xf32, #tpu.memory_space<vmem>>, vector<1x1024xf32>
    %add3A_27 = vector.broadcast %get3A_26 : vector<1x1024xf32> to vector<512x1024xf32>
    %add3A_28 = arith.addf %mul3A_23, %add3A_27 : vector<512x1024xf32>
    %ge3A = arith.constant 0.000000e+00 : f32
    %ge3A_29 = vector.broadcast %ge3A : f32 to vector<512x1024xf32>
    %ge3A_30 = arith.cmpf oge, %add3A_28, %ge3A_29 : vector<512x1024xf32>
    %mul3A_31 = arith.constant 2.000000e-01 : f32
    %mul3A_32 = vector.broadcast %mul3A_31 : f32 to vector<512x1024xf32>
    %mul3A_33 = arith.mulf %mul3A_32, %add3A_28 : vector<512x1024xf32>
    %select_n3A = arith.select %ge3A_30, %add3A_28, %mul3A_33 : vector<512x1024xi1>, vector<512x1024xf32>
    %slice3A = vector.extract_strided_slice %select_n3A {offsets = [0, 0], sizes = [512, 256], strides = [1, 1]} : vector<512x1024xf32> to vector<512x256xf32>
    %slice3A_34 = vector.extract_strided_slice %select_n3A {offsets = [0, 256], sizes = [512, 256], strides = [1, 1]} : vector<512x1024xf32> to vector<512x256xf32>
    %slice3A_35 = vector.extract_strided_slice %select_n3A {offsets = [0, 512], sizes = [512, 256], strides = [1, 1]} : vector<512x1024xf32> to vector<512x256xf32>
    %swap3A = arith.constant 0 : index
    %swap3A_36 = arith.constant 0 : index
    %swap3A_37 = vector.load %arg5[%swap3A, %swap3A_36] : memref<512x256xf32, #tpu.memory_space<vmem>>, vector<512x256xf32>
    tpu.vector_store %arg5[%swap3A, %swap3A_36], %slice3A_34 {strides = array<i32>} : memref<512x256xf32, #tpu.memory_space<vmem>>, vector<512x256xf32>,
    %swap3A_38 = arith.constant 0 : index
    %swap3A_39 = arith.constant 0 : index
    %swap3A_40 = vector.load %arg6[%swap3A_38, %swap3A_39] : memref<512x256xf32, #tpu.memory_space<vmem>>, vector<512x256xf32>
    tpu.vector_store %arg6[%swap3A_38, %swap3A_39], %slice3A_35 {strides = array<i32>} : memref<512x256xf32, #tpu.memory_space<vmem>>, vector<512x256xf32>,
    %slice3A_41 = vector.extract_strided_slice %get3A_14 {offsets = [0, 768], sizes = [512, 256], strides = [1, 1]} : vector<512x1024xf32> to vector<512x256xf32>
    %swap3A_42 = arith.constant 0 : index
    %swap3A_43 = arith.constant 0 : index
    %swap3A_44 = vector.load %arg7[%swap3A_42, %swap3A_43] : memref<512x384xf32, #tpu.memory_space<vmem>>, vector<512x256xf32>
    tpu.vector_store %arg7[%swap3A_42, %swap3A_43], %slice3A_41 {strides = array<i32>} : memref<512x384xf32, #tpu.memory_space<vmem>>, vector<512x256xf32>,
    %get3A_45 = arith.constant 0 : index
    %get3A_46 = arith.constant 0 : index
    %get3A_47 = vector.load %arg4[%get3A_45, %get3A_46] : memref<32x256xf32, #tpu.memory_space<vmem>>, vector<32x256xf32>
    %dot_general3A = arith.constant dense<0.000000e+00> : vector<512x32xf32>
    %dot_general3A_48 = tpu.matmul %slice3A, %get3A_47, %dot_general3A {dimension_numbers = #tpu.dot_dimension_numbers<[1], [1], [0], [0], [0, 0, 1, 0], [], []>, transpose_lhs_hint = false} : vector<512x256xf32>, vector<32x256xf32>, vector<512x32xf32> -> vector<512x32xf32>
    %swap3A_49 = arith.constant 0 : index
    %swap3A_50 = arith.constant 0 : index
    %swap3A_51 = vector.load %arg8[%swap3A_49, %swap3A_50] : memref<512x32xf32, #tpu.memory_space<vmem>>, vector<512x32xf32>
    tpu.vector_store %arg8[%swap3A_49, %swap3A_50], %dot_general3A_48 {strides = array<i32>} : memref<512x32xf32, #tpu.memory_space<vmem>>, vector<512x32xf32>,
    %dot_general3A_52 = arith.constant dense<0.000000e+00> : vector<512x32xf32>
    %dot_general3A_53 = tpu.matmul %slice3A_34, %get3A_47, %dot_general3A_52 {dimension_numbers = #tpu.dot_dimension_numbers<[1], [1], [0], [0], [0, 0, 1, 0], [], []>, transpose_lhs_hint = false} : vector<512x256xf32>, vector<32x256xf32>, vector<512x32xf32> -> vector<512x32xf32>
    %swap3A_54 = arith.constant 0 : index
    %swap3A_55 = arith.constant 256 : index
    %swap3A_56 = vector.load %arg7[%swap3A_54, %swap3A_55] : memref<512x384xf32, #tpu.memory_space<vmem>>, vector<512x32xf32>
    tpu.vector_store %arg7[%swap3A_54, %swap3A_55], %dot_general3A_53 {strides = array<i32>} : memref<512x384xf32, #tpu.memory_space<vmem>>, vector<512x32xf32>,
    %broadcast_in_dim3A = arith.constant 0.000000e+00 : f32
    %broadcast_in_dim3A_57 = vector.broadcast %broadcast_in_dim3A : f32 to vector<512x96xf32>
    %swap3A_58 = arith.constant 0 : index
    %swap3A_59 = arith.constant 288 : index
    %swap3A_60 = vector.load %arg7[%swap3A_58, %swap3A_59] : memref<512x384xf32, #tpu.memory_space<vmem>>, vector<512x96xf32>
    tpu.vector_store %arg7[%swap3A_58, %swap3A_59], %broadcast_in_dim3A_57 {strides = array<i32>} : memref<512x384xf32, #tpu.memory_space<vmem>>, vector<512x96xf32>,
    return
  }
  func.func @transform_0(%arg0: i32) -> (i32, i32) {
    %c0_i32 = arith.constant 0 : i32
    %c0_i32_0 = arith.constant 0 : i32
    return %arg0, %c0_i32 : i32, i32
  }
  func.func @transform_1(%arg0: i32) -> (i32, i32) {
    %c0_i32 = arith.constant 0 : i32
    %c0_i32_0 = arith.constant 0 : i32
    %c0_i32_1 = arith.constant 0 : i32
    return %c0_i32, %c0_i32_0 : i32, i32
  }
  func.func @transform_2(%arg0: i32) -> (i32, i32) {
    %c0_i32 = arith.constant 0 : i32
    %c0_i32_0 = arith.constant 0 : i32
    %c0_i32_1 = arith.constant 0 : i32
    return %c0_i32, %c0_i32_0 : i32, i32
  }
  func.func @transform_3(%arg0: i32) -> (i32, i32) {
    %c0_i32 = arith.constant 0 : i32
    %c0_i32_0 = arith.constant 0 : i32
    %c0_i32_1 = arith.constant 0 : i32
    return %c0_i32, %c0_i32_0 : i32, i32
  }
  func.func @transform_4(%arg0: i32) -> (i32, i32) {
    %c0_i32 = arith.constant 0 : i32
    %c0_i32_0 = arith.constant 0 : i32
    return %arg0, %c0_i32 : i32, i32
  }
  func.func @transform_5(%arg0: i32) -> (i32, i32) {
    %c0_i32 = arith.constant 0 : i32
    %c0_i32_0 = arith.constant 0 : i32
    return %arg0, %c0_i32 : i32, i32
  }
  func.func @transform_6(%arg0: i32) -> (i32, i32) {
    %c0_i32 = arith.constant 0 : i32
    %c0_i32_0 = arith.constant 0 : i32
    return %arg0, %c0_i32 : i32, i32
  }
  func.func @transform_7(%arg0: i32) -> (i32, i32) {
    %c0_i32 = arith.constant 0 : i32
    %c0_i32_0 = arith.constant 0 : i32
    return %arg0, %c0_i32 : i32, i32
  }
}

module attributes {stable_mosaic.version = 14 : i64} {
  func.func @_e1_body(%arg0: i32, %arg1: memref<4096x256xf32, #tpu.memory_space<vmem>>, %arg2: memref<256x256xf32, #tpu.memory_space<vmem>>, %arg3: memref<32x8x256xf32, #tpu.memory_space<vmem>>, %arg4: memref<8x256xf32, #tpu.memory_space<vmem>>, %arg5: memref<256x32xf32, #tpu.memory_space<vmem>>, %arg6: memref<4096x128xf32, #tpu.memory_space<vmem>>, %arg7: memref<32x256xf32, #tpu.memory_space<vmem>>, %arg8: memref<256x16x32xf32, #tpu.memory_space<vmem>>, %arg9: memref<16x32xf32, #tpu.memory_space<vmem>>) attributes {dimension_semantics = [#tpu.dimension_semantics<arbitrary>], iteration_bounds = array<i64: 16>, scalar_prefetch = 0 : i64, scratch_operands = 0 : i64, tpu.core_type = #tpu.core_type<tc>, window_params = [{transform_indices = @transform_0, window_bounds = array<i64: 4096, 256>}, {transform_indices = @transform_1, window_bounds = array<i64: 256, 256>}, {pipeline_mode = #tpu.pipeline_mode<synchronous>, transform_indices = @transform_2, window_bounds = array<i64: 32, 8, 256>}, {pipeline_mode = #tpu.pipeline_mode<synchronous>, transform_indices = @transform_3, window_bounds = array<i64: 8, 256>}, {transform_indices = @transform_4, window_bounds = array<i64: 256, 32>}, {transform_indices = @transform_5, window_bounds = array<i64: 4096, 128>}, {pipeline_mode = #tpu.pipeline_mode<synchronous>, transform_indices = @transform_6, window_bounds = array<i64: 32, 256>}, {transform_indices = @transform_7, window_bounds = array<i64: 256, 16, 32>}, {pipeline_mode = #tpu.pipeline_mode<synchronous>, transform_indices = @transform_8, window_bounds = array<i64: 16, 32>}]} {
    %get3A = arith.constant 0 : index
    %get3A_0 = arith.constant 0 : index
    %get3A_1 = arith.constant 0 : index
    %get3A_2 = vector.load %arg3[%get3A, %get3A_0, %get3A_1] : memref<32x8x256xf32, #tpu.memory_space<vmem>>, vector<32x1x256xf32>
    %get3A_3 = vector.shape_cast %get3A_2 : vector<32x1x256xf32> to vector<32x256xf32>
    %reduce_sum3A = arith.constant dense<0.000000e+00> : vector<256xf32>
    %reduce_sum3A_4 = vector.multi_reduction <add>, %get3A_3, %reduce_sum3A [0] : vector<32x256xf32> to vector<256xf32>
    %broadcast_in_dim3A = vector.shape_cast %reduce_sum3A_4 : vector<256xf32> to vector<1x256xf32>
    %div3A = arith.constant 6.553600e+04 : f32
    %div3A_5 = vector.broadcast %div3A : f32 to vector<1x256xf32>
    %div3A_6 = arith.divf %broadcast_in_dim3A, %div3A_5 : vector<1x256xf32>
    %get3A_7 = arith.constant 0 : index
    %get3A_8 = arith.constant 1 : index
    %get3A_9 = arith.constant 0 : index
    %get3A_10 = vector.load %arg3[%get3A_7, %get3A_8, %get3A_9] : memref<32x8x256xf32, #tpu.memory_space<vmem>>, vector<32x1x256xf32>
    %get3A_11 = vector.shape_cast %get3A_10 : vector<32x1x256xf32> to vector<32x256xf32>
    %reduce_sum3A_12 = arith.constant dense<0.000000e+00> : vector<256xf32>
    %reduce_sum3A_13 = vector.multi_reduction <add>, %get3A_11, %reduce_sum3A_12 [0] : vector<32x256xf32> to vector<256xf32>
    %broadcast_in_dim3A_14 = vector.shape_cast %reduce_sum3A_13 : vector<256xf32> to vector<1x256xf32>
    %div3A_15 = arith.constant 6.553600e+04 : f32
    %div3A_16 = vector.broadcast %div3A_15 : f32 to vector<1x256xf32>
    %div3A_17 = arith.divf %broadcast_in_dim3A_14, %div3A_16 : vector<1x256xf32>
    %mul3A = arith.mulf %div3A_6, %div3A_6 : vector<1x256xf32>
    %sub3A = arith.subf %div3A_17, %mul3A : vector<1x256xf32>
    %add3A = arith.constant 9.99999974E-6 : f32
    %add3A_18 = vector.broadcast %add3A : f32 to vector<1x256xf32>
    %add3A_19 = arith.addf %sub3A, %add3A_18 : vector<1x256xf32>
    %rsqrt3A = math.rsqrt %add3A_19 : vector<1x256xf32>
    %get3A_20 = arith.constant 0 : index
    %get3A_21 = arith.constant 0 : index
    %get3A_22 = vector.load %arg1[%get3A_20, %get3A_21] : memref<4096x256xf32, #tpu.memory_space<vmem>>, vector<4096x256xf32>
    %reshape3A = vector.shape_cast %get3A_22 : vector<4096x256xf32> to vector<256x16x256xf32>
    %get3A_23 = arith.constant 0 : index
    %get3A_24 = arith.constant 0 : index
    %get3A_25 = vector.load %arg2[%get3A_23, %get3A_24] : memref<256x256xf32, #tpu.memory_space<vmem>>, vector<256x256xf32>
    %broadcast_in_dim3A_26 = vector.shape_cast %get3A_25 : vector<256x256xf32> to vector<256x1x256xf32>
    %sub3A_27 = vector.broadcast %broadcast_in_dim3A_26 : vector<256x1x256xf32> to vector<256x16x256xf32>
    %sub3A_28 = arith.subf %reshape3A, %sub3A_27 : vector<256x16x256xf32>
    %broadcast_in_dim3A_29 = vector.shape_cast %div3A_6 : vector<1x256xf32> to vector<1x1x256xf32>
    %sub3A_30 = vector.broadcast %broadcast_in_dim3A_29 : vector<1x1x256xf32> to vector<256x16x256xf32>
    %sub3A_31 = arith.subf %sub3A_28, %sub3A_30 : vector<256x16x256xf32>
    %broadcast_in_dim3A_32 = vector.shape_cast %rsqrt3A : vector<1x256xf32> to vector<1x1x256xf32>
    %mul3A_33 = vector.broadcast %broadcast_in_dim3A_32 : vector<1x1x256xf32> to vector<256x16x256xf32>
    %mul3A_34 = arith.mulf %sub3A_31, %mul3A_33 : vector<256x16x256xf32>
    %get3A_35 = arith.constant 0 : index
    %get3A_36 = arith.constant 0 : index
    %get3A_37 = vector.load %arg4[%get3A_35, %get3A_36] : memref<8x256xf32, #tpu.memory_space<vmem>>, vector<1x256xf32>
    %broadcast_in_dim3A_38 = vector.shape_cast %get3A_37 : vector<1x256xf32> to vector<1x1x256xf32>
    %mul3A_39 = vector.broadcast %broadcast_in_dim3A_38 : vector<1x1x256xf32> to vector<256x16x256xf32>
    %mul3A_40 = arith.mulf %mul3A_34, %mul3A_39 : vector<256x16x256xf32>
    %get3A_41 = arith.constant 1 : index
    %get3A_42 = arith.constant 0 : index
    %get3A_43 = vector.load %arg4[%get3A_41, %get3A_42] : memref<8x256xf32, #tpu.memory_space<vmem>>, vector<1x256xf32>
    %broadcast_in_dim3A_44 = vector.shape_cast %get3A_43 : vector<1x256xf32> to vector<1x1x256xf32>
    %add3A_45 = vector.broadcast %broadcast_in_dim3A_44 : vector<1x1x256xf32> to vector<256x16x256xf32>
    %add3A_46 = arith.addf %mul3A_40, %add3A_45 : vector<256x16x256xf32>
    %ge3A = arith.constant 0.000000e+00 : f32
    %ge3A_47 = vector.broadcast %ge3A : f32 to vector<256x16x256xf32>
    %ge3A_48 = arith.cmpf oge, %add3A_46, %ge3A_47 : vector<256x16x256xf32>
    %mul3A_49 = arith.constant 2.000000e-01 : f32
    %mul3A_50 = vector.broadcast %mul3A_49 : f32 to vector<256x16x256xf32>
    %mul3A_51 = arith.mulf %mul3A_50, %add3A_46 : vector<256x16x256xf32>
    %select_n3A = arith.select %ge3A_48, %add3A_46, %mul3A_51 : vector<256x16x256xi1>, vector<256x16x256xf32>
    %reshape3A_52 = vector.shape_cast %select_n3A : vector<256x16x256xf32> to vector<4096x256xf32>
    %get3A_53 = arith.constant 0 : index
    %get3A_54 = arith.constant 0 : index
    %get3A_55 = vector.load %arg7[%get3A_53, %get3A_54] : memref<32x256xf32, #tpu.memory_space<vmem>>, vector<32x256xf32>
    %dot_general3A = arith.constant dense<0.000000e+00> : vector<4096x32xf32>
    %dot_general3A_56 = tpu.matmul %reshape3A_52, %get3A_55, %dot_general3A {dimension_numbers = #tpu.dot_dimension_numbers<[1], [1], [0], [0], [0, 0, 1, 0], [], []>, transpose_lhs_hint = false} : vector<4096x256xf32>, vector<32x256xf32>, vector<4096x32xf32> -> vector<4096x32xf32>
    %reshape3A_57 = vector.shape_cast %dot_general3A_56 : vector<4096x32xf32> to vector<256x16x32xf32>
    %get3A_58 = arith.constant 0 : index
    %get3A_59 = arith.constant 0 : index
    %get3A_60 = vector.load %arg6[%get3A_58, %get3A_59] : memref<4096x128xf32, #tpu.memory_space<vmem>>, vector<4096x128xf32>
    %reshape3A_61 = vector.shape_cast %get3A_60 : vector<4096x128xf32> to vector<256x16x128xf32>
    %slice3A = vector.extract_strided_slice %reshape3A_61 {offsets = [0, 0, 0], sizes = [256, 16, 32], strides = [1, 1, 1]} : vector<256x16x128xf32> to vector<256x16x32xf32>
    %add3A_62 = arith.addf %reshape3A_57, %slice3A : vector<256x16x32xf32>
    %get3A_63 = arith.constant 0 : index
    %get3A_64 = arith.constant 0 : index
    %get3A_65 = vector.load %arg5[%get3A_63, %get3A_64] : memref<256x32xf32, #tpu.memory_space<vmem>>, vector<256x32xf32>
    %broadcast_in_dim3A_66 = vector.shape_cast %get3A_65 : vector<256x32xf32> to vector<256x1x32xf32>
    %sub3A_67 = vector.broadcast %broadcast_in_dim3A_66 : vector<256x1x32xf32> to vector<256x16x32xf32>
    %sub3A_68 = arith.subf %add3A_62, %sub3A_67 : vector<256x16x32xf32>
    %swap3A = arith.constant 0 : index
    %swap3A_69 = arith.constant 0 : index
    %swap3A_70 = arith.constant 0 : index
    %swap3A_71 = vector.load %arg8[%swap3A, %swap3A_69, %swap3A_70] : memref<256x16x32xf32, #tpu.memory_space<vmem>>, vector<256x16x32xf32>
    tpu.vector_store %arg8[%swap3A, %swap3A_69, %swap3A_70], %sub3A_68 {strides = array<i32>} : memref<256x16x32xf32, #tpu.memory_space<vmem>>, vector<256x16x32xf32>,
    %reduce_sum3A_72 = arith.constant dense<0.000000e+00> : vector<32xf32>
    %reduce_sum3A_73 = vector.multi_reduction <add>, %sub3A_68, %reduce_sum3A_72 [0, 1] : vector<256x16x32xf32> to vector<32xf32>
    %broadcast_in_dim3A_74 = vector.shape_cast %reduce_sum3A_73 : vector<32xf32> to vector<1x32xf32>
    %mul3A_75 = arith.mulf %sub3A_68, %sub3A_68 : vector<256x16x32xf32>
    %reduce_sum3A_76 = arith.constant dense<0.000000e+00> : vector<32xf32>
    %reduce_sum3A_77 = vector.multi_reduction <add>, %mul3A_75, %reduce_sum3A_76 [0, 1] : vector<256x16x32xf32> to vector<32xf32>
    %broadcast_in_dim3A_78 = vector.shape_cast %reduce_sum3A_77 : vector<32xf32> to vector<1x32xf32>
    %broadcast_in_dim3A_79 = vector.shape_cast %broadcast_in_dim3A_74 : vector<1x32xf32> to vector<1x32xf32>
    %broadcast_in_dim3A_80 = vector.broadcast %broadcast_in_dim3A_79 : vector<1x32xf32> to vector<8x32xf32>
    %broadcast_in_dim3A_81 = vector.shape_cast %broadcast_in_dim3A_78 : vector<1x32xf32> to vector<1x32xf32>
    %broadcast_in_dim3A_82 = vector.broadcast %broadcast_in_dim3A_81 : vector<1x32xf32> to vector<8x32xf32>
    %concatenate3A = tpu.concatenate %broadcast_in_dim3A_80, %broadcast_in_dim3A_82 in 0 : vector<8x32xf32>, vector<8x32xf32> -> vector<16x32xf32>
    %eq3A = arith.constant 0 : i32
    %eq3A_83 = arith.cmpi eq, %arg0, %eq3A : i32
    %convert_element_type3A = arith.extui %eq3A_83 : i1 to i32
    %cond3A = arith.constant 0 : i32
    %cond3A_84 = arith.cmpi ne, %convert_element_type3A, %cond3A : i32
    scf.if %cond3A_84 {
      %broadcast_in_dim3A_92 = arith.constant 0.000000e+00 : f32
      %broadcast_in_dim3A_93 = vector.broadcast %broadcast_in_dim3A_92 : f32 to vector<16x32xf32>
      %swap3A_94 = arith.constant 0 : index
      %swap3A_95 = arith.constant 0 : index
      %swap3A_96 = vector.load %arg9[%swap3A_94, %swap3A_95] : memref<16x32xf32, #tpu.memory_space<vmem>>, vector<16x32xf32>
      tpu.vector_store %arg9[%swap3A_94, %swap3A_95], %broadcast_in_dim3A_93 {strides = array<i32>} : memref<16x32xf32, #tpu.memory_space<vmem>>, vector<16x32xf32>,
    } else {
    }
    %get3A_85 = arith.constant 0 : index
    %get3A_86 = arith.constant 0 : index
    %get3A_87 = vector.load %arg9[%get3A_85, %get3A_86] : memref<16x32xf32, #tpu.memory_space<vmem>>, vector<16x32xf32>
    %add3A_88 = arith.addf %get3A_87, %concatenate3A : vector<16x32xf32>
    %swap3A_89 = arith.constant 0 : index
    %swap3A_90 = arith.constant 0 : index
    %swap3A_91 = vector.load %arg9[%swap3A_89, %swap3A_90] : memref<16x32xf32, #tpu.memory_space<vmem>>, vector<16x32xf32>
    tpu.vector_store %arg9[%swap3A_89, %swap3A_90], %add3A_88 {strides = array<i32>} : memref<16x32xf32, #tpu.memory_space<vmem>>, vector<16x32xf32>,
    return
  }
  func.func @transform_0(%arg0: i32) -> (i32, i32) {
    %c0_i32 = arith.constant 0 : i32
    %c0_i32_0 = arith.constant 0 : i32
    return %arg0, %c0_i32 : i32, i32
  }
  func.func @transform_1(%arg0: i32) -> (i32, i32) {
    %c0_i32 = arith.constant 0 : i32
    %c0_i32_0 = arith.constant 0 : i32
    return %arg0, %c0_i32 : i32, i32
  }
  func.func @transform_2(%arg0: i32) -> (i32, i32, i32) {
    %c0_i32 = arith.constant 0 : i32
    %c0_i32_0 = arith.constant 0 : i32
    %c0_i32_1 = arith.constant 0 : i32
    %c0_i32_2 = arith.constant 0 : i32
    return %c0_i32, %c0_i32_0, %c0_i32_1 : i32, i32, i32
  }
  func.func @transform_3(%arg0: i32) -> (i32, i32) {
    %c0_i32 = arith.constant 0 : i32
    %c0_i32_0 = arith.constant 0 : i32
    %c0_i32_1 = arith.constant 0 : i32
    return %c0_i32, %c0_i32_0 : i32, i32
  }
  func.func @transform_4(%arg0: i32) -> (i32, i32) {
    %c0_i32 = arith.constant 0 : i32
    %c0_i32_0 = arith.constant 0 : i32
    return %arg0, %c0_i32 : i32, i32
  }
  func.func @transform_5(%arg0: i32) -> (i32, i32) {
    %c0_i32 = arith.constant 0 : i32
    %c0_i32_0 = arith.constant 0 : i32
    return %arg0, %c0_i32 : i32, i32
  }
  func.func @transform_6(%arg0: i32) -> (i32, i32) {
    %c0_i32 = arith.constant 0 : i32
    %c0_i32_0 = arith.constant 0 : i32
    %c0_i32_1 = arith.constant 0 : i32
    return %c0_i32, %c0_i32_0 : i32, i32
  }
  func.func @transform_7(%arg0: i32) -> (i32, i32, i32) {
    %c0_i32 = arith.constant 0 : i32
    %c0_i32_0 = arith.constant 0 : i32
    %c0_i32_1 = arith.constant 0 : i32
    return %arg0, %c0_i32, %c0_i32_0 : i32, i32, i32
  }
  func.func @transform_8(%arg0: i32) -> (i32, i32) {
    %c0_i32 = arith.constant 0 : i32
    %c0_i32_0 = arith.constant 0 : i32
    %c0_i32_1 = arith.constant 0 : i32
    return %c0_i32, %c0_i32_0 : i32, i32
  }
}

module attributes {stable_mosaic.version = 14 : i64} {
  func.func @_e2_body(%arg0: i32, %arg1: memref<512x16x32xf32, #tpu.memory_space<vmem>>, %arg2: memref<16x32xf32, #tpu.memory_space<vmem>>, %arg3: memref<8x32xf32, #tpu.memory_space<vmem>>, %arg4: memref<32x32xf32, #tpu.memory_space<vmem>>, %arg5: memref<512x16x32xf32, #tpu.memory_space<vmem>>, %arg6: memref<16x32xf32, #tpu.memory_space<vmem>>) attributes {dimension_semantics = [#tpu.dimension_semantics<arbitrary>], iteration_bounds = array<i64: 8>, scalar_prefetch = 0 : i64, scratch_operands = 0 : i64, tpu.core_type = #tpu.core_type<tc>, window_params = [{transform_indices = @transform_0, window_bounds = array<i64: 512, 16, 32>}, {pipeline_mode = #tpu.pipeline_mode<synchronous>, transform_indices = @transform_1, window_bounds = array<i64: 16, 32>}, {pipeline_mode = #tpu.pipeline_mode<synchronous>, transform_indices = @transform_2, window_bounds = array<i64: 8, 32>}, {pipeline_mode = #tpu.pipeline_mode<synchronous>, transform_indices = @transform_3, window_bounds = array<i64: 32, 32>}, {transform_indices = @transform_4, window_bounds = array<i64: 512, 16, 32>}, {pipeline_mode = #tpu.pipeline_mode<synchronous>, transform_indices = @transform_5, window_bounds = array<i64: 16, 32>}]} {
    %get3A = arith.constant 0 : index
    %get3A_0 = arith.constant 0 : index
    %get3A_1 = vector.load %arg2[%get3A, %get3A_0] : memref<16x32xf32, #tpu.memory_space<vmem>>, vector<1x32xf32>
    %div3A = arith.constant 6.553600e+04 : f32
    %div3A_2 = vector.broadcast %div3A : f32 to vector<1x32xf32>
    %div3A_3 = arith.divf %get3A_1, %div3A_2 : vector<1x32xf32>
    %get3A_4 = arith.constant 8 : index
    %get3A_5 = arith.constant 0 : index
    %get3A_6 = vector.load %arg2[%get3A_4, %get3A_5] : memref<16x32xf32, #tpu.memory_space<vmem>>, vector<1x32xf32>
    %div3A_7 = arith.constant 6.553600e+04 : f32
    %div3A_8 = vector.broadcast %div3A_7 : f32 to vector<1x32xf32>
    %div3A_9 = arith.divf %get3A_6, %div3A_8 : vector<1x32xf32>
    %mul3A = arith.mulf %div3A_3, %div3A_3 : vector<1x32xf32>
    %sub3A = arith.subf %div3A_9, %mul3A : vector<1x32xf32>
    %add3A = arith.constant 9.99999974E-6 : f32
    %add3A_10 = vector.broadcast %add3A : f32 to vector<1x32xf32>
    %add3A_11 = arith.addf %sub3A, %add3A_10 : vector<1x32xf32>
    %rsqrt3A = math.rsqrt %add3A_11 : vector<1x32xf32>
    %get3A_12 = arith.constant 0 : index
    %get3A_13 = arith.constant 0 : index
    %get3A_14 = arith.constant 0 : index
    %get3A_15 = vector.load %arg1[%get3A_12, %get3A_13, %get3A_14] : memref<512x16x32xf32, #tpu.memory_space<vmem>>, vector<512x16x32xf32>
    %broadcast_in_dim3A = vector.shape_cast %div3A_3 : vector<1x32xf32> to vector<1x1x32xf32>
    %sub3A_16 = vector.broadcast %broadcast_in_dim3A : vector<1x1x32xf32> to vector<512x16x32xf32>
    %sub3A_17 = arith.subf %get3A_15, %sub3A_16 : vector<512x16x32xf32>
    %broadcast_in_dim3A_18 = vector.shape_cast %rsqrt3A : vector<1x32xf32> to vector<1x1x32xf32>
    %mul3A_19 = vector.broadcast %broadcast_in_dim3A_18 : vector<1x1x32xf32> to vector<512x16x32xf32>
    %mul3A_20 = arith.mulf %sub3A_17, %mul3A_19 : vector<512x16x32xf32>
    %get3A_21 = arith.constant 0 : index
    %get3A_22 = arith.constant 0 : index
    %get3A_23 = vector.load %arg3[%get3A_21, %get3A_22] : memref<8x32xf32, #tpu.memory_space<vmem>>, vector<1x32xf32>
    %broadcast_in_dim3A_24 = vector.shape_cast %get3A_23 : vector<1x32xf32> to vector<1x1x32xf32>
    %mul3A_25 = vector.broadcast %broadcast_in_dim3A_24 : vector<1x1x32xf32> to vector<512x16x32xf32>
    %mul3A_26 = arith.mulf %mul3A_20, %mul3A_25 : vector<512x16x32xf32>
    %get3A_27 = arith.constant 1 : index
    %get3A_28 = arith.constant 0 : index
    %get3A_29 = vector.load %arg3[%get3A_27, %get3A_28] : memref<8x32xf32, #tpu.memory_space<vmem>>, vector<1x32xf32>
    %broadcast_in_dim3A_30 = vector.shape_cast %get3A_29 : vector<1x32xf32> to vector<1x1x32xf32>
    %add3A_31 = vector.broadcast %broadcast_in_dim3A_30 : vector<1x1x32xf32> to vector<512x16x32xf32>
    %add3A_32 = arith.addf %mul3A_26, %add3A_31 : vector<512x16x32xf32>
    %ge3A = arith.constant 0.000000e+00 : f32
    %ge3A_33 = vector.broadcast %ge3A : f32 to vector<512x16x32xf32>
    %ge3A_34 = arith.cmpf oge, %add3A_32, %ge3A_33 : vector<512x16x32xf32>
    %mul3A_35 = arith.constant 2.000000e-01 : f32
    %mul3A_36 = vector.broadcast %mul3A_35 : f32 to vector<512x16x32xf32>
    %mul3A_37 = arith.mulf %mul3A_36, %add3A_32 : vector<512x16x32xf32>
    %select_n3A = arith.select %ge3A_34, %add3A_32, %mul3A_37 : vector<512x16x32xi1>, vector<512x16x32xf32>
    %reshape3A = vector.shape_cast %select_n3A : vector<512x16x32xf32> to vector<8192x32xf32>
    %get3A_38 = arith.constant 0 : index
    %get3A_39 = arith.constant 0 : index
    %get3A_40 = vector.load %arg4[%get3A_38, %get3A_39] : memref<32x32xf32, #tpu.memory_space<vmem>>, vector<32x32xf32>
    %dot_general3A = arith.constant dense<0.000000e+00> : vector<8192x32xf32>
    %dot_general3A_41 = tpu.matmul %reshape3A, %get3A_40, %dot_general3A {dimension_numbers = #tpu.dot_dimension_numbers<[1], [1], [0], [0], [0, 0, 1, 0], [], []>, transpose_lhs_hint = false} : vector<8192x32xf32>, vector<32x32xf32>, vector<8192x32xf32> -> vector<8192x32xf32>
    %reshape3A_42 = vector.shape_cast %dot_general3A_41 : vector<8192x32xf32> to vector<512x16x32xf32>
    %swap3A = arith.constant 0 : index
    %swap3A_43 = arith.constant 0 : index
    %swap3A_44 = arith.constant 0 : index
    %swap3A_45 = vector.load %arg5[%swap3A, %swap3A_43, %swap3A_44] : memref<512x16x32xf32, #tpu.memory_space<vmem>>, vector<512x16x32xf32>
    tpu.vector_store %arg5[%swap3A, %swap3A_43, %swap3A_44], %reshape3A_42 {strides = array<i32>} : memref<512x16x32xf32, #tpu.memory_space<vmem>>, vector<512x16x32xf32>,
    %reduce_sum3A = arith.constant dense<0.000000e+00> : vector<32xf32>
    %reduce_sum3A_46 = vector.multi_reduction <add>, %reshape3A_42, %reduce_sum3A [0, 1] : vector<512x16x32xf32> to vector<32xf32>
    %broadcast_in_dim3A_47 = vector.shape_cast %reduce_sum3A_46 : vector<32xf32> to vector<1x32xf32>
    %mul3A_48 = arith.mulf %reshape3A_42, %reshape3A_42 : vector<512x16x32xf32>
    %reduce_sum3A_49 = arith.constant dense<0.000000e+00> : vector<32xf32>
    %reduce_sum3A_50 = vector.multi_reduction <add>, %mul3A_48, %reduce_sum3A_49 [0, 1] : vector<512x16x32xf32> to vector<32xf32>
    %broadcast_in_dim3A_51 = vector.shape_cast %reduce_sum3A_50 : vector<32xf32> to vector<1x32xf32>
    %broadcast_in_dim3A_52 = vector.shape_cast %broadcast_in_dim3A_47 : vector<1x32xf32> to vector<1x32xf32>
    %broadcast_in_dim3A_53 = vector.broadcast %broadcast_in_dim3A_52 : vector<1x32xf32> to vector<8x32xf32>
    %broadcast_in_dim3A_54 = vector.shape_cast %broadcast_in_dim3A_51 : vector<1x32xf32> to vector<1x32xf32>
    %broadcast_in_dim3A_55 = vector.broadcast %broadcast_in_dim3A_54 : vector<1x32xf32> to vector<8x32xf32>
    %concatenate3A = tpu.concatenate %broadcast_in_dim3A_53, %broadcast_in_dim3A_55 in 0 : vector<8x32xf32>, vector<8x32xf32> -> vector<16x32xf32>
    %eq3A = arith.constant 0 : i32
    %eq3A_56 = arith.cmpi eq, %arg0, %eq3A : i32
    %convert_element_type3A = arith.extui %eq3A_56 : i1 to i32
    %cond3A = arith.constant 0 : i32
    %cond3A_57 = arith.cmpi ne, %convert_element_type3A, %cond3A : i32
    scf.if %cond3A_57 {
      %broadcast_in_dim3A_65 = arith.constant 0.000000e+00 : f32
      %broadcast_in_dim3A_66 = vector.broadcast %broadcast_in_dim3A_65 : f32 to vector<16x32xf32>
      %swap3A_67 = arith.constant 0 : index
      %swap3A_68 = arith.constant 0 : index
      %swap3A_69 = vector.load %arg6[%swap3A_67, %swap3A_68] : memref<16x32xf32, #tpu.memory_space<vmem>>, vector<16x32xf32>
      tpu.vector_store %arg6[%swap3A_67, %swap3A_68], %broadcast_in_dim3A_66 {strides = array<i32>} : memref<16x32xf32, #tpu.memory_space<vmem>>, vector<16x32xf32>,
    } else {
    }
    %get3A_58 = arith.constant 0 : index
    %get3A_59 = arith.constant 0 : index
    %get3A_60 = vector.load %arg6[%get3A_58, %get3A_59] : memref<16x32xf32, #tpu.memory_space<vmem>>, vector<16x32xf32>
    %add3A_61 = arith.addf %get3A_60, %concatenate3A : vector<16x32xf32>
    %swap3A_62 = arith.constant 0 : index
    %swap3A_63 = arith.constant 0 : index
    %swap3A_64 = vector.load %arg6[%swap3A_62, %swap3A_63] : memref<16x32xf32, #tpu.memory_space<vmem>>, vector<16x32xf32>
    tpu.vector_store %arg6[%swap3A_62, %swap3A_63], %add3A_61 {strides = array<i32>} : memref<16x32xf32, #tpu.memory_space<vmem>>, vector<16x32xf32>,
    return
  }
  func.func @transform_0(%arg0: i32) -> (i32, i32, i32) {
    %c0_i32 = arith.constant 0 : i32
    %c0_i32_0 = arith.constant 0 : i32
    %c0_i32_1 = arith.constant 0 : i32
    return %arg0, %c0_i32, %c0_i32_0 : i32, i32, i32
  }
  func.func @transform_1(%arg0: i32) -> (i32, i32) {
    %c0_i32 = arith.constant 0 : i32
    %c0_i32_0 = arith.constant 0 : i32
    %c0_i32_1 = arith.constant 0 : i32
    return %c0_i32, %c0_i32_0 : i32, i32
  }
  func.func @transform_2(%arg0: i32) -> (i32, i32) {
    %c0_i32 = arith.constant 0 : i32
    %c0_i32_0 = arith.constant 0 : i32
    %c0_i32_1 = arith.constant 0 : i32
    return %c0_i32, %c0_i32_0 : i32, i32
  }
  func.func @transform_3(%arg0: i32) -> (i32, i32) {
    %c0_i32 = arith.constant 0 : i32
    %c0_i32_0 = arith.constant 0 : i32
    %c0_i32_1 = arith.constant 0 : i32
    return %c0_i32, %c0_i32_0 : i32, i32
  }
  func.func @transform_4(%arg0: i32) -> (i32, i32, i32) {
    %c0_i32 = arith.constant 0 : i32
    %c0_i32_0 = arith.constant 0 : i32
    %c0_i32_1 = arith.constant 0 : i32
    return %arg0, %c0_i32, %c0_i32_0 : i32, i32, i32
  }
  func.func @transform_5(%arg0: i32) -> (i32, i32) {
    %c0_i32 = arith.constant 0 : i32
    %c0_i32_0 = arith.constant 0 : i32
    %c0_i32_1 = arith.constant 0 : i32
    return %c0_i32, %c0_i32_0 : i32, i32
  }
}

module attributes {stable_mosaic.version = 14 : i64} {
  func.func @_final_body(%arg0: i32, %arg1: memref<256x16x32xf32, #tpu.memory_space<vmem>>, %arg2: memref<16x32xf32, #tpu.memory_space<vmem>>, %arg3: memref<8x32xf32, #tpu.memory_space<vmem>>, %arg4: memref<4096x256xf32, #tpu.memory_space<vmem>>, %arg5: memref<256x256xf32, #tpu.memory_space<vmem>>, %arg6: memref<32x8x256xf32, #tpu.memory_space<vmem>>, %arg7: memref<8x256xf32, #tpu.memory_space<vmem>>, %arg8: memref<4096x256xf32, #tpu.memory_space<vmem>>, %arg9: memref<32x256xf32, #tpu.memory_space<vmem>>, %arg10: memref<256x256xf32, #tpu.memory_space<vmem>>) attributes {dimension_semantics = [#tpu.dimension_semantics<arbitrary>], iteration_bounds = array<i64: 16>, scalar_prefetch = 0 : i64, scratch_operands = 0 : i64, tpu.core_type = #tpu.core_type<tc>, window_params = [{transform_indices = @transform_0, window_bounds = array<i64: 256, 16, 32>}, {pipeline_mode = #tpu.pipeline_mode<synchronous>, transform_indices = @transform_1, window_bounds = array<i64: 16, 32>}, {pipeline_mode = #tpu.pipeline_mode<synchronous>, transform_indices = @transform_2, window_bounds = array<i64: 8, 32>}, {transform_indices = @transform_3, window_bounds = array<i64: 4096, 256>}, {transform_indices = @transform_4, window_bounds = array<i64: 256, 256>}, {pipeline_mode = #tpu.pipeline_mode<synchronous>, transform_indices = @transform_5, window_bounds = array<i64: 32, 8, 256>}, {pipeline_mode = #tpu.pipeline_mode<synchronous>, transform_indices = @transform_6, window_bounds = array<i64: 8, 256>}, {transform_indices = @transform_7, window_bounds = array<i64: 4096, 256>}, {pipeline_mode = #tpu.pipeline_mode<synchronous>, transform_indices = @transform_8, window_bounds = array<i64: 32, 256>}, {transform_indices = @transform_9, window_bounds = array<i64: 256, 256>}]} {
    %get3A = arith.constant 0 : index
    %get3A_0 = arith.constant 0 : index
    %get3A_1 = vector.load %arg2[%get3A, %get3A_0] : memref<16x32xf32, #tpu.memory_space<vmem>>, vector<1x32xf32>
    %div3A = arith.constant 6.553600e+04 : f32
    %div3A_2 = vector.broadcast %div3A : f32 to vector<1x32xf32>
    %div3A_3 = arith.divf %get3A_1, %div3A_2 : vector<1x32xf32>
    %get3A_4 = arith.constant 8 : index
    %get3A_5 = arith.constant 0 : index
    %get3A_6 = vector.load %arg2[%get3A_4, %get3A_5] : memref<16x32xf32, #tpu.memory_space<vmem>>, vector<1x32xf32>
    %div3A_7 = arith.constant 6.553600e+04 : f32
    %div3A_8 = vector.broadcast %div3A_7 : f32 to vector<1x32xf32>
    %div3A_9 = arith.divf %get3A_6, %div3A_8 : vector<1x32xf32>
    %mul3A = arith.mulf %div3A_3, %div3A_3 : vector<1x32xf32>
    %sub3A = arith.subf %div3A_9, %mul3A : vector<1x32xf32>
    %add3A = arith.constant 9.99999974E-6 : f32
    %add3A_10 = vector.broadcast %add3A : f32 to vector<1x32xf32>
    %add3A_11 = arith.addf %sub3A, %add3A_10 : vector<1x32xf32>
    %rsqrt3A = math.rsqrt %add3A_11 : vector<1x32xf32>
    %get3A_12 = arith.constant 0 : index
    %get3A_13 = arith.constant 0 : index
    %get3A_14 = arith.constant 0 : index
    %get3A_15 = vector.load %arg1[%get3A_12, %get3A_13, %get3A_14] : memref<256x16x32xf32, #tpu.memory_space<vmem>>, vector<256x16x32xf32>
    %broadcast_in_dim3A = vector.shape_cast %div3A_3 : vector<1x32xf32> to vector<1x1x32xf32>
    %sub3A_16 = vector.broadcast %broadcast_in_dim3A : vector<1x1x32xf32> to vector<256x16x32xf32>
    %sub3A_17 = arith.subf %get3A_15, %sub3A_16 : vector<256x16x32xf32>
    %broadcast_in_dim3A_18 = vector.shape_cast %rsqrt3A : vector<1x32xf32> to vector<1x1x32xf32>
    %mul3A_19 = vector.broadcast %broadcast_in_dim3A_18 : vector<1x1x32xf32> to vector<256x16x32xf32>
    %mul3A_20 = arith.mulf %sub3A_17, %mul3A_19 : vector<256x16x32xf32>
    %get3A_21 = arith.constant 0 : index
    %get3A_22 = arith.constant 0 : index
    %get3A_23 = vector.load %arg3[%get3A_21, %get3A_22] : memref<8x32xf32, #tpu.memory_space<vmem>>, vector<1x32xf32>
    %broadcast_in_dim3A_24 = vector.shape_cast %get3A_23 : vector<1x32xf32> to vector<1x1x32xf32>
    %mul3A_25 = vector.broadcast %broadcast_in_dim3A_24 : vector<1x1x32xf32> to vector<256x16x32xf32>
    %mul3A_26 = arith.mulf %mul3A_20, %mul3A_25 : vector<256x16x32xf32>
    %get3A_27 = arith.constant 1 : index
    %get3A_28 = arith.constant 0 : index
    %get3A_29 = vector.load %arg3[%get3A_27, %get3A_28] : memref<8x32xf32, #tpu.memory_space<vmem>>, vector<1x32xf32>
    %broadcast_in_dim3A_30 = vector.shape_cast %get3A_29 : vector<1x32xf32> to vector<1x1x32xf32>
    %add3A_31 = vector.broadcast %broadcast_in_dim3A_30 : vector<1x1x32xf32> to vector<256x16x32xf32>
    %add3A_32 = arith.addf %mul3A_26, %add3A_31 : vector<256x16x32xf32>
    %ge3A = arith.constant 0.000000e+00 : f32
    %ge3A_33 = vector.broadcast %ge3A : f32 to vector<256x16x32xf32>
    %ge3A_34 = arith.cmpf oge, %add3A_32, %ge3A_33 : vector<256x16x32xf32>
    %mul3A_35 = arith.constant 2.000000e-01 : f32
    %mul3A_36 = vector.broadcast %mul3A_35 : f32 to vector<256x16x32xf32>
    %mul3A_37 = arith.mulf %mul3A_36, %add3A_32 : vector<256x16x32xf32>
    %select_n3A = arith.select %ge3A_34, %add3A_32, %mul3A_37 : vector<256x16x32xi1>, vector<256x16x32xf32>
    %reduce_max3A = arith.constant dense<0xFF800000> : vector<256x32xf32>
    %reduce_max3A_38 = vector.multi_reduction <maximumf>, %select_n3A, %reduce_max3A [1] : vector<256x16x32xf32> to vector<256x32xf32>
    %broadcast_in_dim3A_39 = vector.shape_cast %reduce_max3A_38 : vector<256x32xf32> to vector<256x1x32xf32>
    %sub3A_40 = vector.broadcast %broadcast_in_dim3A_39 : vector<256x1x32xf32> to vector<256x16x32xf32>
    %sub3A_41 = arith.subf %select_n3A, %sub3A_40 : vector<256x16x32xf32>
    %exp3A = math.exp %sub3A_41 : vector<256x16x32xf32>
    %reduce_sum3A = arith.constant dense<0.000000e+00> : vector<256x32xf32>
    %reduce_sum3A_42 = vector.multi_reduction <add>, %exp3A, %reduce_sum3A [1] : vector<256x16x32xf32> to vector<256x32xf32>
    %broadcast_in_dim3A_43 = vector.shape_cast %reduce_sum3A_42 : vector<256x32xf32> to vector<256x1x32xf32>
    %div3A_44 = vector.broadcast %broadcast_in_dim3A_43 : vector<256x1x32xf32> to vector<256x16x32xf32>
    %div3A_45 = arith.divf %exp3A, %div3A_44 : vector<256x16x32xf32>
    %reshape3A = vector.shape_cast %div3A_45 : vector<256x16x32xf32> to vector<4096x32xf32>
    %get3A_46 = arith.constant 0 : index
    %get3A_47 = arith.constant 0 : index
    %get3A_48 = vector.load %arg9[%get3A_46, %get3A_47] : memref<32x256xf32, #tpu.memory_space<vmem>>, vector<32x256xf32>
    %dot_general3A = arith.constant dense<0.000000e+00> : vector<4096x256xf32>
    %dot_general3A_49 = tpu.matmul %reshape3A, %get3A_48, %dot_general3A {dimension_numbers = #tpu.dot_dimension_numbers<[1], [0], [0], [1], [0, 0, 1, 1], [], []>, transpose_lhs_hint = false} : vector<4096x32xf32>, vector<32x256xf32>, vector<4096x256xf32> -> vector<4096x256xf32>
    %reshape3A_50 = vector.shape_cast %dot_general3A_49 : vector<4096x256xf32> to vector<256x16x256xf32>
    %get3A_51 = arith.constant 0 : index
    %get3A_52 = arith.constant 0 : index
    %get3A_53 = arith.constant 0 : index
    %get3A_54 = vector.load %arg6[%get3A_51, %get3A_52, %get3A_53] : memref<32x8x256xf32, #tpu.memory_space<vmem>>, vector<32x1x256xf32>
    %get3A_55 = vector.shape_cast %get3A_54 : vector<32x1x256xf32> to vector<32x256xf32>
    %reduce_sum3A_56 = arith.constant dense<0.000000e+00> : vector<256xf32>
    %reduce_sum3A_57 = vector.multi_reduction <add>, %get3A_55, %reduce_sum3A_56 [0] : vector<32x256xf32> to vector<256xf32>
    %broadcast_in_dim3A_58 = vector.shape_cast %reduce_sum3A_57 : vector<256xf32> to vector<1x256xf32>
    %div3A_59 = arith.constant 6.553600e+04 : f32
    %div3A_60 = vector.broadcast %div3A_59 : f32 to vector<1x256xf32>
    %div3A_61 = arith.divf %broadcast_in_dim3A_58, %div3A_60 : vector<1x256xf32>
    %get3A_62 = arith.constant 0 : index
    %get3A_63 = arith.constant 1 : index
    %get3A_64 = arith.constant 0 : index
    %get3A_65 = vector.load %arg6[%get3A_62, %get3A_63, %get3A_64] : memref<32x8x256xf32, #tpu.memory_space<vmem>>, vector<32x1x256xf32>
    %get3A_66 = vector.shape_cast %get3A_65 : vector<32x1x256xf32> to vector<32x256xf32>
    %reduce_sum3A_67 = arith.constant dense<0.000000e+00> : vector<256xf32>
    %reduce_sum3A_68 = vector.multi_reduction <add>, %get3A_66, %reduce_sum3A_67 [0] : vector<32x256xf32> to vector<256xf32>
    %broadcast_in_dim3A_69 = vector.shape_cast %reduce_sum3A_68 : vector<256xf32> to vector<1x256xf32>
    %div3A_70 = arith.constant 6.553600e+04 : f32
    %div3A_71 = vector.broadcast %div3A_70 : f32 to vector<1x256xf32>
    %div3A_72 = arith.divf %broadcast_in_dim3A_69, %div3A_71 : vector<1x256xf32>
    %mul3A_73 = arith.mulf %div3A_61, %div3A_61 : vector<1x256xf32>
    %sub3A_74 = arith.subf %div3A_72, %mul3A_73 : vector<1x256xf32>
    %add3A_75 = arith.constant 9.99999974E-6 : f32
    %add3A_76 = vector.broadcast %add3A_75 : f32 to vector<1x256xf32>
    %add3A_77 = arith.addf %sub3A_74, %add3A_76 : vector<1x256xf32>
    %rsqrt3A_78 = math.rsqrt %add3A_77 : vector<1x256xf32>
    %get3A_79 = arith.constant 0 : index
    %get3A_80 = arith.constant 0 : index
    %get3A_81 = vector.load %arg4[%get3A_79, %get3A_80] : memref<4096x256xf32, #tpu.memory_space<vmem>>, vector<4096x256xf32>
    %reshape3A_82 = vector.shape_cast %get3A_81 : vector<4096x256xf32> to vector<256x16x256xf32>
    %get3A_83 = arith.constant 0 : index
    %get3A_84 = arith.constant 0 : index
    %get3A_85 = vector.load %arg5[%get3A_83, %get3A_84] : memref<256x256xf32, #tpu.memory_space<vmem>>, vector<256x256xf32>
    %broadcast_in_dim3A_86 = vector.shape_cast %get3A_85 : vector<256x256xf32> to vector<256x1x256xf32>
    %sub3A_87 = vector.broadcast %broadcast_in_dim3A_86 : vector<256x1x256xf32> to vector<256x16x256xf32>
    %sub3A_88 = arith.subf %reshape3A_82, %sub3A_87 : vector<256x16x256xf32>
    %broadcast_in_dim3A_89 = vector.shape_cast %div3A_61 : vector<1x256xf32> to vector<1x1x256xf32>
    %sub3A_90 = vector.broadcast %broadcast_in_dim3A_89 : vector<1x1x256xf32> to vector<256x16x256xf32>
    %sub3A_91 = arith.subf %sub3A_88, %sub3A_90 : vector<256x16x256xf32>
    %broadcast_in_dim3A_92 = vector.shape_cast %rsqrt3A_78 : vector<1x256xf32> to vector<1x1x256xf32>
    %mul3A_93 = vector.broadcast %broadcast_in_dim3A_92 : vector<1x1x256xf32> to vector<256x16x256xf32>
    %mul3A_94 = arith.mulf %sub3A_91, %mul3A_93 : vector<256x16x256xf32>
    %get3A_95 = arith.constant 0 : index
    %get3A_96 = arith.constant 0 : index
    %get3A_97 = vector.load %arg7[%get3A_95, %get3A_96] : memref<8x256xf32, #tpu.memory_space<vmem>>, vector<1x256xf32>
    %broadcast_in_dim3A_98 = vector.shape_cast %get3A_97 : vector<1x256xf32> to vector<1x1x256xf32>
    %mul3A_99 = vector.broadcast %broadcast_in_dim3A_98 : vector<1x1x256xf32> to vector<256x16x256xf32>
    %mul3A_100 = arith.mulf %mul3A_94, %mul3A_99 : vector<256x16x256xf32>
    %get3A_101 = arith.constant 1 : index
    %get3A_102 = arith.constant 0 : index
    %get3A_103 = vector.load %arg7[%get3A_101, %get3A_102] : memref<8x256xf32, #tpu.memory_space<vmem>>, vector<1x256xf32>
    %broadcast_in_dim3A_104 = vector.shape_cast %get3A_103 : vector<1x256xf32> to vector<1x1x256xf32>
    %add3A_105 = vector.broadcast %broadcast_in_dim3A_104 : vector<1x1x256xf32> to vector<256x16x256xf32>
    %add3A_106 = arith.addf %mul3A_100, %add3A_105 : vector<256x16x256xf32>
    %ge3A_107 = arith.constant 0.000000e+00 : f32
    %ge3A_108 = vector.broadcast %ge3A_107 : f32 to vector<256x16x256xf32>
    %ge3A_109 = arith.cmpf oge, %add3A_106, %ge3A_108 : vector<256x16x256xf32>
    %mul3A_110 = arith.constant 2.000000e-01 : f32
    %mul3A_111 = vector.broadcast %mul3A_110 : f32 to vector<256x16x256xf32>
    %mul3A_112 = arith.mulf %mul3A_111, %add3A_106 : vector<256x16x256xf32>
    %select_n3A_113 = arith.select %ge3A_109, %add3A_106, %mul3A_112 : vector<256x16x256xi1>, vector<256x16x256xf32>
    %get3A_114 = arith.constant 0 : index
    %get3A_115 = arith.constant 0 : index
    %get3A_116 = vector.load %arg8[%get3A_114, %get3A_115] : memref<4096x256xf32, #tpu.memory_space<vmem>>, vector<4096x256xf32>
    %reshape3A_117 = vector.shape_cast %get3A_116 : vector<4096x256xf32> to vector<256x16x256xf32>
    %add3A_118 = arith.addf %reshape3A_117, %select_n3A_113 : vector<256x16x256xf32>
    %mul3A_119 = arith.mulf %add3A_118, %reshape3A_50 : vector<256x16x256xf32>
    %reduce_sum3A_120 = arith.constant dense<0.000000e+00> : vector<256x256xf32>
    %reduce_sum3A_121 = vector.multi_reduction <add>, %mul3A_119, %reduce_sum3A_120 [1] : vector<256x16x256xf32> to vector<256x256xf32>
    %swap3A = arith.constant 0 : index
    %swap3A_122 = arith.constant 0 : index
    %swap3A_123 = vector.load %arg10[%swap3A, %swap3A_122] : memref<256x256xf32, #tpu.memory_space<vmem>>, vector<256x256xf32>
    tpu.vector_store %arg10[%swap3A, %swap3A_122], %reduce_sum3A_121 {strides = array<i32>} : memref<256x256xf32, #tpu.memory_space<vmem>>, vector<256x256xf32>,
    return
  }
  func.func @transform_0(%arg0: i32) -> (i32, i32, i32) {
    %c0_i32 = arith.constant 0 : i32
    %c0_i32_0 = arith.constant 0 : i32
    %c0_i32_1 = arith.constant 0 : i32
    return %arg0, %c0_i32, %c0_i32_0 : i32, i32, i32
  }
  func.func @transform_1(%arg0: i32) -> (i32, i32) {
    %c0_i32 = arith.constant 0 : i32
    %c0_i32_0 = arith.constant 0 : i32
    %c0_i32_1 = arith.constant 0 : i32
    return %c0_i32, %c0_i32_0 : i32, i32
  }
  func.func @transform_2(%arg0: i32) -> (i32, i32) {
    %c0_i32 = arith.constant 0 : i32
    %c0_i32_0 = arith.constant 0 : i32
    %c0_i32_1 = arith.constant 0 : i32
    return %c0_i32, %c0_i32_0 : i32, i32
  }
  func.func @transform_3(%arg0: i32) -> (i32, i32) {
    %c0_i32 = arith.constant 0 : i32
    %c0_i32_0 = arith.constant 0 : i32
    return %arg0, %c0_i32 : i32, i32
  }
  func.func @transform_4(%arg0: i32) -> (i32, i32) {
    %c0_i32 = arith.constant 0 : i32
    %c0_i32_0 = arith.constant 0 : i32
    return %arg0, %c0_i32 : i32, i32
  }
  func.func @transform_5(%arg0: i32) -> (i32, i32, i32) {
    %c0_i32 = arith.constant 0 : i32
    %c0_i32_0 = arith.constant 0 : i32
    %c0_i32_1 = arith.constant 0 : i32
    %c0_i32_2 = arith.constant 0 : i32
    return %c0_i32, %c0_i32_0, %c0_i32_1 : i32, i32, i32
  }
  func.func @transform_6(%arg0: i32) -> (i32, i32) {
    %c0_i32 = arith.constant 0 : i32
    %c0_i32_0 = arith.constant 0 : i32
    %c0_i32_1 = arith.constant 0 : i32
    return %c0_i32, %c0_i32_0 : i32, i32
  }
  func.func @transform_7(%arg0: i32) -> (i32, i32) {
    %c0_i32 = arith.constant 0 : i32
    %c0_i32_0 = arith.constant 0 : i32
    return %arg0, %c0_i32 : i32, i32
  }
  func.func @transform_8(%arg0: i32) -> (i32, i32) {
    %c0_i32 = arith.constant 0 : i32
    %c0_i32_0 = arith.constant 0 : i32
    %c0_i32_1 = arith.constant 0 : i32
    return %c0_i32, %c0_i32_0 : i32, i32
  }
  func.func @transform_9(%arg0: i32) -> (i32, i32) {
    %c0_i32 = arith.constant 0 : i32
    %c0_i32_0 = arith.constant 0 : i32
    return %arg0, %c0_i32 : i32, i32
  }
}

</mosaic_0001>

<sc_bundles>
// kernel: kernel.11.cloned.1.call-start
scs
__scs_entry_jumppad:
0x0: {  	(pc) =	sbr.rel $0x88, $3  }
0x1: {  	(tag) =	ssettag $0x0;
	lr =	simm.s32 $0x1  }
0x2: {  	[smem:$0x3F8E] =	sst lr;
	_ =	strace $0xD0000000  }
0x3: {  	_ = 	snop  }
0x4: {  	_ = 	snop  }
0x5: {  	_ = 	snop  }
0x6: {  	_ = 	snop  }
0x7: {  	_ = 	snop  }
__scs_overlays_trampoline_lowered:
0x8: {  	[smem:$0x3F9D] =	sst s0  }
0x9: {  	[smem:$0x3F9E] =	sst s1  }
0xa: {  	[smem:$0x3F9F] =	sst s2  }
0xb: {  	[smem:$0x3FA0] =	sst s3  }
0xc: {  	[smem:$0x3FA1] =	sst s4  }
0xd: {  	[smem:$0x3FA2] =	sst s5  }
0xe: {  	[smem:$0x3FA3] =	sst s6  }
0xf: {  	[smem:$0x3FA4] =	sst s7  }
0x10: {  	[smem:$0x3FA5] =	sst s8  }
0x11: {  	[smem:$0x3FA6] =	sst s9;
	s0 =	simm.s32 @!p0 $0x0  }
0x12: {  	s1 =	sld [smem:$0x3F8C];
	s0 =	simm.s32 @p0 $0x1  }
0x13: {  	[smem:$0x3FA7] =	sst s0;
	s0 =	simm.s32 @!p1 $0x0  }
0x14: {  	s2 =	sld [smem:$0x3F8B];
	s0 =	simm.s32 @p1 $0x1  }
0x15: {  	[smem:$0x3FA8] =	sst s0;
	s0 =	simm.s32 @!p2 $0x0  }
0x16: {  	s3 =	sld [smem:$0x3FDB];
	s0 =	simm.s32 @p2 $0x1  }
0x17: {  	s4 =	simm.s32 $0x1BF5;
	[smem:$0x3FAA] =	sst s0  }
0x18: {  	s0 =	sld [smem:$0x3F8D];
	_ =	swait.ge [sflag:s4], $0x0  }
0x19: {  	s7 =	sld [smem:$0x3F8E]  }
0x1a: {  	s8 =	sadd.s32 $0xFFFFE003, lr  }
0x1b: {  	s9 =	sadd.s32 $0xFFFFFEF7, lr;
	s5 =	simm.s32 $0xFFFFFFFF;
	p2 =	slt.u32 s8, $0xFFFFF086  }
0x1c: {  	p1 =	slt.u32 s9, $0xF7A;
	s5 =	simm.s32 @!p2 $0x0  }
0x1d: {  	s5 =	simm.s32 @p1 $0x1;
	p0 =	seq.s32 s7, s2  }
0x1e: {  	s7 =	smul.u32 @!p0 $0xF7A, s2;
	p2 =	seq.s32 @!p0 s5, $0x0  }
0x1f: {  	s9 =	smul.u32 $0xF7A, s1;
	s8 =	simm.s32 @!p0 $0x1BF5;
	p2 =	por !p2, p0  }
0x20: {  	[sflag:s8] =	ssyncset.s32 @!p0 $0xFFFFF086;
	s6 =	sadd.s32 @!p0 s3, s7;
	s7 =	simm.s32 @!p0 $0x108  }
0x21: {  	s3 =	sadd.s32 s3, s9;
	s6 =	sadd.s32 @!p0 $0x88, s6;
	s7 =	simm.s32 @p2 $0x1082  }
0x22: {  	[simem:s7], [sflag:s8] =	dma.local @!p0 [hbm:s6], $0xF7A  }
0x23: {  	s9 =	sor.u32 $0xD0000000, s2;
	s6 =	simm.s32 $0x108;
	_ =	swait.ge @!p0 [sflag:s8], $0x0  }
0x24: {  	s3 =	sadd.s32 $0x88, s3;
	s6 =	simm.s32 @!p1 $0x1082;
	[sflag:s4] =	ssyncset.s32 $0xFFFFF086  }
0x25: {  	[simem:s6], [sflag:s4] =	dma.local [hbm:s3], $0xF7A  }
0x26: {  	[smem:$0x3F8E] =	sst s1;
	(tag) =	ssettag s2;
	_ =	strace s9  }
0x27: {  	s1 =	sld [smem:$0x3F9E]  }
0x28: {  	s2 =	sld [smem:$0x3F9F]  }
0x29: {  	s4 =	sld [smem:$0x3FA1]  }
0x2a: {  	p0 =	seq.s32 s5, $0x0;
	s5 =	sld [smem:$0x3FA2]  }
0x2b: {  	s6 =	sld [smem:$0x3FA3]  }
0x2c: {  	s7 =	sld [smem:$0x3FA4]  }
0x2d: {  	s3 =	simm.s32 $0x108;
	s8 =	sld [smem:$0x3FA5]  }
0x2e: {  	s3 =	simm.s32 @!p0 $0x1082;
	s9 =	sld [smem:$0x3FA6]  }
0x2f: {  	lr =	sadd.s32 s0, s3;
	s0 =	sld [smem:$0x3F9D]  }
0x30: {  	s3 =	sld [smem:$0x3FA0]  }
0x31: {  	[smem:$0x3FA9] =	sst s10  }
0x32: {  	s10 =	sld [smem:$0x3FA7];
	_ =	sdelay $0x3  }
0x33: {  	p0 =	seq.s32 s10, $0x1;
	s10 =	sld [smem:$0x3FA9];
	_ =	sdelay $0x3  }
0x34: {  	[smem:$0x3FA9] =	sst s10  }
0x35: {  	s10 =	sld [smem:$0x3FA8];
	_ =	sdelay $0x3  }
0x36: {  	p1 =	seq.s32 s10, $0x1;
	s10 =	sld [smem:$0x3FA9];
	_ =	sdelay $0x3  }
0x37: {  	[smem:$0x3FA9] =	sst s10  }
0x38: {  	s10 =	sld [smem:$0x3FAA]  }
0x39: {  	_ = 	snop;
	(pc) =	sbr.ind lr, $3  }
0x3a: {  	_ = 	snop  }
0x3b: {  	_ = 	snop  }
0x3c: {  	p2 =	seq.s32 s10, $0x1;
	s10 =	sld [smem:$0x3FA9]  }
0x3d: {  	_ =	shalt  }
0x3e: {  	_ =	shalt  }
0x3f: {  	_ =	shalt  }
0x40: {  	_ =	shalt  }
0x41: {  	_ =	shalt  }
0x42: {  	_ =	shalt  }
0x43: {  	_ =	shalt  }
0x44: {  	_ =	shalt  }
0x45: {  	_ =	shalt  }
0x46: {  	_ =	shalt  }
0x47: {  	_ =	shalt  }
0x48: {  	_ =	shalt  }
0x49: {  	_ =	shalt  }
0x4a: {  	_ =	shalt  }
0x4b: {  	_ =	shalt  }
0x4c: {  	_ =	shalt  }
0x4d: {  	_ =	shalt  }
0x4e: {  	_ =	shalt  }
0x4f: {  	_ =	shalt  }
0x50: {  	_ =	shalt  }
0x51: {  	_ =	shalt  }
0x52: {  	_ =	shalt  }
0x53: {  	_ =	shalt  }
0x54: {  	_ =	shalt  }
0x55: {  	_ =	shalt  }
0x56: {  	_ =	shalt  }
0x57: {  	_ =	shalt  }
0x58: {  	_ =	shalt  }
0x59: {  	_ =	shalt  }
0x5a: {  	_ =	shalt  }
0x5b: {  	_ =	shalt  }
0x5c: {  	_ =	shalt  }
0x5d: {  	_ =	shalt  }
0x5e: {  	_ =	shalt  }
0x5f: {  	_ =	shalt  }
0x60: {  	_ =	shalt  }
0x61: {  	_ =	shalt  }
0x62: {  	_ =	shalt  }
0x63: {  	_ =	shalt  }
0x64: {  	_ =	shalt  }
0x65: {  	_ =	shalt  }
0x66: {  	_ =	shalt  }
0x67: {  	_ =	shalt  }
0x68: {  	_ =	shalt  }
0x69: {  	_ =	shalt  }
0x6a: {  	_ =	shalt  }
0x6b: {  	_ =	shalt  }
0x6c: {  	_ =	shalt  }
0x6d: {  	_ =	shalt  }
0x6e: {  	_ =	shalt  }
0x6f: {  	_ =	shalt  }
0x70: {  	_ =	shalt  }
0x71: {  	_ =	shalt  }
0x72: {  	_ =	shalt  }
0x73: {  	_ =	shalt  }
0x74: {  	_ =	shalt  }
0x75: {  	_ =	shalt  }
0x76: {  	_ =	shalt  }
0x77: {  	_ =	shalt  }
0x78: {  	_ =	shalt  }
0x79: {  	_ =	shalt  }
0x7a: {  	_ =	shalt  }
0x7b: {  	_ =	shalt  }
0x7c: {  	_ =	shalt  }
0x7d: {  	_ =	shalt  }
0x7e: {  	_ =	shalt  }
0x7f: {  	_ =	shalt  }
0x80: {  	_ =	shalt  }
0x81: {  	_ =	shalt  }
0x82: {  	_ =	shalt  }
0x83: {  	_ =	shalt  }
0x84: {  	_ =	shalt  }
0x85: {  	_ =	shalt  }
0x86: {  	_ =	shalt  }
0x87: {  	_ =	shalt  }
.Lfunc_end0:
.L_simem_size_0:
called_computation_lowered:
.L_overlay_start_0:
0x88: {  	s2 =	sld [smem:$0x3FD9]  }
0x89: {  	s3 =	sld [smem:$0x3FFE];
	_ =	sdelay $0x1  }
0x8a: {  	s1 =	srdreg.scid  }
0x8b: {  	s0 =	sand.u32 $0x1, s1  }
0x8c: {  	s16 =	sshll.u32 s0, $0xA;
	s2 =	sadd.s32 s3, s2  }
0x8d: {  	s2 =	sadd.s32 s2, s16  }
0x8e: {  	[smem:$0x3FB5] =	sst s2  }
0x8f: {  	_ = 	snop  }
0x90: {  	(tm) =	ssettm $0x1  }
0x91: {  	s17 =	sld [smem:$0x3FFB];
	_ =	sdelay $0x3  }
0x92: {  	_ =	strace s17  }
0x93: {  	s2 =	sld [smem:$0x3FFC];
	_ =	sdelay $0x3  }
0x94: {  	_ =	strace s2  }
0x95: {  	s2 =	sld [smem:$0x3FFD];
	_ =	sdelay $0x3  }
0x96: {  	_ =	strace s2  }
0x97: {  	_ =	strace $0x8FFFFFFF  }
0x98: {  	s18 =	sld [smem:$0x3FDB];
	_ =	sdelay $0x1  }
0x99: {  	s19 =	simm.s32 $_scs_section_size  }
0x9a: {  	s4 =	simm.s32 $_size__tile_overlayer_lowered;
	s5 =	simm.s32 $_tile_overlayer_lowered  }
0x9b: {  	s22 =	simm.s32 $0x1BFF;
	s21 =	sshll.u32 s5, $0x1;
	s2 =	sadd.s32 s19, s18  }
0x9c: {  	s6 =	simm.s32 $0x0;
	s20 =	sshll.u32 s4, $0x1;
	s4 =	sadd.s32 s21, s2  }
0x9d: {  	[timem:s6], [sflag:s22] =	dma.local [hbm:s4], s20  }
0x9e: {  	_ =	swait.ge [sflag:s22], s20  }
0x9f: {  	s3 =	ssub.s32 $0x0, s20;
	[sflag:s22] =	ssyncset.done $0x0  }
0xa0: {  	[sflag:s22] =	ssyncadd.s32 s3;
	_ =	sdelay $0x1  }
0xa1: {  	s23 =	simm.s32 $0x1B8B  }
0xa2: {  	_ =	swait.ge [sflag:s23], $0x1  }
0xa3: {  	[sflag:s23] =	ssyncset.done $0x0  }
0xa4: {  	s25 =	simm.s32 $0x1B8E;
	s24 =	sld [smem:$0x3FFE];
	[sflag:s23] =	ssyncadd.s32 $0xFFFFFFFF  }
0xa5: {  	s26 =	simm.s32 $execute0_lowered;
	[smem:$0x3FD2] =	sst s25  }
0xa6: {  	s4 =	sshll.u32 s26, $0x1;
	_ =	strace $0x80000046;
	[dreg:$0x1] =	wrdreg $0xFFFFFFFF  }
0xa7: {  	s28 =	simm.s32 $_size_execute0_lowered;
	s2 =	sadd.s32 s2, s4;
	[dreg:$0x0] =	wrdreg $0x0  }
0xa8: {  	s4 =	sshll.u32 s28, $0x1;
	[dreg:$0x2] =	wrdreg s2  }
0xa9: {  	[dreg:$0x3] =	wrdreg s4  }
0xaa: {  	[dreg:$0x4] =	wrdreg $0xC0  }
0xab: {  	_ =	task [dreg:s6], $0x5FFFF  }
0xac: {  	[dreg:$0x1] =	wrdreg $0xFFFFFFFF  }
0xad: {  	[dreg:$0x0] =	wrdreg $0x60  }
0xae: {  	[dreg:$0x2] =	wrdreg s24  }
0xaf: {  	[dreg:$0x3] =	wrdreg $0x9  }
0xb0: {  	_ =	task.clear_ibuf [dreg:s6], $0x4FFFF;
	_ =	strace $0x90000046  }
0xb1: {  	s29 =	simm.s32 $0x9;
	_ =	strace $0x80000048  }
0xb2: {  	_ =	swait.ge [sflag:s29], $0x1  }
0xb3: {  	[sflag:s29] =	ssyncadd.s32 $0xFFFFFFFF  }
0xb4: {  	_ =	strace $0x90000048  }
0xb5: {  	_ =	sfence  }
0xb6: {  	s30 =	sld [smem:$0x0];
	_ =	sdelay $0x2  }
0xb7: {  	s31 =	sshll.u32 s1, $0xD;
	s1 =	sshrl.u32 s1, $0x2  }
0xb8: {  	s3 =	sand.u32 $0x4000, s31;
	s1 =	sadd.s32 s1, s30  }
0xb9: {  	s0 =	sor.u32 s3, s0;
	s1 =	sshll.u32 s1, $0x11  }
0xba: {  	s0 =	sor.u32 s1, s0  }
0xbb: {  	s0 =	sadd.s32 $0x8F2B, s0  }
0xbc: {  	[sflag:s0] =	ssyncadd.remote.s32 $0x1  }
0xbd: {  	_ =	sfence.sel $0xFFFF  }
0xbe: {  	[dreg:$0x0] =	wrdreg $0xFFFFFFFF;
	(pc) =	sbr.abs _section_cstart, $3  }
0xbf: {  	[dreg:$0x1] =	wrdreg $0xFFFFFFFF  }
0xc0: {  	_ =	task.clear_ibuf [dreg:s6], $0x2FFFF;
	_ =	strace $0x9FFFFFFF  }
0xc1: {  	(tm) =	ssettm $0x7FFFFFFF  }
tec
execute0_lowered:
.L_overlay_start_1:
0x0: {  	(tag) =	ssettag $0x1  }
0x1: {  	s0 =	rddreg [dreg:$0x0];
	s2 =	simm.s32 $0x0;
	s1 =	srdreg.scid  }
0x2: {  	s3 =	stileid.u32;
	s11 =	simm.s32 $0x3;
	s16 =	simm.s32 $0xC800  }
0x3: {  	s17 =	simm.s32 $0xD000;
	s18 =	simm.s32 $0x14C00;
	s19 =	simm.s32 $0x15400  }
0x4: {  	s20 =	simm.s32 $0x15800;
	s21 =	simm.s32 $0x16000;
	s22 =	simm.s32 $0x16400  }
0x5: {  	s23 =	simm.s32 $0x16C00;
	s28 =	simm.s32 $0x18400;
	s29 =	simm.s32 $0x1  }
0x6: {  	s30 =	simm.s32 $0x18800;
	s1 =	sand.u32 $0x1, s1;
	s4 =	sshll.u32 s3, $0x1  }
0x7: {  	s31 =	simm.s32 $0x2;
	[smem:$0x7FF] =	sst s2;
	s6 =	sor.u32 s1, s4  }
0x8: {  	s3 =	sadd.s32 $0x4200, s0;
	s5 =	sadd.s32 $0x36200, s0;
	s7 =	sshll.u32 s6, $0x8  }
0x9: {  	_ =	strace $0x80000047;
	s1 =	ssub.s32 $0x2, s1;
	s7 =	sadd.s32 s7, s0  }
0xa: {  	v0 =	vlaneseq.u32;
	s4 =	sadd.s32 $0x138200, s0;
	s8 =	sshrl.u32 s1, $0x1;
	s24 =	sadd.s32 $0x34200, s7  }
0xb: {  	v1 =	vshrl.u32 v0, $0x3;
	v2 =	vand.u32 $0x7, v0;
	s1 =	ssub.s32 s1, s8;
	s25 =	sadd.s32 $0x136200, s7;
	[dreg:$0x2] =	wrdreg s24  }
0xc: {  	v0 =	vor.u32 $0x8, v0;
	[tilespmem:$0x1FFD0] =	vst v2;
	v1 =	vmul.u32 $0x8, v1;
	s6 =	sshll.u32 s6, $0xB;
	s26 =	smax.u32 s1, $0x1;
	[dreg:$0x3] =	wrdreg s25  }
0xd: {  	[tilespmem:$0x1FFF0] =	vst v0;
	s8 =	sadd.s32 $0x4300, s0;
	s1 =	simm.s32 $0x0;
	[dreg:$0x4] =	wrdreg s26  }
0xe: {  	vm0 =	vmmov $0xffff;
	vm1 =	vmmov $0xff;
	[tilespmem:$0x1FFE0] =	vst v1;
	s24 =	simm.s32 $0x17000;
	s25 =	simm.s32 $0x17800;
	s26 =	simm.s32 $0x17C00  }
.LBB2_1:
0xf: {  	[dreg:$0x5] =	wrdreg s1  }
0x10: {  	s0 =	rddreg [dreg:$0x2]  }
0x11: {  	[tilespmem:s2], [sflag:$0x3] =	stream.linear.gather [hbm4b:s0+s2], $0x800, $0x38;
	[tilespmem:$0x19C00] =	vst v63  }
0x12: {  	_ =	swait.ge [sflag:s11], $0x800  }
0x13: {  	[sflag:s11] =	ssyncset.done $0x0  }
0x14: {  	[sflag:s11] =	ssyncadd.s32 $0xFFFFF800  }
0x15: {  	v0 =	vld [tilespmem:$0x0];
	_ =	sdelay $0x3  }
0x16: {  	v2 =	vld [tilespmem:$0x1FFD0]  }
0x17: {  	v1 =	vshrl.u32 v0, $0x3  }
0x18: {  	v3 =	vld [tilespmem:$0x1FFE0];
	v1 =	vmul.u32 $0x18, v1  }
0x19: {  	v0 =	vand.u32 $0x7, v0  }
0x1a: {  	v4 =	vld [tilespmem:$0x1FFF0];
	v0 =	vor.u32 v0, v1  }
0x1b: {  	v1 =	vperm.xlane v0, v2;
	_ =	sdelay $0x1  }
0x1c: {  	v1 =	vadd.s32 v3, v1;
	_ =	sdelay $0x1  }
0x1d: {  	v0 =	vperm.xlane v0, v4;
	_ =	sdelay $0x1  }
0x1e: {  	s1 =	simm.s32 $0x800;
	v0 =	vadd.s32 v3, v0  }
0x1f: {  	[tilespmem:s1], [sflag:$0x1] =	stream.indirect_vreg.gather [hbm4b:s3+s2], $0x80, v1, vm0, $0xb8;
	[tilespmem:$0x19C00] =	vst v63  }
0x20: {  	s7 =	simm.s32 $0x1000  }
0x21: {  	[tilespmem:s7], [sflag:$0x1] =	stream.indirect_vreg.gather [hbm4b:s8+s2], $0x80, v1, vm1, $0xb8;
	[tilespmem:$0x19C00] =	vst v63  }
0x22: {  	s9 =	simm.s32 $0x1400  }
0x23: {  	[tilespmem:s9], [sflag:$0x1] =	stream.indirect_vreg.gather [hbm4b:s3+s2], $0x80, v0, vm0, $0xb8;
	[tilespmem:$0x19C00] =	vst v63  }
0x24: {  	s10 =	simm.s32 $0x1C00  }
0x25: {  	[tilespmem:s10], [sflag:$0x1] =	stream.indirect_vreg.gather [hbm4b:s8+s2], $0x80, v0, vm1, $0xb8;
	[tilespmem:$0x19C00] =	vst v63  }
0x26: {  	v0 =	vld [tilespmem:$0x10];
	_ =	sdelay $0x4  }
0x27: {  	v57 =	vshrl.u32 v0, $0x3  }
0x28: {  	v1 =	vmul.u32 $0x18, v57  }
0x29: {  	v0 =	vand.u32 $0x7, v0  }
0x2a: {  	v0 =	vor.u32 v0, v1  }
0x2b: {  	v1 =	vperm.xlane v0, v2;
	_ =	sdelay $0x1  }
0x2c: {  	v1 =	vadd.s32 v3, v1;
	_ =	sdelay $0x1  }
0x2d: {  	v0 =	vperm.xlane v0, v4;
	_ =	sdelay $0x1  }
0x2e: {  	s12 =	simm.s32 $0x2000;
	v0 =	vadd.s32 v3, v0  }
0x2f: {  	[tilespmem:s12], [sflag:$0x1] =	stream.indirect_vreg.gather [hbm4b:s3+s2], $0x80, v1, vm0, $0xb8;
	[tilespmem:$0x19C00] =	vst v63  }
0x30: {  	s13 =	simm.s32 $0x2800  }
0x31: {  	[tilespmem:s13], [sflag:$0x1] =	stream.indirect_vreg.gather [hbm4b:s8+s2], $0x80, v1, vm1, $0xb8;
	[tilespmem:$0x19C00] =	vst v63  }
0x32: {  	s14 =	simm.s32 $0x2C00  }
0x33: {  	[tilespmem:s14], [sflag:$0x1] =	stream.indirect_vreg.gather [hbm4b:s3+s2], $0x80, v0, vm0, $0xb8;
	[tilespmem:$0x19C00] =	vst v63  }
0x34: {  	s15 =	simm.s32 $0x3400  }
0x35: {  	[tilespmem:s15], [sflag:$0x1] =	stream.indirect_vreg.gather [hbm4b:s8+s2], $0x80, v0, vm1, $0xb8;
	[tilespmem:$0x19C00] =	vst v63  }
0x36: {  	v0 =	vld [tilespmem:$0x20];
	_ =	sdelay $0x4  }
0x37: {  	v58 =	vshrl.u32 v0, $0x3  }
0x38: {  	v1 =	vmul.u32 $0x18, v58  }
0x39: {  	v0 =	vand.u32 $0x7, v0  }
0x3a: {  	v0 =	vor.u32 v0, v1  }
0x3b: {  	v1 =	vperm.xlane v0, v2;
	_ =	sdelay $0x1  }
0x3c: {  	v1 =	vadd.s32 v3, v1;
	_ =	sdelay $0x1  }
0x3d: {  	v0 =	vperm.xlane v0, v4;
	_ =	sdelay $0x1  }
0x3e: {  	s1 =	simm.s32 $0x3800;
	v0 =	vadd.s32 v3, v0  }
0x3f: {  	[tilespmem:s1], [sflag:$0x1] =	stream.indirect_vreg.gather [hbm4b:s3+s2], $0x80, v1, vm0, $0xb8;
	[tilespmem:$0x19C00] =	vst v63  }
0x40: {  	s7 =	simm.s32 $0x4000  }
0x41: {  	[tilespmem:s7], [sflag:$0x1] =	stream.indirect_vreg.gather [hbm4b:s8+s2], $0x80, v1, vm1, $0xb8;
	[tilespmem:$0x19C00] =	vst v63  }
0x42: {  	s9 =	simm.s32 $0x4400  }
0x43: {  	[tilespmem:s9], [sflag:$0x1] =	stream.indirect_vreg.gather [hbm4b:s3+s2], $0x80, v0, vm0, $0xb8;
	[tilespmem:$0x19C00] =	vst v63  }
0x44: {  	s10 =	simm.s32 $0x4C00  }
0x45: {  	[tilespmem:s10], [sflag:$0x1] =	stream.indirect_vreg.gather [hbm4b:s8+s2], $0x80, v0, vm1, $0xb8;
	[tilespmem:$0x19C00] =	vst v63  }
0x46: {  	v0 =	vld [tilespmem:$0x30];
	_ =	sdelay $0x4  }
0x47: {  	v59 =	vshrl.u32 v0, $0x3  }
0x48: {  	v1 =	vmul.u32 $0x18, v59  }
0x49: {  	v0 =	vand.u32 $0x7, v0  }
0x4a: {  	v0 =	vor.u32 v0, v1  }
0x4b: {  	v1 =	vperm.xlane v0, v2;
	_ =	sdelay $0x1  }
0x4c: {  	v1 =	vadd.s32 v3, v1;
	_ =	sdelay $0x1  }
0x4d: {  	v0 =	vperm.xlane v0, v4;
	_ =	sdelay $0x1  }
0x4e: {  	s12 =	simm.s32 $0x5000;
	v0 =	vadd.s32 v3, v0  }
0x4f: {  	[tilespmem:s12], [sflag:$0x1] =	stream.indirect_vreg.gather [hbm4b:s3+s2], $0x80, v1, vm0, $0xb8;
	[tilespmem:$0x19C00] =	vst v63  }
0x50: {  	s13 =	simm.s32 $0x5800  }
0x51: {  	[tilespmem:s13], [sflag:$0x1] =	stream.indirect_vreg.gather [hbm4b:s8+s2], $0x80, v1, vm1, $0xb8;
	[tilespmem:$0x19C00] =	vst v63  }
0x52: {  	s14 =	simm.s32 $0x5C00  }
0x53: {  	[tilespmem:s14], [sflag:$0x1] =	stream.indirect_vreg.gather [hbm4b:s3+s2], $0x80, v0, vm0, $0xb8;
	[tilespmem:$0x19C00] =	vst v63  }
0x54: {  	s15 =	simm.s32 $0x6400  }
0x55: {  	[tilespmem:s15], [sflag:$0x1] =	stream.indirect_vreg.gather [hbm4b:s8+s2], $0x80, v0, vm1, $0xb8;
	[tilespmem:$0x19C00] =	vst v63  }
0x56: {  	v0 =	vld [tilespmem:$0x40];
	_ =	sdelay $0x4  }
0x57: {  	v60 =	vshrl.u32 v0, $0x3  }
0x58: {  	v1 =	vmul.u32 $0x18, v60  }
0x59: {  	v0 =	vand.u32 $0x7, v0  }
0x5a: {  	v0 =	vor.u32 v0, v1  }
0x5b: {  	v1 =	vperm.xlane v0, v2;
	_ =	sdelay $0x1  }
0x5c: {  	v1 =	vadd.s32 v3, v1;
	_ =	sdelay $0x1  }
0x5d: {  	v0 =	vperm.xlane v0, v4;
	_ =	sdelay $0x1  }
0x5e: {  	s1 =	simm.s32 $0x6800;
	v0 =	vadd.s32 v3, v0  }
0x5f: {  	[tilespmem:s1], [sflag:$0x1] =	stream.indirect_vreg.gather [hbm4b:s3+s2], $0x80, v1, vm0, $0xb8;
	[tilespmem:$0x19C00] =	vst v63  }
0x60: {  	s7 =	simm.s32 $0x7000  }
0x61: {  	[tilespmem:s7], [sflag:$0x1] =	stream.indirect_vreg.gather [hbm4b:s8+s2], $0x80, v1, vm1, $0xb8;
	[tilespmem:$0x19C00] =	vst v63  }
0x62: {  	s9 =	simm.s32 $0x7400  }
0x63: {  	[tilespmem:s9], [sflag:$0x1] =	stream.indirect_vreg.gather [hbm4b:s3+s2], $0x80, v0, vm0, $0xb8;
	[tilespmem:$0x19C00] =	vst v63  }
0x64: {  	s10 =	simm.s32 $0x7C00  }
0x65: {  	[tilespmem:s10], [sflag:$0x1] =	stream.indirect_vreg.gather [hbm4b:s8+s2], $0x80, v0, vm1, $0xb8;
	[tilespmem:$0x19C00] =	vst v63  }
0x66: {  	v0 =	vld [tilespmem:$0x50];
	_ =	sdelay $0x4  }
0x67: {  	v61 =	vshrl.u32 v0, $0x3  }
0x68: {  	v1 =	vmul.u32 $0x18, v61  }
0x69: {  	v0 =	vand.u32 $0x7, v0  }
0x6a: {  	v0 =	vor.u32 v0, v1  }
0x6b: {  	v1 =	vperm.xlane v0, v2;
	_ =	sdelay $0x1  }
0x6c: {  	v1 =	vadd.s32 v3, v1;
	_ =	sdelay $0x1  }
0x6d: {  	v0 =	vperm.xlane v0, v4;
	_ =	sdelay $0x1  }
0x6e: {  	s12 =	simm.s32 $0x8000;
	v0 =	vadd.s32 v3, v0  }
0x6f: {  	[tilespmem:s12], [sflag:$0x1] =	stream.indirect_vreg.gather [hbm4b:s3+s2], $0x80, v1, vm0, $0xb8;
	[tilespmem:$0x19C00] =	vst v63  }
0x70: {  	s13 =	simm.s32 $0x8800  }
0x71: {  	[tilespmem:s13], [sflag:$0x1] =	stream.indirect_vreg.gather [hbm4b:s8+s2], $0x80, v1, vm1, $0xb8;
	[tilespmem:$0x19C00] =	vst v63  }
0x72: {  	s14 =	simm.s32 $0x8C00  }
0x73: {  	[tilespmem:s14], [sflag:$0x1] =	stream.indirect_vreg.gather [hbm4b:s3+s2], $0x80, v0, vm0, $0xb8;
	[tilespmem:$0x19C00] =	vst v63  }
0x74: {  	s15 =	simm.s32 $0x9400  }
0x75: {  	[tilespmem:s15], [sflag:$0x1] =	stream.indirect_vreg.gather [hbm4b:s8+s2], $0x80, v0, vm1, $0xb8;
	[tilespmem:$0x19C00] =	vst v63  }
0x76: {  	v0 =	vld [tilespmem:$0x60];
	_ =	sdelay $0x4  }
0x77: {  	v62 =	vshrl.u32 v0, $0x3  }
0x78: {  	v1 =	vmul.u32 $0x18, v62  }
0x79: {  	v0 =	vand.u32 $0x7, v0  }
0x7a: {  	v0 =	vor.u32 v0, v1  }
0x7b: {  	v1 =	vperm.xlane v0, v2;
	_ =	sdelay $0x1  }
0x7c: {  	v1 =	vadd.s32 v3, v1;
	_ =	sdelay $0x1  }
0x7d: {  	v0 =	vperm.xlane v0, v4;
	_ =	sdelay $0x1  }
0x7e: {  	s1 =	simm.s32 $0x9800;
	v0 =	vadd.s32 v3, v0  }
0x7f: {  	[tilespmem:s1], [sflag:$0x1] =	stream.indirect_vreg.gather [hbm4b:s3+s2], $0x80, v1, vm0, $0xb8;
	[tilespmem:$0x19C00] =	vst v63  }
0x80: {  	s7 =	simm.s32 $0xA000  }
0x81: {  	[tilespmem:s7], [sflag:$0x1] =	stream.indirect_vreg.gather [hbm4b:s8+s2], $0x80, v1, vm1, $0xb8;
	[tilespmem:$0x19C00] =	vst v63  }
0x82: {  	s9 =	simm.s32 $0xA400  }
0x83: {  	[tilespmem:s9], [sflag:$0x1] =	stream.indirect_vreg.gather [hbm4b:s3+s2], $0x80, v0, vm0, $0xb8;
	[tilespmem:$0x19C00] =	vst v63  }
0x84: {  	s10 =	simm.s32 $0xAC00  }
0x85: {  	[tilespmem:s10], [sflag:$0x1] =	stream.indirect_vreg.gather [hbm4b:s8+s2], $0x80, v0, vm1, $0xb8;
	[tilespmem:$0x19C00] =	vst v63  }
0x86: {  	v0 =	vld [tilespmem:$0x70];
	_ =	sdelay $0x4  }
0x87: {  	v63 =	vshrl.u32 v0, $0x3  }
0x88: {  	v1 =	vmul.u32 $0x18, v63  }
0x89: {  	v0 =	vand.u32 $0x7, v0  }
0x8a: {  	v0 =	vor.u32 v0, v1  }
0x8b: {  	v1 =	vperm.xlane v0, v2;
	_ =	sdelay $0x1  }
0x8c: {  	v23 =	vimm.f32 $0.0e+00;
	v1 =	vadd.s32 v3, v1  }
0x8d: {  	v6 =	vimm.f32 $0.0e+00;
	v8 =	vimm.f32 $0.0e+00;
	v10 =	vimm.f32 $0.0e+00  }
0x8e: {  	v12 =	vimm.f32 $0.0e+00;
	v25 =	vimm.f32 $0.0e+00;
	v0 =	vperm.xlane v0, v4  }
0x8f: {  	v26 =	vimm.f32 $0.0e+00;
	v27 =	vimm.f32 $0.0e+00;
	v28 =	vimm.f32 $0.0e+00  }
0x90: {  	v29 =	vimm.f32 $0.0e+00;
	v30 =	vimm.f32 $0.0e+00;
	s12 =	simm.s32 $0xB000;
	v0 =	vadd.s32 v3, v0  }
0x91: {  	v31 =	vimm.f32 $0.0e+00;
	v32 =	vimm.f32 $0.0e+00;
	v33 =	vimm.f32 $0.0e+00;
	[tilespmem:s12], [sflag:$0x1] =	stream.indirect_vreg.gather [hbm4b:s3+s2], $0x80, v1, vm0, $0xb8;
	[tilespmem:$0x19C00] =	vst v63  }
0x92: {  	v34 =	vimm.f32 $0.0e+00;
	v24 =	vimm.f32 $0.0e+00;
	v5 =	vimm.f32 $0.0e+00;
	s13 =	simm.s32 $0xB800  }
0x93: {  	v7 =	vimm.f32 $0.0e+00;
	v9 =	vimm.f32 $0.0e+00;
	v11 =	vimm.f32 $0.0e+00;
	[tilespmem:s13], [sflag:$0x1] =	stream.indirect_vreg.gather [hbm4b:s8+s2], $0x80, v1, vm1, $0xb8;
	[tilespmem:$0x19C00] =	vst v63  }
0x94: {  	v13 =	vimm.f32 $0.0e+00;
	v14 =	vimm.f32 $0.0e+00;
	v15 =	vimm.f32 $0.0e+00;
	s14 =	simm.s32 $0xBC00  }
0x95: {  	v16 =	vimm.f32 $0.0e+00;
	v17 =	vimm.f32 $0.0e+00;
	v18 =	vimm.f32 $0.0e+00;
	[tilespmem:s14], [sflag:$0x1] =	stream.indirect_vreg.gather [hbm4b:s3+s2], $0x80, v0, vm0, $0xb8;
	[tilespmem:$0x19C00] =	vst v63  }
0x96: {  	v19 =	vimm.f32 $0.0e+00;
	v20 =	vimm.f32 $0.0e+00;
	v21 =	vimm.f32 $0.0e+00;
	s0 =	simm.s32 $0x0;
	s15 =	simm.s32 $0xC400  }
0x97: {  	v22 =	vimm.f32 $0.0e+00;
	v35 =	vimm.f32 $0.0e+00;
	v4 =	vimm.f32 $0.0e+00;
	[tilespmem:s15], [sflag:$0x1] =	stream.indirect_vreg.gather [hbm4b:s8+s2], $0x80, v0, vm1, $0xb8;
	[tilespmem:$0x19C00] =	vst v63  }
.LBB2_2:
0x98: {  	s1 =	sshll.u32 s0, $0x8  }
0x99: {  	v0 =	vld [tilespmem:s1+$0x80];
	_ =	sdelay $0x3  }
0x9a: {  	v2 =	vld [tilespmem:$0x1FFD0]  }
0x9b: {  	v1 =	vshrl.u32 v0, $0x3  }
0x9c: {  	v3 =	vld [tilespmem:$0x1FFE0];
	v1 =	vmul.u32 $0x18, v1  }
0x9d: {  	v0 =	vand.u32 $0x7, v0  }
0x9e: {  	v36 =	vld [tilespmem:$0x1FFF0];
	v0 =	vor.u32 v0, v1  }
0x9f: {  	v1 =	vperm.xlane v0, v2;
	_ =	sdelay $0x1  }
0xa0: {  	v1 =	vadd.s32 v3, v1;
	_ =	sdelay $0x1  }
0xa1: {  	v0 =	vperm.xlane v0, v36;
	_ =	sdelay $0x1  }
0xa2: {  	s7 =	simm.s32 $0x0;
	v0 =	vadd.s32 v3, v0  }
0xa3: {  	[tilespmem:s16], [sflag:$0x2] =	stream.indirect_vreg.gather [hbm4b:s3+s7], $0x80, v1, vm0, $0xb8;
	[tilespmem:$0x19C00] =	vst v63  }
0xa4: {  	_ = 	snop  }
0xa5: {  	[tilespmem:s17], [sflag:$0x2] =	stream.indirect_vreg.gather [hbm4b:s8+s7], $0x80, v1, vm1, $0xb8;
	[tilespmem:$0x19C00] =	vst v63  }
0xa6: {  	s9 =	simm.s32 $0xD400  }
0xa7: {  	[tilespmem:s9], [sflag:$0x2] =	stream.indirect_vreg.gather [hbm4b:s3+s7], $0x80, v0, vm0, $0xb8;
	[tilespmem:$0x19C00] =	vst v63  }
0xa8: {  	s17 =	simm.s32 $0xDC00  }
0xa9: {  	[tilespmem:s17], [sflag:$0x2] =	stream.indirect_vreg.gather [hbm4b:s8+s7], $0x80, v0, vm1, $0xb8;
	[tilespmem:$0x19C00] =	vst v63  }
0xaa: {  	v0 =	vld [tilespmem:s1+$0x90];
	_ =	sdelay $0x4  }
0xab: {  	v57 =	vshrl.u32 v0, $0x3  }
0xac: {  	v1 =	vmul.u32 $0x18, v57  }
0xad: {  	v0 =	vand.u32 $0x7, v0  }
0xae: {  	v0 =	vor.u32 v0, v1  }
0xaf: {  	v1 =	vperm.xlane v0, v2;
	_ =	sdelay $0x1  }
0xb0: {  	v1 =	vadd.s32 v3, v1;
	_ =	sdelay $0x1  }
0xb1: {  	v0 =	vperm.xlane v0, v36;
	_ =	sdelay $0x1  }
0xb2: {  	s10 =	simm.s32 $0xE000;
	v0 =	vadd.s32 v3, v0  }
0xb3: {  	[tilespmem:s10], [sflag:$0x2] =	stream.indirect_vreg.gather [hbm4b:s3+s7], $0x80, v1, vm0, $0xb8;
	[tilespmem:$0x19C00] =	vst v63  }
0xb4: {  	s12 =	simm.s32 $0xE800  }
0xb5: {  	[tilespmem:s12], [sflag:$0x2] =	stream.indirect_vreg.gather [hbm4b:s8+s7], $0x80, v1, vm1, $0xb8;
	[tilespmem:$0x19C00] =	vst v63  }
0xb6: {  	s13 =	simm.s32 $0xEC00  }
0xb7: {  	[tilespmem:s13], [sflag:$0x2] =	stream.indirect_vreg.gather [hbm4b:s3+s7], $0x80, v0, vm0, $0xb8;
	[tilespmem:$0x19C00] =	vst v63  }
0xb8: {  	s14 =	simm.s32 $0xF400  }
0xb9: {  	[tilespmem:s14], [sflag:$0x2] =	stream.indirect_vreg.gather [hbm4b:s8+s7], $0x80, v0, vm1, $0xb8;
	[tilespmem:$0x19C00] =	vst v63  }
0xba: {  	v0 =	vld [tilespmem:s1+$0xA0];
	_ =	sdelay $0x4  }
0xbb: {  	v58 =	vshrl.u32 v0, $0x3  }
0xbc: {  	v1 =	vmul.u32 $0x18, v58  }
0xbd: {  	v0 =	vand.u32 $0x7, v0  }
0xbe: {  	v0 =	vor.u32 v0, v1  }
0xbf: {  	v1 =	vperm.xlane v0, v2;
	_ =	sdelay $0x1  }
0xc0: {  	v1 =	vadd.s32 v3, v1;
	_ =	sdelay $0x1  }
0xc1: {  	v0 =	vperm.xlane v0, v36;
	_ =	sdelay $0x1  }
0xc2: {  	s15 =	simm.s32 $0xF800;
	v0 =	vadd.s32 v3, v0  }
0xc3: {  	[tilespmem:s15], [sflag:$0x2] =	stream.indirect_vreg.gather [hbm4b:s3+s7], $0x80, v1, vm0, $0xb8;
	[tilespmem:$0x19C00] =	vst v63  }
0xc4: {  	s16 =	simm.s32 $0x10000  }
0xc5: {  	[tilespmem:s16], [sflag:$0x2] =	stream.indirect_vreg.gather [hbm4b:s8+s7], $0x80, v1, vm1, $0xb8;
	[tilespmem:$0x19C00] =	vst v63  }
0xc6: {  	s17 =	simm.s32 $0x10400  }
0xc7: {  	[tilespmem:s17], [sflag:$0x2] =	stream.indirect_vreg.gather [hbm4b:s3+s7], $0x80, v0, vm0, $0xb8;
	[tilespmem:$0x19C00] =	vst v63  }
0xc8: {  	s10 =	simm.s32 $0x10C00  }
0xc9: {  	[tilespmem:s10], [sflag:$0x2] =	stream.indirect_vreg.gather [hbm4b:s8+s7], $0x80, v0, vm1, $0xb8;
	[tilespmem:$0x19C00] =	vst v63  }
0xca: {  	v0 =	vld [tilespmem:s1+$0xB0];
	_ =	sdelay $0x4  }
0xcb: {  	v59 =	vshrl.u32 v0, $0x3  }
0xcc: {  	v1 =	vmul.u32 $0x18, v59  }
0xcd: {  	v0 =	vand.u32 $0x7, v0  }
0xce: {  	v0 =	vor.u32 v0, v1  }
0xcf: {  	v1 =	vperm.xlane v0, v2;
	_ =	sdelay $0x1  }
0xd0: {  	v1 =	vadd.s32 v3, v1;
	_ =	sdelay $0x1  }
0xd1: {  	v0 =	vperm.xlane v0, v36;
	_ =	sdelay $0x1  }
0xd2: {  	s12 =	simm.s32 $0x11000;
	v0 =	vadd.s32 v3, v0  }
0xd3: {  	[tilespmem:s12], [sflag:$0x2] =	stream.indirect_vreg.gather [hbm4b:s3+s7], $0x80, v1, vm0, $0xb8;
	[tilespmem:$0x19C00] =	vst v63  }
0xd4: {  	s13 =	simm.s32 $0x11800  }
0xd5: {  	[tilespmem:s13], [sflag:$0x2] =	stream.indirect_vreg.gather [hbm4b:s8+s7], $0x80, v1, vm1, $0xb8;
	[tilespmem:$0x19C00] =	vst v63  }
0xd6: {  	s14 =	simm.s32 $0x11C00  }
0xd7: {  	[tilespmem:s14], [sflag:$0x2] =	stream.indirect_vreg.gather [hbm4b:s3+s7], $0x80, v0, vm0, $0xb8;
	[tilespmem:$0x19C00] =	vst v63  }
0xd8: {  	s15 =	simm.s32 $0x12400  }
0xd9: {  	[tilespmem:s15], [sflag:$0x2] =	stream.indirect_vreg.gather [hbm4b:s8+s7], $0x80, v0, vm1, $0xb8;
	[tilespmem:$0x19C00] =	vst v63  }
0xda: {  	v0 =	vld [tilespmem:s1+$0xC0];
	_ =	sdelay $0x4  }
0xdb: {  	v60 =	vshrl.u32 v0, $0x3  }
0xdc: {  	v1 =	vmul.u32 $0x18, v60  }
0xdd: {  	v0 =	vand.u32 $0x7, v0  }
0xde: {  	v0 =	vor.u32 v0, v1  }
0xdf: {  	v1 =	vperm.xlane v0, v2;
	_ =	sdelay $0x1  }
0xe0: {  	v1 =	vadd.s32 v3, v1;
	_ =	sdelay $0x1  }
0xe1: {  	v0 =	vperm.xlane v0, v36;
	_ =	sdelay $0x1  }
0xe2: {  	s16 =	simm.s32 $0x12800;
	v0 =	vadd.s32 v3, v0  }
0xe3: {  	[tilespmem:s16], [sflag:$0x2] =	stream.indirect_vreg.gather [hbm4b:s3+s7], $0x80, v1, vm0, $0xb8;
	[tilespmem:$0x19C00] =	vst v63  }
0xe4: {  	s17 =	simm.s32 $0x13000  }
0xe5: {  	[tilespmem:s17], [sflag:$0x2] =	stream.indirect_vreg.gather [hbm4b:s8+s7], $0x80, v1, vm1, $0xb8;
	[tilespmem:$0x19C00] =	vst v63  }
0xe6: {  	s10 =	simm.s32 $0x13400  }
0xe7: {  	[tilespmem:s10], [sflag:$0x2] =	stream.indirect_vreg.gather [hbm4b:s3+s7], $0x80, v0, vm0, $0xb8;
	[tilespmem:$0x19C00] =	vst v63  }
0xe8: {  	s12 =	simm.s32 $0x13C00  }
0xe9: {  	[tilespmem:s12], [sflag:$0x2] =	stream.indirect_vreg.gather [hbm4b:s8+s7], $0x80, v0, vm1, $0xb8;
	[tilespmem:$0x19C00] =	vst v63  }
0xea: {  	v0 =	vld [tilespmem:s1+$0xD0];
	_ =	sdelay $0x4  }
0xeb: {  	v61 =	vshrl.u32 v0, $0x3  }
0xec: {  	v1 =	vmul.u32 $0x18, v61  }
0xed: {  	v0 =	vand.u32 $0x7, v0  }
0xee: {  	v0 =	vor.u32 v0, v1  }
0xef: {  	v1 =	vperm.xlane v0, v2;
	_ =	sdelay $0x1  }
0xf0: {  	v1 =	vadd.s32 v3, v1;
	_ =	sdelay $0x1  }
0xf1: {  	v0 =	vperm.xlane v0, v36;
	_ =	sdelay $0x1  }
0xf2: {  	s13 =	simm.s32 $0x14000;
	v0 =	vadd.s32 v3, v0  }
0xf3: {  	[tilespmem:s13], [sflag:$0x2] =	stream.indirect_vreg.gather [hbm4b:s3+s7], $0x80, v1, vm0, $0xb8;
	[tilespmem:$0x19C00] =	vst v63  }
0xf4: {  	s14 =	simm.s32 $0x14800  }
0xf5: {  	[tilespmem:s14], [sflag:$0x2] =	stream.indirect_vreg.gather [hbm4b:s8+s7], $0x80, v1, vm1, $0xb8;
	[tilespmem:$0x19C00] =	vst v63  }
0xf6: {  	_ = 	snop  }
0xf7: {  	[tilespmem:s18], [sflag:$0x2] =	stream.indirect_vreg.gather [hbm4b:s3+s7], $0x80, v0, vm0, $0xb8;
	[tilespmem:$0x19C00] =	vst v63  }
0xf8: {  	_ = 	snop  }
0xf9: {  	[tilespmem:s19], [sflag:$0x2] =	stream.indirect_vreg.gather [hbm4b:s8+s7], $0x80, v0, vm1, $0xb8;
	[tilespmem:$0x19C00] =	vst v63  }
0xfa: {  	v0 =	vld [tilespmem:s1+$0xE0];
	_ =	sdelay $0x4  }
0xfb: {  	v62 =	vshrl.u32 v0, $0x3  }
0xfc: {  	v1 =	vmul.u32 $0x18, v62  }
0xfd: {  	v0 =	vand.u32 $0x7, v0  }
0xfe: {  	v0 =	vor.u32 v0, v1  }
0xff: {  	v1 =	vperm.xlane v0, v2;
	_ =	sdelay $0x1  }
0x100: {  	v1 =	vadd.s32 v3, v1;
	_ =	sdelay $0x1  }
0x101: {  	v0 =	vperm.xlane v0, v36;
	_ =	sdelay $0x1  }
0x102: {  	v0 =	vadd.s32 v3, v0  }
0x103: {  	[tilespmem:s20], [sflag:$0x2] =	stream.indirect_vreg.gather [hbm4b:s3+s7], $0x80, v1, vm0, $0xb8;
	[tilespmem:$0x19C00] =	vst v63  }
0x104: {  	_ = 	snop  }
0x105: {  	[tilespmem:s21], [sflag:$0x2] =	stream.indirect_vreg.gather [hbm4b:s8+s7], $0x80, v1, vm1, $0xb8;
	[tilespmem:$0x19C00] =	vst v63  }
0x106: {  	_ = 	snop  }
0x107: {  	[tilespmem:s22], [sflag:$0x2] =	stream.indirect_vreg.gather [hbm4b:s3+s7], $0x80, v0, vm0, $0xb8;
	[tilespmem:$0x19C00] =	vst v63  }
0x108: {  	_ = 	snop  }
0x109: {  	[tilespmem:s23], [sflag:$0x2] =	stream.indirect_vreg.gather [hbm4b:s8+s7], $0x80, v0, vm1, $0xb8;
	[tilespmem:$0x19C00] =	vst v63  }
0x10a: {  	v0 =	vld [tilespmem:s1+$0xF0];
	_ =	sdelay $0x4  }
0x10b: {  	v63 =	vshrl.u32 v0, $0x3  }
0x10c: {  	v1 =	vmul.u32 $0x18, v63  }
0x10d: {  	v0 =	vand.u32 $0x7, v0  }
0x10e: {  	v0 =	vor.u32 v0, v1  }
0x10f: {  	v1 =	vperm.xlane v0, v2;
	_ =	sdelay $0x1  }
0x110: {  	v1 =	vadd.s32 v3, v1;
	_ =	sdelay $0x1  }
0x111: {  	v0 =	vperm.xlane v0, v36;
	_ =	sdelay $0x1  }
0x112: {  	v0 =	vadd.s32 v3, v0  }
0x113: {  	[tilespmem:s24], [sflag:$0x2] =	stream.indirect_vreg.gather [hbm4b:s3+s7], $0x80, v1, vm0, $0xb8;
	[tilespmem:$0x19C00] =	vst v63  }
0x114: {  	_ = 	snop  }
0x115: {  	[tilespmem:s25], [sflag:$0x2] =	stream.indirect_vreg.gather [hbm4b:s8+s7], $0x80, v1, vm1, $0xb8;
	[tilespmem:$0x19C00] =	vst v63  }
0x116: {  	_ = 	snop  }
0x117: {  	[tilespmem:s26], [sflag:$0x2] =	stream.indirect_vreg.gather [hbm4b:s3+s7], $0x80, v0, vm0, $0xb8;
	[tilespmem:$0x19C00] =	vst v63  }
0x118: {  	_ = 	snop  }
0x119: {  	[tilespmem:s28], [sflag:$0x2] =	stream.indirect_vreg.gather [hbm4b:s8+s7], $0x80, v0, vm1, $0xb8;
	[tilespmem:$0x19C00] =	vst v63  }
0x11a: {  	s9 =	sor.u32 s6, s1;
	_ =	swait.ge [sflag:s29], $0xC000  }
0x11b: {  	s10 =	sshll.u32 s9, $0x5;
	[sflag:s29] =	ssyncset.done $0x0  }
0x11c: {  	s10 =	sadd.s32 s4, s10;
	s12 =	simm.s32 $0x800;
	[sflag:s29] =	ssyncadd.s32 $0xFFFF4000  }
0x11d: {  	[hbm4b:s10+s7] =	stream.linear.scatter [tilespmem:s12], [sflag:$0x3], $0x800, $0x38;
	[tilespmem:$0x19C00] =	vst v63  }
0x11e: {  	s15 =	sadd.s32 $0x100, s10;
	s13 =	simm.s32 $0x1400  }
0x11f: {  	[hbm4b:s15+s7] =	stream.linear.scatter [tilespmem:s13], [sflag:$0x3], $0x800, $0x38;
	[tilespmem:$0x19C00] =	vst v63  }
0x120: {  	s17 =	simm.s32 $0x2000;
	s16 =	sadd.s32 $0x200, s10  }
0x121: {  	[hbm4b:s16+s7] =	stream.linear.scatter [tilespmem:s17], [sflag:$0x3], $0x800, $0x38;
	[tilespmem:$0x19C00] =	vst v63  }
0x122: {  	s14 =	sadd.s32 $0x300, s10;
	s15 =	simm.s32 $0x2C00  }
0x123: {  	[hbm4b:s14+s7] =	stream.linear.scatter [tilespmem:s15], [sflag:$0x3], $0x800, $0x38;
	[tilespmem:$0x19C00] =	vst v63  }
0x124: {  	s16 =	sadd.s32 $0x400, s10;
	s17 =	simm.s32 $0x3800  }
0x125: {  	[hbm4b:s16+s7] =	stream.linear.scatter [tilespmem:s17], [sflag:$0x3], $0x800, $0x38;
	[tilespmem:$0x19C00] =	vst v63  }
0x126: {  	s14 =	sadd.s32 $0x500, s10;
	s15 =	simm.s32 $0x4400  }
0x127: {  	[hbm4b:s14+s7] =	stream.linear.scatter [tilespmem:s15], [sflag:$0x3], $0x800, $0x38;
	[tilespmem:$0x19C00] =	vst v63  }
0x128: {  	s16 =	sadd.s32 $0x600, s10;
	s17 =	simm.s32 $0x5000  }
0x129: {  	[hbm4b:s16+s7] =	stream.linear.scatter [tilespmem:s17], [sflag:$0x3], $0x800, $0x38;
	[tilespmem:$0x19C00] =	vst v63  }
0x12a: {  	s14 =	sadd.s32 $0x700, s10;
	s15 =	simm.s32 $0x5C00  }
0x12b: {  	[hbm4b:s14+s7] =	stream.linear.scatter [tilespmem:s15], [sflag:$0x3], $0x800, $0x38;
	[tilespmem:$0x19C00] =	vst v63  }
0x12c: {  	s16 =	sadd.s32 $0x800, s10;
	s17 =	simm.s32 $0x6800  }
0x12d: {  	[hbm4b:s16+s7] =	stream.linear.scatter [tilespmem:s17], [sflag:$0x3], $0x800, $0x38;
	[tilespmem:$0x19C00] =	vst v63  }
0x12e: {  	s14 =	sadd.s32 $0x900, s10;
	s15 =	simm.s32 $0x7400  }
0x12f: {  	[hbm4b:s14+s7] =	stream.linear.scatter [tilespmem:s15], [sflag:$0x3], $0x800, $0x38;
	[tilespmem:$0x19C00] =	vst v63  }
0x130: {  	s16 =	sadd.s32 $0xA00, s10;
	s17 =	simm.s32 $0x8000  }
0x131: {  	[hbm4b:s16+s7] =	stream.linear.scatter [tilespmem:s17], [sflag:$0x3], $0x800, $0x38;
	[tilespmem:$0x19C00] =	vst v63  }
0x132: {  	s14 =	sadd.s32 $0xB00, s10;
	s15 =	simm.s32 $0x8C00  }
0x133: {  	[hbm4b:s14+s7] =	stream.linear.scatter [tilespmem:s15], [sflag:$0x3], $0x800, $0x38;
	[tilespmem:$0x19C00] =	vst v63  }
0x134: {  	s16 =	sadd.s32 $0xC00, s10;
	s17 =	simm.s32 $0x9800  }
0x135: {  	[hbm4b:s16+s7] =	stream.linear.scatter [tilespmem:s17], [sflag:$0x3], $0x800, $0x38;
	[tilespmem:$0x19C00] =	vst v63  }
0x136: {  	s13 =	sadd.s32 $0xD00, s10;
	s14 =	simm.s32 $0xA400  }
0x137: {  	[hbm4b:s13+s7] =	stream.linear.scatter [tilespmem:s14], [sflag:$0x3], $0x800, $0x38;
	[tilespmem:$0x19C00] =	vst v63  }
0x138: {  	s15 =	sadd.s32 $0xE00, s10;
	s16 =	simm.s32 $0xB000  }
0x139: {  	[hbm4b:s15+s7] =	stream.linear.scatter [tilespmem:s16], [sflag:$0x3], $0x800, $0x38;
	[tilespmem:$0x19C00] =	vst v63  }
0x13a: {  	s10 =	sadd.s32 $0xF00, s10;
	s17 =	simm.s32 $0xBC00  }
0x13b: {  	[hbm4b:s10+s7] =	stream.linear.scatter [tilespmem:s17], [sflag:$0x3], $0x800, $0x38;
	[tilespmem:$0x19C00] =	vst v63  }
0x13c: {  	_ =	swait.ge [sflag:s11], $0x8000  }
0x13d: {  	s12 =	sshll.u32 s9, $0x4;
	[sflag:s11] =	ssyncset.done $0x0  }
0x13e: {  	s13 =	simm.s32 $0x1000;
	s10 =	sadd.s32 s5, s12;
	[sflag:s11] =	ssyncadd.s32 $0xFFFF8000  }
0x13f: {  	[hbm4b:s10+s7] =	stream.linear.scatter [tilespmem:s13], [sflag:$0x3], $0x400, $0x38;
	[tilespmem:$0x19C00] =	vst v63  }
0x140: {  	s15 =	simm.s32 $0x1C00;
	s14 =	sadd.s32 $0x80, s10  }
0x141: {  	[hbm4b:s14+s7] =	stream.linear.scatter [tilespmem:s15], [sflag:$0x3], $0x400, $0x38;
	[tilespmem:$0x19C00] =	vst v63  }
0x142: {  	s17 =	simm.s32 $0x2800;
	s16 =	sadd.s32 $0x100, s10  }
0x143: {  	[hbm4b:s16+s7] =	stream.linear.scatter [tilespmem:s17], [sflag:$0x3], $0x400, $0x38;
	[tilespmem:$0x19C00] =	vst v63  }
0x144: {  	s14 =	sadd.s32 $0x180, s10;
	s15 =	simm.s32 $0x3400  }
0x145: {  	[hbm4b:s14+s7] =	stream.linear.scatter [tilespmem:s15], [sflag:$0x3], $0x400, $0x38;
	[tilespmem:$0x19C00] =	vst v63  }
0x146: {  	s16 =	sadd.s32 $0x200, s10;
	s17 =	simm.s32 $0x4000  }
0x147: {  	[hbm4b:s16+s7] =	stream.linear.scatter [tilespmem:s17], [sflag:$0x3], $0x400, $0x38;
	[tilespmem:$0x19C00] =	vst v63  }
0x148: {  	s14 =	sadd.s32 $0x280, s10;
	s15 =	simm.s32 $0x4C00  }
0x149: {  	[hbm4b:s14+s7] =	stream.linear.scatter [tilespmem:s15], [sflag:$0x3], $0x400, $0x38;
	[tilespmem:$0x19C00] =	vst v63  }
0x14a: {  	s16 =	sadd.s32 $0x300, s10;
	s17 =	simm.s32 $0x5800  }
0x14b: {  	[hbm4b:s16+s7] =	stream.linear.scatter [tilespmem:s17], [sflag:$0x3], $0x400, $0x38;
	[tilespmem:$0x19C00] =	vst v63  }
0x14c: {  	s14 =	sadd.s32 $0x380, s10;
	s15 =	simm.s32 $0x6400  }
0x14d: {  	[hbm4b:s14+s7] =	stream.linear.scatter [tilespmem:s15], [sflag:$0x3], $0x400, $0x38;
	[tilespmem:$0x19C00] =	vst v63  }
0x14e: {  	s16 =	sadd.s32 $0x400, s10;
	s17 =	simm.s32 $0x7000  }
0x14f: {  	[hbm4b:s16+s7] =	stream.linear.scatter [tilespmem:s17], [sflag:$0x3], $0x400, $0x38;
	[tilespmem:$0x19C00] =	vst v63  }
0x150: {  	s14 =	sadd.s32 $0x480, s10;
	s15 =	simm.s32 $0x7C00  }
0x151: {  	[hbm4b:s14+s7] =	stream.linear.scatter [tilespmem:s15], [sflag:$0x3], $0x400, $0x38;
	[tilespmem:$0x19C00] =	vst v63  }
0x152: {  	s16 =	sadd.s32 $0x500, s10;
	s17 =	simm.s32 $0x8800  }
0x153: {  	[hbm4b:s16+s7] =	stream.linear.scatter [tilespmem:s17], [sflag:$0x3], $0x400, $0x38;
	[tilespmem:$0x19C00] =	vst v63  }
0x154: {  	s14 =	sadd.s32 $0x580, s10;
	s15 =	simm.s32 $0x9400  }
0x155: {  	[hbm4b:s14+s7] =	stream.linear.scatter [tilespmem:s15], [sflag:$0x3], $0x400, $0x38;
	[tilespmem:$0x19C00] =	vst v63  }
0x156: {  	s16 =	sadd.s32 $0x600, s10;
	s17 =	simm.s32 $0xA000  }
0x157: {  	[hbm4b:s16+s7] =	stream.linear.scatter [tilespmem:s17], [sflag:$0x3], $0x400, $0x38;
	[tilespmem:$0x19C00] =	vst v63  }
0x158: {  	s13 =	sadd.s32 $0x680, s10;
	s14 =	simm.s32 $0xAC00  }
0x159: {  	[hbm4b:s13+s7] =	stream.linear.scatter [tilespmem:s14], [sflag:$0x3], $0x400, $0x38;
	[tilespmem:$0x19C00] =	vst v63  }
0x15a: {  	s15 =	sadd.s32 $0x700, s10;
	s16 =	simm.s32 $0xB800  }
0x15b: {  	[hbm4b:s15+s7] =	stream.linear.scatter [tilespmem:s16], [sflag:$0x3], $0x400, $0x38;
	[tilespmem:$0x19C00] =	vst v63  }
0x15c: {  	s9 =	sshrl.u32 s9, $0x7;
	s10 =	sadd.s32 $0x780, s10;
	s17 =	simm.s32 $0xC400  }
0x15d: {  	[hbm4b:s10+s7] =	stream.linear.scatter [tilespmem:s17], [sflag:$0x3], $0x400, $0x38;
	[tilespmem:$0x19C00] =	vst v63  }
0x15e: {  	s9 =	smul.u32 $0x180, s9;
	_ =	swait.ge [sflag:s11], $0x4000  }
0x15f: {  	[sflag:s11] =	ssyncset.done $0x0  }
0x160: {  	s9 =	sadd.s32 s3, s9;
	[sflag:s11] =	ssyncadd.s32 $0xFFFFC000  }
0x161: {  	[tilespmem:s30], [sflag:$0x3] =	stream.linear.gather [hbm4b:s9+s7], $0xC00, $0x38;
	[tilespmem:$0x19C00] =	vst v63  }
0x162: {  	_ =	swait.ge [sflag:s11], $0xC00  }
0x163: {  	s12 =	simm.s32 $0x0;
	[sflag:s11] =	ssyncset.done $0x0  }
0x164: {  	s10 =	simm.s32 $0x0;
	s9 =	sor.u32 $0x80, s1;
	[sflag:s11] =	ssyncadd.s32 $0xFFFFF400  }
.LBB2_3:
0x165: {  	s13 =	sshll.u32 s12, $0x9  }
0x166: {  	s13 =	sshra.s32 s13, $0x2  }
0x167: {  	v49 =	vld [tilespmem:s13+$0x18800]  }
0x168: {  	v48 =	vld [tilespmem:s13+$0x18810]  }
0x169: {  	v47 =	vld [tilespmem:s13+$0x18820]  }
0x16a: {  	v46 =	vld [tilespmem:s13+$0x18830]  }
0x16b: {  	v45 =	vld [tilespmem:s13+$0x18840]  }
0x16c: {  	v44 =	vld [tilespmem:s13+$0x18850]  }
0x16d: {  	v43 =	vld [tilespmem:s13+$0x18860]  }
0x16e: {  	v42 =	vld [tilespmem:s13+$0x18870]  }
0x16f: {  	s14 =	sshrl.u32 s10, $0x3;
	v62 =	vld [tilespmem:s13+$0x18C00]  }
0x170: {  	s14 =	smul.u32 $0x3000, s14;
	v40 =	vld [tilespmem:s13+$0x18C10]  }
0x171: {  	v39 =	vld [tilespmem:s13+$0x18C20]  }
0x172: {  	s15 =	sand.u32 $0x380, s7;
	v38 =	vld [tilespmem:s13+$0x18C30];
	s14 =	sshra.s32 s14, $0x2  }
0x173: {  	v50 =	vld [tilespmem:s13+$0x18C70];
	s15 =	sor.u32 s15, s14  }
0x174: {  	v0 =	vld [tilespmem:s15+$0xC70]  }
0x175: {  	v1 =	vld [tilespmem:s15+$0x800]  }
0x176: {  	v3 =	vld [tilespmem:s15+$0x820]  }
0x177: {  	v52 =	vld [tilespmem:s15+$0x830]  }
0x178: {  	v2 =	vld [tilespmem:s15+$0x810]  }
0x179: {  	v55 =	vld [tilespmem:s15+$0x840]  }
0x17a: {  	v37 =	vld [tilespmem:s13+$0x18C40]  }
0x17b: {  	v54 =	vsub.f32 v3, v47;
	v3 =	vld [tilespmem:s15+$0x870]  }
0x17c: {  	v56 =	vld [tilespmem:s15+$0x850];
	v0 =	vsub.f32 v0, v50;
	v52 =	vsub.f32 v52, v46  }
0x17d: {  	v59 =	vld [tilespmem:s15+$0xC00];
	v1 =	vsub.f32 v1, v49;
	v53 =	vsub.f32 v2, v48  }
0x17e: {  	v2 =	vld [tilespmem:s15+$0x860];
	v55 =	vsub.f32 v55, v45;
	v24 =	vadd.f32 v0, v24;
	v58 =	vmul.f32 v52, v52  }
0x17f: {  	v63 =	vld [tilespmem:s15+$0xC50];
	v0 =	vmul.f32 v0, v0;
	v35 =	vadd.f32 v1, v35;
	v1 =	vmul.f32 v1, v1  }
0x180: {  	v57 =	vmul.f32 v53, v53;
	v31 =	vadd.f32 v58, v31;
	v58 =	vsub.f32 v3, v42;
	v3 =	vld [tilespmem:s15+$0xC40]  }
0x181: {  	[tilespmem:$0x1FFA0] =	vst v39;
	v23 =	vadd.f32 v0, v23;
	v34 =	vadd.f32 v1, v34;
	v0 =	vmul.f32 v54, v54;
	v1 =	vld [tilespmem:s15+$0xC10]  }
0x182: {  	v61 =	vld [tilespmem:s15+$0xC20];
	v41 =	vmovc v50;
	v51 =	vmov v49;
	[tilespmem:$0x1FFB0] =	vst v38;
	v56 =	vsub.f32 v56, v44;
	v33 =	vadd.f32 v57, v33  }
0x183: {  	v50 =	vmovc v48;
	v57 =	vsub.f32 v2, v43;
	v2 =	vld [tilespmem:s15+$0xC30];
	v32 =	vadd.f32 v0, v32;
	v0 =	vmul.f32 v55, v55  }
0x184: {  	v36 =	vld [tilespmem:s13+$0x18C50];
	v49 =	vmovc v47;
	v47 =	vmov v45;
	v59 =	vsub.f32 v59, v62;
	[tilespmem:$0x1FFC0] =	vst v63;
	v60 =	vmul.f32 v56, v56  }
0x185: {  	v45 =	vmovc v43;
	v30 =	vadd.f32 v0, v30;
	v0 =	vmul.f32 v57, v57;
	v63 =	vsub.f32 v3, v37;
	v3 =	vld [tilespmem:$0x1FFC0]  }
0x186: {  	v29 =	vadd.f32 v60, v29;
	v43 =	vmovc v62;
	v62 =	vmul.f32 v58, v58;
	v60 =	vsub.f32 v1, v40  }
0x187: {  	v48 =	vmovc v46;
	v61 =	vsub.f32 v61, v39;
	v28 =	vadd.f32 v0, v28;
	v0 =	vmul.f32 v59, v59  }
0x188: {  	v46 =	vmovc v44;
	v27 =	vadd.f32 v62, v27;
	v62 =	vsub.f32 v2, v38;
	v1 =	vmul.f32 v60, v60  }
0x189: {  	s14 =	sadd.s32 $0x1, s10;
	v44 =	vmovc v42;
	v39 =	vmovc v37;
	v42 =	vmov v40;
	v40 =	vld [tilespmem:s13+$0x18C60];
	v2 =	vmul.f32 v61, v61;
	v26 =	vadd.f32 v0, v26  }
0x18a: {  	s16 =	sshrl.u32 s14, $0x3;
	s13 =	simm.s32 $0x80;
	v38 =	vmovc v36;
	v0 =	vld [tilespmem:s15+$0xC60];
	s15 =	simm.s32 $0x100;
	v25 =	vadd.f32 v1, v25;
	v1 =	vmul.f32 v62, v62;
	v3 =	vsub.f32 v3, v36  }
.LBB2_4:
0x18b: {  	_ =	sdelay $0x3  }
0x18c: {  	s16 =	smul.u32 $0x3000, s16;
	v12 =	vadd.f32 v2, v12;
	v2 =	vmul.f32 v63, v63;
	v0 =	vsub.f32 v0, v40;
	_ =	sdelay $0x1  }
0x18d: {  	s17 =	sand.u32 $0x380, s13;
	s16 =	sshra.s32 s16, $0x2;
	v8 =	vadd.f32 v2, v8;
	v2 =	vmul.f32 v0, v0  }
0x18e: {  	s16 =	sor.u32 s17, s16  }
0x18f: {  	v4 =	vadd.f32 v2, v4;
	v2 =	vld [tilespmem:s16+$0x800];
	_ =	sdelay $0x1  }
0x190: {  	v10 =	vadd.f32 v1, v10;
	v1 =	vmul.f32 v3, v3;
	_ =	sdelay $0x1  }
0x191: {  	v22 =	vadd.f32 v53, v22;
	v6 =	vadd.f32 v1, v6;
	v1 =	vld [tilespmem:s16+$0xC70]  }
0x192: {  	v21 =	vadd.f32 v54, v21;
	v36 =	vld [tilespmem:s16+$0x810];
	v2 =	vsub.f32 v2, v51  }
0x193: {  	v20 =	vadd.f32 v52, v20;
	v19 =	vadd.f32 v55, v19;
	v37 =	vld [tilespmem:s16+$0x820]  }
0x194: {  	v13 =	vadd.f32 v61, v13;
	v61 =	vld [tilespmem:s16+$0x830];
	v35 =	vadd.f32 v2, v35;
	v2 =	vmul.f32 v2, v2  }
0x195: {  	v18 =	vadd.f32 v56, v18;
	v7 =	vadd.f32 v3, v7;
	v3 =	vld [tilespmem:s16+$0x850]  }
0x196: {  	v17 =	vadd.f32 v57, v17;
	v34 =	vadd.f32 v2, v34;
	v2 =	vld [tilespmem:s16+$0xC10]  }
0x197: {  	v16 =	vadd.f32 v58, v16;
	v11 =	vadd.f32 v62, v11;
	v62 =	vld [tilespmem:s16+$0x840]  }
0x198: {  	v15 =	vadd.f32 v59, v15;
	v14 =	vadd.f32 v60, v14;
	v58 =	vld [tilespmem:s16+$0x870]  }
0x199: {  	v9 =	vadd.f32 v63, v9;
	v5 =	vadd.f32 v0, v5;
	v0 =	vld [tilespmem:s16+$0x860]  }
0x19a: {  	v1 =	vsub.f32 v1, v41;
	v56 =	vsub.f32 v3, v46;
	v3 =	vld [tilespmem:s16+$0xC20]  }
0x19b: {  	v53 =	vsub.f32 v36, v50;
	v60 =	vsub.f32 v2, v42;
	v2 =	vld [tilespmem:$0x1FFA0]  }
0x19c: {  	v54 =	vsub.f32 v37, v49;
	v24 =	vadd.f32 v1, v24;
	v1 =	vmul.f32 v1, v1  }
0x19d: {  	v52 =	vsub.f32 v61, v48;
	v36 =	vld [tilespmem:s16+$0xC00];
	v55 =	vsub.f32 v62, v47;
	v63 =	vmul.f32 v53, v53  }
0x19e: {  	v62 =	vld [tilespmem:s16+$0xC30];
	v58 =	vsub.f32 v58, v44;
	v23 =	vadd.f32 v1, v23;
	v1 =	vmul.f32 v54, v54  }
0x19f: {  	v37 =	vmul.f32 v52, v52;
	v57 =	vsub.f32 v0, v45;
	v33 =	vadd.f32 v63, v33;
	v63 =	vld [tilespmem:s16+$0xC40]  }
0x1a0: {  	v32 =	vadd.f32 v1, v32;
	v1 =	vmul.f32 v55, v55;
	v61 =	vsub.f32 v3, v2;
	v2 =	vld [tilespmem:$0x1FFB0]  }
0x1a1: {  	v0 =	vmul.f32 v56, v56;
	v31 =	vadd.f32 v37, v31;
	v37 =	vmul.f32 v58, v58  }
0x1a2: {  	p0 =	sne.s32 s15, $0x780;
	v59 =	vsub.f32 v36, v43;
	v36 =	vld [tilespmem:s16+$0xC50];
	v30 =	vadd.f32 v1, v30;
	v1 =	vmul.f32 v57, v57  }
.Ltmp0:
0x1a3: {  	v29 =	vadd.f32 v0, v29;
	v27 =	vadd.f32 v37, v27;
	(pc) =	sbr.rel @p0 .LBB2_4-.Ltmp0, $4  }
0x1a4: {  	v28 =	vadd.f32 v1, v28;
	v1 =	vmul.f32 v59, v59;
	v3 =	vmul.f32 v60, v60  }
0x1a5: {  	v63 =	vsub.f32 v63, v39;
	v62 =	vsub.f32 v62, v2  }
0x1a6: {  	s14 =	sadd.s32 $0x1, s14;
	v26 =	vadd.f32 v1, v26;
	v25 =	vadd.f32 v3, v25  }
0x1a7: {  	s13 =	smov.u32 s15;
	s15 =	sadd.s32 $0x80, s15;
	v0 =	vld [tilespmem:s16+$0xC60];
	s16 =	sshrl.u32 s14, $0x3;
	v3 =	vsub.f32 v36, v38;
	v2 =	vmul.f32 v61, v61;
	v1 =	vmul.f32 v62, v62  }
0x1a8: {  	_ = 	snop  }
0x1a9: {  	s14 =	smul.u32 $0x3000, s16  }
0x1aa: {  	v22 =	vadd.f32 v53, v22;
	v21 =	vadd.f32 v54, v21  }
0x1ab: {  	s13 =	sand.u32 $0x380, s13;
	v20 =	vadd.f32 v52, v20;
	v1 =	vadd.f32 v1, v10;
	v10 =	vmul.f32 v3, v3;
	s14 =	sshra.s32 s14, $0x2  }
0x1ac: {  	v2 =	vadd.f32 v2, v12;
	v12 =	vmul.f32 v63, v63;
	s13 =	sor.u32 s13, s14;
	v0 =	vsub.f32 v0, v40  }
0x1ad: {  	v19 =	vadd.f32 v55, v19;
	v6 =	vadd.f32 v10, v6;
	v10 =	vld [tilespmem:s13+$0xC70]  }
0x1ae: {  	v18 =	vadd.f32 v56, v18;
	v8 =	vadd.f32 v12, v8;
	v36 =	vld [tilespmem:s13+$0x810];
	v12 =	vmul.f32 v0, v0  }
0x1af: {  	v17 =	vadd.f32 v57, v17;
	v16 =	vadd.f32 v58, v16;
	v37 =	vld [tilespmem:s13+$0x820]  }
0x1b0: {  	v15 =	vadd.f32 v59, v15;
	v4 =	vadd.f32 v12, v4;
	v12 =	vld [tilespmem:s13+$0x800]  }
0x1b1: {  	v14 =	vadd.f32 v60, v14;
	v13 =	vadd.f32 v61, v13;
	v59 =	vld [tilespmem:s13+$0x830]  }
0x1b2: {  	v11 =	vadd.f32 v62, v11;
	v9 =	vadd.f32 v63, v9;
	v60 =	vld [tilespmem:s13+$0x840]  }
0x1b3: {  	v3 =	vadd.f32 v3, v7;
	v62 =	vld [tilespmem:s13+$0x870];
	v0 =	vadd.f32 v0, v5  }
0x1b4: {  	v61 =	vld [tilespmem:s13+$0x860];
	v10 =	vsub.f32 v10, v41;
	v5 =	vsub.f32 v36, v50  }
0x1b5: {  	v37 =	vsub.f32 v37, v49;
	v7 =	vsub.f32 v12, v51;
	v12 =	vld [tilespmem:s13+$0x850]  }
0x1b6: {  	[tilespmem:$0x1FF90] =	vst v40;
	v40 =	vld [tilespmem:s13+$0xC00];
	v58 =	vsub.f32 v59, v48;
	v24 =	vadd.f32 v10, v24  }
0x1b7: {  	v10 =	vmul.f32 v10, v10;
	v35 =	vadd.f32 v7, v35;
	v7 =	vmul.f32 v7, v7  }
0x1b8: {  	v57 =	vsub.f32 v60, v47;
	v55 =	vsub.f32 v62, v44;
	v62 =	vld [tilespmem:$0x1FFA0]  }
0x1b9: {  	v23 =	vadd.f32 v10, v23;
	v10 =	vld [tilespmem:s13+$0xC10];
	v34 =	vadd.f32 v7, v34;
	v7 =	vmul.f32 v37, v37  }
0x1ba: {  	v36 =	vsub.f32 v61, v45;
	v56 =	vsub.f32 v12, v46;
	v12 =	vld [tilespmem:s13+$0xC20]  }
0x1bb: {  	v54 =	vsub.f32 v40, v43;
	v32 =	vadd.f32 v7, v32;
	v7 =	vmul.f32 v57, v57  }
0x1bc: {  	v22 =	vadd.f32 v5, v22;
	v21 =	vadd.f32 v37, v21  }
0x1bd: {  	v59 =	vld [tilespmem:s13+$0xC40];
	v20 =	vadd.f32 v58, v20;
	v30 =	vadd.f32 v7, v30;
	v7 =	vmul.f32 v36, v36  }
0x1be: {  	v63 =	vmul.f32 v5, v5;
	v19 =	vadd.f32 v57, v19;
	v53 =	vsub.f32 v10, v42  }
0x1bf: {  	v60 =	vld [tilespmem:s13+$0xC50];
	v28 =	vadd.f32 v7, v28;
	v7 =	vmul.f32 v54, v54;
	v52 =	vsub.f32 v12, v62  }
0x1c0: {  	v17 =	vadd.f32 v36, v17;
	v33 =	vadd.f32 v63, v33;
	v51 =	vld [tilespmem:s13+$0xC30]  }
0x1c1: {  	v63 =	vld [tilespmem:$0x1FFB0];
	v12 =	vmul.f32 v53, v53;
	v26 =	vadd.f32 v7, v26;
	v7 =	vmul.f32 v52, v52  }
0x1c2: {  	v48 =	vmul.f32 v58, v58;
	v16 =	vadd.f32 v55, v16;
	v39 =	vsub.f32 v59, v39;
	v10 =	vld [tilespmem:s13+$0xC60]  }
0x1c3: {  	v61 =	vmul.f32 v55, v55;
	v25 =	vadd.f32 v12, v25;
	v12 =	vadd.f32 v7, v2;
	v7 =	vld [tilespmem:$0x1FF90]  }
0x1c4: {  	v15 =	vadd.f32 v54, v15;
	v31 =	vadd.f32 v48, v31  }
0x1c5: {  	v27 =	vadd.f32 v61, v27;
	v59 =	vsub.f32 v60, v38;
	v60 =	vmul.f32 v39, v39  }
0x1c6: {  	s12 =	sadd.s32 $0x1, s12;
	v9 =	vadd.f32 v39, v9;
	v51 =	vsub.f32 v51, v63  }
0x1c7: {  	p0 =	sne.s32 s12, $0x8;
	v8 =	vadd.f32 v60, v8;
	v41 =	vmul.f32 v56, v56;
	v18 =	vadd.f32 v56, v18  }
.Ltmp1:
0x1c8: {  	v14 =	vadd.f32 v53, v14;
	v62 =	vmul.f32 v59, v59;
	v61 =	vsub.f32 v10, v7;
	(pc) =	sbr.rel @p0 .LBB2_3-.Ltmp1, $4  }
0x1c9: {  	v42 =	vmul.f32 v51, v51;
	v11 =	vadd.f32 v51, v11;
	v29 =	vadd.f32 v41, v29  }
0x1ca: {  	v6 =	vadd.f32 v62, v6;
	v13 =	vadd.f32 v52, v13;
	v63 =	vmul.f32 v61, v61  }
0x1cb: {  	v10 =	vadd.f32 v42, v1;
	v7 =	vadd.f32 v59, v3  }
0x1cc: {  	s10 =	sadd.s32 $0x10, s10;
	v5 =	vadd.f32 v61, v0;
	v4 =	vadd.f32 v63, v4  }
0x1cd: {  	p0 =	seq.s32 s0, $0x7  }
.Ltmp2:
0x1ce: {  	_ = 	snop;
	(pc) =	sbr.rel @p0 .LBB2_8-.Ltmp2, $1  }
0x1cf: {  	_ =	sdelay $0x3  }
0x1d0: {  	s1 =	sand.u32 $0x3FFFFF00, s1  }
0x1d1: {  	v0 =	vld [tilespmem:s1+$0x100];
	_ =	sdelay $0x3  }
0x1d2: {  	v2 =	vld [tilespmem:$0x1FFD0]  }
0x1d3: {  	v1 =	vshrl.u32 v0, $0x3  }
0x1d4: {  	v3 =	vld [tilespmem:$0x1FFE0];
	v1 =	vmul.u32 $0x18, v1  }
0x1d5: {  	v0 =	vand.u32 $0x7, v0  }
0x1d6: {  	v36 =	vld [tilespmem:$0x1FFF0];
	v0 =	vor.u32 v0, v1  }
0x1d7: {  	v1 =	vperm.xlane v0, v2;
	_ =	sdelay $0x1  }
0x1d8: {  	v1 =	vadd.s32 v3, v1;
	_ =	sdelay $0x1  }
0x1d9: {  	v0 =	vperm.xlane v0, v36;
	_ =	sdelay $0x1  }
0x1da: {  	s7 =	simm.s32 $0x800;
	v0 =	vadd.s32 v3, v0  }
0x1db: {  	[tilespmem:s7], [sflag:$0x1] =	stream.indirect_vreg.gather [hbm4b:s3+s2], $0x80, v1, vm0, $0xb8;
	[tilespmem:$0x19C00] =	vst v63  }
0x1dc: {  	s15 =	simm.s32 $0x1000  }
0x1dd: {  	[tilespmem:s15], [sflag:$0x1] =	stream.indirect_vreg.gather [hbm4b:s8+s2], $0x80, v1, vm1, $0xb8;
	[tilespmem:$0x19C00] =	vst v63  }
0x1de: {  	s16 =	simm.s32 $0x1400  }
0x1df: {  	[tilespmem:s16], [sflag:$0x1] =	stream.indirect_vreg.gather [hbm4b:s3+s2], $0x80, v0, vm0, $0xb8;
	[tilespmem:$0x19C00] =	vst v63  }
0x1e0: {  	s17 =	simm.s32 $0x1C00  }
0x1e1: {  	[tilespmem:s17], [sflag:$0x1] =	stream.indirect_vreg.gather [hbm4b:s8+s2], $0x80, v0, vm1, $0xb8;
	[tilespmem:$0x19C00] =	vst v63  }
0x1e2: {  	v0 =	vld [tilespmem:s1+$0x110];
	_ =	sdelay $0x4  }
0x1e3: {  	v57 =	vshrl.u32 v0, $0x3  }
0x1e4: {  	v1 =	vmul.u32 $0x18, v57  }
0x1e5: {  	v0 =	vand.u32 $0x7, v0  }
0x1e6: {  	v0 =	vor.u32 v0, v1  }
0x1e7: {  	v1 =	vperm.xlane v0, v2;
	_ =	sdelay $0x1  }
0x1e8: {  	v1 =	vadd.s32 v3, v1;
	_ =	sdelay $0x1  }
0x1e9: {  	v0 =	vperm.xlane v0, v36;
	_ =	sdelay $0x1  }
0x1ea: {  	s10 =	simm.s32 $0x2000;
	v0 =	vadd.s32 v3, v0  }
0x1eb: {  	[tilespmem:s10], [sflag:$0x1] =	stream.indirect_vreg.gather [hbm4b:s3+s2], $0x80, v1, vm0, $0xb8;
	[tilespmem:$0x19C00] =	vst v63  }
0x1ec: {  	s12 =	simm.s32 $0x2800  }
0x1ed: {  	[tilespmem:s12], [sflag:$0x1] =	stream.indirect_vreg.gather [hbm4b:s8+s2], $0x80, v1, vm1, $0xb8;
	[tilespmem:$0x19C00] =	vst v63  }
0x1ee: {  	s13 =	simm.s32 $0x2C00  }
0x1ef: {  	[tilespmem:s13], [sflag:$0x1] =	stream.indirect_vreg.gather [hbm4b:s3+s2], $0x80, v0, vm0, $0xb8;
	[tilespmem:$0x19C00] =	vst v63  }
0x1f0: {  	s14 =	simm.s32 $0x3400  }
0x1f1: {  	[tilespmem:s14], [sflag:$0x1] =	stream.indirect_vreg.gather [hbm4b:s8+s2], $0x80, v0, vm1, $0xb8;
	[tilespmem:$0x19C00] =	vst v63  }
0x1f2: {  	v0 =	vld [tilespmem:s1+$0x120];
	_ =	sdelay $0x4  }
0x1f3: {  	v58 =	vshrl.u32 v0, $0x3  }
0x1f4: {  	v1 =	vmul.u32 $0x18, v58  }
0x1f5: {  	v0 =	vand.u32 $0x7, v0  }
0x1f6: {  	v0 =	vor.u32 v0, v1  }
0x1f7: {  	v1 =	vperm.xlane v0, v2;
	_ =	sdelay $0x1  }
0x1f8: {  	v1 =	vadd.s32 v3, v1;
	_ =	sdelay $0x1  }
0x1f9: {  	v0 =	vperm.xlane v0, v36;
	_ =	sdelay $0x1  }
0x1fa: {  	s15 =	simm.s32 $0x3800;
	v0 =	vadd.s32 v3, v0  }
0x1fb: {  	[tilespmem:s15], [sflag:$0x1] =	stream.indirect_vreg.gather [hbm4b:s3+s2], $0x80, v1, vm0, $0xb8;
	[tilespmem:$0x19C00] =	vst v63  }
0x1fc: {  	s16 =	simm.s32 $0x4000  }
0x1fd: {  	[tilespmem:s16], [sflag:$0x1] =	stream.indirect_vreg.gather [hbm4b:s8+s2], $0x80, v1, vm1, $0xb8;
	[tilespmem:$0x19C00] =	vst v63  }
0x1fe: {  	s17 =	simm.s32 $0x4400  }
0x1ff: {  	[tilespmem:s17], [sflag:$0x1] =	stream.indirect_vreg.gather [hbm4b:s3+s2], $0x80, v0, vm0, $0xb8;
	[tilespmem:$0x19C00] =	vst v63  }
0x200: {  	s10 =	simm.s32 $0x4C00  }
0x201: {  	[tilespmem:s10], [sflag:$0x1] =	stream.indirect_vreg.gather [hbm4b:s8+s2], $0x80, v0, vm1, $0xb8;
	[tilespmem:$0x19C00] =	vst v63  }
0x202: {  	v0 =	vld [tilespmem:s1+$0x130];
	_ =	sdelay $0x4  }
0x203: {  	v59 =	vshrl.u32 v0, $0x3  }
0x204: {  	v1 =	vmul.u32 $0x18, v59  }
0x205: {  	v0 =	vand.u32 $0x7, v0  }
0x206: {  	v0 =	vor.u32 v0, v1  }
0x207: {  	v1 =	vperm.xlane v0, v2;
	_ =	sdelay $0x1  }
0x208: {  	v1 =	vadd.s32 v3, v1;
	_ =	sdelay $0x1  }
0x209: {  	v0 =	vperm.xlane v0, v36;
	_ =	sdelay $0x1  }
0x20a: {  	s12 =	simm.s32 $0x5000;
	v0 =	vadd.s32 v3, v0  }
0x20b: {  	[tilespmem:s12], [sflag:$0x1] =	stream.indirect_vreg.gather [hbm4b:s3+s2], $0x80, v1, vm0, $0xb8;
	[tilespmem:$0x19C00] =	vst v63  }
0x20c: {  	s13 =	simm.s32 $0x5800  }
0x20d: {  	[tilespmem:s13], [sflag:$0x1] =	stream.indirect_vreg.gather [hbm4b:s8+s2], $0x80, v1, vm1, $0xb8;
	[tilespmem:$0x19C00] =	vst v63  }
0x20e: {  	s14 =	simm.s32 $0x5C00  }
0x20f: {  	[tilespmem:s14], [sflag:$0x1] =	stream.indirect_vreg.gather [hbm4b:s3+s2], $0x80, v0, vm0, $0xb8;
	[tilespmem:$0x19C00] =	vst v63  }
0x210: {  	s15 =	simm.s32 $0x6400  }
0x211: {  	[tilespmem:s15], [sflag:$0x1] =	stream.indirect_vreg.gather [hbm4b:s8+s2], $0x80, v0, vm1, $0xb8;
	[tilespmem:$0x19C00] =	vst v63  }
0x212: {  	v0 =	vld [tilespmem:s1+$0x140];
	_ =	sdelay $0x4  }
0x213: {  	v60 =	vshrl.u32 v0, $0x3  }
0x214: {  	v1 =	vmul.u32 $0x18, v60  }
0x215: {  	v0 =	vand.u32 $0x7, v0  }
0x216: {  	v0 =	vor.u32 v0, v1  }
0x217: {  	v1 =	vperm.xlane v0, v2;
	_ =	sdelay $0x1  }
0x218: {  	v1 =	vadd.s32 v3, v1;
	_ =	sdelay $0x1  }
0x219: {  	v0 =	vperm.xlane v0, v36;
	_ =	sdelay $0x1  }
0x21a: {  	s16 =	simm.s32 $0x6800;
	v0 =	vadd.s32 v3, v0  }
0x21b: {  	[tilespmem:s16], [sflag:$0x1] =	stream.indirect_vreg.gather [hbm4b:s3+s2], $0x80, v1, vm0, $0xb8;
	[tilespmem:$0x19C00] =	vst v63  }
0x21c: {  	s17 =	simm.s32 $0x7000  }
0x21d: {  	[tilespmem:s17], [sflag:$0x1] =	stream.indirect_vreg.gather [hbm4b:s8+s2], $0x80, v1, vm1, $0xb8;
	[tilespmem:$0x19C00] =	vst v63  }
0x21e: {  	s10 =	simm.s32 $0x7400  }
0x21f: {  	[tilespmem:s10], [sflag:$0x1] =	stream.indirect_vreg.gather [hbm4b:s3+s2], $0x80, v0, vm0, $0xb8;
	[tilespmem:$0x19C00] =	vst v63  }
0x220: {  	s12 =	simm.s32 $0x7C00  }
0x221: {  	[tilespmem:s12], [sflag:$0x1] =	stream.indirect_vreg.gather [hbm4b:s8+s2], $0x80, v0, vm1, $0xb8;
	[tilespmem:$0x19C00] =	vst v63  }
0x222: {  	v0 =	vld [tilespmem:s1+$0x150];
	_ =	sdelay $0x4  }
0x223: {  	v61 =	vshrl.u32 v0, $0x3  }
0x224: {  	v1 =	vmul.u32 $0x18, v61  }
0x225: {  	v0 =	vand.u32 $0x7, v0  }
0x226: {  	v0 =	vor.u32 v0, v1  }
0x227: {  	v1 =	vperm.xlane v0, v2;
	_ =	sdelay $0x1  }
0x228: {  	v1 =	vadd.s32 v3, v1;
	_ =	sdelay $0x1  }
0x229: {  	v0 =	vperm.xlane v0, v36;
	_ =	sdelay $0x1  }
0x22a: {  	s13 =	simm.s32 $0x8000;
	v0 =	vadd.s32 v3, v0  }
0x22b: {  	[tilespmem:s13], [sflag:$0x1] =	stream.indirect_vreg.gather [hbm4b:s3+s2], $0x80, v1, vm0, $0xb8;
	[tilespmem:$0x19C00] =	vst v63  }
0x22c: {  	s14 =	simm.s32 $0x8800  }
0x22d: {  	[tilespmem:s14], [sflag:$0x1] =	stream.indirect_vreg.gather [hbm4b:s8+s2], $0x80, v1, vm1, $0xb8;
	[tilespmem:$0x19C00] =	vst v63  }
0x22e: {  	s15 =	simm.s32 $0x8C00  }
0x22f: {  	[tilespmem:s15], [sflag:$0x1] =	stream.indirect_vreg.gather [hbm4b:s3+s2], $0x80, v0, vm0, $0xb8;
	[tilespmem:$0x19C00] =	vst v63  }
0x230: {  	s16 =	simm.s32 $0x9400  }
0x231: {  	[tilespmem:s16], [sflag:$0x1] =	stream.indirect_vreg.gather [hbm4b:s8+s2], $0x80, v0, vm1, $0xb8;
	[tilespmem:$0x19C00] =	vst v63  }
0x232: {  	v0 =	vld [tilespmem:s1+$0x160];
	_ =	sdelay $0x4  }
0x233: {  	v62 =	vshrl.u32 v0, $0x3  }
0x234: {  	v1 =	vmul.u32 $0x18, v62  }
0x235: {  	v0 =	vand.u32 $0x7, v0  }
0x236: {  	v0 =	vor.u32 v0, v1  }
0x237: {  	v1 =	vperm.xlane v0, v2;
	_ =	sdelay $0x1  }
0x238: {  	v1 =	vadd.s32 v3, v1;
	_ =	sdelay $0x1  }
0x239: {  	v0 =	vperm.xlane v0, v36;
	_ =	sdelay $0x1  }
0x23a: {  	s17 =	simm.s32 $0x9800;
	v0 =	vadd.s32 v3, v0  }
0x23b: {  	[tilespmem:s17], [sflag:$0x1] =	stream.indirect_vreg.gather [hbm4b:s3+s2], $0x80, v1, vm0, $0xb8;
	[tilespmem:$0x19C00] =	vst v63  }
0x23c: {  	s10 =	simm.s32 $0xA000  }
0x23d: {  	[tilespmem:s10], [sflag:$0x1] =	stream.indirect_vreg.gather [hbm4b:s8+s2], $0x80, v1, vm1, $0xb8;
	[tilespmem:$0x19C00] =	vst v63  }
0x23e: {  	s12 =	simm.s32 $0xA400  }
0x23f: {  	[tilespmem:s12], [sflag:$0x1] =	stream.indirect_vreg.gather [hbm4b:s3+s2], $0x80, v0, vm0, $0xb8;
	[tilespmem:$0x19C00] =	vst v63  }
0x240: {  	s13 =	simm.s32 $0xAC00  }
0x241: {  	[tilespmem:s13], [sflag:$0x1] =	stream.indirect_vreg.gather [hbm4b:s8+s2], $0x80, v0, vm1, $0xb8;
	[tilespmem:$0x19C00] =	vst v63  }
0x242: {  	v0 =	vld [tilespmem:s1+$0x170];
	_ =	sdelay $0x4  }
0x243: {  	v63 =	vshrl.u32 v0, $0x3  }
0x244: {  	v1 =	vmul.u32 $0x18, v63  }
0x245: {  	v0 =	vand.u32 $0x7, v0  }
0x246: {  	v0 =	vor.u32 v0, v1  }
0x247: {  	v1 =	vperm.xlane v0, v2;
	_ =	sdelay $0x1  }
0x248: {  	v1 =	vadd.s32 v3, v1;
	_ =	sdelay $0x1  }
0x249: {  	v0 =	vperm.xlane v0, v36;
	_ =	sdelay $0x1  }
0x24a: {  	s14 =	simm.s32 $0xB000;
	v0 =	vadd.s32 v3, v0  }
0x24b: {  	[tilespmem:s14], [sflag:$0x1] =	stream.indirect_vreg.gather [hbm4b:s3+s2], $0x80, v1, vm0, $0xb8;
	[tilespmem:$0x19C00] =	vst v63  }
0x24c: {  	s15 =	simm.s32 $0xB800  }
0x24d: {  	[tilespmem:s15], [sflag:$0x1] =	stream.indirect_vreg.gather [hbm4b:s8+s2], $0x80, v1, vm1, $0xb8;
	[tilespmem:$0x19C00] =	vst v63  }
0x24e: {  	s16 =	simm.s32 $0xBC00  }
0x24f: {  	[tilespmem:s16], [sflag:$0x1] =	stream.indirect_vreg.gather [hbm4b:s3+s2], $0x80, v0, vm0, $0xb8;
	[tilespmem:$0x19C00] =	vst v63  }
0x250: {  	s17 =	simm.s32 $0xC400  }
0x251: {  	[tilespmem:s17], [sflag:$0x1] =	stream.indirect_vreg.gather [hbm4b:s8+s2], $0x80, v0, vm1, $0xb8;
	[tilespmem:$0x19C00] =	vst v63  }
.LBB2_8:
0x252: {  	_ =	swait.ge [sflag:s31], $0xC000;
	s7 =	sor.u32 s6, s9  }
0x253: {  	s16 =	simm.s32 $0xC800;
	[sflag:s31] =	ssyncset.done $0x0;
	s1 =	sshll.u32 s7, $0x5  }
0x254: {  	[sflag:s31] =	ssyncadd.s32 $0xFFFF4000;
	s9 =	sadd.s32 s4, s1;
	s1 =	simm.s32 $0x0  }
0x255: {  	[hbm4b:s9+s1] =	stream.linear.scatter [tilespmem:s16], [sflag:$0x3], $0x800, $0x38;
	[tilespmem:$0x19C00] =	vst v63  }
0x256: {  	s12 =	simm.s32 $0xD400;
	s10 =	sadd.s32 $0x100, s9  }
0x257: {  	[hbm4b:s10+s1] =	stream.linear.scatter [tilespmem:s12], [sflag:$0x3], $0x800, $0x38;
	[tilespmem:$0x19C00] =	vst v63  }
0x258: {  	s17 =	simm.s32 $0xE000;
	s15 =	sadd.s32 $0x200, s9  }
0x259: {  	[hbm4b:s15+s1] =	stream.linear.scatter [tilespmem:s17], [sflag:$0x3], $0x800, $0x38;
	[tilespmem:$0x19C00] =	vst v63  }
0x25a: {  	s14 =	simm.s32 $0xEC00;
	s13 =	sadd.s32 $0x300, s9  }
0x25b: {  	[hbm4b:s13+s1] =	stream.linear.scatter [tilespmem:s14], [sflag:$0x3], $0x800, $0x38;
	[tilespmem:$0x19C00] =	vst v63  }
0x25c: {  	s15 =	sadd.s32 $0x400, s9;
	s17 =	simm.s32 $0xF800  }
0x25d: {  	[hbm4b:s15+s1] =	stream.linear.scatter [tilespmem:s17], [sflag:$0x3], $0x800, $0x38;
	[tilespmem:$0x19C00] =	vst v63  }
0x25e: {  	s13 =	sadd.s32 $0x500, s9;
	s14 =	simm.s32 $0x10400  }
0x25f: {  	[hbm4b:s13+s1] =	stream.linear.scatter [tilespmem:s14], [sflag:$0x3], $0x800, $0x38;
	[tilespmem:$0x19C00] =	vst v63  }
0x260: {  	s15 =	sadd.s32 $0x600, s9;
	s17 =	simm.s32 $0x11000  }
0x261: {  	[hbm4b:s15+s1] =	stream.linear.scatter [tilespmem:s17], [sflag:$0x3], $0x800, $0x38;
	[tilespmem:$0x19C00] =	vst v63  }
0x262: {  	s13 =	sadd.s32 $0x700, s9;
	s14 =	simm.s32 $0x11C00  }
0x263: {  	[hbm4b:s13+s1] =	stream.linear.scatter [tilespmem:s14], [sflag:$0x3], $0x800, $0x38;
	[tilespmem:$0x19C00] =	vst v63  }
0x264: {  	s15 =	sadd.s32 $0x800, s9;
	s17 =	simm.s32 $0x12800  }
0x265: {  	[hbm4b:s15+s1] =	stream.linear.scatter [tilespmem:s17], [sflag:$0x3], $0x800, $0x38;
	[tilespmem:$0x19C00] =	vst v63  }
0x266: {  	s13 =	sadd.s32 $0x900, s9;
	s14 =	simm.s32 $0x13400  }
0x267: {  	[hbm4b:s13+s1] =	stream.linear.scatter [tilespmem:s14], [sflag:$0x3], $0x800, $0x38;
	[tilespmem:$0x19C00] =	vst v63  }
0x268: {  	s15 =	sadd.s32 $0xA00, s9;
	s17 =	simm.s32 $0x14000  }
0x269: {  	[hbm4b:s15+s1] =	stream.linear.scatter [tilespmem:s17], [sflag:$0x3], $0x800, $0x38;
	[tilespmem:$0x19C00] =	vst v63  }
0x26a: {  	s13 =	sadd.s32 $0xB00, s9  }
0x26b: {  	[hbm4b:s13+s1] =	stream.linear.scatter [tilespmem:s18], [sflag:$0x3], $0x800, $0x38;
	[tilespmem:$0x19C00] =	vst v63  }
0x26c: {  	s14 =	sadd.s32 $0xC00, s9  }
0x26d: {  	[hbm4b:s14+s1] =	stream.linear.scatter [tilespmem:s20], [sflag:$0x3], $0x800, $0x38;
	[tilespmem:$0x19C00] =	vst v63  }
0x26e: {  	s15 =	sadd.s32 $0xD00, s9  }
0x26f: {  	[hbm4b:s15+s1] =	stream.linear.scatter [tilespmem:s22], [sflag:$0x3], $0x800, $0x38;
	[tilespmem:$0x19C00] =	vst v63  }
0x270: {  	s17 =	sadd.s32 $0xE00, s9  }
0x271: {  	[hbm4b:s17+s1] =	stream.linear.scatter [tilespmem:s24], [sflag:$0x3], $0x800, $0x38;
	[tilespmem:$0x19C00] =	vst v63  }
0x272: {  	s9 =	sadd.s32 $0xF00, s9  }
0x273: {  	[hbm4b:s9+s1] =	stream.linear.scatter [tilespmem:s26], [sflag:$0x3], $0x800, $0x38;
	[tilespmem:$0x19C00] =	vst v63  }
0x274: {  	_ =	swait.ge [sflag:s11], $0x8000  }
0x275: {  	s10 =	sshll.u32 s7, $0x4;
	[sflag:s11] =	ssyncset.done $0x0  }
0x276: {  	s17 =	simm.s32 $0xD000;
	s9 =	sadd.s32 s5, s10;
	[sflag:s11] =	ssyncadd.s32 $0xFFFF8000  }
0x277: {  	[hbm4b:s9+s1] =	stream.linear.scatter [tilespmem:s17], [sflag:$0x3], $0x400, $0x38;
	[tilespmem:$0x19C00] =	vst v63  }
0x278: {  	s13 =	simm.s32 $0xDC00;
	s12 =	sadd.s32 $0x80, s9  }
0x279: {  	[hbm4b:s12+s1] =	stream.linear.scatter [tilespmem:s13], [sflag:$0x3], $0x400, $0x38;
	[tilespmem:$0x19C00] =	vst v63  }
0x27a: {  	s15 =	simm.s32 $0xE800;
	s14 =	sadd.s32 $0x100, s9  }
0x27b: {  	[hbm4b:s14+s1] =	stream.linear.scatter [tilespmem:s15], [sflag:$0x3], $0x400, $0x38;
	[tilespmem:$0x19C00] =	vst v63  }
0x27c: {  	s12 =	sadd.s32 $0x180, s9;
	s13 =	simm.s32 $0xF400  }
0x27d: {  	[hbm4b:s12+s1] =	stream.linear.scatter [tilespmem:s13], [sflag:$0x3], $0x400, $0x38;
	[tilespmem:$0x19C00] =	vst v63  }
0x27e: {  	s14 =	sadd.s32 $0x200, s9;
	s15 =	simm.s32 $0x10000  }
0x27f: {  	[hbm4b:s14+s1] =	stream.linear.scatter [tilespmem:s15], [sflag:$0x3], $0x400, $0x38;
	[tilespmem:$0x19C00] =	vst v63  }
0x280: {  	s12 =	sadd.s32 $0x280, s9;
	s13 =	simm.s32 $0x10C00  }
0x281: {  	[hbm4b:s12+s1] =	stream.linear.scatter [tilespmem:s13], [sflag:$0x3], $0x400, $0x38;
	[tilespmem:$0x19C00] =	vst v63  }
0x282: {  	s14 =	sadd.s32 $0x300, s9;
	s15 =	simm.s32 $0x11800  }
0x283: {  	[hbm4b:s14+s1] =	stream.linear.scatter [tilespmem:s15], [sflag:$0x3], $0x400, $0x38;
	[tilespmem:$0x19C00] =	vst v63  }
0x284: {  	s12 =	sadd.s32 $0x380, s9;
	s13 =	simm.s32 $0x12400  }
0x285: {  	[hbm4b:s12+s1] =	stream.linear.scatter [tilespmem:s13], [sflag:$0x3], $0x400, $0x38;
	[tilespmem:$0x19C00] =	vst v63  }
0x286: {  	s14 =	sadd.s32 $0x400, s9;
	s15 =	simm.s32 $0x13000  }
0x287: {  	[hbm4b:s14+s1] =	stream.linear.scatter [tilespmem:s15], [sflag:$0x3], $0x400, $0x38;
	[tilespmem:$0x19C00] =	vst v63  }
0x288: {  	s12 =	sadd.s32 $0x480, s9;
	s13 =	simm.s32 $0x13C00  }
0x289: {  	[hbm4b:s12+s1] =	stream.linear.scatter [tilespmem:s13], [sflag:$0x3], $0x400, $0x38;
	[tilespmem:$0x19C00] =	vst v63  }
0x28a: {  	s14 =	sadd.s32 $0x500, s9;
	s15 =	simm.s32 $0x14800  }
0x28b: {  	[hbm4b:s14+s1] =	stream.linear.scatter [tilespmem:s15], [sflag:$0x3], $0x400, $0x38;
	[tilespmem:$0x19C00] =	vst v63  }
0x28c: {  	s12 =	sadd.s32 $0x580, s9  }
0x28d: {  	[hbm4b:s12+s1] =	stream.linear.scatter [tilespmem:s19], [sflag:$0x3], $0x400, $0x38;
	[tilespmem:$0x19C00] =	vst v63  }
0x28e: {  	s13 =	sadd.s32 $0x600, s9  }
0x28f: {  	[hbm4b:s13+s1] =	stream.linear.scatter [tilespmem:s21], [sflag:$0x3], $0x400, $0x38;
	[tilespmem:$0x19C00] =	vst v63  }
0x290: {  	s14 =	sadd.s32 $0x680, s9  }
0x291: {  	[hbm4b:s14+s1] =	stream.linear.scatter [tilespmem:s23], [sflag:$0x3], $0x400, $0x38;
	[tilespmem:$0x19C00] =	vst v63  }
0x292: {  	s15 =	sadd.s32 $0x700, s9  }
0x293: {  	[hbm4b:s15+s1] =	stream.linear.scatter [tilespmem:s25], [sflag:$0x3], $0x400, $0x38;
	[tilespmem:$0x19C00] =	vst v63  }
0x294: {  	s7 =	sshrl.u32 s7, $0x7;
	s9 =	sadd.s32 $0x780, s9  }
0x295: {  	[hbm4b:s9+s1] =	stream.linear.scatter [tilespmem:s28], [sflag:$0x3], $0x400, $0x38;
	[tilespmem:$0x19C00] =	vst v63  }
0x296: {  	s7 =	smul.u32 $0x180, s7;
	_ =	swait.ge [sflag:s11], $0x4000  }
0x297: {  	[sflag:s11] =	ssyncset.done $0x0  }
0x298: {  	s7 =	sadd.s32 s3, s7;
	[sflag:s11] =	ssyncadd.s32 $0xFFFFC000  }
0x299: {  	[tilespmem:s30], [sflag:$0x3] =	stream.linear.gather [hbm4b:s7+s1], $0xC00, $0x38;
	[tilespmem:$0x19C00] =	vst v63  }
0x29a: {  	_ =	swait.ge [sflag:s11], $0xC00  }
0x29b: {  	[sflag:s11] =	ssyncset.done $0x0  }
0x29c: {  	s9 =	simm.s32 $0x0;
	s7 =	simm.s32 $0x0;
	[sflag:s11] =	ssyncadd.s32 $0xFFFFF400  }
.LBB2_9:
0x29d: {  	s10 =	sshll.u32 s9, $0x9  }
0x29e: {  	s10 =	sshra.s32 s10, $0x2  }
0x29f: {  	v49 =	vld [tilespmem:s10+$0x18800]  }
0x2a0: {  	v48 =	vld [tilespmem:s10+$0x18810]  }
0x2a1: {  	v47 =	vld [tilespmem:s10+$0x18820]  }
0x2a2: {  	v46 =	vld [tilespmem:s10+$0x18830]  }
0x2a3: {  	v45 =	vld [tilespmem:s10+$0x18840]  }
0x2a4: {  	v44 =	vld [tilespmem:s10+$0x18850]  }
0x2a5: {  	v43 =	vld [tilespmem:s10+$0x18860]  }
0x2a6: {  	v42 =	vld [tilespmem:s10+$0x18870]  }
0x2a7: {  	s12 =	sshrl.u32 s7, $0x3;
	v62 =	vld [tilespmem:s10+$0x18C00]  }
0x2a8: {  	s12 =	smul.u32 $0x3000, s12;
	v40 =	vld [tilespmem:s10+$0x18C10]  }
0x2a9: {  	v39 =	vld [tilespmem:s10+$0x18C20]  }
0x2aa: {  	s13 =	sand.u32 $0x380, s1;
	v38 =	vld [tilespmem:s10+$0x18C30];
	s12 =	sshra.s32 s12, $0x2  }
0x2ab: {  	v50 =	vld [tilespmem:s10+$0x18C70];
	s13 =	sor.u32 s13, s12  }
0x2ac: {  	v0 =	vld [tilespmem:s13+$0xCC70]  }
0x2ad: {  	v1 =	vld [tilespmem:s13+$0xC800]  }
0x2ae: {  	v3 =	vld [tilespmem:s13+$0xC820]  }
0x2af: {  	v52 =	vld [tilespmem:s13+$0xC830]  }
0x2b0: {  	v2 =	vld [tilespmem:s13+$0xC810]  }
0x2b1: {  	v55 =	vld [tilespmem:s13+$0xC840]  }
0x2b2: {  	v37 =	vld [tilespmem:s10+$0x18C40]  }
0x2b3: {  	v54 =	vsub.f32 v3, v47;
	v3 =	vld [tilespmem:s13+$0xC870]  }
0x2b4: {  	v56 =	vld [tilespmem:s13+$0xC850];
	v0 =	vsub.f32 v0, v50;
	v52 =	vsub.f32 v52, v46  }
0x2b5: {  	v59 =	vld [tilespmem:s13+$0xCC00];
	v1 =	vsub.f32 v1, v49;
	v53 =	vsub.f32 v2, v48  }
0x2b6: {  	v2 =	vld [tilespmem:s13+$0xC860];
	v55 =	vsub.f32 v55, v45;
	v24 =	vadd.f32 v0, v24;
	v58 =	vmul.f32 v52, v52  }
0x2b7: {  	v63 =	vld [tilespmem:s13+$0xCC50];
	v0 =	vmul.f32 v0, v0;
	v35 =	vadd.f32 v1, v35;
	v1 =	vmul.f32 v1, v1  }
0x2b8: {  	v57 =	vmul.f32 v53, v53;
	v31 =	vadd.f32 v58, v31;
	v58 =	vsub.f32 v3, v42;
	v3 =	vld [tilespmem:s13+$0xCC40]  }
0x2b9: {  	[tilespmem:$0x1FF60] =	vst v39;
	v23 =	vadd.f32 v0, v23;
	v34 =	vadd.f32 v1, v34;
	v0 =	vmul.f32 v54, v54;
	v1 =	vld [tilespmem:s13+$0xCC10]  }
0x2ba: {  	v61 =	vld [tilespmem:s13+$0xCC20];
	v41 =	vmovc v50;
	v51 =	vmov v49;
	[tilespmem:$0x1FF70] =	vst v38;
	v56 =	vsub.f32 v56, v44;
	v33 =	vadd.f32 v57, v33  }
0x2bb: {  	v50 =	vmovc v48;
	v57 =	vsub.f32 v2, v43;
	v2 =	vld [tilespmem:s13+$0xCC30];
	v32 =	vadd.f32 v0, v32;
	v0 =	vmul.f32 v55, v55  }
0x2bc: {  	v36 =	vld [tilespmem:s10+$0x18C50];
	v49 =	vmovc v47;
	v47 =	vmov v45;
	v59 =	vsub.f32 v59, v62;
	[tilespmem:$0x1FF80] =	vst v63;
	v60 =	vmul.f32 v56, v56  }
0x2bd: {  	v45 =	vmovc v43;
	v30 =	vadd.f32 v0, v30;
	v0 =	vmul.f32 v57, v57;
	v63 =	vsub.f32 v3, v37;
	v3 =	vld [tilespmem:$0x1FF80]  }
0x2be: {  	v29 =	vadd.f32 v60, v29;
	v43 =	vmovc v62;
	v62 =	vmul.f32 v58, v58;
	v60 =	vsub.f32 v1, v40  }
0x2bf: {  	v48 =	vmovc v46;
	v61 =	vsub.f32 v61, v39;
	v28 =	vadd.f32 v0, v28;
	v0 =	vmul.f32 v59, v59  }
0x2c0: {  	v46 =	vmovc v44;
	v27 =	vadd.f32 v62, v27;
	v62 =	vsub.f32 v2, v38;
	v1 =	vmul.f32 v60, v60  }
0x2c1: {  	s12 =	sadd.s32 $0x1, s7;
	v44 =	vmovc v42;
	v39 =	vmovc v37;
	v42 =	vmov v40;
	v40 =	vld [tilespmem:s10+$0x18C60];
	v2 =	vmul.f32 v61, v61;
	v26 =	vadd.f32 v0, v26  }
0x2c2: {  	s14 =	sshrl.u32 s12, $0x3;
	s10 =	simm.s32 $0x80;
	v38 =	vmovc v36;
	v0 =	vld [tilespmem:s13+$0xCC60];
	s13 =	simm.s32 $0x100;
	v25 =	vadd.f32 v1, v25;
	v1 =	vmul.f32 v62, v62;
	v3 =	vsub.f32 v3, v36  }
.LBB2_10:
0x2c3: {  	_ =	sdelay $0x3  }
0x2c4: {  	s14 =	smul.u32 $0x3000, s14;
	v12 =	vadd.f32 v2, v12;
	v2 =	vmul.f32 v63, v63;
	v0 =	vsub.f32 v0, v40;
	_ =	sdelay $0x1  }
0x2c5: {  	s15 =	sand.u32 $0x380, s10;
	s14 =	sshra.s32 s14, $0x2;
	v8 =	vadd.f32 v2, v8;
	v2 =	vmul.f32 v0, v0  }
0x2c6: {  	s14 =	sor.u32 s15, s14  }
0x2c7: {  	v4 =	vadd.f32 v2, v4;
	v2 =	vld [tilespmem:s14+$0xC800];
	_ =	sdelay $0x1  }
0x2c8: {  	v10 =	vadd.f32 v1, v10;
	v1 =	vmul.f32 v3, v3;
	_ =	sdelay $0x1  }
0x2c9: {  	v22 =	vadd.f32 v53, v22;
	v6 =	vadd.f32 v1, v6;
	v1 =	vld [tilespmem:s14+$0xCC70]  }
0x2ca: {  	v21 =	vadd.f32 v54, v21;
	v36 =	vld [tilespmem:s14+$0xC810];
	v2 =	vsub.f32 v2, v51  }
0x2cb: {  	v20 =	vadd.f32 v52, v20;
	v19 =	vadd.f32 v55, v19;
	v37 =	vld [tilespmem:s14+$0xC820]  }
0x2cc: {  	v13 =	vadd.f32 v61, v13;
	v61 =	vld [tilespmem:s14+$0xC830];
	v35 =	vadd.f32 v2, v35;
	v2 =	vmul.f32 v2, v2  }
0x2cd: {  	v18 =	vadd.f32 v56, v18;
	v7 =	vadd.f32 v3, v7;
	v3 =	vld [tilespmem:s14+$0xC850]  }
0x2ce: {  	v17 =	vadd.f32 v57, v17;
	v34 =	vadd.f32 v2, v34;
	v2 =	vld [tilespmem:s14+$0xCC10]  }
0x2cf: {  	v16 =	vadd.f32 v58, v16;
	v11 =	vadd.f32 v62, v11;
	v62 =	vld [tilespmem:s14+$0xC840]  }
0x2d0: {  	v15 =	vadd.f32 v59, v15;
	v14 =	vadd.f32 v60, v14;
	v58 =	vld [tilespmem:s14+$0xC870]  }
0x2d1: {  	v9 =	vadd.f32 v63, v9;
	v5 =	vadd.f32 v0, v5;
	v0 =	vld [tilespmem:s14+$0xC860]  }
0x2d2: {  	v1 =	vsub.f32 v1, v41;
	v56 =	vsub.f32 v3, v46;
	v3 =	vld [tilespmem:s14+$0xCC20]  }
0x2d3: {  	v53 =	vsub.f32 v36, v50;
	v60 =	vsub.f32 v2, v42;
	v2 =	vld [tilespmem:$0x1FF60]  }
0x2d4: {  	v54 =	vsub.f32 v37, v49;
	v24 =	vadd.f32 v1, v24;
	v1 =	vmul.f32 v1, v1  }
0x2d5: {  	v52 =	vsub.f32 v61, v48;
	v36 =	vld [tilespmem:s14+$0xCC00];
	v55 =	vsub.f32 v62, v47;
	v63 =	vmul.f32 v53, v53  }
0x2d6: {  	v62 =	vld [tilespmem:s14+$0xCC30];
	v58 =	vsub.f32 v58, v44;
	v23 =	vadd.f32 v1, v23;
	v1 =	vmul.f32 v54, v54  }
0x2d7: {  	v37 =	vmul.f32 v52, v52;
	v57 =	vsub.f32 v0, v45;
	v33 =	vadd.f32 v63, v33;
	v63 =	vld [tilespmem:s14+$0xCC40]  }
0x2d8: {  	v32 =	vadd.f32 v1, v32;
	v1 =	vmul.f32 v55, v55;
	v61 =	vsub.f32 v3, v2;
	v2 =	vld [tilespmem:$0x1FF70]  }
0x2d9: {  	v0 =	vmul.f32 v56, v56;
	v31 =	vadd.f32 v37, v31;
	v37 =	vmul.f32 v58, v58  }
0x2da: {  	p0 =	sne.s32 s13, $0x780;
	v59 =	vsub.f32 v36, v43;
	v36 =	vld [tilespmem:s14+$0xCC50];
	v30 =	vadd.f32 v1, v30;
	v1 =	vmul.f32 v57, v57  }
.Ltmp3:
0x2db: {  	v29 =	vadd.f32 v0, v29;
	v27 =	vadd.f32 v37, v27;
	(pc) =	sbr.rel @p0 .LBB2_10-.Ltmp3, $4  }
0x2dc: {  	v28 =	vadd.f32 v1, v28;
	v1 =	vmul.f32 v59, v59;
	v3 =	vmul.f32 v60, v60  }
0x2dd: {  	v63 =	vsub.f32 v63, v39;
	v62 =	vsub.f32 v62, v2  }
0x2de: {  	s12 =	sadd.s32 $0x1, s12;
	v26 =	vadd.f32 v1, v26;
	v25 =	vadd.f32 v3, v25  }
0x2df: {  	s10 =	smov.u32 s13;
	s13 =	sadd.s32 $0x80, s13;
	v0 =	vld [tilespmem:s14+$0xCC60];
	s14 =	sshrl.u32 s12, $0x3;
	v3 =	vsub.f32 v36, v38;
	v2 =	vmul.f32 v61, v61;
	v1 =	vmul.f32 v62, v62  }
0x2e0: {  	_ = 	snop  }
0x2e1: {  	s12 =	smul.u32 $0x3000, s14  }
0x2e2: {  	v22 =	vadd.f32 v53, v22;
	v21 =	vadd.f32 v54, v21  }
0x2e3: {  	s10 =	sand.u32 $0x380, s10;
	v20 =	vadd.f32 v52, v20;
	v1 =	vadd.f32 v1, v10;
	v10 =	vmul.f32 v3, v3;
	s12 =	sshra.s32 s12, $0x2  }
0x2e4: {  	v2 =	vadd.f32 v2, v12;
	v12 =	vmul.f32 v63, v63;
	s10 =	sor.u32 s10, s12;
	v0 =	vsub.f32 v0, v40  }
0x2e5: {  	v19 =	vadd.f32 v55, v19;
	v6 =	vadd.f32 v10, v6;
	v10 =	vld [tilespmem:s10+$0xCC70]  }
0x2e6: {  	v18 =	vadd.f32 v56, v18;
	v8 =	vadd.f32 v12, v8;
	v36 =	vld [tilespmem:s10+$0xC810];
	v12 =	vmul.f32 v0, v0  }
0x2e7: {  	v17 =	vadd.f32 v57, v17;
	v16 =	vadd.f32 v58, v16;
	v37 =	vld [tilespmem:s10+$0xC820]  }
0x2e8: {  	v15 =	vadd.f32 v59, v15;
	v4 =	vadd.f32 v12, v4;
	v12 =	vld [tilespmem:s10+$0xC800]  }
0x2e9: {  	v14 =	vadd.f32 v60, v14;
	v13 =	vadd.f32 v61, v13;
	v59 =	vld [tilespmem:s10+$0xC830]  }
0x2ea: {  	v11 =	vadd.f32 v62, v11;
	v9 =	vadd.f32 v63, v9;
	v60 =	vld [tilespmem:s10+$0xC840]  }
0x2eb: {  	v3 =	vadd.f32 v3, v7;
	v62 =	vld [tilespmem:s10+$0xC870];
	v0 =	vadd.f32 v0, v5  }
0x2ec: {  	v61 =	vld [tilespmem:s10+$0xC860];
	v10 =	vsub.f32 v10, v41;
	v5 =	vsub.f32 v36, v50  }
0x2ed: {  	v37 =	vsub.f32 v37, v49;
	v7 =	vsub.f32 v12, v51;
	v12 =	vld [tilespmem:s10+$0xC850]  }
0x2ee: {  	[tilespmem:$0x1FF50] =	vst v40;
	v40 =	vld [tilespmem:s10+$0xCC00];
	v58 =	vsub.f32 v59, v48;
	v24 =	vadd.f32 v10, v24  }
0x2ef: {  	v10 =	vmul.f32 v10, v10;
	v35 =	vadd.f32 v7, v35;
	v7 =	vmul.f32 v7, v7  }
0x2f0: {  	v57 =	vsub.f32 v60, v47;
	v55 =	vsub.f32 v62, v44;
	v62 =	vld [tilespmem:$0x1FF60]  }
0x2f1: {  	v23 =	vadd.f32 v10, v23;
	v10 =	vld [tilespmem:s10+$0xCC10];
	v34 =	vadd.f32 v7, v34;
	v7 =	vmul.f32 v37, v37  }
0x2f2: {  	v36 =	vsub.f32 v61, v45;
	v56 =	vsub.f32 v12, v46;
	v12 =	vld [tilespmem:s10+$0xCC20]  }
0x2f3: {  	v54 =	vsub.f32 v40, v43;
	v32 =	vadd.f32 v7, v32;
	v7 =	vmul.f32 v57, v57  }
0x2f4: {  	v22 =	vadd.f32 v5, v22;
	v21 =	vadd.f32 v37, v21  }
0x2f5: {  	v59 =	vld [tilespmem:s10+$0xCC40];
	v20 =	vadd.f32 v58, v20;
	v30 =	vadd.f32 v7, v30;
	v7 =	vmul.f32 v36, v36  }
0x2f6: {  	v63 =	vmul.f32 v5, v5;
	v19 =	vadd.f32 v57, v19;
	v53 =	vsub.f32 v10, v42  }
0x2f7: {  	v60 =	vld [tilespmem:s10+$0xCC50];
	v28 =	vadd.f32 v7, v28;
	v7 =	vmul.f32 v54, v54;
	v52 =	vsub.f32 v12, v62  }
0x2f8: {  	v17 =	vadd.f32 v36, v17;
	v33 =	vadd.f32 v63, v33;
	v51 =	vld [tilespmem:s10+$0xCC30]  }
0x2f9: {  	v63 =	vld [tilespmem:$0x1FF70];
	v12 =	vmul.f32 v53, v53;
	v26 =	vadd.f32 v7, v26;
	v7 =	vmul.f32 v52, v52  }
0x2fa: {  	v48 =	vmul.f32 v58, v58;
	v16 =	vadd.f32 v55, v16;
	v39 =	vsub.f32 v59, v39;
	v10 =	vld [tilespmem:s10+$0xCC60]  }
0x2fb: {  	v61 =	vmul.f32 v55, v55;
	v25 =	vadd.f32 v12, v25;
	v12 =	vadd.f32 v7, v2;
	v7 =	vld [tilespmem:$0x1FF50]  }
0x2fc: {  	v15 =	vadd.f32 v54, v15;
	v31 =	vadd.f32 v48, v31  }
0x2fd: {  	v27 =	vadd.f32 v61, v27;
	v59 =	vsub.f32 v60, v38;
	v60 =	vmul.f32 v39, v39  }
0x2fe: {  	s9 =	sadd.s32 $0x1, s9;
	v9 =	vadd.f32 v39, v9;
	v51 =	vsub.f32 v51, v63  }
0x2ff: {  	p0 =	sne.s32 s9, $0x8;
	v8 =	vadd.f32 v60, v8;
	v41 =	vmul.f32 v56, v56;
	v18 =	vadd.f32 v56, v18  }
.Ltmp4:
0x300: {  	v14 =	vadd.f32 v53, v14;
	v62 =	vmul.f32 v59, v59;
	v61 =	vsub.f32 v10, v7;
	(pc) =	sbr.rel @p0 .LBB2_9-.Ltmp4, $4  }
0x301: {  	v42 =	vmul.f32 v51, v51;
	v11 =	vadd.f32 v51, v11;
	v29 =	vadd.f32 v41, v29  }
0x302: {  	v6 =	vadd.f32 v62, v6;
	v13 =	vadd.f32 v52, v13;
	v63 =	vmul.f32 v61, v61  }
0x303: {  	v10 =	vadd.f32 v42, v1;
	v7 =	vadd.f32 v59, v3  }
0x304: {  	s7 =	sadd.s32 $0x10, s7;
	v5 =	vadd.f32 v61, v0;
	v4 =	vadd.f32 v63, v4  }
0x305: {  	s0 =	sadd.s32 $0x1, s0  }
0x306: {  	p0 =	sne.s32 s0, $0x8  }
.Ltmp5:
0x307: {  	_ = 	snop;
	(pc) =	sbr.rel @p0 .LBB2_2-.Ltmp5, $1  }
0x308: {  	_ =	sdelay $0x3  }
0x309: {  	[tilespmem:$0x19400] =	vst v35  }
0x30a: {  	[tilespmem:$0x19480] =	vst v34  }
0x30b: {  	[tilespmem:$0x19410] =	vst v22  }
0x30c: {  	[tilespmem:$0x19490] =	vst v33  }
0x30d: {  	[tilespmem:$0x19420] =	vst v21  }
0x30e: {  	[tilespmem:$0x194A0] =	vst v32  }
0x30f: {  	[tilespmem:$0x19430] =	vst v20  }
0x310: {  	[tilespmem:$0x194B0] =	vst v31  }
0x311: {  	[tilespmem:$0x19440] =	vst v19  }
0x312: {  	[tilespmem:$0x194C0] =	vst v30  }
0x313: {  	[tilespmem:$0x19450] =	vst v18  }
0x314: {  	[tilespmem:$0x194D0] =	vst v29  }
0x315: {  	[tilespmem:$0x19460] =	vst v17  }
0x316: {  	[tilespmem:$0x194E0] =	vst v28  }
0x317: {  	[tilespmem:$0x19470] =	vst v16  }
0x318: {  	[tilespmem:$0x194F0] =	vst v27  }
0x319: {  	[tilespmem:$0x19800] =	vst v15  }
0x31a: {  	[tilespmem:$0x19880] =	vst v26  }
0x31b: {  	[tilespmem:$0x19810] =	vst v14  }
0x31c: {  	[tilespmem:$0x19890] =	vst v25  }
0x31d: {  	[tilespmem:$0x19820] =	vst v13  }
0x31e: {  	[tilespmem:$0x198A0] =	vst v12  }
0x31f: {  	[tilespmem:$0x19830] =	vst v11  }
0x320: {  	[tilespmem:$0x198B0] =	vst v10  }
0x321: {  	[tilespmem:$0x19840] =	vst v9  }
0x322: {  	[tilespmem:$0x198C0] =	vst v8  }
0x323: {  	[tilespmem:$0x19850] =	vst v7  }
0x324: {  	[tilespmem:$0x198D0] =	vst v6  }
0x325: {  	[tilespmem:$0x19860] =	vst v5  }
0x326: {  	[tilespmem:$0x198E0] =	vst v4  }
0x327: {  	[tilespmem:$0x19870] =	vst v24  }
0x328: {  	v0 =	vimm.f32 $0.0e+00;
	[tilespmem:$0x198F0] =	vst v23  }
0x329: {  	[tilespmem:$0x19500] =	vst v0  }
0x32a: {  	[tilespmem:$0x19580] =	vst v0  }
0x32b: {  	[tilespmem:$0x19600] =	vst v0  }
0x32c: {  	[tilespmem:$0x19680] =	vst v0  }
0x32d: {  	[tilespmem:$0x19700] =	vst v0  }
0x32e: {  	[tilespmem:$0x19780] =	vst v0  }
0x32f: {  	[tilespmem:$0x19510] =	vst v0  }
0x330: {  	[tilespmem:$0x19590] =	vst v0  }
0x331: {  	[tilespmem:$0x19610] =	vst v0  }
0x332: {  	[tilespmem:$0x19690] =	vst v0  }
0x333: {  	[tilespmem:$0x19710] =	vst v0  }
0x334: {  	[tilespmem:$0x19790] =	vst v0  }
0x335: {  	[tilespmem:$0x19520] =	vst v0  }
0x336: {  	[tilespmem:$0x195A0] =	vst v0  }
0x337: {  	[tilespmem:$0x19620] =	vst v0  }
0x338: {  	[tilespmem:$0x196A0] =	vst v0  }
0x339: {  	[tilespmem:$0x19720] =	vst v0  }
0x33a: {  	[tilespmem:$0x197A0] =	vst v0  }
0x33b: {  	[tilespmem:$0x19530] =	vst v0  }
0x33c: {  	[tilespmem:$0x195B0] =	vst v0  }
0x33d: {  	[tilespmem:$0x19630] =	vst v0  }
0x33e: {  	[tilespmem:$0x196B0] =	vst v0  }
0x33f: {  	[tilespmem:$0x19730] =	vst v0  }
0x340: {  	[tilespmem:$0x197B0] =	vst v0  }
0x341: {  	[tilespmem:$0x19540] =	vst v0  }
0x342: {  	[tilespmem:$0x195C0] =	vst v0  }
0x343: {  	[tilespmem:$0x19640] =	vst v0  }
0x344: {  	[tilespmem:$0x196C0] =	vst v0  }
0x345: {  	[tilespmem:$0x19740] =	vst v0  }
0x346: {  	[tilespmem:$0x197C0] =	vst v0  }
0x347: {  	[tilespmem:$0x19550] =	vst v0  }
0x348: {  	[tilespmem:$0x195D0] =	vst v0  }
0x349: {  	[tilespmem:$0x19650] =	vst v0  }
0x34a: {  	[tilespmem:$0x196D0] =	vst v0  }
0x34b: {  	[tilespmem:$0x19750] =	vst v0  }
0x34c: {  	[tilespmem:$0x197D0] =	vst v0  }
0x34d: {  	[tilespmem:$0x19560] =	vst v0  }
0x34e: {  	[tilespmem:$0x195E0] =	vst v0  }
0x34f: {  	[tilespmem:$0x19660] =	vst v0  }
0x350: {  	[tilespmem:$0x196E0] =	vst v0  }
0x351: {  	[tilespmem:$0x19760] =	vst v0  }
0x352: {  	[tilespmem:$0x197E0] =	vst v0  }
0x353: {  	[tilespmem:$0x19570] =	vst v0  }
0x354: {  	[tilespmem:$0x195F0] =	vst v0  }
0x355: {  	[tilespmem:$0x19670] =	vst v0  }
0x356: {  	[tilespmem:$0x196F0] =	vst v0  }
0x357: {  	[tilespmem:$0x19770] =	vst v0  }
0x358: {  	[tilespmem:$0x197F0] =	vst v0  }
0x359: {  	[tilespmem:$0x19900] =	vst v0  }
0x35a: {  	[tilespmem:$0x19980] =	vst v0  }
0x35b: {  	[tilespmem:$0x19A00] =	vst v0  }
0x35c: {  	[tilespmem:$0x19A80] =	vst v0  }
0x35d: {  	[tilespmem:$0x19B00] =	vst v0  }
0x35e: {  	[tilespmem:$0x19B80] =	vst v0  }
0x35f: {  	[tilespmem:$0x19910] =	vst v0  }
0x360: {  	[tilespmem:$0x19990] =	vst v0  }
0x361: {  	[tilespmem:$0x19A10] =	vst v0  }
0x362: {  	[tilespmem:$0x19A90] =	vst v0  }
0x363: {  	[tilespmem:$0x19B10] =	vst v0  }
0x364: {  	[tilespmem:$0x19B90] =	vst v0  }
0x365: {  	[tilespmem:$0x19920] =	vst v0  }
0x366: {  	[tilespmem:$0x199A0] =	vst v0  }
0x367: {  	[tilespmem:$0x19A20] =	vst v0  }
0x368: {  	[tilespmem:$0x19AA0] =	vst v0  }
0x369: {  	[tilespmem:$0x19B20] =	vst v0  }
0x36a: {  	[tilespmem:$0x19BA0] =	vst v0  }
0x36b: {  	[tilespmem:$0x19930] =	vst v0  }
0x36c: {  	[tilespmem:$0x199B0] =	vst v0  }
0x36d: {  	[tilespmem:$0x19A30] =	vst v0  }
0x36e: {  	[tilespmem:$0x19AB0] =	vst v0  }
0x36f: {  	[tilespmem:$0x19B30] =	vst v0  }
0x370: {  	[tilespmem:$0x19BB0] =	vst v0  }
0x371: {  	[tilespmem:$0x19940] =	vst v0  }
0x372: {  	[tilespmem:$0x199C0] =	vst v0  }
0x373: {  	[tilespmem:$0x19A40] =	vst v0  }
0x374: {  	[tilespmem:$0x19AC0] =	vst v0  }
0x375: {  	[tilespmem:$0x19B40] =	vst v0  }
0x376: {  	[tilespmem:$0x19BC0] =	vst v0  }
0x377: {  	[tilespmem:$0x19950] =	vst v0  }
0x378: {  	[tilespmem:$0x199D0] =	vst v0  }
0x379: {  	[tilespmem:$0x19A50] =	vst v0  }
0x37a: {  	[tilespmem:$0x19AD0] =	vst v0  }
0x37b: {  	[tilespmem:$0x19B50] =	vst v0  }
0x37c: {  	[tilespmem:$0x19BD0] =	vst v0  }
0x37d: {  	[tilespmem:$0x19960] =	vst v0  }
0x37e: {  	[tilespmem:$0x199E0] =	vst v0  }
0x37f: {  	[tilespmem:$0x19A60] =	vst v0  }
0x380: {  	[tilespmem:$0x19AE0] =	vst v0  }
0x381: {  	[tilespmem:$0x19B60] =	vst v0  }
0x382: {  	[tilespmem:$0x19BE0] =	vst v0  }
0x383: {  	[tilespmem:$0x19970] =	vst v0  }
0x384: {  	[tilespmem:$0x199F0] =	vst v0  }
0x385: {  	[tilespmem:$0x19A70] =	vst v0  }
0x386: {  	[tilespmem:$0x19AF0] =	vst v0  }
0x387: {  	[tilespmem:$0x19B70] =	vst v0  }
0x388: {  	s0 =	rddreg [dreg:$0x3];
	s1 =	simm.s32 $0x19400;
	[tilespmem:$0x19BF0] =	vst v0  }
0x389: {  	[hbm4b:s0+s2] =	stream.linear.scatter [tilespmem:s1], [sflag:$0x3], $0x800, $0x38;
	[tilespmem:$0x19C00] =	vst v63  }
0x38a: {  	_ =	swait.ge [sflag:s11], $0x800  }
0x38b: {  	s14 =	rddreg [dreg:$0x5]  }
0x38c: {  	s15 =	rddreg [dreg:$0x4];
	s1 =	sadd.s32 $0x1, s14  }
0x38d: {  	p0 =	sne.s32 s1, s15  }
.Ltmp6:
0x38e: {  	_ = 	snop;
	(pc) =	sbr.rel @p0 .LBB2_1-.Ltmp6, $3  }
0x38f: {  	_ =	sdelay $0x1  }
0x390: {  	[sflag:s11] =	ssyncset.done $0x0  }
0x391: {  	[sflag:s11] =	ssyncadd.s32 $0xFFFFF800  }
0x392: {  	_ =	sfence.sel $0x180000  }
0x393: {  	[bflag:$0x0] =	sbarrier.arrive $0xFFFF  }
0x394: {  	_ =	strace $0x90000047  }
0x395: {  	s0 =	stileid.u32;
	[bflag:$0x2] =	sbarrier.arrive $0xFFFF  }
0x396: {  	p0 =	sne.s32 s0, $0x0;
	s0 =	rddreg [dreg:$0x1]  }
0x397: {  	s0 =	sadd.s32 @!p0 $0x100000, s0  }
0x398: {  	[sflag:s0] =	ssyncadd.tile.s32 @!p0 $0x1;
	_ =	shalt  }
.Lfunc_end2:
_tile_overlayer_lowered:
.L_overlay_start_2:
0x399: {  	(tag) =	ssettag $0x2  }
0x39a: {  	s0 =	rddreg [dreg:$0x0];
	s2 =	stileid.u32  }
0x39b: {  	s1 =	rddreg [dreg:$0x1];
	p0 =	sne.s32 s2, $0x0  }
0x39c: {  	s3 =	rddreg [dreg:$0x2];
	[bflag:$0x3] =	sbarrier.arrive $0xFFFF;
	s2 =	simm.s32 @!p0 $0x1C03  }
0x39d: {  	[timem:s3], [sflag:s2] =	dma.local @!p0 [hbm:s0], s1  }
0x39e: {  	s0 =	simm.s32 @!p0 $0x3  }
0x39f: {  	_ =	swait.ge @!p0 [sflag:s0], s1  }
0x3a0: {  	s1 =	ssub.s32 @!p0 $0x0, s1;
	[sflag:s0] =	ssyncset.done @!p0 $0x0  }
0x3a1: {  	[sflag:s0] =	ssyncadd.s32 @!p0 s1  }
0x3a2: {  	[bflag:$0x3] =	sbarrier.arrive $0xFFFF  }
0x3a3: {  	_ =	shalt  }

// kernel: kernel.14.cloned.1.call-start
scs
__scs_entry_jumppad:
0x0: {  	(pc) =	sbr.rel $0x88, $3  }
0x1: {  	(tag) =	ssettag $0x0;
	lr =	simm.s32 $0x1  }
0x2: {  	[smem:$0x3F8E] =	sst lr;
	_ =	strace $0xD0000000  }
0x3: {  	_ = 	snop  }
0x4: {  	_ = 	snop  }
0x5: {  	_ = 	snop  }
0x6: {  	_ = 	snop  }
0x7: {  	_ = 	snop  }
__scs_overlays_trampoline_lowered:
0x8: {  	[smem:$0x3F9D] =	sst s0  }
0x9: {  	[smem:$0x3F9E] =	sst s1  }
0xa: {  	[smem:$0x3F9F] =	sst s2  }
0xb: {  	[smem:$0x3FA0] =	sst s3  }
0xc: {  	[smem:$0x3FA1] =	sst s4  }
0xd: {  	[smem:$0x3FA2] =	sst s5  }
0xe: {  	[smem:$0x3FA3] =	sst s6  }
0xf: {  	[smem:$0x3FA4] =	sst s7  }
0x10: {  	[smem:$0x3FA5] =	sst s8  }
0x11: {  	[smem:$0x3FA6] =	sst s9;
	s0 =	simm.s32 @!p0 $0x0  }
0x12: {  	s1 =	sld [smem:$0x3F8C];
	s0 =	simm.s32 @p0 $0x1  }
0x13: {  	[smem:$0x3FA7] =	sst s0;
	s0 =	simm.s32 @!p1 $0x0  }
0x14: {  	s2 =	sld [smem:$0x3F8B];
	s0 =	simm.s32 @p1 $0x1  }
0x15: {  	[smem:$0x3FA8] =	sst s0;
	s0 =	simm.s32 @!p2 $0x0  }
0x16: {  	s3 =	sld [smem:$0x3FDB];
	s0 =	simm.s32 @p2 $0x1  }
0x17: {  	s4 =	simm.s32 $0x1BF5;
	[smem:$0x3FAA] =	sst s0  }
0x18: {  	s0 =	sld [smem:$0x3F8D];
	_ =	swait.ge [sflag:s4], $0x0  }
0x19: {  	s7 =	sld [smem:$0x3F8E]  }
0x1a: {  	s8 =	sadd.s32 $0xFFFFE003, lr  }
0x1b: {  	s9 =	sadd.s32 $0xFFFFFEF7, lr;
	s5 =	simm.s32 $0xFFFFFFFF;
	p2 =	slt.u32 s8, $0xFFFFF086  }
0x1c: {  	p1 =	slt.u32 s9, $0xF7A;
	s5 =	simm.s32 @!p2 $0x0  }
0x1d: {  	s5 =	simm.s32 @p1 $0x1;
	p0 =	seq.s32 s7, s2  }
0x1e: {  	s7 =	smul.u32 @!p0 $0xF7A, s2;
	p2 =	seq.s32 @!p0 s5, $0x0  }
0x1f: {  	s9 =	smul.u32 $0xF7A, s1;
	s8 =	simm.s32 @!p0 $0x1BF5;
	p2 =	por !p2, p0  }
0x20: {  	[sflag:s8] =	ssyncset.s32 @!p0 $0xFFFFF086;
	s6 =	sadd.s32 @!p0 s3, s7;
	s7 =	simm.s32 @!p0 $0x108  }
0x21: {  	s3 =	sadd.s32 s3, s9;
	s6 =	sadd.s32 @!p0 $0x88, s6;
	s7 =	simm.s32 @p2 $0x1082  }
0x22: {  	[simem:s7], [sflag:s8] =	dma.local @!p0 [hbm:s6], $0xF7A  }
0x23: {  	s9 =	sor.u32 $0xD0000000, s2;
	s6 =	simm.s32 $0x108;
	_ =	swait.ge @!p0 [sflag:s8], $0x0  }
0x24: {  	s3 =	sadd.s32 $0x88, s3;
	s6 =	simm.s32 @!p1 $0x1082;
	[sflag:s4] =	ssyncset.s32 $0xFFFFF086  }
0x25: {  	[simem:s6], [sflag:s4] =	dma.local [hbm:s3], $0xF7A  }
0x26: {  	[smem:$0x3F8E] =	sst s1;
	(tag) =	ssettag s2;
	_ =	strace s9  }
0x27: {  	s1 =	sld [smem:$0x3F9E]  }
0x28: {  	s2 =	sld [smem:$0x3F9F]  }
0x29: {  	s4 =	sld [smem:$0x3FA1]  }
0x2a: {  	p0 =	seq.s32 s5, $0x0;
	s5 =	sld [smem:$0x3FA2]  }
0x2b: {  	s6 =	sld [smem:$0x3FA3]  }
0x2c: {  	s7 =	sld [smem:$0x3FA4]  }
0x2d: {  	s3 =	simm.s32 $0x108;
	s8 =	sld [smem:$0x3FA5]  }
0x2e: {  	s3 =	simm.s32 @!p0 $0x1082;
	s9 =	sld [smem:$0x3FA6]  }
0x2f: {  	lr =	sadd.s32 s0, s3;
	s0 =	sld [smem:$0x3F9D]  }
0x30: {  	s3 =	sld [smem:$0x3FA0]  }
0x31: {  	[smem:$0x3FA9] =	sst s10  }
0x32: {  	s10 =	sld [smem:$0x3FA7];
	_ =	sdelay $0x3  }
0x33: {  	p0 =	seq.s32 s10, $0x1;
	s10 =	sld [smem:$0x3FA9];
	_ =	sdelay $0x3  }
0x34: {  	[smem:$0x3FA9] =	sst s10  }
0x35: {  	s10 =	sld [smem:$0x3FA8];
	_ =	sdelay $0x3  }
0x36: {  	p1 =	seq.s32 s10, $0x1;
	s10 =	sld [smem:$0x3FA9];
	_ =	sdelay $0x3  }
0x37: {  	[smem:$0x3FA9] =	sst s10  }
0x38: {  	s10 =	sld [smem:$0x3FAA]  }
0x39: {  	_ = 	snop;
	(pc) =	sbr.ind lr, $3  }
0x3a: {  	_ = 	snop  }
0x3b: {  	_ = 	snop  }
0x3c: {  	p2 =	seq.s32 s10, $0x1;
	s10 =	sld [smem:$0x3FA9]  }
0x3d: {  	_ =	shalt  }
0x3e: {  	_ =	shalt  }
0x3f: {  	_ =	shalt  }
0x40: {  	_ =	shalt  }
0x41: {  	_ =	shalt  }
0x42: {  	_ =	shalt  }
0x43: {  	_ =	shalt  }
0x44: {  	_ =	shalt  }
0x45: {  	_ =	shalt  }
0x46: {  	_ =	shalt  }
0x47: {  	_ =	shalt  }
0x48: {  	_ =	shalt  }
0x49: {  	_ =	shalt  }
0x4a: {  	_ =	shalt  }
0x4b: {  	_ =	shalt  }
0x4c: {  	_ =	shalt  }
0x4d: {  	_ =	shalt  }
0x4e: {  	_ =	shalt  }
0x4f: {  	_ =	shalt  }
0x50: {  	_ =	shalt  }
0x51: {  	_ =	shalt  }
0x52: {  	_ =	shalt  }
0x53: {  	_ =	shalt  }
0x54: {  	_ =	shalt  }
0x55: {  	_ =	shalt  }
0x56: {  	_ =	shalt  }
0x57: {  	_ =	shalt  }
0x58: {  	_ =	shalt  }
0x59: {  	_ =	shalt  }
0x5a: {  	_ =	shalt  }
0x5b: {  	_ =	shalt  }
0x5c: {  	_ =	shalt  }
0x5d: {  	_ =	shalt  }
0x5e: {  	_ =	shalt  }
0x5f: {  	_ =	shalt  }
0x60: {  	_ =	shalt  }
0x61: {  	_ =	shalt  }
0x62: {  	_ =	shalt  }
0x63: {  	_ =	shalt  }
0x64: {  	_ =	shalt  }
0x65: {  	_ =	shalt  }
0x66: {  	_ =	shalt  }
0x67: {  	_ =	shalt  }
0x68: {  	_ =	shalt  }
0x69: {  	_ =	shalt  }
0x6a: {  	_ =	shalt  }
0x6b: {  	_ =	shalt  }
0x6c: {  	_ =	shalt  }
0x6d: {  	_ =	shalt  }
0x6e: {  	_ =	shalt  }
0x6f: {  	_ =	shalt  }
0x70: {  	_ =	shalt  }
0x71: {  	_ =	shalt  }
0x72: {  	_ =	shalt  }
0x73: {  	_ =	shalt  }
0x74: {  	_ =	shalt  }
0x75: {  	_ =	shalt  }
0x76: {  	_ =	shalt  }
0x77: {  	_ =	shalt  }
0x78: {  	_ =	shalt  }
0x79: {  	_ =	shalt  }
0x7a: {  	_ =	shalt  }
0x7b: {  	_ =	shalt  }
0x7c: {  	_ =	shalt  }
0x7d: {  	_ =	shalt  }
0x7e: {  	_ =	shalt  }
0x7f: {  	_ =	shalt  }
0x80: {  	_ =	shalt  }
0x81: {  	_ =	shalt  }
0x82: {  	_ =	shalt  }
0x83: {  	_ =	shalt  }
0x84: {  	_ =	shalt  }
0x85: {  	_ =	shalt  }
0x86: {  	_ =	shalt  }
0x87: {  	_ =	shalt  }
.Lfunc_end0:
.L_simem_size_0:
called_computation.1_lowered:
.L_overlay_start_0:
0x88: {  	s2 =	sld [smem:$0x3FD9]  }
0x89: {  	s3 =	sld [smem:$0x3FFE];
	_ =	sdelay $0x1  }
0x8a: {  	s1 =	srdreg.scid  }
0x8b: {  	s0 =	sand.u32 $0x1, s1  }
0x8c: {  	s17 =	sshll.u32 s0, $0xA;
	s2 =	sadd.s32 s3, s2  }
0x8d: {  	s2 =	sadd.s32 s2, s17  }
0x8e: {  	[smem:$0x3FB5] =	sst s2  }
0x8f: {  	_ = 	snop  }
0x90: {  	s18 =	sld [smem:$0x3FD0];
	(tm) =	ssettm $0x1  }
0x91: {  	s19 =	sld [smem:$0x3FFB];
	_ =	sdelay $0x3  }
0x92: {  	_ =	strace s19  }
0x93: {  	s2 =	sld [smem:$0x3FFC];
	_ =	sdelay $0x3  }
0x94: {  	_ =	strace s2  }
0x95: {  	s2 =	sld [smem:$0x3FFD];
	_ =	sdelay $0x3  }
0x96: {  	_ =	strace s2  }
0x97: {  	_ =	strace $0x8FFFFFFF  }
0x98: {  	s20 =	sld [smem:$0x3FDB];
	_ =	sdelay $0x1  }
0x99: {  	s4 =	simm.s32 $_scs_section_size  }
0x9a: {  	s5 =	simm.s32 $_size__tile_overlayer_lowered;
	s6 =	simm.s32 $_tile_overlayer_lowered  }
0x9b: {  	s7 =	simm.s32 $0x1BFF;
	s21 =	sshll.u32 s6, $0x1;
	s4 =	sadd.s32 s4, s20  }
0x9c: {  	s22 =	simm.s32 $0x0;
	s5 =	sshll.u32 s5, $0x1;
	s6 =	sadd.s32 s21, s4  }
0x9d: {  	[timem:s22], [sflag:s7] =	dma.local [hbm:s6], s5  }
0x9e: {  	_ =	swait.ge [sflag:s7], s5  }
0x9f: {  	s5 =	ssub.s32 $0x0, s5;
	[sflag:s7] =	ssyncset.done $0x0  }
0xa0: {  	[sflag:s7] =	ssyncadd.s32 s5;
	_ =	sdelay $0x1  }
0xa1: {  	s23 =	simm.s32 $0x1B8B  }
0xa2: {  	_ =	swait.ge [sflag:s23], $0x1  }
0xa3: {  	[sflag:s23] =	ssyncset.done $0x0  }
0xa4: {  	[sflag:s23] =	ssyncadd.s32 $0xFFFFFFFF  }
0xa5: {  	s5 =	sld [smem:$0x0]  }
0xa6: {  	s6 =	sand.u32 $0xFFFFFFFE, s1  }
0xa7: {  	p0 =	sne.s32 s1, s6  }
0xa8: {  	s6 =	sshll.u32 @p0 s6, $0xE  }
0xa9: {  	s6 =	sadd.s32 @p0 $0x11B8D, s6;
	s7 =	sshll.u32 @p0 s5, $0x11  }
0xaa: {  	s6 =	sor.u32 @p0 s7, s6  }
0xab: {  	[sflag:s6] =	ssyncadd.remote.s32 @p0 $0x1;
	_ =	sdelay $0x1  }
0xac: {  	s6 =	simm.s32 @p0 $0x1B8D  }
0xad: {  	_ =	swait.eq @p0 [sflag:s6], $0x1  }
0xae: {  	[sflag:s6] =	ssyncadd.s32 @p0 $0xFFFFFFFF  }
0xaf: {  	s7 =	sshll.u32 @!p0 s1, $0xE  }
0xb0: {  	s7 =	sor.u32 @!p0 $0x4000, s7;
	s6 =	simm.s32 @!p0 $0x1B8D  }
0xb1: {  	s5 =	sshll.u32 @!p0 s5, $0x11;
	s7 =	sadd.s32 @!p0 $0x11B8D, s7;
	_ =	swait.eq @!p0 [sflag:s6], $0x1  }
0xb2: {  	s5 =	sor.u32 @!p0 s5, s7;
	[sflag:s6] =	ssyncadd.s32 @!p0 $0xFFFFFFFF  }
0xb3: {  	s25 =	simm.s32 $0x1B8E;
	s24 =	sld [smem:$0x3FFE];
	[sflag:s5] =	ssyncadd.remote.s32 @!p0 $0x1  }
0xb4: {  	s26 =	simm.s32 $execute0_lowered;
	[smem:$0x3FD2] =	sst s25  }
0xb5: {  	s6 =	sshll.u32 s26, $0x1;
	_ =	strace $0x80000049;
	[dreg:$0x1] =	wrdreg $0xFFFFFFFF  }
0xb6: {  	s28 =	simm.s32 $_size_execute0_lowered;
	s4 =	sadd.s32 s4, s6;
	[dreg:$0x0] =	wrdreg $0x0  }
0xb7: {  	s6 =	sshll.u32 s28, $0x1;
	[dreg:$0x2] =	wrdreg s4  }
0xb8: {  	[dreg:$0x3] =	wrdreg s6  }
0xb9: {  	[dreg:$0x4] =	wrdreg $0xC0  }
0xba: {  	_ =	task [dreg:s22], $0x5FFFF  }
0xbb: {  	[dreg:$0x1] =	wrdreg $0xFFFFFFFF  }
0xbc: {  	[dreg:$0x0] =	wrdreg $0x60  }
0xbd: {  	[dreg:$0x2] =	wrdreg s24  }
0xbe: {  	[dreg:$0x3] =	wrdreg s18  }
0xbf: {  	[dreg:$0x4] =	wrdreg $0xA  }
0xc0: {  	_ =	task.clear_ibuf [dreg:s22], $0x5FFFF;
	_ =	strace $0x90000049  }
0xc1: {  	s29 =	simm.s32 $0xA;
	_ =	strace $0x8000004B  }
0xc2: {  	_ =	swait.ge [sflag:s29], $0x1  }
0xc3: {  	[sflag:s29] =	ssyncadd.s32 $0xFFFFFFFF  }
0xc4: {  	_ =	strace $0x9000004B  }
0xc5: {  	_ =	sfence  }
0xc6: {  	s30 =	sld [smem:$0x0];
	_ =	sdelay $0x2  }
0xc7: {  	s31 =	sshll.u32 s1, $0xD;
	s1 =	sshrl.u32 s1, $0x2  }
0xc8: {  	s4 =	sand.u32 $0x4000, s31;
	s1 =	sadd.s32 s1, s30  }
0xc9: {  	s0 =	sor.u32 s4, s0;
	s1 =	sshll.u32 s1, $0x11  }
0xca: {  	s0 =	sor.u32 s1, s0  }
0xcb: {  	s0 =	sadd.s32 $0x8F2B, s0  }
0xcc: {  	[sflag:s0] =	ssyncadd.remote.s32 $0x1  }
0xcd: {  	_ =	sfence.sel $0xFFFF  }
0xce: {  	[dreg:$0x0] =	wrdreg $0xFFFFFFFF;
	(pc) =	sbr.abs _section_cstart, $3  }
0xcf: {  	[dreg:$0x1] =	wrdreg $0xFFFFFFFF  }
0xd0: {  	_ =	task.clear_ibuf [dreg:s22], $0x2FFFF;
	_ =	strace $0x9FFFFFFF  }
0xd1: {  	(tm) =	ssettm $0x7FFFFFFF  }
tec
execute0_lowered:
.L_overlay_start_1:
0x0: {  	(tag) =	ssettag $0x1  }
0x1: {  	s0 =	rddreg [dreg:$0x0]  }
0x2: {  	s1 =	rddreg [dreg:$0x1]  }
0x3: {  	s3 =	simm.s32 $0x0;
	s2 =	srdreg.scid;
	s6 =	stileid.u32  }
0x4: {  	s8 =	simm.s32 $0x800;
	s20 =	simm.s32 $0x6800;
	s21 =	simm.s32 $0x7000  }
0x5: {  	s22 =	simm.s32 $0x7800;
	s28 =	simm.s32 $0xA000;
	s29 =	simm.s32 $0xA800  }
0x6: {  	s30 =	simm.s32 $0xB000;
	s31 =	simm.s32 $0xB800;
	s9 =	simm.s32 $0xE000  }
0x7: {  	s10 =	simm.s32 $0xE800;
	s11 =	simm.s32 $0xF000;
	s12 =	simm.s32 $0xF800  }
0x8: {  	s13 =	simm.s32 $0x10000;
	s14 =	simm.s32 $0x1;
	s15 =	simm.s32 $0x2  }
0x9: {  	s17 =	simm.s32 $0x0;
	[smem:$0x7FF] =	sst s3;
	s2 =	sand.u32 $0x1, s2  }
0xa: {  	s4 =	sshll.u32 s6, $0x9;
	s23 =	sshll.u32 s6, $0x11;
	_ =	strace $0x8000004A  }
0xb: {  	s5 =	sshll.u32 s2, $0x8;
	s24 =	ssub.s32 $0x2, s2;
	s2 =	sshll.u32 s2, $0x10  }
0xc: {  	s4 =	sor.u32 s5, s4;
	s5 =	sadd.s32 s23, s0;
	s7 =	sshrl.u32 s24, $0x1  }
0xd: {  	s23 =	simm.s32 $0x8000;
	s0 =	sadd.s32 s4, s0;
	s25 =	ssub.s32 s24, s7  }
.Ltmp0:
0xe: {  	s2 =	sadd.s32 s2, s5;
	s7 =	simm.s32 $0x3;
	(pc) =	sbr.rel .LBB2_1-.Ltmp0, $4  }
0xf: {  	s24 =	simm.s32 $0x8800;
	s4 =	simm.s32 $0xD000;
	s5 =	simm.s32 $0xD800  }
0x10: {  	v2 =	vlaneseq.u32;
	s0 =	sadd.s32 $0x338200, s0;
	s26 =	smax.u32 s25, $0x1;
	s6 =	sadd.s32 $0x33A200, s2  }
0x11: {  	vm0 =	vmmov $0xffff;
	v1 =	vshrl.u32 v2, $0x3;
	s25 =	simm.s32 $0x9000;
	s2 =	simm.s32 $0xC800;
	[dreg:$0x3] =	wrdreg s0  }
0x12: {  	v0 =	vand.u32 $0x7, v2;
	v2 =	vor.u32 $0x8, v2;
	v1 =	vmul.u32 $0x8, v1;
	[dreg:$0x4] =	wrdreg s26;
	s26 =	simm.s32 $0x9800;
	s0 =	simm.s32 $0xC000  }
.LBB2_5:
0x13: {  	s17 =	rddreg [dreg:$0x5]  }
0x14: {  	s16 =	rddreg [dreg:$0x4];
	s17 =	sadd.s32 $0x1, s17  }
0x15: {  	p0 =	sne.s32 s17, s16  }
.Ltmp1:
0x16: {  	_ = 	snop;
	(pc) =	sbr.rel @!p0 .LBB2_6-.Ltmp1, $1  }
0x17: {  	_ =	sdelay $0x3  }
.LBB2_1:
0x18: {  	[dreg:$0x5] =	wrdreg s17  }
0x19: {  	s16 =	rddreg [dreg:$0x3]  }
0x1a: {  	[tilespmem:s3], [sflag:$0x3] =	stream.linear.gather [hbm4b:s16+s3], $0x800, $0x38;
	[tilespmem:$0x10800] =	vst v63  }
0x1b: {  	_ =	swait.ge [sflag:s7], $0x800  }
0x1c: {  	[sflag:s7] =	ssyncset.done $0x0  }
0x1d: {  	[sflag:s7] =	ssyncadd.s32 $0xFFFFF800  }
0x1e: {  	v3 =	vld [tilespmem:$0x0];
	_ =	sdelay $0x4  }
0x1f: {  	v4 =	vshll.u32 v3, $0x1  }
0x20: {  	v3 =	vand.u32 $0x7, v3;
	v4 =	vand.u32 $0xFFFFFFF0, v4  }
0x21: {  	v3 =	vor.u32 v3, v4  }
0x22: {  	v4 =	vperm.xlane v3, v0;
	_ =	sdelay $0x1  }
0x23: {  	v3 =	vperm.xlane v3, v2;
	v4 =	vadd.s32 v1, v4;
	_ =	sdelay $0x1  }
0x24: {  	v3 =	vadd.s32 v1, v3;
	_ =	sdelay $0x2  }
0x25: {  	[tilespmem:s8], [sflag:$0x1] =	stream.indirect_vreg.gather [hbm4b:s1+s3], $0x80, v4, vm0, $0xb8;
	[tilespmem:$0x10800] =	vst v63  }
0x26: {  	s18 =	simm.s32 $0x1000  }
0x27: {  	[tilespmem:s18], [sflag:$0x1] =	stream.indirect_vreg.gather [hbm4b:s1+s3], $0x80, v3, vm0, $0xb8;
	[tilespmem:$0x10800] =	vst v63  }
0x28: {  	v3 =	vld [tilespmem:$0x10];
	_ =	sdelay $0x4  }
0x29: {  	v57 =	vshll.u32 v3, $0x1  }
0x2a: {  	v3 =	vand.u32 $0x7, v3;
	v4 =	vand.u32 $0xFFFFFFF0, v57  }
0x2b: {  	v3 =	vor.u32 v3, v4  }
0x2c: {  	v4 =	vperm.xlane v3, v0;
	_ =	sdelay $0x1  }
0x2d: {  	v3 =	vperm.xlane v3, v2;
	v4 =	vadd.s32 v1, v4;
	_ =	sdelay $0x1  }
0x2e: {  	v3 =	vadd.s32 v1, v3;
	_ =	sdelay $0x1  }
0x2f: {  	s19 =	simm.s32 $0x1800  }
0x30: {  	[tilespmem:s19], [sflag:$0x1] =	stream.indirect_vreg.gather [hbm4b:s1+s3], $0x80, v4, vm0, $0xb8;
	[tilespmem:$0x10800] =	vst v63  }
0x31: {  	s17 =	simm.s32 $0x2000  }
0x32: {  	[tilespmem:s17], [sflag:$0x1] =	stream.indirect_vreg.gather [hbm4b:s1+s3], $0x80, v3, vm0, $0xb8;
	[tilespmem:$0x10800] =	vst v63  }
0x33: {  	v3 =	vld [tilespmem:$0x20];
	_ =	sdelay $0x4  }
0x34: {  	v58 =	vshll.u32 v3, $0x1  }
0x35: {  	v3 =	vand.u32 $0x7, v3;
	v4 =	vand.u32 $0xFFFFFFF0, v58  }
0x36: {  	v3 =	vor.u32 v3, v4  }
0x37: {  	v4 =	vperm.xlane v3, v0;
	_ =	sdelay $0x1  }
0x38: {  	v3 =	vperm.xlane v3, v2;
	v4 =	vadd.s32 v1, v4;
	_ =	sdelay $0x1  }
0x39: {  	v3 =	vadd.s32 v1, v3;
	_ =	sdelay $0x1  }
0x3a: {  	s18 =	simm.s32 $0x2800  }
0x3b: {  	[tilespmem:s18], [sflag:$0x1] =	stream.indirect_vreg.gather [hbm4b:s1+s3], $0x80, v4, vm0, $0xb8;
	[tilespmem:$0x10800] =	vst v63  }
0x3c: {  	s19 =	simm.s32 $0x3000  }
0x3d: {  	[tilespmem:s19], [sflag:$0x1] =	stream.indirect_vreg.gather [hbm4b:s1+s3], $0x80, v3, vm0, $0xb8;
	[tilespmem:$0x10800] =	vst v63  }
0x3e: {  	v3 =	vld [tilespmem:$0x30];
	_ =	sdelay $0x4  }
0x3f: {  	v59 =	vshll.u32 v3, $0x1  }
0x40: {  	v3 =	vand.u32 $0x7, v3;
	v4 =	vand.u32 $0xFFFFFFF0, v59  }
0x41: {  	v3 =	vor.u32 v3, v4  }
0x42: {  	v4 =	vperm.xlane v3, v0;
	_ =	sdelay $0x1  }
0x43: {  	v3 =	vperm.xlane v3, v2;
	v4 =	vadd.s32 v1, v4;
	_ =	sdelay $0x1  }
0x44: {  	v3 =	vadd.s32 v1, v3;
	_ =	sdelay $0x1  }
0x45: {  	s17 =	simm.s32 $0x3800  }
0x46: {  	[tilespmem:s17], [sflag:$0x1] =	stream.indirect_vreg.gather [hbm4b:s1+s3], $0x80, v4, vm0, $0xb8;
	[tilespmem:$0x10800] =	vst v63  }
0x47: {  	s18 =	simm.s32 $0x4000  }
0x48: {  	[tilespmem:s18], [sflag:$0x1] =	stream.indirect_vreg.gather [hbm4b:s1+s3], $0x80, v3, vm0, $0xb8;
	[tilespmem:$0x10800] =	vst v63  }
0x49: {  	v3 =	vld [tilespmem:$0x40];
	_ =	sdelay $0x4  }
0x4a: {  	v60 =	vshll.u32 v3, $0x1  }
0x4b: {  	v3 =	vand.u32 $0x7, v3;
	v4 =	vand.u32 $0xFFFFFFF0, v60  }
0x4c: {  	v3 =	vor.u32 v3, v4  }
0x4d: {  	v4 =	vperm.xlane v3, v0;
	_ =	sdelay $0x1  }
0x4e: {  	v3 =	vperm.xlane v3, v2;
	v4 =	vadd.s32 v1, v4;
	_ =	sdelay $0x1  }
0x4f: {  	v3 =	vadd.s32 v1, v3;
	_ =	sdelay $0x1  }
0x50: {  	s19 =	simm.s32 $0x4800  }
0x51: {  	[tilespmem:s19], [sflag:$0x1] =	stream.indirect_vreg.gather [hbm4b:s1+s3], $0x80, v4, vm0, $0xb8;
	[tilespmem:$0x10800] =	vst v63  }
0x52: {  	s17 =	simm.s32 $0x5000  }
0x53: {  	[tilespmem:s17], [sflag:$0x1] =	stream.indirect_vreg.gather [hbm4b:s1+s3], $0x80, v3, vm0, $0xb8;
	[tilespmem:$0x10800] =	vst v63  }
0x54: {  	v3 =	vld [tilespmem:$0x50];
	_ =	sdelay $0x4  }
0x55: {  	v61 =	vshll.u32 v3, $0x1  }
0x56: {  	v3 =	vand.u32 $0x7, v3;
	v4 =	vand.u32 $0xFFFFFFF0, v61  }
0x57: {  	v3 =	vor.u32 v3, v4  }
0x58: {  	v4 =	vperm.xlane v3, v0;
	_ =	sdelay $0x1  }
0x59: {  	v3 =	vperm.xlane v3, v2;
	v4 =	vadd.s32 v1, v4;
	_ =	sdelay $0x1  }
0x5a: {  	v3 =	vadd.s32 v1, v3;
	_ =	sdelay $0x1  }
0x5b: {  	s18 =	simm.s32 $0x5800  }
0x5c: {  	[tilespmem:s18], [sflag:$0x1] =	stream.indirect_vreg.gather [hbm4b:s1+s3], $0x80, v4, vm0, $0xb8;
	[tilespmem:$0x10800] =	vst v63  }
0x5d: {  	s19 =	simm.s32 $0x6000  }
0x5e: {  	[tilespmem:s19], [sflag:$0x1] =	stream.indirect_vreg.gather [hbm4b:s1+s3], $0x80, v3, vm0, $0xb8;
	[tilespmem:$0x10800] =	vst v63  }
0x5f: {  	v3 =	vld [tilespmem:$0x60];
	_ =	sdelay $0x4  }
0x60: {  	v62 =	vshll.u32 v3, $0x1  }
0x61: {  	v3 =	vand.u32 $0x7, v3;
	v4 =	vand.u32 $0xFFFFFFF0, v62  }
0x62: {  	v3 =	vor.u32 v3, v4  }
0x63: {  	v4 =	vperm.xlane v3, v0;
	_ =	sdelay $0x1  }
0x64: {  	v3 =	vperm.xlane v3, v2;
	v4 =	vadd.s32 v1, v4;
	_ =	sdelay $0x1  }
0x65: {  	v3 =	vadd.s32 v1, v3;
	_ =	sdelay $0x2  }
0x66: {  	[tilespmem:s20], [sflag:$0x1] =	stream.indirect_vreg.gather [hbm4b:s1+s3], $0x80, v4, vm0, $0xb8;
	[tilespmem:$0x10800] =	vst v63  }
0x67: {  	_ = 	snop  }
0x68: {  	[tilespmem:s21], [sflag:$0x1] =	stream.indirect_vreg.gather [hbm4b:s1+s3], $0x80, v3, vm0, $0xb8;
	[tilespmem:$0x10800] =	vst v63  }
0x69: {  	v3 =	vld [tilespmem:$0x70];
	_ =	sdelay $0x4  }
0x6a: {  	v63 =	vshll.u32 v3, $0x1  }
0x6b: {  	v3 =	vand.u32 $0x7, v3;
	v4 =	vand.u32 $0xFFFFFFF0, v63  }
0x6c: {  	v3 =	vor.u32 v3, v4  }
0x6d: {  	v4 =	vperm.xlane v3, v0;
	_ =	sdelay $0x1  }
0x6e: {  	v3 =	vperm.xlane v3, v2;
	v4 =	vadd.s32 v1, v4;
	_ =	sdelay $0x1  }
0x6f: {  	v3 =	vadd.s32 v1, v3  }
.Ltmp2:
0x70: {  	_ = 	snop;
	(pc) =	sbr.rel .LBB2_2-.Ltmp2, $4  }
0x71: {  	_ = 	snop  }
0x72: {  	[tilespmem:s22], [sflag:$0x1] =	stream.indirect_vreg.gather [hbm4b:s1+s3], $0x80, v4, vm0, $0xb8;
	[tilespmem:$0x10800] =	vst v63  }
0x73: {  	s16 =	simm.s32 $0xC0;
	s17 =	simm.s32 $0x0  }
0x74: {  	[tilespmem:s23], [sflag:$0x1] =	stream.indirect_vreg.gather [hbm4b:s1+s3], $0x80, v3, vm0, $0xb8;
	[tilespmem:$0x10800] =	vst v63  }
.LBB2_4:
0x75: {  	_ =	swait.ge [sflag:s15], $0x8000;
	s17 =	sadd.s32 $0x2000, s17  }
0x76: {  	[sflag:s15] =	ssyncset.done $0x0;
	p0 =	sne.s32 s17, $0x10000  }
.Ltmp3:
0x77: {  	s18 =	sadd.s32 $0x1000, s18;
	[sflag:s15] =	ssyncadd.s32 $0xFFFF8000;
	(pc) =	sbr.rel @!p0 .LBB2_5-.Ltmp3, $4  }
0x78: {  	[hbm4b:s18+s3] =	stream.linear.scatter [tilespmem:s24], [sflag:$0x3], $0x8000, $0x38;
	[tilespmem:$0x10800] =	vst v63  }
0x79: {  	_ =	swait.ge [sflag:s7], $0x8000  }
0x7a: {  	[sflag:s7] =	ssyncset.done $0x0  }
0x7b: {  	s16 =	sadd.s32 $0x100, s16;
	[sflag:s7] =	ssyncadd.s32 $0xFFFF8000  }
.LBB2_2:
0x7c: {  	v3 =	vld [tilespmem:s16+$0xFFFFFFC0];
	_ =	sdelay $0x4  }
0x7d: {  	v4 =	vshll.u32 v3, $0x1  }
0x7e: {  	v3 =	vand.u32 $0x7, v3;
	v4 =	vand.u32 $0xFFFFFFF0, v4  }
0x7f: {  	v3 =	vor.u32 v3, v4  }
0x80: {  	v4 =	vperm.xlane v3, v0;
	_ =	sdelay $0x1  }
0x81: {  	v3 =	vperm.xlane v3, v2;
	v4 =	vadd.s32 v1, v4;
	_ =	sdelay $0x1  }
0x82: {  	v3 =	vadd.s32 v1, v3;
	_ =	sdelay $0x2  }
0x83: {  	[tilespmem:s24], [sflag:$0x2] =	stream.indirect_vreg.gather [hbm4b:s1+s3], $0x80, v4, vm0, $0xb8;
	[tilespmem:$0x10800] =	vst v63  }
0x84: {  	_ = 	snop  }
0x85: {  	[tilespmem:s25], [sflag:$0x2] =	stream.indirect_vreg.gather [hbm4b:s1+s3], $0x80, v3, vm0, $0xb8;
	[tilespmem:$0x10800] =	vst v63  }
0x86: {  	v3 =	vld [tilespmem:s16+$0xFFFFFFD0];
	_ =	sdelay $0x4  }
0x87: {  	v57 =	vshll.u32 v3, $0x1  }
0x88: {  	v3 =	vand.u32 $0x7, v3;
	v4 =	vand.u32 $0xFFFFFFF0, v57  }
0x89: {  	v3 =	vor.u32 v3, v4  }
0x8a: {  	v4 =	vperm.xlane v3, v0;
	_ =	sdelay $0x1  }
0x8b: {  	v3 =	vperm.xlane v3, v2;
	v4 =	vadd.s32 v1, v4;
	_ =	sdelay $0x1  }
0x8c: {  	v3 =	vadd.s32 v1, v3;
	_ =	sdelay $0x2  }
0x8d: {  	[tilespmem:s26], [sflag:$0x2] =	stream.indirect_vreg.gather [hbm4b:s1+s3], $0x80, v4, vm0, $0xb8;
	[tilespmem:$0x10800] =	vst v63  }
0x8e: {  	_ = 	snop  }
0x8f: {  	[tilespmem:s28], [sflag:$0x2] =	stream.indirect_vreg.gather [hbm4b:s1+s3], $0x80, v3, vm0, $0xb8;
	[tilespmem:$0x10800] =	vst v63  }
0x90: {  	v3 =	vld [tilespmem:s16+$0xFFFFFFE0];
	_ =	sdelay $0x4  }
0x91: {  	v58 =	vshll.u32 v3, $0x1  }
0x92: {  	v3 =	vand.u32 $0x7, v3;
	v4 =	vand.u32 $0xFFFFFFF0, v58  }
0x93: {  	v3 =	vor.u32 v3, v4  }
0x94: {  	v4 =	vperm.xlane v3, v0;
	_ =	sdelay $0x1  }
0x95: {  	v3 =	vperm.xlane v3, v2;
	v4 =	vadd.s32 v1, v4;
	_ =	sdelay $0x1  }
0x96: {  	v3 =	vadd.s32 v1, v3;
	_ =	sdelay $0x2  }
0x97: {  	[tilespmem:s29], [sflag:$0x2] =	stream.indirect_vreg.gather [hbm4b:s1+s3], $0x80, v4, vm0, $0xb8;
	[tilespmem:$0x10800] =	vst v63  }
0x98: {  	_ = 	snop  }
0x99: {  	[tilespmem:s30], [sflag:$0x2] =	stream.indirect_vreg.gather [hbm4b:s1+s3], $0x80, v3, vm0, $0xb8;
	[tilespmem:$0x10800] =	vst v63  }
0x9a: {  	v3 =	vld [tilespmem:s16+$0xFFFFFFF0];
	_ =	sdelay $0x4  }
0x9b: {  	v59 =	vshll.u32 v3, $0x1  }
0x9c: {  	v3 =	vand.u32 $0x7, v3;
	v4 =	vand.u32 $0xFFFFFFF0, v59  }
0x9d: {  	v3 =	vor.u32 v3, v4  }
0x9e: {  	v4 =	vperm.xlane v3, v0;
	_ =	sdelay $0x1  }
0x9f: {  	v3 =	vperm.xlane v3, v2;
	v4 =	vadd.s32 v1, v4;
	_ =	sdelay $0x1  }
0xa0: {  	v3 =	vadd.s32 v1, v3;
	_ =	sdelay $0x2  }
0xa1: {  	[tilespmem:s31], [sflag:$0x2] =	stream.indirect_vreg.gather [hbm4b:s1+s3], $0x80, v4, vm0, $0xb8;
	[tilespmem:$0x10800] =	vst v63  }
0xa2: {  	_ = 	snop  }
0xa3: {  	[tilespmem:s0], [sflag:$0x2] =	stream.indirect_vreg.gather [hbm4b:s1+s3], $0x80, v3, vm0, $0xb8;
	[tilespmem:$0x10800] =	vst v63  }
0xa4: {  	v3 =	vld [tilespmem:s16+$0x0];
	_ =	sdelay $0x4  }
0xa5: {  	v60 =	vshll.u32 v3, $0x1  }
0xa6: {  	v3 =	vand.u32 $0x7, v3;
	v4 =	vand.u32 $0xFFFFFFF0, v60  }
0xa7: {  	v3 =	vor.u32 v3, v4  }
0xa8: {  	v4 =	vperm.xlane v3, v0;
	_ =	sdelay $0x1  }
0xa9: {  	v3 =	vperm.xlane v3, v2;
	v4 =	vadd.s32 v1, v4;
	_ =	sdelay $0x1  }
0xaa: {  	v3 =	vadd.s32 v1, v3;
	_ =	sdelay $0x2  }
0xab: {  	[tilespmem:s2], [sflag:$0x2] =	stream.indirect_vreg.gather [hbm4b:s1+s3], $0x80, v4, vm0, $0xb8;
	[tilespmem:$0x10800] =	vst v63  }
0xac: {  	_ = 	snop  }
0xad: {  	[tilespmem:s4], [sflag:$0x2] =	stream.indirect_vreg.gather [hbm4b:s1+s3], $0x80, v3, vm0, $0xb8;
	[tilespmem:$0x10800] =	vst v63  }
0xae: {  	v3 =	vld [tilespmem:s16+$0x10];
	_ =	sdelay $0x4  }
0xaf: {  	v61 =	vshll.u32 v3, $0x1  }
0xb0: {  	v3 =	vand.u32 $0x7, v3;
	v4 =	vand.u32 $0xFFFFFFF0, v61  }
0xb1: {  	v3 =	vor.u32 v3, v4  }
0xb2: {  	v4 =	vperm.xlane v3, v0;
	_ =	sdelay $0x1  }
0xb3: {  	v3 =	vperm.xlane v3, v2;
	v4 =	vadd.s32 v1, v4;
	_ =	sdelay $0x1  }
0xb4: {  	v3 =	vadd.s32 v1, v3;
	_ =	sdelay $0x2  }
0xb5: {  	[tilespmem:s5], [sflag:$0x2] =	stream.indirect_vreg.gather [hbm4b:s1+s3], $0x80, v4, vm0, $0xb8;
	[tilespmem:$0x10800] =	vst v63  }
0xb6: {  	_ = 	snop  }
0xb7: {  	[tilespmem:s9], [sflag:$0x2] =	stream.indirect_vreg.gather [hbm4b:s1+s3], $0x80, v3, vm0, $0xb8;
	[tilespmem:$0x10800] =	vst v63  }
0xb8: {  	v3 =	vld [tilespmem:s16+$0x20];
	_ =	sdelay $0x4  }
0xb9: {  	v62 =	vshll.u32 v3, $0x1  }
0xba: {  	v3 =	vand.u32 $0x7, v3;
	v4 =	vand.u32 $0xFFFFFFF0, v62  }
0xbb: {  	v3 =	vor.u32 v3, v4  }
0xbc: {  	v4 =	vperm.xlane v3, v0;
	_ =	sdelay $0x1  }
0xbd: {  	v3 =	vperm.xlane v3, v2;
	v4 =	vadd.s32 v1, v4;
	_ =	sdelay $0x1  }
0xbe: {  	v3 =	vadd.s32 v1, v3;
	_ =	sdelay $0x2  }
0xbf: {  	[tilespmem:s10], [sflag:$0x2] =	stream.indirect_vreg.gather [hbm4b:s1+s3], $0x80, v4, vm0, $0xb8;
	[tilespmem:$0x10800] =	vst v63  }
0xc0: {  	_ = 	snop  }
0xc1: {  	[tilespmem:s11], [sflag:$0x2] =	stream.indirect_vreg.gather [hbm4b:s1+s3], $0x80, v3, vm0, $0xb8;
	[tilespmem:$0x10800] =	vst v63  }
0xc2: {  	v3 =	vld [tilespmem:s16+$0x30];
	_ =	sdelay $0x4  }
0xc3: {  	v63 =	vshll.u32 v3, $0x1  }
0xc4: {  	v3 =	vand.u32 $0x7, v3;
	v4 =	vand.u32 $0xFFFFFFF0, v63  }
0xc5: {  	v3 =	vor.u32 v3, v4  }
0xc6: {  	v4 =	vperm.xlane v3, v0;
	_ =	sdelay $0x1  }
0xc7: {  	v3 =	vperm.xlane v3, v2;
	v4 =	vadd.s32 v1, v4;
	_ =	sdelay $0x1  }
0xc8: {  	v3 =	vadd.s32 v1, v3;
	_ =	sdelay $0x2  }
0xc9: {  	[tilespmem:s12], [sflag:$0x2] =	stream.indirect_vreg.gather [hbm4b:s1+s3], $0x80, v4, vm0, $0xb8;
	[tilespmem:$0x10800] =	vst v63  }
0xca: {  	_ = 	snop  }
0xcb: {  	[tilespmem:s13], [sflag:$0x2] =	stream.indirect_vreg.gather [hbm4b:s1+s3], $0x80, v3, vm0, $0xb8;
	[tilespmem:$0x10800] =	vst v63  }
0xcc: {  	_ =	swait.ge [sflag:s14], $0x8000  }
0xcd: {  	p0 =	seq.s32 s17, $0xE000;
	[sflag:s14] =	ssyncset.done $0x0  }
.Ltmp4:
0xce: {  	s18 =	sadd.s32 s17, s6;
	[sflag:s14] =	ssyncadd.s32 $0xFFFF8000;
	(pc) =	sbr.rel @p0 .LBB2_4-.Ltmp4, $4  }
0xcf: {  	[hbm4b:s18+s3] =	stream.linear.scatter [tilespmem:s8], [sflag:$0x3], $0x8000, $0x38;
	[tilespmem:$0x10800] =	vst v63  }
0xd0: {  	_ =	swait.ge [sflag:s7], $0x8000  }
0xd1: {  	[sflag:s7] =	ssyncset.done $0x0  }
0xd2: {  	[sflag:s7] =	ssyncadd.s32 $0xFFFF8000  }
0xd3: {  	v3 =	vld [tilespmem:s16+$0x40];
	_ =	sdelay $0x4  }
0xd4: {  	v4 =	vshll.u32 v3, $0x1  }
0xd5: {  	v3 =	vand.u32 $0x7, v3;
	v4 =	vand.u32 $0xFFFFFFF0, v4  }
0xd6: {  	v3 =	vor.u32 v3, v4  }
0xd7: {  	v4 =	vperm.xlane v3, v0;
	_ =	sdelay $0x1  }
0xd8: {  	v3 =	vperm.xlane v3, v2;
	v4 =	vadd.s32 v1, v4;
	_ =	sdelay $0x1  }
0xd9: {  	v3 =	vadd.s32 v1, v3;
	_ =	sdelay $0x2  }
0xda: {  	[tilespmem:s8], [sflag:$0x1] =	stream.indirect_vreg.gather [hbm4b:s1+s3], $0x80, v4, vm0, $0xb8;
	[tilespmem:$0x10800] =	vst v63  }
0xdb: {  	s19 =	simm.s32 $0x1000  }
0xdc: {  	[tilespmem:s19], [sflag:$0x1] =	stream.indirect_vreg.gather [hbm4b:s1+s3], $0x80, v3, vm0, $0xb8;
	[tilespmem:$0x10800] =	vst v63  }
0xdd: {  	v3 =	vld [tilespmem:s16+$0x50];
	_ =	sdelay $0x4  }
0xde: {  	v57 =	vshll.u32 v3, $0x1  }
0xdf: {  	v3 =	vand.u32 $0x7, v3;
	v4 =	vand.u32 $0xFFFFFFF0, v57  }
0xe0: {  	v3 =	vor.u32 v3, v4  }
0xe1: {  	v4 =	vperm.xlane v3, v0;
	_ =	sdelay $0x1  }
0xe2: {  	v3 =	vperm.xlane v3, v2;
	v4 =	vadd.s32 v1, v4;
	_ =	sdelay $0x1  }
0xe3: {  	v3 =	vadd.s32 v1, v3;
	_ =	sdelay $0x1  }
0xe4: {  	s19 =	simm.s32 $0x1800  }
0xe5: {  	[tilespmem:s19], [sflag:$0x1] =	stream.indirect_vreg.gather [hbm4b:s1+s3], $0x80, v4, vm0, $0xb8;
	[tilespmem:$0x10800] =	vst v63  }
0xe6: {  	s19 =	simm.s32 $0x2000  }
0xe7: {  	[tilespmem:s19], [sflag:$0x1] =	stream.indirect_vreg.gather [hbm4b:s1+s3], $0x80, v3, vm0, $0xb8;
	[tilespmem:$0x10800] =	vst v63  }
0xe8: {  	v3 =	vld [tilespmem:s16+$0x60];
	_ =	sdelay $0x4  }
0xe9: {  	v58 =	vshll.u32 v3, $0x1  }
0xea: {  	v3 =	vand.u32 $0x7, v3;
	v4 =	vand.u32 $0xFFFFFFF0, v58  }
0xeb: {  	v3 =	vor.u32 v3, v4  }
0xec: {  	v4 =	vperm.xlane v3, v0;
	_ =	sdelay $0x1  }
0xed: {  	v3 =	vperm.xlane v3, v2;
	v4 =	vadd.s32 v1, v4;
	_ =	sdelay $0x1  }
0xee: {  	v3 =	vadd.s32 v1, v3;
	_ =	sdelay $0x1  }
0xef: {  	s19 =	simm.s32 $0x2800  }
0xf0: {  	[tilespmem:s19], [sflag:$0x1] =	stream.indirect_vreg.gather [hbm4b:s1+s3], $0x80, v4, vm0, $0xb8;
	[tilespmem:$0x10800] =	vst v63  }
0xf1: {  	s19 =	simm.s32 $0x3000  }
0xf2: {  	[tilespmem:s19], [sflag:$0x1] =	stream.indirect_vreg.gather [hbm4b:s1+s3], $0x80, v3, vm0, $0xb8;
	[tilespmem:$0x10800] =	vst v63  }
0xf3: {  	v3 =	vld [tilespmem:s16+$0x70];
	_ =	sdelay $0x4  }
0xf4: {  	v59 =	vshll.u32 v3, $0x1  }
0xf5: {  	v3 =	vand.u32 $0x7, v3;
	v4 =	vand.u32 $0xFFFFFFF0, v59  }
0xf6: {  	v3 =	vor.u32 v3, v4  }
0xf7: {  	v4 =	vperm.xlane v3, v0;
	_ =	sdelay $0x1  }
0xf8: {  	v3 =	vperm.xlane v3, v2;
	v4 =	vadd.s32 v1, v4;
	_ =	sdelay $0x1  }
0xf9: {  	v3 =	vadd.s32 v1, v3;
	_ =	sdelay $0x1  }
0xfa: {  	s19 =	simm.s32 $0x3800  }
0xfb: {  	[tilespmem:s19], [sflag:$0x1] =	stream.indirect_vreg.gather [hbm4b:s1+s3], $0x80, v4, vm0, $0xb8;
	[tilespmem:$0x10800] =	vst v63  }
0xfc: {  	s19 =	simm.s32 $0x4000  }
0xfd: {  	[tilespmem:s19], [sflag:$0x1] =	stream.indirect_vreg.gather [hbm4b:s1+s3], $0x80, v3, vm0, $0xb8;
	[tilespmem:$0x10800] =	vst v63  }
0xfe: {  	v3 =	vld [tilespmem:s16+$0x80];
	_ =	sdelay $0x4  }
0xff: {  	v60 =	vshll.u32 v3, $0x1  }
0x100: {  	v3 =	vand.u32 $0x7, v3;
	v4 =	vand.u32 $0xFFFFFFF0, v60  }
0x101: {  	v3 =	vor.u32 v3, v4  }
0x102: {  	v4 =	vperm.xlane v3, v0;
	_ =	sdelay $0x1  }
0x103: {  	v3 =	vperm.xlane v3, v2;
	v4 =	vadd.s32 v1, v4;
	_ =	sdelay $0x1  }
0x104: {  	v3 =	vadd.s32 v1, v3;
	_ =	sdelay $0x1  }
0x105: {  	s19 =	simm.s32 $0x4800  }
0x106: {  	[tilespmem:s19], [sflag:$0x1] =	stream.indirect_vreg.gather [hbm4b:s1+s3], $0x80, v4, vm0, $0xb8;
	[tilespmem:$0x10800] =	vst v63  }
0x107: {  	s19 =	simm.s32 $0x5000  }
0x108: {  	[tilespmem:s19], [sflag:$0x1] =	stream.indirect_vreg.gather [hbm4b:s1+s3], $0x80, v3, vm0, $0xb8;
	[tilespmem:$0x10800] =	vst v63  }
0x109: {  	v3 =	vld [tilespmem:s16+$0x90];
	_ =	sdelay $0x4  }
0x10a: {  	v61 =	vshll.u32 v3, $0x1  }
0x10b: {  	v3 =	vand.u32 $0x7, v3;
	v4 =	vand.u32 $0xFFFFFFF0, v61  }
0x10c: {  	v3 =	vor.u32 v3, v4  }
0x10d: {  	v4 =	vperm.xlane v3, v0;
	_ =	sdelay $0x1  }
0x10e: {  	v3 =	vperm.xlane v3, v2;
	v4 =	vadd.s32 v1, v4;
	_ =	sdelay $0x1  }
0x10f: {  	v3 =	vadd.s32 v1, v3;
	_ =	sdelay $0x1  }
0x110: {  	s19 =	simm.s32 $0x5800  }
0x111: {  	[tilespmem:s19], [sflag:$0x1] =	stream.indirect_vreg.gather [hbm4b:s1+s3], $0x80, v4, vm0, $0xb8;
	[tilespmem:$0x10800] =	vst v63  }
0x112: {  	s19 =	simm.s32 $0x6000  }
0x113: {  	[tilespmem:s19], [sflag:$0x1] =	stream.indirect_vreg.gather [hbm4b:s1+s3], $0x80, v3, vm0, $0xb8;
	[tilespmem:$0x10800] =	vst v63  }
0x114: {  	v3 =	vld [tilespmem:s16+$0xA0];
	_ =	sdelay $0x4  }
0x115: {  	v62 =	vshll.u32 v3, $0x1  }
0x116: {  	v3 =	vand.u32 $0x7, v3;
	v4 =	vand.u32 $0xFFFFFFF0, v62  }
0x117: {  	v3 =	vor.u32 v3, v4  }
0x118: {  	v4 =	vperm.xlane v3, v0;
	_ =	sdelay $0x1  }
0x119: {  	v3 =	vperm.xlane v3, v2;
	v4 =	vadd.s32 v1, v4;
	_ =	sdelay $0x1  }
0x11a: {  	v3 =	vadd.s32 v1, v3;
	_ =	sdelay $0x2  }
0x11b: {  	[tilespmem:s20], [sflag:$0x1] =	stream.indirect_vreg.gather [hbm4b:s1+s3], $0x80, v4, vm0, $0xb8;
	[tilespmem:$0x10800] =	vst v63  }
0x11c: {  	_ = 	snop  }
0x11d: {  	[tilespmem:s21], [sflag:$0x1] =	stream.indirect_vreg.gather [hbm4b:s1+s3], $0x80, v3, vm0, $0xb8;
	[tilespmem:$0x10800] =	vst v63  }
0x11e: {  	v3 =	vld [tilespmem:s16+$0xB0];
	_ =	sdelay $0x4  }
0x11f: {  	v63 =	vshll.u32 v3, $0x1  }
0x120: {  	v3 =	vand.u32 $0x7, v3;
	v4 =	vand.u32 $0xFFFFFFF0, v63  }
0x121: {  	v3 =	vor.u32 v3, v4  }
0x122: {  	v4 =	vperm.xlane v3, v0;
	_ =	sdelay $0x1  }
0x123: {  	v3 =	vperm.xlane v3, v2;
	v4 =	vadd.s32 v1, v4;
	_ =	sdelay $0x1  }
0x124: {  	v3 =	vadd.s32 v1, v3  }
.Ltmp5:
0x125: {  	_ = 	snop;
	(pc) =	sbr.rel .LBB2_4-.Ltmp5, $4  }
0x126: {  	_ = 	snop  }
0x127: {  	[tilespmem:s22], [sflag:$0x1] =	stream.indirect_vreg.gather [hbm4b:s1+s3], $0x80, v4, vm0, $0xb8;
	[tilespmem:$0x10800] =	vst v63  }
0x128: {  	_ = 	snop  }
0x129: {  	[tilespmem:s23], [sflag:$0x1] =	stream.indirect_vreg.gather [hbm4b:s1+s3], $0x80, v3, vm0, $0xb8;
	[tilespmem:$0x10800] =	vst v63  }
.LBB2_6:
0x12a: {  	_ =	sfence.sel $0x180000  }
0x12b: {  	[bflag:$0x0] =	sbarrier.arrive $0xFFFF  }
0x12c: {  	_ =	strace $0x9000004A  }
0x12d: {  	s0 =	stileid.u32;
	[bflag:$0x2] =	sbarrier.arrive $0xFFFF  }
0x12e: {  	p0 =	sne.s32 s0, $0x0;
	s0 =	rddreg [dreg:$0x2]  }
0x12f: {  	s0 =	sadd.s32 @!p0 $0x100000, s0  }
0x130: {  	[sflag:s0] =	ssyncadd.tile.s32 @!p0 $0x1;
	_ =	shalt  }
.Lfunc_end2:
_tile_overlayer_lowered:
.L_overlay_start_2:
0x131: {  	(tag) =	ssettag $0x2  }
0x132: {  	s0 =	rddreg [dreg:$0x0];
	s2 =	stileid.u32  }
0x133: {  	s1 =	rddreg [dreg:$0x1];
	p0 =	sne.s32 s2, $0x0  }
0x134: {  	s3 =	rddreg [dreg:$0x2];
	[bflag:$0x3] =	sbarrier.arrive $0xFFFF;
	s2 =	simm.s32 @!p0 $0x1C03  }
0x135: {  	[timem:s3], [sflag:s2] =	dma.local @!p0 [hbm:s0], s1  }
0x136: {  	s0 =	simm.s32 @!p0 $0x3  }
0x137: {  	_ =	swait.ge @!p0 [sflag:s0], s1  }
0x138: {  	s1 =	ssub.s32 @!p0 $0x0, s1;
	[sflag:s0] =	ssyncset.done @!p0 $0x0  }
0x139: {  	[sflag:s0] =	ssyncadd.s32 @!p0 s1  }
0x13a: {  	[bflag:$0x3] =	sbarrier.arrive $0xFFFF  }
0x13b: {  	_ =	shalt  }

</sc_bundles>
